<compile_context>
chip_gen: v7x
topology: tpu7x:2x2x1
jax: 0.10.2.dev20260603
libtpu: 0.0.44.dev20260713+nightly
codegen_flags: <defaults>
</compile_context>

<pallas_src>
import functools

import jax
from jax import lax
import jax.numpy as jnp
from jax.experimental import pallas as pl
from jax.experimental.pallas import tpu as pltpu
from jax.experimental.pallas import tpu_sc as plsc

F32 = jnp.float32
BF = jnp.bfloat16


def _dotbf(a, b):
    return jax.lax.dot_general(
        a.astype(BF), b.astype(BF),
        dimension_numbers=(((1,), (0,)), ((), ())),
        preferred_element_type=F32)


def _hilo(x):
    hi = x.astype(BF)
    lo = (x - hi.astype(F32)).astype(BF)
    return hi, lo


def _gather_rows(e, hi, lo):
    eb = e.astype(BF)
    return _dotbf(eb, hi) + _dotbf(eb, lo)


def _pdist(q, rT):
    qn = jnp.sum(q * q, axis=1, keepdims=True)
    rn = jnp.sum(rT * rT, axis=0, keepdims=True)
    p = jax.lax.dot_general(
        q.astype(BF), rT.astype(BF),
        dimension_numbers=(((1,), (0,)), ((), ())),
        preferred_element_type=F32)
    return qn + rn - 2.0 * p


def _argmin_step(d, iota):
    v = jnp.min(d, axis=1, keepdims=True)
    m = d == v
    idx = jnp.min(jnp.where(m, iota, 2**30), axis=1, keepdims=True)
    e = iota == idx
    return v, e, jnp.where(e, jnp.inf, d)


def _min_tree(xs):
    while len(xs) > 1:
        nxt = [jnp.minimum(xs[i], xs[i + 1]) for i in range(0, len(xs) - 1, 2)]
        if len(xs) % 2:
            nxt.append(xs[-1])
        xs = nxt
    return xs[0]


def _knn_body(xq_ref, rT_ref, idx_ref, *, k, depth, ch):
    q = xq_ref[...]
    d = _pdist(q, rT_ref[...])
    b = q.shape[0]
    s = d.shape[1]
    ns = s // ch
    lane = jax.lax.broadcasted_iota(jnp.int32, (b, ch), 1)
    ds = [d[:, i * ch:(i + 1) * ch] for i in range(ns)]

    cand_v = []
    cand_i = []
    for _ in range(depth):
        m = _min_tree(ds)
        ii = [jnp.where(x == m, lane + j * ch, 2**30)
              for j, x in enumerate(ds)]
        cand_v.append(m)
        cand_i.append(_min_tree(ii))
        ds = [jnp.where(x == m, jnp.inf, x) for x in ds]

    c = jnp.concatenate(cand_v, axis=1)
    ci = jnp.concatenate(cand_i, axis=1)
    lanek = jax.lax.broadcasted_iota(jnp.int32, (b, k), 1)

    def step(t, carry):
        c, acc = carry
        v = jnp.min(c, axis=1, keepdims=True)
        m = c == v
        orig = jnp.min(jnp.where(m, ci, 2**30), axis=1, keepdims=True)
        acc = jnp.where(lanek == t, orig, acc)
        c = jnp.where(m & (ci == orig), jnp.inf, c)
        return c, acc

    _, acc = jax.lax.fori_loop(
        0, k, step, (c, jnp.zeros((b, k), jnp.int32)))
    idx_ref[...] = acc


def _sc_gather(table, idx):
    v, dd = table.shape
    m = idx.shape[0]
    info = plsc.get_sparse_core_info()
    nw = info.num_cores * info.num_subcores
    ch = 128
    n_ch = m // (nw * ch)
    mesh = plsc.VectorSubcoreMesh(core_axis_name="c", subcore_axis_name="s")

    @functools.partial(
        pl.kernel, mesh=mesh,
        out_type=jax.ShapeDtypeStruct((m, dd), F32),
        scratch_types=[
            pltpu.VMEM((ch,), jnp.int32),
            pltpu.VMEM((ch,), jnp.int32),
            pltpu.VMEM((ch, dd), F32),
            pltpu.VMEM((ch, dd), F32),
            pltpu.SemaphoreType.DMA,
            pltpu.SemaphoreType.DMA,
        ],
    )
    def k(table_hbm, idx_hbm, out_hbm, idx0, idx1, rows0, rows1, sem0, sem1):
        wid = lax.axis_index("s") * info.num_cores + lax.axis_index("c")
        base = wid * n_ch
        last = n_ch - 1

        def load_start(j, idxb, rows, sem):
            pltpu.sync_copy(idx_hbm.at[pl.ds((base + j) * ch, ch)], idxb)
            pltpu.make_async_copy(table_hbm.at[idxb], rows, sem).start()

        def wait(idxb, rows, sem):
            pltpu.make_async_copy(table_hbm.at[idxb], rows, sem).wait()

        def store(j, rows):
            pltpu.sync_copy(rows, out_hbm.at[pl.ds((base + j) * ch, ch)])

        load_start(0, idx0, rows0, sem0)

        def body(i, _):
            j0 = 2 * i
            load_start(j0 + 1, idx1, rows1, sem1)
            wait(idx0, rows0, sem0)
            store(j0, rows0)
            load_start(jnp.minimum(j0 + 2, last), idx0, rows0, sem0)
            wait(idx1, rows1, sem1)
            store(j0 + 1, rows1)
            return 0

        jax.lax.fori_loop(0, n_ch // 2, body, 0)
        wait(idx0, rows0, sem0)

    return k(table, idx)


def _sa_mlp_body(g_ref, xq_ref, wx_ref, ba_ref, wb_ref, bb_ref, r_ref,
                 out_ref, *, c2, k):
    q = xq_ref[...]
    wx = wx_ref[...]
    ba = ba_ref[...]
    wb = wb_ref[...]
    bb = bb_ref[...]
    acc = jnp.full((q.shape[0], c2), -jnp.inf, F32)
    for t in range(k):
        g = g_ref[t]
        tg = g[:, :c2]
        rel = g[:, c2:c2 + 3] - q
        h = jnp.maximum(tg + _dotbf(rel, wx) + ba, 0.0)
        h = jnp.maximum(_dotbf(h, wb) + bb, 0.0)
        acc = jnp.maximum(acc, h)
    out_ref[...] = jnp.maximum(acc + r_ref[...], 0.0)


def _atom_mlp_body(at_ref, w0_ref, b0_ref, w1_ref, b1_ref, af_ref):
    h = jnp.maximum(_dotbf(at_ref[...], w0_ref[...]) + b0_ref[...], 0.0)
    af_ref[...] = jnp.maximum(_dotbf(h, w1_ref[...]) + b1_ref[...], 0.0)


def _interp_head_body(sq_ref, cv_ref, atT_ref, af_ref, wc_ref, wq_ref,
                      wrc_ref, wrq_ref, t_ref, r_ref):
    q = sq_ref[...]
    d = _pdist(q, atT_ref[...])
    iota = jax.lax.broadcasted_iota(jnp.int32, d.shape, 1)
    vhi, vlo = _hilo(af_ref[...])
    ws = []
    gs = []
    for _ in range(3):
        v, e, d = _argmin_step(d, iota)
        ws.append(1.0 / (jnp.maximum(v, 0.0) + 1e-8))
        gs.append(_gather_rows(e.astype(F32), vhi, vlo))
    wsum = ws[0] + ws[1] + ws[2]
    fi = (ws[0] / wsum) * gs[0]
    fi = fi + (ws[1] / wsum) * gs[1]
    fi = fi + (ws[2] / wsum) * gs[2]
    cv = cv_ref[...]
    t_ref[...] = _dotbf(cv, wc_ref[...]) + _dotbf(fi, wq_ref[...])
    r_ref[...] = _dotbf(cv, wrc_ref[...]) + _dotbf(fi, wrq_ref[...])


def _sa_body(xq_ref, rT_ref, a_ref, wx_ref, ba_ref, wb_ref, bb_ref, r_ref,
             out_ref, *, c2):
    q = xq_ref[...]
    d = _pdist(q, rT_ref[...])
    iota = jax.lax.broadcasted_iota(jnp.int32, d.shape, 1)
    ahi, alo = _hilo(a_ref[...])
    wx = wx_ref[...]
    ba = ba_ref[...]
    wb = wb_ref[...]
    bb = bb_ref[...]
    b = q.shape[0]

    def step(_, carry):
        d, acc = carry
        _, e, d = _argmin_step(d, iota)
        g = _gather_rows(e.astype(F32), ahi, alo)
        tg = g[:, :c2]
        rel = g[:, c2:c2 + 3] - q
        h = jnp.maximum(tg + _dotbf(rel, wx) + ba, 0.0)
        h = jnp.maximum(_dotbf(h, wb) + bb, 0.0)
        return d, jnp.maximum(acc, h)

    acc0 = jnp.full((b, c2), -jnp.inf, F32)
    _, acc = jax.lax.fori_loop(0, 16, step, (d, acc0))
    out_ref[...] = jnp.maximum(acc + r_ref[...], 0.0)


def _prep_body(f_ref, wa_ref, wr_ref, t_ref, r_ref):
    f = f_ref[...]
    t_ref[...] = _dotbf(f, wa_ref[...])
    r_ref[...] = _dotbf(f, wr_ref[...])


def _interp_fp_body(xq_ref, rT_ref, v_ref, skip_ref, wa_ref, wb_ref, b_ref,
                    out_ref):
    q = xq_ref[...]
    d = _pdist(q, rT_ref[...])
    iota = jax.lax.broadcasted_iota(jnp.int32, d.shape, 1)
    vhi, vlo = _hilo(v_ref[...])
    ws = []
    gs = []
    for _ in range(3):
        v, e, d = _argmin_step(d, iota)
        ws.append(1.0 / (jnp.maximum(v, 0.0) + 1e-8))
        gs.append(_gather_rows(e.astype(F32), vhi, vlo))
    wsum = ws[0] + ws[1] + ws[2]
    fi = (ws[0] / wsum) * gs[0]
    fi = fi + (ws[1] / wsum) * gs[1]
    fi = fi + (ws[2] / wsum) * gs[2]
    out_ref[...] = jnp.maximum(
        _dotbf(fi, wa_ref[...]) + _dotbf(skip_ref[...], wb_ref[...])
        + b_ref[...], 0.0)


def _full_spec(shape):
    nd = len(shape)
    return pl.BlockSpec(shape, lambda i, _n=nd: (0,) * _n)


def _blk_spec(bshape):
    nd = len(bshape)
    return pl.BlockSpec(bshape, lambda i, _n=nd: (i,) + (0,) * (_n - 1))


def _run_sa(xq, rT, a, wx, ba, wb, bb, r, blk, c2):
    nq = xq.shape[0]
    s = rT.shape[1]
    ca = a.shape[1]
    grid = nq // blk
    return pl.pallas_call(
        functools.partial(_sa_body, c2=c2),
        grid=(grid,),
        in_specs=[
            _blk_spec((blk, 3)),
            _full_spec((3, s)),
            _full_spec((s, ca)),
            _full_spec((3, c2)),
            _full_spec((1, c2)),
            _full_spec((c2, c2)),
            _full_spec((1, c2)),
            _blk_spec((blk, c2)),
        ],
        out_specs=_blk_spec((blk, c2)),
        out_shape=jax.ShapeDtypeStruct((nq, c2), F32),
    )(xq, rT, a, wx, ba, wb, bb, r)


def _run_interp_fp(xq, rT, v, skip, wa, wb, b, blk):
    nq = xq.shape[0]
    s = rT.shape[1]
    c = v.shape[1]
    cs = skip.shape[1]
    co = wa.shape[1]
    grid = nq // blk
    return pl.pallas_call(
        _interp_fp_body,
        grid=(grid,),
        in_specs=[
            _blk_spec((blk, 3)),
            _full_spec((3, s)),
            _full_spec((s, c)),
            _blk_spec((blk, cs)),
            _full_spec((c, co)),
            _full_spec((cs, co)),
            _full_spec((1, co)),
        ],
        out_specs=_blk_spec((blk, co)),
        out_shape=jax.ShapeDtypeStruct((nq, co), F32),
    )(xq, rT, v, skip, wa, wb, b)


def kernel(atom_xyz, atom_types, surf_xyz, surf_curvs, W_a0, b_a0, W_a1,
           b_a1, Wh_a, bh_a, Wh_b, bh_b, Wh_r, W0_a, b0_a, W0_b, b0_b, W0_r,
           W1_a, b1_a, W1_b, b1_b, W1_r, Wf0, bf0, Wf1, bf1):
    n_surf = surf_xyz.shape[0]

    af = pl.pallas_call(
        _atom_mlp_body,
        out_shape=jax.ShapeDtypeStruct((atom_types.shape[0], 128), F32),
    )(atom_types, W_a0, b_a0.reshape(1, -1), W_a1, b_a1.reshape(1, -1))

    atT = atom_xyz.T
    BLK = 400
    t_head, r_head = pl.pallas_call(
        _interp_head_body,
        grid=(n_surf // BLK,),
        in_specs=[
            _blk_spec((BLK, 3)),
            _blk_spec((BLK, 10)),
            _full_spec((3, atom_xyz.shape[0])),
            _full_spec((atom_xyz.shape[0], 128)),
            _full_spec((10, 128)),
            _full_spec((128, 128)),
            _full_spec((10, 128)),
            _full_spec((128, 128)),
        ],
        out_specs=[_blk_spec((BLK, 128)), _blk_spec((BLK, 128))],
        out_shape=[
            jax.ShapeDtypeStruct((n_surf, 128), F32),
            jax.ShapeDtypeStruct((n_surf, 128), F32),
        ],
    )(surf_xyz, surf_curvs, atT, af, Wh_a[0:10], Wh_a[10:138],
      Wh_r[0:10], Wh_r[10:138])

    sxT = surf_xyz.T
    sxT_pad = jnp.pad(sxT, ((0, 0), (0, 10240 - n_surf)),
                      constant_values=1e15)
    BLK = 400
    idx_head = pl.pallas_call(
        functools.partial(_knn_body, k=16, depth=3, ch=256),
        grid=(n_surf // BLK,),
        in_specs=[_blk_spec((BLK, 3)), _full_spec((3, 10240))],
        out_specs=_blk_spec((BLK, 16)),
        out_shape=jax.ShapeDtypeStruct((n_surf, 16), jnp.int32),
    )(surf_xyz, sxT_pad)
    idx_sm = jnp.pad(idx_head.T, ((0, 0), (0, 10240 - n_surf)))
    a_head = jnp.pad(jnp.concatenate([t_head, surf_xyz], axis=1),
                     ((0, 0), (0, 125)))
    g_head = _sc_gather(a_head, idx_sm.reshape(-1)).reshape(16, 10240, 256)
    f_head = pl.pallas_call(
        functools.partial(_sa_mlp_body, c2=128, k=16),
        grid=(n_surf // BLK,),
        in_specs=[
            pl.BlockSpec((16, BLK, 256), lambda i: (0, i, 0)),
            _blk_spec((BLK, 3)),
            _full_spec((3, 128)),
            _full_spec((1, 128)),
            _full_spec((128, 128)),
            _full_spec((1, 128)),
            _blk_spec((BLK, 128)),
        ],
        out_specs=_blk_spec((BLK, 128)),
        out_shape=jax.ShapeDtypeStruct((n_surf, 128), F32),
    )(g_head, surf_xyz, Wh_a[138:141], bh_a.reshape(1, -1), Wh_b,
      bh_b.reshape(1, -1), r_head)

    xyz1 = surf_xyz[::4]
    x1T = xyz1.T
    x1T_pad = jnp.pad(x1T, ((0, 0), (0, 2560 - 2500)),
                      constant_values=1e15)
    pad1 = 2560 - 2500
    xyz1p = jnp.pad(xyz1, ((0, pad1), (0, 0)))
    idx0 = pl.pallas_call(
        functools.partial(_knn_body, k=16, depth=5, ch=128),
        grid=(5,),
        in_specs=[_blk_spec((512, 3)), _full_spec((3, 2560))],
        out_specs=_blk_spec((512, 16)),
        out_shape=jax.ShapeDtypeStruct((2560, 16), jnp.int32),
    )(xyz1p, x1T_pad)
    f_h1 = f_head[::4]
    t0, r0 = pl.pallas_call(
        _prep_body,
        out_shape=[
            jax.ShapeDtypeStruct((2500, 256), F32),
            jax.ShapeDtypeStruct((2500, 256), F32),
        ],
    )(f_h1, W0_a[0:128], W0_r)
    a0 = jnp.pad(jnp.concatenate([t0, xyz1], axis=1), ((0, 0), (0, 125)))
    r0p = jnp.pad(r0, ((0, pad1), (0, 0)))
    g0 = _sc_gather(a0, idx0.T.reshape(-1)).reshape(16, 2560, 384)
    f1p = pl.pallas_call(
        functools.partial(_sa_mlp_body, c2=256, k=16),
        grid=(5,),
        in_specs=[
            pl.BlockSpec((16, 512, 384), lambda i: (0, i, 0)),
            _blk_spec((512, 3)),
            _full_spec((3, 256)),
            _full_spec((1, 256)),
            _full_spec((256, 256)),
            _full_spec((1, 256)),
            _blk_spec((512, 256)),
        ],
        out_specs=_blk_spec((512, 256)),
        out_shape=jax.ShapeDtypeStruct((2560, 256), F32),
    )(g0, xyz1p, W0_a[128:131], b0_a.reshape(1, -1), W0_b,
      b0_b.reshape(1, -1), r0p)
    f1 = f1p[:2500]

    xyz2 = xyz1[::4]
    f2in = f1[::4]
    t1, r1 = pl.pallas_call(
        _prep_body,
        out_shape=[
            jax.ShapeDtypeStruct((625, 256), F32),
            jax.ShapeDtypeStruct((625, 256), F32),
        ],
    )(f2in, W1_a[0:256], W1_r)
    x2T = xyz2.T
    a1 = jnp.concatenate([t1, xyz2], axis=1)
    pad2 = 640 - 625
    xyz2p = jnp.pad(xyz2, ((0, pad2), (0, 0)))
    r1p = jnp.pad(r1, ((0, pad2), (0, 0)))
    f2p = _run_sa(xyz2p, x2T, a1, W1_a[256:259], b1_a.reshape(1, -1),
                  W1_b, b1_b.reshape(1, -1), r1p, 640, 256)
    f2 = f2p[:625]

    fp0p = _run_interp_fp(xyz1p, x2T, f2, f1p, Wf0[0:256], Wf0[256:512],
                          bf0.reshape(1, -1), 512)
    fp0 = fp0p[:2500]

    out = _run_interp_fp(surf_xyz, x1T, fp0, f_head, Wf1[0:256],
                         Wf1[256:384], bf1.reshape(1, -1), 400)
    return out

# --- scband reference (transcript-rebuilt; emitter-appended) ---
"""Pipeline reference for scband-backbone-37306085933349 (READ-ONLY COPY).

The authoritative reference and input builder live on the scoring server;
editing this copy changes nothing except your own understanding.
"""

import jax, jax.numpy as jnp
import numpy as np

NSAMPLE = 16

def pdist2(a, b):
    return jnp.sum(a * a, axis=1)[:, None] + jnp.sum(b * b, axis=1)[None, :] - 2.0 * (a @ b.T)

def knn(query, ref, k):
    negd, idx = jax.lax.top_k(-pdist2(query, ref), k)
    return jnp.maximum(-negd, 0.0), idx

def sa_res(feats, xyz, Wa, ba, Wb, bb, Wr):
    # SAModule_res: kNN grouping (ball-query approximated by kNN with nsample),
    # per-neighbor MLP on [feat, rel_xyz], max-pool over neighbors, residual projection.
    _, idx = knn(xyz, xyz, NSAMPLE)
    nf = feats[idx]
    rel = xyz[idx] - xyz[:, None, :]
    g = jnp.concatenate([nf, rel], axis=-1)
    h = jax.nn.relu(g @ Wa + ba)
    h = jax.nn.relu(h @ Wb + bb)
    return jax.nn.relu(jnp.max(h, axis=1) + feats @ Wr)

def interp3(src_xyz, src_feat, dst_xyz):
    # 3-NN inverse-distance-weighted feature interpolation (Atom_Query / FP interpolate)
    d, idx = knn(dst_xyz, src_xyz, 3)
    w = 1.0 / (d + 1e-8)
    w = w / jnp.sum(w, axis=1, keepdims=True)
    return jnp.sum(src_feat[idx] * w[..., None], axis=1)

def setup_inputs(seed: int = 0):
    key = jax.random.key(seed)
    ks = jax.random.split(key, 32)
    N_atom, N_surf = 3000, 10000
    def w(k, i, o):
        return (jax.random.normal(k, (i, o)) / np.sqrt(i)).astype(jnp.float32)
    inp = {}
    inp["atom_xyz"] = (jax.random.uniform(ks[0], (N_atom, 3)) * 10.0).astype(jnp.float32)
    inp["atom_types"] = jax.random.normal(ks[1], (N_atom, 6), dtype=jnp.float32)
    inp["surf_xyz"] = (jax.random.uniform(ks[2], (N_surf, 3)) * 10.0).astype(jnp.float32)
    inp["surf_curvs"] = jax.random.normal(ks[3], (N_surf, 10), dtype=jnp.float32)
    inp["W_a0"] = w(ks[4], 6, 64); inp["b_a0"] = jnp.zeros(64, jnp.float32)
    inp["W_a1"] = w(ks[5], 64, 128); inp["b_a1"] = jnp.zeros(128, jnp.float32)
    inp["Wh_a"] = w(ks[6], 141, 128); inp["bh_a"] = jnp.zeros(128, jnp.float32)
    inp["Wh_b"] = w(ks[7], 128, 128); inp["bh_b"] = jnp.zeros(128, jnp.float32)
    inp["Wh_r"] = w(ks[8], 138, 128)
    inp["W0_a"] = w(ks[9], 131, 256); inp["b0_a"] = jnp.zeros(256, jnp.float32)
    inp["W0_b"] = w(ks[10], 256, 256); inp["b0_b"] = jnp.zeros(256, jnp.float32)
    inp["W0_r"] = w(ks[11], 128, 256)
    inp["W1_a"] = w(ks[12], 259, 256); inp["b1_a"] = jnp.zeros(256, jnp.float32)
    inp["W1_b"] = w(ks[13], 256, 256); inp["b1_b"] = jnp.zeros(256, jnp.float32)
    inp["W1_r"] = w(ks[14], 256, 256)
    inp["Wf0"] = w(ks[15], 512, 256); inp["bf0"] = jnp.zeros(256, jnp.float32)
    inp["Wf1"] = w(ks[16], 384, 128); inp["bf1"] = jnp.zeros(128, jnp.float32)
    return inp

def reference(atom_xyz, atom_types, surf_xyz, surf_curvs, W_a0, b_a0, W_a1, b_a1, Wh_a, bh_a, Wh_b, bh_b, Wh_r, W0_a, b0_a, W0_b, b0_b, W0_r, W1_a, b1_a, W1_b, b1_b, W1_r, Wf0, bf0, Wf1, bf1):
    # Atom_Linear: pointwise MLP on atom type features
    af = jax.nn.relu(atom_types @ W_a0 + b_a0)
    af = jax.nn.relu(af @ W_a1 + b_a1)
    # Atom_Query: interpolate atom embeddings onto surface points
    qf = interp3(atom_xyz, af, surf_xyz)
    f0 = jnp.concatenate([surf_curvs, qf], axis=-1)  # [N_surf, 10+128]
    # surf_head: SAModule_res at full resolution
    f_head = sa_res(f0, surf_xyz, Wh_a, bh_a, Wh_b, bh_b, Wh_r)
    # PointSampling ratio 0.25 (deterministic stride subsample standing in for FPS)
    idx1 = jnp.arange(0, surf_xyz.shape[0], 4)
    xyz1 = surf_xyz[idx1]
    f1 = sa_res(f_head[idx1], xyz1, W0_a, b0_a, W0_b, b0_b, W0_r)
    idx2 = jnp.arange(0, xyz1.shape[0], 4)
    xyz2 = xyz1[idx2]
    f2 = sa_res(f1[idx2], xyz2, W1_a, b1_a, W1_b, b1_b, W1_r)
    # FP modules: interpolate coarse->fine, concat skip, pointwise MLP
    fi = interp3(xyz2, f2, xyz1)
    fp0 = jax.nn.relu(jnp.concatenate([fi, f1], axis=-1) @ Wf0 + bf0)
    fi2 = interp3(xyz1, fp0, surf_xyz)
    out = jax.nn.relu(jnp.concatenate([fi2, f_head], axis=-1) @ Wf1 + bf1)
    return out

if __name__ == "__main__":
    import jax
    _d = setup_inputs()
    print(jax.jit(kernel)(*tuple(_d.values())))

</pallas_src>

<mosaic_0001>
#map = affine_map<(d0, d1) -> (0, 0)>
#map1 = affine_map<(d0, d1) -> (0)>
module attributes {stable_mosaic.version = 14 : i64} {
  func.func @k(%arg0: i32, %arg1: i32, %arg2: memref<10000x256xf32, #tpu.memory_space<hbm>>, %arg3: memref<163840xi32, #tpu.memory_space<hbm>>, %arg4: memref<163840x256xf32, #tpu.memory_space<hbm>>, %arg5: memref<128xi32, #tpu.memory_space<vmem>>, %arg6: memref<128xi32, #tpu.memory_space<vmem>>, %arg7: memref<128x256xf32, #tpu.memory_space<vmem>>, %arg8: memref<128x256xf32, #tpu.memory_space<vmem>>, %arg9: memref<!tpu.dma_semaphore, #tpu.memory_space<semaphore_mem>>, %arg10: memref<!tpu.dma_semaphore, #tpu.memory_space<semaphore_mem>>) attributes {dimension_semantics = [#tpu.dimension_semantics<core_parallel>, #tpu.dimension_semantics<subcore_parallel>], iteration_bounds = array<i64: 2, 16>, scalar_prefetch = 0 : i64, scratch_operands = 6 : i64, tpu.core_type = #tpu.core_type<sc_vector_subcore>, window_params = [{transform_indices = #map}, {transform_indices = #map1}, {transform_indices = #map}]} {
    %mul3A = arith.constant 2 : i32
    %mul3A_0 = arith.muli %arg1, %mul3A : i32
    %add3A = arith.addi %mul3A_0, %arg0 : i32
    %mul3A_1 = arith.constant 40 : i32
    %mul3A_2 = arith.muli %add3A, %mul3A_1 : i32
    %add3A_3 = arith.constant 0 : i32
    %add3A_4 = arith.addi %mul3A_2, %add3A_3 : i32
    %mul3A_5 = arith.constant 128 : i32
    %mul3A_6 = arith.muli %add3A_4, %mul3A_5 : i32
    "tpu.region"() ({
      %run_scoped3A = tpu.sem_alloc : memref<!tpu.dma_semaphore, #tpu.memory_space<semaphore_mem>>
      %dma_start3A_17 = tpu.memref_slice %arg3[%mul3A_6] : memref<163840xi32, #tpu.memory_space<hbm>> -> memref<128xi32, #tpu.memory_space<hbm>>
      %dma_start3A_18 = tpu.memref_slice %arg3[%mul3A_6] : memref<163840xi32, #tpu.memory_space<hbm>> -> memref<128xi32, #tpu.memory_space<hbm>>
      tpu.enqueue_dma source(%dma_start3A_18 : memref<128xi32, #tpu.memory_space<hbm>>) target(%arg5 : memref<128xi32, #tpu.memory_space<vmem>>) target_semaphore(%run_scoped3A : memref<!tpu.dma_semaphore, #tpu.memory_space<semaphore_mem>>)
      %dma_wait3A_19 = tpu.memref_slice %arg3[%mul3A_6] : memref<163840xi32, #tpu.memory_space<hbm>> -> memref<128xi32, #tpu.memory_space<hbm>>
      %dma_wait3A_20 = tpu.memref_slice %arg3[%mul3A_6] : memref<163840xi32, #tpu.memory_space<hbm>> -> memref<128xi32, #tpu.memory_space<hbm>>
      tpu.wait_dma2 semaphore(%run_scoped3A : memref<!tpu.dma_semaphore, #tpu.memory_space<semaphore_mem>>) src(%dma_wait3A_20 : memref<128xi32, #tpu.memory_space<hbm>>) dst(%arg5 : memref<128xi32, #tpu.memory_space<vmem>>)
      tpu.yield
    }) : () -> ()
    %dma_start3A = arith.constant 0 : i32
    %dma_start3A_7 = arith.constant 0 : i32
    %dma_start3A_8 = tpu.memref_slice %arg2[%dma_start3A, %dma_start3A_7] : memref<10000x256xf32, #tpu.memory_space<hbm>> -> memref<10000x256xf32, #tpu.memory_space<hbm>>
    tpu.enqueue_indirect_dma source(%dma_start3A_8 : memref<10000x256xf32, #tpu.memory_space<hbm>>) target(%arg7 : memref<128x256xf32, #tpu.memory_space<vmem>>) offsets(%arg5 : memref<128xi32, #tpu.memory_space<vmem>>) semaphore(%arg9 : memref<!tpu.dma_semaphore, #tpu.memory_space<semaphore_mem>>)
    %scan3A = arith.constant 0 : i32
    %scan3A_9 = arith.constant 0 : i32
    %scan3A_10 = arith.constant 20 : i32
    %scan3A_11 = arith.addi %scan3A_9, %scan3A_10 : i32
    %scan3A_12 = arith.constant 1 : i32
    %scan3A_13 = scf.for %scan3A_17 = %scan3A_9 to %scan3A_11 step %scan3A_12 iter_args(%scan3A_18 = %scan3A) -> (i32)  : i32 {
      %mul3A_19 = arith.constant 2 : i32
      %mul3A_20 = arith.muli %mul3A_19, %scan3A_17 : i32
      %add3A_21 = arith.constant 1 : i32
      %add3A_22 = arith.addi %mul3A_20, %add3A_21 : i32
      %add3A_23 = arith.addi %mul3A_2, %add3A_22 : i32
      %mul3A_24 = arith.constant 128 : i32
      %mul3A_25 = arith.muli %add3A_23, %mul3A_24 : i32
      "tpu.region"() ({
        %run_scoped3A = tpu.sem_alloc : memref<!tpu.dma_semaphore, #tpu.memory_space<semaphore_mem>>
        %dma_start3A_53 = tpu.memref_slice %arg3[%mul3A_25] : memref<163840xi32, #tpu.memory_space<hbm>> -> memref<128xi32, #tpu.memory_space<hbm>>
        %dma_start3A_54 = tpu.memref_slice %arg3[%mul3A_25] : memref<163840xi32, #tpu.memory_space<hbm>> -> memref<128xi32, #tpu.memory_space<hbm>>
        tpu.enqueue_dma source(%dma_start3A_54 : memref<128xi32, #tpu.memory_space<hbm>>) target(%arg6 : memref<128xi32, #tpu.memory_space<vmem>>) target_semaphore(%run_scoped3A : memref<!tpu.dma_semaphore, #tpu.memory_space<semaphore_mem>>)
        %dma_wait3A_55 = tpu.memref_slice %arg3[%mul3A_25] : memref<163840xi32, #tpu.memory_space<hbm>> -> memref<128xi32, #tpu.memory_space<hbm>>
        %dma_wait3A_56 = tpu.memref_slice %arg3[%mul3A_25] : memref<163840xi32, #tpu.memory_space<hbm>> -> memref<128xi32, #tpu.memory_space<hbm>>
        tpu.wait_dma2 semaphore(%run_scoped3A : memref<!tpu.dma_semaphore, #tpu.memory_space<semaphore_mem>>) src(%dma_wait3A_56 : memref<128xi32, #tpu.memory_space<hbm>>) dst(%arg6 : memref<128xi32, #tpu.memory_space<vmem>>)
        tpu.yield
      }) : () -> ()
      %dma_start3A_26 = arith.constant 0 : i32
      %dma_start3A_27 = arith.constant 0 : i32
      %dma_start3A_28 = tpu.memref_slice %arg2[%dma_start3A_26, %dma_start3A_27] : memref<10000x256xf32, #tpu.memory_space<hbm>> -> memref<10000x256xf32, #tpu.memory_space<hbm>>
      tpu.enqueue_indirect_dma source(%dma_start3A_28 : memref<10000x256xf32, #tpu.memory_space<hbm>>) target(%arg8 : memref<128x256xf32, #tpu.memory_space<vmem>>) offsets(%arg6 : memref<128xi32, #tpu.memory_space<vmem>>) semaphore(%arg10 : memref<!tpu.dma_semaphore, #tpu.memory_space<semaphore_mem>>)
      %dma_wait3A_29 = arith.constant 0 : i32
      %dma_wait3A_30 = arith.constant 0 : i32
      %dma_wait3A_31 = tpu.memref_slice %arg2[%dma_wait3A_29, %dma_wait3A_30] : memref<10000x256xf32, #tpu.memory_space<hbm>> -> memref<10000x256xf32, #tpu.memory_space<hbm>>
      tpu.wait_indirect_dma semaphore(%arg9 : memref<!tpu.dma_semaphore, #tpu.memory_space<semaphore_mem>>) src(%dma_wait3A_31 : memref<10000x256xf32, #tpu.memory_space<hbm>>) dst(%arg7 : memref<128x256xf32, #tpu.memory_space<vmem>>)
      %add3A_32 = arith.addi %mul3A_2, %mul3A_20 : i32
      %mul3A_33 = arith.constant 128 : i32
      %mul3A_34 = arith.muli %add3A_32, %mul3A_33 : i32
      "tpu.region"() ({
        %run_scoped3A = tpu.sem_alloc : memref<!tpu.dma_semaphore, #tpu.memory_space<semaphore_mem>>
        %dma_start3A_53 = arith.constant 0 : i32
        %dma_start3A_54 = tpu.memref_slice %arg4[%mul3A_34, %dma_start3A_53] : memref<163840x256xf32, #tpu.memory_space<hbm>> -> memref<128x256xf32, #tpu.memory_space<hbm>>
        %dma_start3A_55 = arith.constant 0 : i32
        %dma_start3A_56 = tpu.memref_slice %arg4[%mul3A_34, %dma_start3A_55] : memref<163840x256xf32, #tpu.memory_space<hbm>> -> memref<128x256xf32, #tpu.memory_space<hbm>>
        tpu.enqueue_dma source(%arg7 : memref<128x256xf32, #tpu.memory_space<vmem>>) target(%dma_start3A_56 : memref<128x256xf32, #tpu.memory_space<hbm>>) target_semaphore(%run_scoped3A : memref<!tpu.dma_semaphore, #tpu.memory_space<semaphore_mem>>)
        %dma_wait3A_57 = arith.constant 0 : i32
        %dma_wait3A_58 = tpu.memref_slice %arg4[%mul3A_34, %dma_wait3A_57] : memref<163840x256xf32, #tpu.memory_space<hbm>> -> memref<128x256xf32, #tpu.memory_space<hbm>>
        %dma_wait3A_59 = arith.constant 0 : i32
        %dma_wait3A_60 = tpu.memref_slice %arg4[%mul3A_34, %dma_wait3A_59] : memref<163840x256xf32, #tpu.memory_space<hbm>> -> memref<128x256xf32, #tpu.memory_space<hbm>>
        tpu.wait_dma2 semaphore(%run_scoped3A : memref<!tpu.dma_semaphore, #tpu.memory_space<semaphore_mem>>) src(%arg7 : memref<128x256xf32, #tpu.memory_space<vmem>>) dst(%dma_wait3A_60 : memref<128x256xf32, #tpu.memory_space<hbm>>)
        tpu.yield
      }) : () -> ()
      %add3A_35 = arith.constant 2 : i32
      %add3A_36 = arith.addi %mul3A_20, %add3A_35 : i32
      %min3A = arith.constant 39 : i32
      %min3A_37 = arith.minsi %add3A_36, %min3A : i32
      %add3A_38 = arith.addi %mul3A_2, %min3A_37 : i32
      %mul3A_39 = arith.constant 128 : i32
      %mul3A_40 = arith.muli %add3A_38, %mul3A_39 : i32
      "tpu.region"() ({
        %run_scoped3A = tpu.sem_alloc : memref<!tpu.dma_semaphore, #tpu.memory_space<semaphore_mem>>
        %dma_start3A_53 = tpu.memref_slice %arg3[%mul3A_40] : memref<163840xi32, #tpu.memory_space<hbm>> -> memref<128xi32, #tpu.memory_space<hbm>>
        %dma_start3A_54 = tpu.memref_slice %arg3[%mul3A_40] : memref<163840xi32, #tpu.memory_space<hbm>> -> memref<128xi32, #tpu.memory_space<hbm>>
        tpu.enqueue_dma source(%dma_start3A_54 : memref<128xi32, #tpu.memory_space<hbm>>) target(%arg5 : memref<128xi32, #tpu.memory_space<vmem>>) target_semaphore(%run_scoped3A : memref<!tpu.dma_semaphore, #tpu.memory_space<semaphore_mem>>)
        %dma_wait3A_55 = tpu.memref_slice %arg3[%mul3A_40] : memref<163840xi32, #tpu.memory_space<hbm>> -> memref<128xi32, #tpu.memory_space<hbm>>
        %dma_wait3A_56 = tpu.memref_slice %arg3[%mul3A_40] : memref<163840xi32, #tpu.memory_space<hbm>> -> memref<128xi32, #tpu.memory_space<hbm>>
        tpu.wait_dma2 semaphore(%run_scoped3A : memref<!tpu.dma_semaphore, #tpu.memory_space<semaphore_mem>>) src(%dma_wait3A_56 : memref<128xi32, #tpu.memory_space<hbm>>) dst(%arg5 : memref<128xi32, #tpu.memory_space<vmem>>)
        tpu.yield
      }) : () -> ()
      %dma_start3A_41 = arith.constant 0 : i32
      %dma_start3A_42 = arith.constant 0 : i32
      %dma_start3A_43 = tpu.memref_slice %arg2[%dma_start3A_41, %dma_start3A_42] : memref<10000x256xf32, #tpu.memory_space<hbm>> -> memref<10000x256xf32, #tpu.memory_space<hbm>>
      tpu.enqueue_indirect_dma source(%dma_start3A_43 : memref<10000x256xf32, #tpu.memory_space<hbm>>) target(%arg7 : memref<128x256xf32, #tpu.memory_space<vmem>>) offsets(%arg5 : memref<128xi32, #tpu.memory_space<vmem>>) semaphore(%arg9 : memref<!tpu.dma_semaphore, #tpu.memory_space<semaphore_mem>>)
      %dma_wait3A_44 = arith.constant 0 : i32
      %dma_wait3A_45 = arith.constant 0 : i32
      %dma_wait3A_46 = tpu.memref_slice %arg2[%dma_wait3A_44, %dma_wait3A_45] : memref<10000x256xf32, #tpu.memory_space<hbm>> -> memref<10000x256xf32, #tpu.memory_space<hbm>>
      tpu.wait_indirect_dma semaphore(%arg10 : memref<!tpu.dma_semaphore, #tpu.memory_space<semaphore_mem>>) src(%dma_wait3A_46 : memref<10000x256xf32, #tpu.memory_space<hbm>>) dst(%arg8 : memref<128x256xf32, #tpu.memory_space<vmem>>)
      %add3A_47 = arith.constant 1 : i32
      %add3A_48 = arith.addi %mul3A_20, %add3A_47 : i32
      %add3A_49 = arith.addi %mul3A_2, %add3A_48 : i32
      %mul3A_50 = arith.constant 128 : i32
      %mul3A_51 = arith.muli %add3A_49, %mul3A_50 : i32
      "tpu.region"() ({
        %run_scoped3A = tpu.sem_alloc : memref<!tpu.dma_semaphore, #tpu.memory_space<semaphore_mem>>
        %dma_start3A_53 = arith.constant 0 : i32
        %dma_start3A_54 = tpu.memref_slice %arg4[%mul3A_51, %dma_start3A_53] : memref<163840x256xf32, #tpu.memory_space<hbm>> -> memref<128x256xf32, #tpu.memory_space<hbm>>
        %dma_start3A_55 = arith.constant 0 : i32
        %dma_start3A_56 = tpu.memref_slice %arg4[%mul3A_51, %dma_start3A_55] : memref<163840x256xf32, #tpu.memory_space<hbm>> -> memref<128x256xf32, #tpu.memory_space<hbm>>
        tpu.enqueue_dma source(%arg8 : memref<128x256xf32, #tpu.memory_space<vmem>>) target(%dma_start3A_56 : memref<128x256xf32, #tpu.memory_space<hbm>>) target_semaphore(%run_scoped3A : memref<!tpu.dma_semaphore, #tpu.memory_space<semaphore_mem>>)
        %dma_wait3A_57 = arith.constant 0 : i32
        %dma_wait3A_58 = tpu.memref_slice %arg4[%mul3A_51, %dma_wait3A_57] : memref<163840x256xf32, #tpu.memory_space<hbm>> -> memref<128x256xf32, #tpu.memory_space<hbm>>
        %dma_wait3A_59 = arith.constant 0 : i32
        %dma_wait3A_60 = tpu.memref_slice %arg4[%mul3A_51, %dma_wait3A_59] : memref<163840x256xf32, #tpu.memory_space<hbm>> -> memref<128x256xf32, #tpu.memory_space<hbm>>
        tpu.wait_dma2 semaphore(%run_scoped3A : memref<!tpu.dma_semaphore, #tpu.memory_space<semaphore_mem>>) src(%arg8 : memref<128x256xf32, #tpu.memory_space<vmem>>) dst(%dma_wait3A_60 : memref<128x256xf32, #tpu.memory_space<hbm>>)
        tpu.yield
      }) : () -> ()
      %scan3A_52 = arith.constant 0 : i32
      scf.yield %scan3A_52 : i32
    }
    %scan3A_14 = arith.constant 20 : i32
    %dma_wait3A = arith.constant 0 : i32
    %dma_wait3A_15 = arith.constant 0 : i32
    %dma_wait3A_16 = tpu.memref_slice %arg2[%dma_wait3A, %dma_wait3A_15] : memref<10000x256xf32, #tpu.memory_space<hbm>> -> memref<10000x256xf32, #tpu.memory_space<hbm>>
    tpu.wait_indirect_dma semaphore(%arg9 : memref<!tpu.dma_semaphore, #tpu.memory_space<semaphore_mem>>) src(%dma_wait3A_16 : memref<10000x256xf32, #tpu.memory_space<hbm>>) dst(%arg7 : memref<128x256xf32, #tpu.memory_space<vmem>>)
    return
  }
}

#map = affine_map<(d0, d1) -> (0, 0)>
#map1 = affine_map<(d0, d1) -> (0)>
module attributes {stable_mosaic.version = 14 : i64} {
  func.func @k(%arg0: i32, %arg1: i32, %arg2: memref<2500x384xf32, #tpu.memory_space<hbm>>, %arg3: memref<40960xi32, #tpu.memory_space<hbm>>, %arg4: memref<40960x384xf32, #tpu.memory_space<hbm>>, %arg5: memref<128xi32, #tpu.memory_space<vmem>>, %arg6: memref<128xi32, #tpu.memory_space<vmem>>, %arg7: memref<128x384xf32, #tpu.memory_space<vmem>>, %arg8: memref<128x384xf32, #tpu.memory_space<vmem>>, %arg9: memref<!tpu.dma_semaphore, #tpu.memory_space<semaphore_mem>>, %arg10: memref<!tpu.dma_semaphore, #tpu.memory_space<semaphore_mem>>) attributes {dimension_semantics = [#tpu.dimension_semantics<core_parallel>, #tpu.dimension_semantics<subcore_parallel>], iteration_bounds = array<i64: 2, 16>, scalar_prefetch = 0 : i64, scratch_operands = 6 : i64, tpu.core_type = #tpu.core_type<sc_vector_subcore>, window_params = [{transform_indices = #map}, {transform_indices = #map1}, {transform_indices = #map}]} {
    %mul3A = arith.constant 2 : i32
    %mul3A_0 = arith.muli %arg1, %mul3A : i32
    %add3A = arith.addi %mul3A_0, %arg0 : i32
    %mul3A_1 = arith.constant 10 : i32
    %mul3A_2 = arith.muli %add3A, %mul3A_1 : i32
    %add3A_3 = arith.constant 0 : i32
    %add3A_4 = arith.addi %mul3A_2, %add3A_3 : i32
    %mul3A_5 = arith.constant 128 : i32
    %mul3A_6 = arith.muli %add3A_4, %mul3A_5 : i32
    "tpu.region"() ({
      %run_scoped3A = tpu.sem_alloc : memref<!tpu.dma_semaphore, #tpu.memory_space<semaphore_mem>>
      %dma_start3A_17 = tpu.memref_slice %arg3[%mul3A_6] : memref<40960xi32, #tpu.memory_space<hbm>> -> memref<128xi32, #tpu.memory_space<hbm>>
      %dma_start3A_18 = tpu.memref_slice %arg3[%mul3A_6] : memref<40960xi32, #tpu.memory_space<hbm>> -> memref<128xi32, #tpu.memory_space<hbm>>
      tpu.enqueue_dma source(%dma_start3A_18 : memref<128xi32, #tpu.memory_space<hbm>>) target(%arg5 : memref<128xi32, #tpu.memory_space<vmem>>) target_semaphore(%run_scoped3A : memref<!tpu.dma_semaphore, #tpu.memory_space<semaphore_mem>>)
      %dma_wait3A_19 = tpu.memref_slice %arg3[%mul3A_6] : memref<40960xi32, #tpu.memory_space<hbm>> -> memref<128xi32, #tpu.memory_space<hbm>>
      %dma_wait3A_20 = tpu.memref_slice %arg3[%mul3A_6] : memref<40960xi32, #tpu.memory_space<hbm>> -> memref<128xi32, #tpu.memory_space<hbm>>
      tpu.wait_dma2 semaphore(%run_scoped3A : memref<!tpu.dma_semaphore, #tpu.memory_space<semaphore_mem>>) src(%dma_wait3A_20 : memref<128xi32, #tpu.memory_space<hbm>>) dst(%arg5 : memref<128xi32, #tpu.memory_space<vmem>>)
      tpu.yield
    }) : () -> ()
    %dma_start3A = arith.constant 0 : i32
    %dma_start3A_7 = arith.constant 0 : i32
    %dma_start3A_8 = tpu.memref_slice %arg2[%dma_start3A, %dma_start3A_7] : memref<2500x384xf32, #tpu.memory_space<hbm>> -> memref<2500x384xf32, #tpu.memory_space<hbm>>
    tpu.enqueue_indirect_dma source(%dma_start3A_8 : memref<2500x384xf32, #tpu.memory_space<hbm>>) target(%arg7 : memref<128x384xf32, #tpu.memory_space<vmem>>) offsets(%arg5 : memref<128xi32, #tpu.memory_space<vmem>>) semaphore(%arg9 : memref<!tpu.dma_semaphore, #tpu.memory_space<semaphore_mem>>)
    %scan3A = arith.constant 0 : i32
    %scan3A_9 = arith.constant 0 : i32
    %scan3A_10 = arith.constant 5 : i32
    %scan3A_11 = arith.addi %scan3A_9, %scan3A_10 : i32
    %scan3A_12 = arith.constant 1 : i32
    %scan3A_13 = scf.for %scan3A_17 = %scan3A_9 to %scan3A_11 step %scan3A_12 iter_args(%scan3A_18 = %scan3A) -> (i32)  : i32 {
      %mul3A_19 = arith.constant 2 : i32
      %mul3A_20 = arith.muli %mul3A_19, %scan3A_17 : i32
      %add3A_21 = arith.constant 1 : i32
      %add3A_22 = arith.addi %mul3A_20, %add3A_21 : i32
      %add3A_23 = arith.addi %mul3A_2, %add3A_22 : i32
      %mul3A_24 = arith.constant 128 : i32
      %mul3A_25 = arith.muli %add3A_23, %mul3A_24 : i32
      "tpu.region"() ({
        %run_scoped3A = tpu.sem_alloc : memref<!tpu.dma_semaphore, #tpu.memory_space<semaphore_mem>>
        %dma_start3A_53 = tpu.memref_slice %arg3[%mul3A_25] : memref<40960xi32, #tpu.memory_space<hbm>> -> memref<128xi32, #tpu.memory_space<hbm>>
        %dma_start3A_54 = tpu.memref_slice %arg3[%mul3A_25] : memref<40960xi32, #tpu.memory_space<hbm>> -> memref<128xi32, #tpu.memory_space<hbm>>
        tpu.enqueue_dma source(%dma_start3A_54 : memref<128xi32, #tpu.memory_space<hbm>>) target(%arg6 : memref<128xi32, #tpu.memory_space<vmem>>) target_semaphore(%run_scoped3A : memref<!tpu.dma_semaphore, #tpu.memory_space<semaphore_mem>>)
        %dma_wait3A_55 = tpu.memref_slice %arg3[%mul3A_25] : memref<40960xi32, #tpu.memory_space<hbm>> -> memref<128xi32, #tpu.memory_space<hbm>>
        %dma_wait3A_56 = tpu.memref_slice %arg3[%mul3A_25] : memref<40960xi32, #tpu.memory_space<hbm>> -> memref<128xi32, #tpu.memory_space<hbm>>
        tpu.wait_dma2 semaphore(%run_scoped3A : memref<!tpu.dma_semaphore, #tpu.memory_space<semaphore_mem>>) src(%dma_wait3A_56 : memref<128xi32, #tpu.memory_space<hbm>>) dst(%arg6 : memref<128xi32, #tpu.memory_space<vmem>>)
        tpu.yield
      }) : () -> ()
      %dma_start3A_26 = arith.constant 0 : i32
      %dma_start3A_27 = arith.constant 0 : i32
      %dma_start3A_28 = tpu.memref_slice %arg2[%dma_start3A_26, %dma_start3A_27] : memref<2500x384xf32, #tpu.memory_space<hbm>> -> memref<2500x384xf32, #tpu.memory_space<hbm>>
      tpu.enqueue_indirect_dma source(%dma_start3A_28 : memref<2500x384xf32, #tpu.memory_space<hbm>>) target(%arg8 : memref<128x384xf32, #tpu.memory_space<vmem>>) offsets(%arg6 : memref<128xi32, #tpu.memory_space<vmem>>) semaphore(%arg10 : memref<!tpu.dma_semaphore, #tpu.memory_space<semaphore_mem>>)
      %dma_wait3A_29 = arith.constant 0 : i32
      %dma_wait3A_30 = arith.constant 0 : i32
      %dma_wait3A_31 = tpu.memref_slice %arg2[%dma_wait3A_29, %dma_wait3A_30] : memref<2500x384xf32, #tpu.memory_space<hbm>> -> memref<2500x384xf32, #tpu.memory_space<hbm>>
      tpu.wait_indirect_dma semaphore(%arg9 : memref<!tpu.dma_semaphore, #tpu.memory_space<semaphore_mem>>) src(%dma_wait3A_31 : memref<2500x384xf32, #tpu.memory_space<hbm>>) dst(%arg7 : memref<128x384xf32, #tpu.memory_space<vmem>>)
      %add3A_32 = arith.addi %mul3A_2, %mul3A_20 : i32
      %mul3A_33 = arith.constant 128 : i32
      %mul3A_34 = arith.muli %add3A_32, %mul3A_33 : i32
      "tpu.region"() ({
        %run_scoped3A = tpu.sem_alloc : memref<!tpu.dma_semaphore, #tpu.memory_space<semaphore_mem>>
        %dma_start3A_53 = arith.constant 0 : i32
        %dma_start3A_54 = tpu.memref_slice %arg4[%mul3A_34, %dma_start3A_53] : memref<40960x384xf32, #tpu.memory_space<hbm>> -> memref<128x384xf32, #tpu.memory_space<hbm>>
        %dma_start3A_55 = arith.constant 0 : i32
        %dma_start3A_56 = tpu.memref_slice %arg4[%mul3A_34, %dma_start3A_55] : memref<40960x384xf32, #tpu.memory_space<hbm>> -> memref<128x384xf32, #tpu.memory_space<hbm>>
        tpu.enqueue_dma source(%arg7 : memref<128x384xf32, #tpu.memory_space<vmem>>) target(%dma_start3A_56 : memref<128x384xf32, #tpu.memory_space<hbm>>) target_semaphore(%run_scoped3A : memref<!tpu.dma_semaphore, #tpu.memory_space<semaphore_mem>>)
        %dma_wait3A_57 = arith.constant 0 : i32
        %dma_wait3A_58 = tpu.memref_slice %arg4[%mul3A_34, %dma_wait3A_57] : memref<40960x384xf32, #tpu.memory_space<hbm>> -> memref<128x384xf32, #tpu.memory_space<hbm>>
        %dma_wait3A_59 = arith.constant 0 : i32
        %dma_wait3A_60 = tpu.memref_slice %arg4[%mul3A_34, %dma_wait3A_59] : memref<40960x384xf32, #tpu.memory_space<hbm>> -> memref<128x384xf32, #tpu.memory_space<hbm>>
        tpu.wait_dma2 semaphore(%run_scoped3A : memref<!tpu.dma_semaphore, #tpu.memory_space<semaphore_mem>>) src(%arg7 : memref<128x384xf32, #tpu.memory_space<vmem>>) dst(%dma_wait3A_60 : memref<128x384xf32, #tpu.memory_space<hbm>>)
        tpu.yield
      }) : () -> ()
      %add3A_35 = arith.constant 2 : i32
      %add3A_36 = arith.addi %mul3A_20, %add3A_35 : i32
      %min3A = arith.constant 9 : i32
      %min3A_37 = arith.minsi %add3A_36, %min3A : i32
      %add3A_38 = arith.addi %mul3A_2, %min3A_37 : i32
      %mul3A_39 = arith.constant 128 : i32
      %mul3A_40 = arith.muli %add3A_38, %mul3A_39 : i32
      "tpu.region"() ({
        %run_scoped3A = tpu.sem_alloc : memref<!tpu.dma_semaphore, #tpu.memory_space<semaphore_mem>>
        %dma_start3A_53 = tpu.memref_slice %arg3[%mul3A_40] : memref<40960xi32, #tpu.memory_space<hbm>> -> memref<128xi32, #tpu.memory_space<hbm>>
        %dma_start3A_54 = tpu.memref_slice %arg3[%mul3A_40] : memref<40960xi32, #tpu.memory_space<hbm>> -> memref<128xi32, #tpu.memory_space<hbm>>
        tpu.enqueue_dma source(%dma_start3A_54 : memref<128xi32, #tpu.memory_space<hbm>>) target(%arg5 : memref<128xi32, #tpu.memory_space<vmem>>) target_semaphore(%run_scoped3A : memref<!tpu.dma_semaphore, #tpu.memory_space<semaphore_mem>>)
        %dma_wait3A_55 = tpu.memref_slice %arg3[%mul3A_40] : memref<40960xi32, #tpu.memory_space<hbm>> -> memref<128xi32, #tpu.memory_space<hbm>>
        %dma_wait3A_56 = tpu.memref_slice %arg3[%mul3A_40] : memref<40960xi32, #tpu.memory_space<hbm>> -> memref<128xi32, #tpu.memory_space<hbm>>
        tpu.wait_dma2 semaphore(%run_scoped3A : memref<!tpu.dma_semaphore, #tpu.memory_space<semaphore_mem>>) src(%dma_wait3A_56 : memref<128xi32, #tpu.memory_space<hbm>>) dst(%arg5 : memref<128xi32, #tpu.memory_space<vmem>>)
        tpu.yield
      }) : () -> ()
      %dma_start3A_41 = arith.constant 0 : i32
      %dma_start3A_42 = arith.constant 0 : i32
      %dma_start3A_43 = tpu.memref_slice %arg2[%dma_start3A_41, %dma_start3A_42] : memref<2500x384xf32, #tpu.memory_space<hbm>> -> memref<2500x384xf32, #tpu.memory_space<hbm>>
      tpu.enqueue_indirect_dma source(%dma_start3A_43 : memref<2500x384xf32, #tpu.memory_space<hbm>>) target(%arg7 : memref<128x384xf32, #tpu.memory_space<vmem>>) offsets(%arg5 : memref<128xi32, #tpu.memory_space<vmem>>) semaphore(%arg9 : memref<!tpu.dma_semaphore, #tpu.memory_space<semaphore_mem>>)
      %dma_wait3A_44 = arith.constant 0 : i32
      %dma_wait3A_45 = arith.constant 0 : i32
      %dma_wait3A_46 = tpu.memref_slice %arg2[%dma_wait3A_44, %dma_wait3A_45] : memref<2500x384xf32, #tpu.memory_space<hbm>> -> memref<2500x384xf32, #tpu.memory_space<hbm>>
      tpu.wait_indirect_dma semaphore(%arg10 : memref<!tpu.dma_semaphore, #tpu.memory_space<semaphore_mem>>) src(%dma_wait3A_46 : memref<2500x384xf32, #tpu.memory_space<hbm>>) dst(%arg8 : memref<128x384xf32, #tpu.memory_space<vmem>>)
      %add3A_47 = arith.constant 1 : i32
      %add3A_48 = arith.addi %mul3A_20, %add3A_47 : i32
      %add3A_49 = arith.addi %mul3A_2, %add3A_48 : i32
      %mul3A_50 = arith.constant 128 : i32
      %mul3A_51 = arith.muli %add3A_49, %mul3A_50 : i32
      "tpu.region"() ({
        %run_scoped3A = tpu.sem_alloc : memref<!tpu.dma_semaphore, #tpu.memory_space<semaphore_mem>>
        %dma_start3A_53 = arith.constant 0 : i32
        %dma_start3A_54 = tpu.memref_slice %arg4[%mul3A_51, %dma_start3A_53] : memref<40960x384xf32, #tpu.memory_space<hbm>> -> memref<128x384xf32, #tpu.memory_space<hbm>>
        %dma_start3A_55 = arith.constant 0 : i32
        %dma_start3A_56 = tpu.memref_slice %arg4[%mul3A_51, %dma_start3A_55] : memref<40960x384xf32, #tpu.memory_space<hbm>> -> memref<128x384xf32, #tpu.memory_space<hbm>>
        tpu.enqueue_dma source(%arg8 : memref<128x384xf32, #tpu.memory_space<vmem>>) target(%dma_start3A_56 : memref<128x384xf32, #tpu.memory_space<hbm>>) target_semaphore(%run_scoped3A : memref<!tpu.dma_semaphore, #tpu.memory_space<semaphore_mem>>)
        %dma_wait3A_57 = arith.constant 0 : i32
        %dma_wait3A_58 = tpu.memref_slice %arg4[%mul3A_51, %dma_wait3A_57] : memref<40960x384xf32, #tpu.memory_space<hbm>> -> memref<128x384xf32, #tpu.memory_space<hbm>>
        %dma_wait3A_59 = arith.constant 0 : i32
        %dma_wait3A_60 = tpu.memref_slice %arg4[%mul3A_51, %dma_wait3A_59] : memref<40960x384xf32, #tpu.memory_space<hbm>> -> memref<128x384xf32, #tpu.memory_space<hbm>>
        tpu.wait_dma2 semaphore(%run_scoped3A : memref<!tpu.dma_semaphore, #tpu.memory_space<semaphore_mem>>) src(%arg8 : memref<128x384xf32, #tpu.memory_space<vmem>>) dst(%dma_wait3A_60 : memref<128x384xf32, #tpu.memory_space<hbm>>)
        tpu.yield
      }) : () -> ()
      %scan3A_52 = arith.constant 0 : i32
      scf.yield %scan3A_52 : i32
    }
    %scan3A_14 = arith.constant 5 : i32
    %dma_wait3A = arith.constant 0 : i32
    %dma_wait3A_15 = arith.constant 0 : i32
    %dma_wait3A_16 = tpu.memref_slice %arg2[%dma_wait3A, %dma_wait3A_15] : memref<2500x384xf32, #tpu.memory_space<hbm>> -> memref<2500x384xf32, #tpu.memory_space<hbm>>
    tpu.wait_indirect_dma semaphore(%arg9 : memref<!tpu.dma_semaphore, #tpu.memory_space<semaphore_mem>>) src(%dma_wait3A_16 : memref<2500x384xf32, #tpu.memory_space<hbm>>) dst(%arg7 : memref<128x384xf32, #tpu.memory_space<vmem>>)
    return
  }
}

module attributes {stable_mosaic.version = 14 : i64} {
  func.func @_atom_mlp_body(%arg0: memref<3000x6xf32, #tpu.memory_space<vmem>>, %arg1: memref<6x64xf32, #tpu.memory_space<vmem>>, %arg2: memref<1x64xf32, #tpu.memory_space<vmem>>, %arg3: memref<64x128xf32, #tpu.memory_space<vmem>>, %arg4: memref<1x128xf32, #tpu.memory_space<vmem>>, %arg5: memref<3000x128xf32, #tpu.memory_space<vmem>>) attributes {dimension_semantics = [], scalar_prefetch = 0 : i64, scratch_operands = 0 : i64, tpu.core_type = #tpu.core_type<tc>} {
    %get3A = arith.constant 0 : index
    %get3A_0 = arith.constant 0 : index
    %get3A_1 = vector.load %arg0[%get3A, %get3A_0] : memref<3000x6xf32, #tpu.memory_space<vmem>>, vector<3000x6xf32>
    %get3A_2 = arith.constant 0 : index
    %get3A_3 = arith.constant 0 : index
    %get3A_4 = vector.load %arg1[%get3A_2, %get3A_3] : memref<6x64xf32, #tpu.memory_space<vmem>>, vector<6x64xf32>
    %convert_element_type3A = arith.truncf %get3A_1 : vector<3000x6xf32> to vector<3000x6xbf16>
    %convert_element_type3A_5 = arith.truncf %get3A_4 : vector<6x64xf32> to vector<6x64xbf16>
    %dot_general3A = arith.constant dense<0.000000e+00> : vector<3000x64xf32>
    %dot_general3A_6 = tpu.matmul %convert_element_type3A, %convert_element_type3A_5, %dot_general3A {dimension_numbers = #tpu.dot_dimension_numbers<[1], [0], [0], [1], [0, 0, 1, 1], [], []>, transpose_lhs_hint = false} : vector<3000x6xbf16>, vector<6x64xbf16>, vector<3000x64xf32> -> vector<3000x64xf32>
    %get3A_7 = arith.constant 0 : index
    %get3A_8 = arith.constant 0 : index
    %get3A_9 = vector.load %arg2[%get3A_7, %get3A_8] : memref<1x64xf32, #tpu.memory_space<vmem>>, vector<1x64xf32>
    %add3A = vector.broadcast %get3A_9 : vector<1x64xf32> to vector<3000x64xf32>
    %add3A_10 = arith.addf %dot_general3A_6, %add3A : vector<3000x64xf32>
    %max3A = arith.constant 0.000000e+00 : f32
    %max3A_11 = vector.broadcast %max3A : f32 to vector<3000x64xf32>
    %max3A_12 = arith.maximumf %add3A_10, %max3A_11 : vector<3000x64xf32>
    %get3A_13 = arith.constant 0 : index
    %get3A_14 = arith.constant 0 : index
    %get3A_15 = vector.load %arg3[%get3A_13, %get3A_14] : memref<64x128xf32, #tpu.memory_space<vmem>>, vector<64x128xf32>
    %convert_element_type3A_16 = arith.truncf %max3A_12 : vector<3000x64xf32> to vector<3000x64xbf16>
    %convert_element_type3A_17 = arith.truncf %get3A_15 : vector<64x128xf32> to vector<64x128xbf16>
    %dot_general3A_18 = arith.constant dense<0.000000e+00> : vector<3000x128xf32>
    %dot_general3A_19 = tpu.matmul %convert_element_type3A_16, %convert_element_type3A_17, %dot_general3A_18 {dimension_numbers = #tpu.dot_dimension_numbers<[1], [0], [0], [1], [0, 0, 1, 1], [], []>, transpose_lhs_hint = false} : vector<3000x64xbf16>, vector<64x128xbf16>, vector<3000x128xf32> -> vector<3000x128xf32>
    %get3A_20 = arith.constant 0 : index
    %get3A_21 = arith.constant 0 : index
    %get3A_22 = vector.load %arg4[%get3A_20, %get3A_21] : memref<1x128xf32, #tpu.memory_space<vmem>>, vector<1x128xf32>
    %add3A_23 = vector.broadcast %get3A_22 : vector<1x128xf32> to vector<3000x128xf32>
    %add3A_24 = arith.addf %dot_general3A_19, %add3A_23 : vector<3000x128xf32>
    %max3A_25 = arith.constant 0.000000e+00 : f32
    %max3A_26 = vector.broadcast %max3A_25 : f32 to vector<3000x128xf32>
    %max3A_27 = arith.maximumf %add3A_24, %max3A_26 : vector<3000x128xf32>
    %swap3A = arith.constant 0 : index
    %swap3A_28 = arith.constant 0 : index
    %swap3A_29 = vector.load %arg5[%swap3A, %swap3A_28] : memref<3000x128xf32, #tpu.memory_space<vmem>>, vector<3000x128xf32>
    tpu.vector_store %arg5[%swap3A, %swap3A_28], %max3A_27 {strides = array<i32>} : memref<3000x128xf32, #tpu.memory_space<vmem>>, vector<3000x128xf32>,
    return
  }
}

module attributes {stable_mosaic.version = 14 : i64} {
  func.func @_interp_head_body(%arg0: i32, %arg1: memref<400x3xf32, #tpu.memory_space<vmem>>, %arg2: memref<400x10xf32, #tpu.memory_space<vmem>>, %arg3: memref<3x3000xf32, #tpu.memory_space<vmem>>, %arg4: memref<3000x128xf32, #tpu.memory_space<vmem>>, %arg5: memref<10x128xf32, #tpu.memory_space<vmem>>, %arg6: memref<128x128xf32, #tpu.memory_space<vmem>>, %arg7: memref<10x128xf32, #tpu.memory_space<vmem>>, %arg8: memref<128x128xf32, #tpu.memory_space<vmem>>, %arg9: memref<400x128xf32, #tpu.memory_space<vmem>>, %arg10: memref<400x128xf32, #tpu.memory_space<vmem>>) attributes {dimension_semantics = [#tpu.dimension_semantics<arbitrary>], iteration_bounds = array<i64: 25>, scalar_prefetch = 0 : i64, scratch_operands = 0 : i64, tpu.core_type = #tpu.core_type<tc>, window_params = [{transform_indices = @transform_0, window_bounds = array<i64: 400, 3>}, {transform_indices = @transform_1, window_bounds = array<i64: 400, 10>}, {pipeline_mode = #tpu.pipeline_mode<synchronous>, transform_indices = @transform_2, window_bounds = array<i64: 3, 3000>}, {pipeline_mode = #tpu.pipeline_mode<synchronous>, transform_indices = @transform_3, window_bounds = array<i64: 3000, 128>}, {pipeline_mode = #tpu.pipeline_mode<synchronous>, transform_indices = @transform_4, window_bounds = array<i64: 10, 128>}, {pipeline_mode = #tpu.pipeline_mode<synchronous>, transform_indices = @transform_5, window_bounds = array<i64: 128, 128>}, {pipeline_mode = #tpu.pipeline_mode<synchronous>, transform_indices = @transform_6, window_bounds = array<i64: 10, 128>}, {pipeline_mode = #tpu.pipeline_mode<synchronous>, transform_indices = @transform_7, window_bounds = array<i64: 128, 128>}, {transform_indices = @transform_8, window_bounds = array<i64: 400, 128>}, {transform_indices = @transform_9, window_bounds = array<i64: 400, 128>}]} {
    %get3A = arith.constant 0 : index
    %get3A_0 = arith.constant 0 : index
    %get3A_1 = vector.load %arg1[%get3A, %get3A_0] : memref<400x3xf32, #tpu.memory_space<vmem>>, vector<400x3xf32>
    %get3A_2 = arith.constant 0 : index
    %get3A_3 = arith.constant 0 : index
    %get3A_4 = vector.load %arg3[%get3A_2, %get3A_3] : memref<3x3000xf32, #tpu.memory_space<vmem>>, vector<3x3000xf32>
    %mul3A = arith.mulf %get3A_1, %get3A_1 : vector<400x3xf32>
    %reduce_sum3A = arith.constant dense<0.000000e+00> : vector<400xf32>
    %reduce_sum3A_5 = vector.multi_reduction <add>, %mul3A, %reduce_sum3A [1] : vector<400x3xf32> to vector<400xf32>
    %broadcast_in_dim3A = vector.shape_cast %reduce_sum3A_5 : vector<400xf32> to vector<400x1xf32>
    %mul3A_6 = arith.mulf %get3A_4, %get3A_4 : vector<3x3000xf32>
    %reduce_sum3A_7 = arith.constant dense<0.000000e+00> : vector<3000xf32>
    %reduce_sum3A_8 = vector.multi_reduction <add>, %mul3A_6, %reduce_sum3A_7 [0] : vector<3x3000xf32> to vector<3000xf32>
    %broadcast_in_dim3A_9 = vector.shape_cast %reduce_sum3A_8 : vector<3000xf32> to vector<1x3000xf32>
    %convert_element_type3A = arith.truncf %get3A_1 : vector<400x3xf32> to vector<400x3xbf16>
    %convert_element_type3A_10 = arith.truncf %get3A_4 : vector<3x3000xf32> to vector<3x3000xbf16>
    %dot_general3A = arith.constant dense<0.000000e+00> : vector<400x3000xf32>
    %dot_general3A_11 = tpu.matmul %convert_element_type3A, %convert_element_type3A_10, %dot_general3A {dimension_numbers = #tpu.dot_dimension_numbers<[1], [0], [0], [1], [0, 0, 1, 1], [], []>, transpose_lhs_hint = false} : vector<400x3xbf16>, vector<3x3000xbf16>, vector<400x3000xf32> -> vector<400x3000xf32>
    %add3A = vector.broadcast %broadcast_in_dim3A : vector<400x1xf32> to vector<400x3000xf32>
    %add3A_12 = vector.broadcast %broadcast_in_dim3A_9 : vector<1x3000xf32> to vector<400x3000xf32>
    %add3A_13 = arith.addf %add3A, %add3A_12 : vector<400x3000xf32>
    %mul3A_14 = arith.constant 2.000000e+00 : f32
    %mul3A_15 = vector.broadcast %mul3A_14 : f32 to vector<400x3000xf32>
    %mul3A_16 = arith.mulf %mul3A_15, %dot_general3A_11 : vector<400x3000xf32>
    %sub3A = arith.subf %add3A_13, %mul3A_16 : vector<400x3000xf32>
    %iota3A = tpu.iota {dimensions = array<i32: 1>} : vector<400x3000xi32>
    %get3A_17 = arith.constant 0 : index
    %get3A_18 = arith.constant 0 : index
    %get3A_19 = vector.load %arg4[%get3A_17, %get3A_18] : memref<3000x128xf32, #tpu.memory_space<vmem>>, vector<3000x128xf32>
    %convert_element_type3A_20 = arith.truncf %get3A_19 : vector<3000x128xf32> to vector<3000x128xbf16>
    %convert_element_type3A_21 = arith.extf %convert_element_type3A_20 : vector<3000x128xbf16> to vector<3000x128xf32>
    %sub3A_22 = arith.subf %get3A_19, %convert_element_type3A_21 : vector<3000x128xf32>
    %convert_element_type3A_23 = arith.truncf %sub3A_22 : vector<3000x128xf32> to vector<3000x128xbf16>
    %reduce_min3A = arith.constant dense<0x7F800000> : vector<400xf32>
    %reduce_min3A_24 = vector.multi_reduction <minimumf>, %sub3A, %reduce_min3A [1] : vector<400x3000xf32> to vector<400xf32>
    %broadcast_in_dim3A_25 = vector.shape_cast %reduce_min3A_24 : vector<400xf32> to vector<400x1xf32>
    %eq3A = vector.broadcast %broadcast_in_dim3A_25 : vector<400x1xf32> to vector<400x3000xf32>
    %eq3A_26 = arith.cmpf oeq, %sub3A, %eq3A : vector<400x3000xf32>
    %jit3A = arith.constant 1073741824 : i32
    %broadcast_in_dim3A_27 = vector.broadcast %jit3A : i32 to vector<400x3000xi32>
    %select_n3A = arith.select %eq3A_26, %iota3A, %broadcast_in_dim3A_27 : vector<400x3000xi1>, vector<400x3000xi32>
    %reduce_min3A_28 = arith.constant dense<2147483647> : vector<400xi32>
    %reduce_min3A_29 = vector.multi_reduction <minsi>, %select_n3A, %reduce_min3A_28 [1] : vector<400x3000xi32> to vector<400xi32>
    %broadcast_in_dim3A_30 = vector.shape_cast %reduce_min3A_29 : vector<400xi32> to vector<400x1xi32>
    %eq3A_31 = vector.broadcast %broadcast_in_dim3A_30 : vector<400x1xi32> to vector<400x3000xi32>
    %eq3A_32 = arith.cmpi eq, %iota3A, %eq3A_31 : vector<400x3000xi32>
    %jit3A_33 = arith.constant 0x7F800000 : f32
    %broadcast_in_dim3A_34 = vector.broadcast %jit3A_33 : f32 to vector<400x3000xf32>
    %select_n3A_35 = arith.select %eq3A_32, %broadcast_in_dim3A_34, %sub3A : vector<400x3000xi1>, vector<400x3000xf32>
    %max3A = arith.constant 0.000000e+00 : f32
    %max3A_36 = vector.broadcast %max3A : f32 to vector<400x1xf32>
    %max3A_37 = arith.maximumf %broadcast_in_dim3A_25, %max3A_36 : vector<400x1xf32>
    %add3A_38 = arith.constant 9.99999993E-9 : f32
    %add3A_39 = vector.broadcast %add3A_38 : f32 to vector<400x1xf32>
    %add3A_40 = arith.addf %max3A_37, %add3A_39 : vector<400x1xf32>
    %div3A = arith.constant 1.000000e+00 : f32
    %div3A_41 = vector.broadcast %div3A : f32 to vector<400x1xf32>
    %div3A_42 = arith.divf %div3A_41, %add3A_40 : vector<400x1xf32>
    %convert_element_type3A_43 = arith.extui %eq3A_32 : vector<400x3000xi1> to vector<400x3000xi32>
    %convert_element_type3A_44 = arith.sitofp %convert_element_type3A_43 : vector<400x3000xi32> to vector<400x3000xf32>
    %convert_element_type3A_45 = arith.truncf %convert_element_type3A_44 : vector<400x3000xf32> to vector<400x3000xbf16>
    %dot_general3A_46 = arith.constant dense<0.000000e+00> : vector<400x128xf32>
    %dot_general3A_47 = tpu.matmul %convert_element_type3A_45, %convert_element_type3A_20, %dot_general3A_46 {dimension_numbers = #tpu.dot_dimension_numbers<[1], [0], [0], [1], [0, 0, 1, 1], [], []>, transpose_lhs_hint = false} : vector<400x3000xbf16>, vector<3000x128xbf16>, vector<400x128xf32> -> vector<400x128xf32>
    %dot_general3A_48 = arith.constant dense<0.000000e+00> : vector<400x128xf32>
    %dot_general3A_49 = tpu.matmul %convert_element_type3A_45, %convert_element_type3A_23, %dot_general3A_48 {dimension_numbers = #tpu.dot_dimension_numbers<[1], [0], [0], [1], [0, 0, 1, 1], [], []>, transpose_lhs_hint = false} : vector<400x3000xbf16>, vector<3000x128xbf16>, vector<400x128xf32> -> vector<400x128xf32>
    %add3A_50 = arith.addf %dot_general3A_47, %dot_general3A_49 : vector<400x128xf32>
    %reduce_min3A_51 = arith.constant dense<0x7F800000> : vector<400xf32>
    %reduce_min3A_52 = vector.multi_reduction <minimumf>, %select_n3A_35, %reduce_min3A_51 [1] : vector<400x3000xf32> to vector<400xf32>
    %broadcast_in_dim3A_53 = vector.shape_cast %reduce_min3A_52 : vector<400xf32> to vector<400x1xf32>
    %eq3A_54 = vector.broadcast %broadcast_in_dim3A_53 : vector<400x1xf32> to vector<400x3000xf32>
    %eq3A_55 = arith.cmpf oeq, %select_n3A_35, %eq3A_54 : vector<400x3000xf32>
    %jit3A_56 = arith.constant 1073741824 : i32
    %broadcast_in_dim3A_57 = vector.broadcast %jit3A_56 : i32 to vector<400x3000xi32>
    %select_n3A_58 = arith.select %eq3A_55, %iota3A, %broadcast_in_dim3A_57 : vector<400x3000xi1>, vector<400x3000xi32>
    %reduce_min3A_59 = arith.constant dense<2147483647> : vector<400xi32>
    %reduce_min3A_60 = vector.multi_reduction <minsi>, %select_n3A_58, %reduce_min3A_59 [1] : vector<400x3000xi32> to vector<400xi32>
    %broadcast_in_dim3A_61 = vector.shape_cast %reduce_min3A_60 : vector<400xi32> to vector<400x1xi32>
    %eq3A_62 = vector.broadcast %broadcast_in_dim3A_61 : vector<400x1xi32> to vector<400x3000xi32>
    %eq3A_63 = arith.cmpi eq, %iota3A, %eq3A_62 : vector<400x3000xi32>
    %jit3A_64 = arith.constant 0x7F800000 : f32
    %broadcast_in_dim3A_65 = vector.broadcast %jit3A_64 : f32 to vector<400x3000xf32>
    %select_n3A_66 = arith.select %eq3A_63, %broadcast_in_dim3A_65, %select_n3A_35 : vector<400x3000xi1>, vector<400x3000xf32>
    %max3A_67 = arith.constant 0.000000e+00 : f32
    %max3A_68 = vector.broadcast %max3A_67 : f32 to vector<400x1xf32>
    %max3A_69 = arith.maximumf %broadcast_in_dim3A_53, %max3A_68 : vector<400x1xf32>
    %add3A_70 = arith.constant 9.99999993E-9 : f32
    %add3A_71 = vector.broadcast %add3A_70 : f32 to vector<400x1xf32>
    %add3A_72 = arith.addf %max3A_69, %add3A_71 : vector<400x1xf32>
    %div3A_73 = arith.constant 1.000000e+00 : f32
    %div3A_74 = vector.broadcast %div3A_73 : f32 to vector<400x1xf32>
    %div3A_75 = arith.divf %div3A_74, %add3A_72 : vector<400x1xf32>
    %convert_element_type3A_76 = arith.extui %eq3A_63 : vector<400x3000xi1> to vector<400x3000xi32>
    %convert_element_type3A_77 = arith.sitofp %convert_element_type3A_76 : vector<400x3000xi32> to vector<400x3000xf32>
    %convert_element_type3A_78 = arith.truncf %convert_element_type3A_77 : vector<400x3000xf32> to vector<400x3000xbf16>
    %dot_general3A_79 = arith.constant dense<0.000000e+00> : vector<400x128xf32>
    %dot_general3A_80 = tpu.matmul %convert_element_type3A_78, %convert_element_type3A_20, %dot_general3A_79 {dimension_numbers = #tpu.dot_dimension_numbers<[1], [0], [0], [1], [0, 0, 1, 1], [], []>, transpose_lhs_hint = false} : vector<400x3000xbf16>, vector<3000x128xbf16>, vector<400x128xf32> -> vector<400x128xf32>
    %dot_general3A_81 = arith.constant dense<0.000000e+00> : vector<400x128xf32>
    %dot_general3A_82 = tpu.matmul %convert_element_type3A_78, %convert_element_type3A_23, %dot_general3A_81 {dimension_numbers = #tpu.dot_dimension_numbers<[1], [0], [0], [1], [0, 0, 1, 1], [], []>, transpose_lhs_hint = false} : vector<400x3000xbf16>, vector<3000x128xbf16>, vector<400x128xf32> -> vector<400x128xf32>
    %add3A_83 = arith.addf %dot_general3A_80, %dot_general3A_82 : vector<400x128xf32>
    %reduce_min3A_84 = arith.constant dense<0x7F800000> : vector<400xf32>
    %reduce_min3A_85 = vector.multi_reduction <minimumf>, %select_n3A_66, %reduce_min3A_84 [1] : vector<400x3000xf32> to vector<400xf32>
    %broadcast_in_dim3A_86 = vector.shape_cast %reduce_min3A_85 : vector<400xf32> to vector<400x1xf32>
    %eq3A_87 = vector.broadcast %broadcast_in_dim3A_86 : vector<400x1xf32> to vector<400x3000xf32>
    %eq3A_88 = arith.cmpf oeq, %select_n3A_66, %eq3A_87 : vector<400x3000xf32>
    %jit3A_89 = arith.constant 1073741824 : i32
    %broadcast_in_dim3A_90 = vector.broadcast %jit3A_89 : i32 to vector<400x3000xi32>
    %select_n3A_91 = arith.select %eq3A_88, %iota3A, %broadcast_in_dim3A_90 : vector<400x3000xi1>, vector<400x3000xi32>
    %reduce_min3A_92 = arith.constant dense<2147483647> : vector<400xi32>
    %reduce_min3A_93 = vector.multi_reduction <minsi>, %select_n3A_91, %reduce_min3A_92 [1] : vector<400x3000xi32> to vector<400xi32>
    %broadcast_in_dim3A_94 = vector.shape_cast %reduce_min3A_93 : vector<400xi32> to vector<400x1xi32>
    %eq3A_95 = vector.broadcast %broadcast_in_dim3A_94 : vector<400x1xi32> to vector<400x3000xi32>
    %eq3A_96 = arith.cmpi eq, %iota3A, %eq3A_95 : vector<400x3000xi32>
    %max3A_97 = arith.constant 0.000000e+00 : f32
    %max3A_98 = vector.broadcast %max3A_97 : f32 to vector<400x1xf32>
    %max3A_99 = arith.maximumf %broadcast_in_dim3A_86, %max3A_98 : vector<400x1xf32>
    %add3A_100 = arith.constant 9.99999993E-9 : f32
    %add3A_101 = vector.broadcast %add3A_100 : f32 to vector<400x1xf32>
    %add3A_102 = arith.addf %max3A_99, %add3A_101 : vector<400x1xf32>
    %div3A_103 = arith.constant 1.000000e+00 : f32
    %div3A_104 = vector.broadcast %div3A_103 : f32 to vector<400x1xf32>
    %div3A_105 = arith.divf %div3A_104, %add3A_102 : vector<400x1xf32>
    %convert_element_type3A_106 = arith.extui %eq3A_96 : vector<400x3000xi1> to vector<400x3000xi32>
    %convert_element_type3A_107 = arith.sitofp %convert_element_type3A_106 : vector<400x3000xi32> to vector<400x3000xf32>
    %convert_element_type3A_108 = arith.truncf %convert_element_type3A_107 : vector<400x3000xf32> to vector<400x3000xbf16>
    %dot_general3A_109 = arith.constant dense<0.000000e+00> : vector<400x128xf32>
    %dot_general3A_110 = tpu.matmul %convert_element_type3A_108, %convert_element_type3A_20, %dot_general3A_109 {dimension_numbers = #tpu.dot_dimension_numbers<[1], [0], [0], [1], [0, 0, 1, 1], [], []>, transpose_lhs_hint = false} : vector<400x3000xbf16>, vector<3000x128xbf16>, vector<400x128xf32> -> vector<400x128xf32>
    %dot_general3A_111 = arith.constant dense<0.000000e+00> : vector<400x128xf32>
    %dot_general3A_112 = tpu.matmul %convert_element_type3A_108, %convert_element_type3A_23, %dot_general3A_111 {dimension_numbers = #tpu.dot_dimension_numbers<[1], [0], [0], [1], [0, 0, 1, 1], [], []>, transpose_lhs_hint = false} : vector<400x3000xbf16>, vector<3000x128xbf16>, vector<400x128xf32> -> vector<400x128xf32>
    %add3A_113 = arith.addf %dot_general3A_110, %dot_general3A_112 : vector<400x128xf32>
    %add3A_114 = arith.addf %div3A_42, %div3A_75 : vector<400x1xf32>
    %add3A_115 = arith.addf %add3A_114, %div3A_105 : vector<400x1xf32>
    %div3A_116 = arith.divf %div3A_42, %add3A_115 : vector<400x1xf32>
    %mul3A_117 = vector.broadcast %div3A_116 : vector<400x1xf32> to vector<400x128xf32>
    %mul3A_118 = arith.mulf %mul3A_117, %add3A_50 : vector<400x128xf32>
    %div3A_119 = arith.divf %div3A_75, %add3A_115 : vector<400x1xf32>
    %mul3A_120 = vector.broadcast %div3A_119 : vector<400x1xf32> to vector<400x128xf32>
    %mul3A_121 = arith.mulf %mul3A_120, %add3A_83 : vector<400x128xf32>
    %add3A_122 = arith.addf %mul3A_118, %mul3A_121 : vector<400x128xf32>
    %div3A_123 = arith.divf %div3A_105, %add3A_115 : vector<400x1xf32>
    %mul3A_124 = vector.broadcast %div3A_123 : vector<400x1xf32> to vector<400x128xf32>
    %mul3A_125 = arith.mulf %mul3A_124, %add3A_113 : vector<400x128xf32>
    %add3A_126 = arith.addf %add3A_122, %mul3A_125 : vector<400x128xf32>
    %get3A_127 = arith.constant 0 : index
    %get3A_128 = arith.constant 0 : index
    %get3A_129 = vector.load %arg2[%get3A_127, %get3A_128] : memref<400x10xf32, #tpu.memory_space<vmem>>, vector<400x10xf32>
    %get3A_130 = arith.constant 0 : index
    %get3A_131 = arith.constant 0 : index
    %get3A_132 = vector.load %arg5[%get3A_130, %get3A_131] : memref<10x128xf32, #tpu.memory_space<vmem>>, vector<10x128xf32>
    %convert_element_type3A_133 = arith.truncf %get3A_129 : vector<400x10xf32> to vector<400x10xbf16>
    %convert_element_type3A_134 = arith.truncf %get3A_132 : vector<10x128xf32> to vector<10x128xbf16>
    %dot_general3A_135 = arith.constant dense<0.000000e+00> : vector<400x128xf32>
    %dot_general3A_136 = tpu.matmul %convert_element_type3A_133, %convert_element_type3A_134, %dot_general3A_135 {dimension_numbers = #tpu.dot_dimension_numbers<[1], [0], [0], [1], [0, 0, 1, 1], [], []>, transpose_lhs_hint = false} : vector<400x10xbf16>, vector<10x128xbf16>, vector<400x128xf32> -> vector<400x128xf32>
    %get3A_137 = arith.constant 0 : index
    %get3A_138 = arith.constant 0 : index
    %get3A_139 = vector.load %arg6[%get3A_137, %get3A_138] : memref<128x128xf32, #tpu.memory_space<vmem>>, vector<128x128xf32>
    %convert_element_type3A_140 = arith.truncf %add3A_126 : vector<400x128xf32> to vector<400x128xbf16>
    %convert_element_type3A_141 = arith.truncf %get3A_139 : vector<128x128xf32> to vector<128x128xbf16>
    %dot_general3A_142 = arith.constant dense<0.000000e+00> : vector<400x128xf32>
    %dot_general3A_143 = tpu.matmul %convert_element_type3A_140, %convert_element_type3A_141, %dot_general3A_142 {dimension_numbers = #tpu.dot_dimension_numbers<[1], [0], [0], [1], [0, 0, 1, 1], [], []>, transpose_lhs_hint = false} : vector<400x128xbf16>, vector<128x128xbf16>, vector<400x128xf32> -> vector<400x128xf32>
    %add3A_144 = arith.addf %dot_general3A_136, %dot_general3A_143 : vector<400x128xf32>
    %swap3A = arith.constant 0 : index
    %swap3A_145 = arith.constant 0 : index
    %swap3A_146 = vector.load %arg9[%swap3A, %swap3A_145] : memref<400x128xf32, #tpu.memory_space<vmem>>, vector<400x128xf32>
    tpu.vector_store %arg9[%swap3A, %swap3A_145], %add3A_144 {strides = array<i32>} : memref<400x128xf32, #tpu.memory_space<vmem>>, vector<400x128xf32>,
    %get3A_147 = arith.constant 0 : index
    %get3A_148 = arith.constant 0 : index
    %get3A_149 = vector.load %arg7[%get3A_147, %get3A_148] : memref<10x128xf32, #tpu.memory_space<vmem>>, vector<10x128xf32>
    %convert_element_type3A_150 = arith.truncf %get3A_129 : vector<400x10xf32> to vector<400x10xbf16>
    %convert_element_type3A_151 = arith.truncf %get3A_149 : vector<10x128xf32> to vector<10x128xbf16>
    %dot_general3A_152 = arith.constant dense<0.000000e+00> : vector<400x128xf32>
    %dot_general3A_153 = tpu.matmul %convert_element_type3A_150, %convert_element_type3A_151, %dot_general3A_152 {dimension_numbers = #tpu.dot_dimension_numbers<[1], [0], [0], [1], [0, 0, 1, 1], [], []>, transpose_lhs_hint = false} : vector<400x10xbf16>, vector<10x128xbf16>, vector<400x128xf32> -> vector<400x128xf32>
    %get3A_154 = arith.constant 0 : index
    %get3A_155 = arith.constant 0 : index
    %get3A_156 = vector.load %arg8[%get3A_154, %get3A_155] : memref<128x128xf32, #tpu.memory_space<vmem>>, vector<128x128xf32>
    %convert_element_type3A_157 = arith.truncf %add3A_126 : vector<400x128xf32> to vector<400x128xbf16>
    %convert_element_type3A_158 = arith.truncf %get3A_156 : vector<128x128xf32> to vector<128x128xbf16>
    %dot_general3A_159 = arith.constant dense<0.000000e+00> : vector<400x128xf32>
    %dot_general3A_160 = tpu.matmul %convert_element_type3A_157, %convert_element_type3A_158, %dot_general3A_159 {dimension_numbers = #tpu.dot_dimension_numbers<[1], [0], [0], [1], [0, 0, 1, 1], [], []>, transpose_lhs_hint = false} : vector<400x128xbf16>, vector<128x128xbf16>, vector<400x128xf32> -> vector<400x128xf32>
    %add3A_161 = arith.addf %dot_general3A_153, %dot_general3A_160 : vector<400x128xf32>
    %swap3A_162 = arith.constant 0 : index
    %swap3A_163 = arith.constant 0 : index
    %swap3A_164 = vector.load %arg10[%swap3A_162, %swap3A_163] : memref<400x128xf32, #tpu.memory_space<vmem>>, vector<400x128xf32>
    tpu.vector_store %arg10[%swap3A_162, %swap3A_163], %add3A_161 {strides = array<i32>} : memref<400x128xf32, #tpu.memory_space<vmem>>, vector<400x128xf32>,
    return
  }
  func.func @transform_0(%arg0: i32) -> (i32, i32) {
    %c0_i32 = arith.constant 0 : i32
    %c0_i32_0 = arith.constant 0 : i32
    return %arg0, %c0_i32 : i32, i32
  }
  func.func @transform_1(%arg0: i32) -> (i32, i32) {
    %c0_i32 = arith.constant 0 : i32
    %c0_i32_0 = arith.constant 0 : i32
    return %arg0, %c0_i32 : i32, i32
  }
  func.func @transform_2(%arg0: i32) -> (i32, i32) {
    %c0_i32 = arith.constant 0 : i32
    %c0_i32_0 = arith.constant 0 : i32
    %c0_i32_1 = arith.constant 0 : i32
    return %c0_i32, %c0_i32_0 : i32, i32
  }
  func.func @transform_3(%arg0: i32) -> (i32, i32) {
    %c0_i32 = arith.constant 0 : i32
    %c0_i32_0 = arith.constant 0 : i32
    %c0_i32_1 = arith.constant 0 : i32
    return %c0_i32, %c0_i32_0 : i32, i32
  }
  func.func @transform_4(%arg0: i32) -> (i32, i32) {
    %c0_i32 = arith.constant 0 : i32
    %c0_i32_0 = arith.constant 0 : i32
    %c0_i32_1 = arith.constant 0 : i32
    return %c0_i32, %c0_i32_0 : i32, i32
  }
  func.func @transform_5(%arg0: i32) -> (i32, i32) {
    %c0_i32 = arith.constant 0 : i32
    %c0_i32_0 = arith.constant 0 : i32
    %c0_i32_1 = arith.constant 0 : i32
    return %c0_i32, %c0_i32_0 : i32, i32
  }
  func.func @transform_6(%arg0: i32) -> (i32, i32) {
    %c0_i32 = arith.constant 0 : i32
    %c0_i32_0 = arith.constant 0 : i32
    %c0_i32_1 = arith.constant 0 : i32
    return %c0_i32, %c0_i32_0 : i32, i32
  }
  func.func @transform_7(%arg0: i32) -> (i32, i32) {
    %c0_i32 = arith.constant 0 : i32
    %c0_i32_0 = arith.constant 0 : i32
    %c0_i32_1 = arith.constant 0 : i32
    return %c0_i32, %c0_i32_0 : i32, i32
  }
  func.func @transform_8(%arg0: i32) -> (i32, i32) {
    %c0_i32 = arith.constant 0 : i32
    %c0_i32_0 = arith.constant 0 : i32
    return %arg0, %c0_i32 : i32, i32
  }
  func.func @transform_9(%arg0: i32) -> (i32, i32) {
    %c0_i32 = arith.constant 0 : i32
    %c0_i32_0 = arith.constant 0 : i32
    return %arg0, %c0_i32 : i32, i32
  }
}

module attributes {stable_mosaic.version = 14 : i64} {
  func.func @_knn_body(%arg0: i32, %arg1: memref<400x3xf32, #tpu.memory_space<vmem>>, %arg2: memref<3x10240xf32, #tpu.memory_space<vmem>>, %arg3: memref<400x16xi32, #tpu.memory_space<vmem>>) attributes {dimension_semantics = [#tpu.dimension_semantics<arbitrary>], iteration_bounds = array<i64: 25>, scalar_prefetch = 0 : i64, scratch_operands = 0 : i64, tpu.core_type = #tpu.core_type<tc>, window_params = [{transform_indices = @transform_0, window_bounds = array<i64: 400, 3>}, {pipeline_mode = #tpu.pipeline_mode<synchronous>, transform_indices = @transform_1, window_bounds = array<i64: 3, 10240>}, {transform_indices = @transform_2, window_bounds = array<i64: 400, 16>}]} {
    %get3A = arith.constant 0 : index
    %get3A_0 = arith.constant 0 : index
    %get3A_1 = vector.load %arg1[%get3A, %get3A_0] : memref<400x3xf32, #tpu.memory_space<vmem>>, vector<400x3xf32>
    %get3A_2 = arith.constant 0 : index
    %get3A_3 = arith.constant 0 : index
    %get3A_4 = vector.load %arg2[%get3A_2, %get3A_3] : memref<3x10240xf32, #tpu.memory_space<vmem>>, vector<3x10240xf32>
    %mul3A = arith.mulf %get3A_1, %get3A_1 : vector<400x3xf32>
    %reduce_sum3A = arith.constant dense<0.000000e+00> : vector<400xf32>
    %reduce_sum3A_5 = vector.multi_reduction <add>, %mul3A, %reduce_sum3A [1] : vector<400x3xf32> to vector<400xf32>
    %broadcast_in_dim3A = vector.shape_cast %reduce_sum3A_5 : vector<400xf32> to vector<400x1xf32>
    %mul3A_6 = arith.mulf %get3A_4, %get3A_4 : vector<3x10240xf32>
    %reduce_sum3A_7 = arith.constant dense<0.000000e+00> : vector<10240xf32>
    %reduce_sum3A_8 = vector.multi_reduction <add>, %mul3A_6, %reduce_sum3A_7 [0] : vector<3x10240xf32> to vector<10240xf32>
    %broadcast_in_dim3A_9 = vector.shape_cast %reduce_sum3A_8 : vector<10240xf32> to vector<1x10240xf32>
    %convert_element_type3A = arith.truncf %get3A_1 : vector<400x3xf32> to vector<400x3xbf16>
    %convert_element_type3A_10 = arith.truncf %get3A_4 : vector<3x10240xf32> to vector<3x10240xbf16>
    %dot_general3A = arith.constant dense<0.000000e+00> : vector<400x10240xf32>
    %dot_general3A_11 = tpu.matmul %convert_element_type3A, %convert_element_type3A_10, %dot_general3A {dimension_numbers = #tpu.dot_dimension_numbers<[1], [0], [0], [1], [0, 0, 1, 1], [], []>, transpose_lhs_hint = false} : vector<400x3xbf16>, vector<3x10240xbf16>, vector<400x10240xf32> -> vector<400x10240xf32>
    %add3A = vector.broadcast %broadcast_in_dim3A : vector<400x1xf32> to vector<400x10240xf32>
    %add3A_12 = vector.broadcast %broadcast_in_dim3A_9 : vector<1x10240xf32> to vector<400x10240xf32>
    %add3A_13 = arith.addf %add3A, %add3A_12 : vector<400x10240xf32>
    %mul3A_14 = arith.constant 2.000000e+00 : f32
    %mul3A_15 = vector.broadcast %mul3A_14 : f32 to vector<400x10240xf32>
    %mul3A_16 = arith.mulf %mul3A_15, %dot_general3A_11 : vector<400x10240xf32>
    %sub3A = arith.subf %add3A_13, %mul3A_16 : vector<400x10240xf32>
    %iota3A = tpu.iota {dimensions = array<i32: 1>} : vector<400x256xi32>
    %slice3A = vector.extract_strided_slice %sub3A {offsets = [0, 0], sizes = [400, 256], strides = [1, 1]} : vector<400x10240xf32> to vector<400x256xf32>
    %slice3A_17 = vector.extract_strided_slice %sub3A {offsets = [0, 256], sizes = [400, 256], strides = [1, 1]} : vector<400x10240xf32> to vector<400x256xf32>
    %slice3A_18 = vector.extract_strided_slice %sub3A {offsets = [0, 512], sizes = [400, 256], strides = [1, 1]} : vector<400x10240xf32> to vector<400x256xf32>
    %slice3A_19 = vector.extract_strided_slice %sub3A {offsets = [0, 768], sizes = [400, 256], strides = [1, 1]} : vector<400x10240xf32> to vector<400x256xf32>
    %slice3A_20 = vector.extract_strided_slice %sub3A {offsets = [0, 1024], sizes = [400, 256], strides = [1, 1]} : vector<400x10240xf32> to vector<400x256xf32>
    %slice3A_21 = vector.extract_strided_slice %sub3A {offsets = [0, 1280], sizes = [400, 256], strides = [1, 1]} : vector<400x10240xf32> to vector<400x256xf32>
    %slice3A_22 = vector.extract_strided_slice %sub3A {offsets = [0, 1536], sizes = [400, 256], strides = [1, 1]} : vector<400x10240xf32> to vector<400x256xf32>
    %slice3A_23 = vector.extract_strided_slice %sub3A {offsets = [0, 1792], sizes = [400, 256], strides = [1, 1]} : vector<400x10240xf32> to vector<400x256xf32>
    %slice3A_24 = vector.extract_strided_slice %sub3A {offsets = [0, 2048], sizes = [400, 256], strides = [1, 1]} : vector<400x10240xf32> to vector<400x256xf32>
    %slice3A_25 = vector.extract_strided_slice %sub3A {offsets = [0, 2304], sizes = [400, 256], strides = [1, 1]} : vector<400x10240xf32> to vector<400x256xf32>
    %slice3A_26 = vector.extract_strided_slice %sub3A {offsets = [0, 2560], sizes = [400, 256], strides = [1, 1]} : vector<400x10240xf32> to vector<400x256xf32>
    %slice3A_27 = vector.extract_strided_slice %sub3A {offsets = [0, 2816], sizes = [400, 256], strides = [1, 1]} : vector<400x10240xf32> to vector<400x256xf32>
    %slice3A_28 = vector.extract_strided_slice %sub3A {offsets = [0, 3072], sizes = [400, 256], strides = [1, 1]} : vector<400x10240xf32> to vector<400x256xf32>
    %slice3A_29 = vector.extract_strided_slice %sub3A {offsets = [0, 3328], sizes = [400, 256], strides = [1, 1]} : vector<400x10240xf32> to vector<400x256xf32>
    %slice3A_30 = vector.extract_strided_slice %sub3A {offsets = [0, 3584], sizes = [400, 256], strides = [1, 1]} : vector<400x10240xf32> to vector<400x256xf32>
    %slice3A_31 = vector.extract_strided_slice %sub3A {offsets = [0, 3840], sizes = [400, 256], strides = [1, 1]} : vector<400x10240xf32> to vector<400x256xf32>
    %slice3A_32 = vector.extract_strided_slice %sub3A {offsets = [0, 4096], sizes = [400, 256], strides = [1, 1]} : vector<400x10240xf32> to vector<400x256xf32>
    %slice3A_33 = vector.extract_strided_slice %sub3A {offsets = [0, 4352], sizes = [400, 256], strides = [1, 1]} : vector<400x10240xf32> to vector<400x256xf32>
    %slice3A_34 = vector.extract_strided_slice %sub3A {offsets = [0, 4608], sizes = [400, 256], strides = [1, 1]} : vector<400x10240xf32> to vector<400x256xf32>
    %slice3A_35 = vector.extract_strided_slice %sub3A {offsets = [0, 4864], sizes = [400, 256], strides = [1, 1]} : vector<400x10240xf32> to vector<400x256xf32>
    %slice3A_36 = vector.extract_strided_slice %sub3A {offsets = [0, 5120], sizes = [400, 256], strides = [1, 1]} : vector<400x10240xf32> to vector<400x256xf32>
    %slice3A_37 = vector.extract_strided_slice %sub3A {offsets = [0, 5376], sizes = [400, 256], strides = [1, 1]} : vector<400x10240xf32> to vector<400x256xf32>
    %slice3A_38 = vector.extract_strided_slice %sub3A {offsets = [0, 5632], sizes = [400, 256], strides = [1, 1]} : vector<400x10240xf32> to vector<400x256xf32>
    %slice3A_39 = vector.extract_strided_slice %sub3A {offsets = [0, 5888], sizes = [400, 256], strides = [1, 1]} : vector<400x10240xf32> to vector<400x256xf32>
    %slice3A_40 = vector.extract_strided_slice %sub3A {offsets = [0, 6144], sizes = [400, 256], strides = [1, 1]} : vector<400x10240xf32> to vector<400x256xf32>
    %slice3A_41 = vector.extract_strided_slice %sub3A {offsets = [0, 6400], sizes = [400, 256], strides = [1, 1]} : vector<400x10240xf32> to vector<400x256xf32>
    %slice3A_42 = vector.extract_strided_slice %sub3A {offsets = [0, 6656], sizes = [400, 256], strides = [1, 1]} : vector<400x10240xf32> to vector<400x256xf32>
    %slice3A_43 = vector.extract_strided_slice %sub3A {offsets = [0, 6912], sizes = [400, 256], strides = [1, 1]} : vector<400x10240xf32> to vector<400x256xf32>
    %slice3A_44 = vector.extract_strided_slice %sub3A {offsets = [0, 7168], sizes = [400, 256], strides = [1, 1]} : vector<400x10240xf32> to vector<400x256xf32>
    %slice3A_45 = vector.extract_strided_slice %sub3A {offsets = [0, 7424], sizes = [400, 256], strides = [1, 1]} : vector<400x10240xf32> to vector<400x256xf32>
    %slice3A_46 = vector.extract_strided_slice %sub3A {offsets = [0, 7680], sizes = [400, 256], strides = [1, 1]} : vector<400x10240xf32> to vector<400x256xf32>
    %slice3A_47 = vector.extract_strided_slice %sub3A {offsets = [0, 7936], sizes = [400, 256], strides = [1, 1]} : vector<400x10240xf32> to vector<400x256xf32>
    %slice3A_48 = vector.extract_strided_slice %sub3A {offsets = [0, 8192], sizes = [400, 256], strides = [1, 1]} : vector<400x10240xf32> to vector<400x256xf32>
    %slice3A_49 = vector.extract_strided_slice %sub3A {offsets = [0, 8448], sizes = [400, 256], strides = [1, 1]} : vector<400x10240xf32> to vector<400x256xf32>
    %slice3A_50 = vector.extract_strided_slice %sub3A {offsets = [0, 8704], sizes = [400, 256], strides = [1, 1]} : vector<400x10240xf32> to vector<400x256xf32>
    %slice3A_51 = vector.extract_strided_slice %sub3A {offsets = [0, 8960], sizes = [400, 256], strides = [1, 1]} : vector<400x10240xf32> to vector<400x256xf32>
    %slice3A_52 = vector.extract_strided_slice %sub3A {offsets = [0, 9216], sizes = [400, 256], strides = [1, 1]} : vector<400x10240xf32> to vector<400x256xf32>
    %slice3A_53 = vector.extract_strided_slice %sub3A {offsets = [0, 9472], sizes = [400, 256], strides = [1, 1]} : vector<400x10240xf32> to vector<400x256xf32>
    %slice3A_54 = vector.extract_strided_slice %sub3A {offsets = [0, 9728], sizes = [400, 256], strides = [1, 1]} : vector<400x10240xf32> to vector<400x256xf32>
    %slice3A_55 = vector.extract_strided_slice %sub3A {offsets = [0, 9984], sizes = [400, 256], strides = [1, 1]} : vector<400x10240xf32> to vector<400x256xf32>
    %min3A = arith.minimumf %slice3A, %slice3A_17 : vector<400x256xf32>
    %min3A_56 = arith.minimumf %slice3A_18, %slice3A_19 : vector<400x256xf32>
    %min3A_57 = arith.minimumf %slice3A_20, %slice3A_21 : vector<400x256xf32>
    %min3A_58 = arith.minimumf %slice3A_22, %slice3A_23 : vector<400x256xf32>
    %min3A_59 = arith.minimumf %slice3A_24, %slice3A_25 : vector<400x256xf32>
    %min3A_60 = arith.minimumf %slice3A_26, %slice3A_27 : vector<400x256xf32>
    %min3A_61 = arith.minimumf %slice3A_28, %slice3A_29 : vector<400x256xf32>
    %min3A_62 = arith.minimumf %slice3A_30, %slice3A_31 : vector<400x256xf32>
    %min3A_63 = arith.minimumf %slice3A_32, %slice3A_33 : vector<400x256xf32>
    %min3A_64 = arith.minimumf %slice3A_34, %slice3A_35 : vector<400x256xf32>
    %min3A_65 = arith.minimumf %slice3A_36, %slice3A_37 : vector<400x256xf32>
    %min3A_66 = arith.minimumf %slice3A_38, %slice3A_39 : vector<400x256xf32>
    %min3A_67 = arith.minimumf %slice3A_40, %slice3A_41 : vector<400x256xf32>
    %min3A_68 = arith.minimumf %slice3A_42, %slice3A_43 : vector<400x256xf32>
    %min3A_69 = arith.minimumf %slice3A_44, %slice3A_45 : vector<400x256xf32>
    %min3A_70 = arith.minimumf %slice3A_46, %slice3A_47 : vector<400x256xf32>
    %min3A_71 = arith.minimumf %slice3A_48, %slice3A_49 : vector<400x256xf32>
    %min3A_72 = arith.minimumf %slice3A_50, %slice3A_51 : vector<400x256xf32>
    %min3A_73 = arith.minimumf %slice3A_52, %slice3A_53 : vector<400x256xf32>
    %min3A_74 = arith.minimumf %slice3A_54, %slice3A_55 : vector<400x256xf32>
    %min3A_75 = arith.minimumf %min3A, %min3A_56 : vector<400x256xf32>
    %min3A_76 = arith.minimumf %min3A_57, %min3A_58 : vector<400x256xf32>
    %min3A_77 = arith.minimumf %min3A_59, %min3A_60 : vector<400x256xf32>
    %min3A_78 = arith.minimumf %min3A_61, %min3A_62 : vector<400x256xf32>
    %min3A_79 = arith.minimumf %min3A_63, %min3A_64 : vector<400x256xf32>
    %min3A_80 = arith.minimumf %min3A_65, %min3A_66 : vector<400x256xf32>
    %min3A_81 = arith.minimumf %min3A_67, %min3A_68 : vector<400x256xf32>
    %min3A_82 = arith.minimumf %min3A_69, %min3A_70 : vector<400x256xf32>
    %min3A_83 = arith.minimumf %min3A_71, %min3A_72 : vector<400x256xf32>
    %min3A_84 = arith.minimumf %min3A_73, %min3A_74 : vector<400x256xf32>
    %min3A_85 = arith.minimumf %min3A_75, %min3A_76 : vector<400x256xf32>
    %min3A_86 = arith.minimumf %min3A_77, %min3A_78 : vector<400x256xf32>
    %min3A_87 = arith.minimumf %min3A_79, %min3A_80 : vector<400x256xf32>
    %min3A_88 = arith.minimumf %min3A_81, %min3A_82 : vector<400x256xf32>
    %min3A_89 = arith.minimumf %min3A_83, %min3A_84 : vector<400x256xf32>
    %min3A_90 = arith.minimumf %min3A_85, %min3A_86 : vector<400x256xf32>
    %min3A_91 = arith.minimumf %min3A_87, %min3A_88 : vector<400x256xf32>
    %min3A_92 = arith.minimumf %min3A_90, %min3A_91 : vector<400x256xf32>
    %min3A_93 = arith.minimumf %min3A_92, %min3A_89 : vector<400x256xf32>
    %eq3A = arith.cmpf oeq, %slice3A, %min3A_93 : vector<400x256xf32>
    %add3A_94 = arith.constant 0 : i32
    %add3A_95 = vector.broadcast %add3A_94 : i32 to vector<400x256xi32>
    %add3A_96 = arith.addi %iota3A, %add3A_95 : vector<400x256xi32>
    %jit3A = arith.constant 1073741824 : i32
    %broadcast_in_dim3A_97 = vector.broadcast %jit3A : i32 to vector<400x256xi32>
    %select_n3A = arith.select %eq3A, %add3A_96, %broadcast_in_dim3A_97 : vector<400x256xi1>, vector<400x256xi32>
    %eq3A_98 = arith.cmpf oeq, %slice3A_17, %min3A_93 : vector<400x256xf32>
    %add3A_99 = arith.constant 256 : i32
    %add3A_100 = vector.broadcast %add3A_99 : i32 to vector<400x256xi32>
    %add3A_101 = arith.addi %iota3A, %add3A_100 : vector<400x256xi32>
    %jit3A_102 = arith.constant 1073741824 : i32
    %broadcast_in_dim3A_103 = vector.broadcast %jit3A_102 : i32 to vector<400x256xi32>
    %select_n3A_104 = arith.select %eq3A_98, %add3A_101, %broadcast_in_dim3A_103 : vector<400x256xi1>, vector<400x256xi32>
    %eq3A_105 = arith.cmpf oeq, %slice3A_18, %min3A_93 : vector<400x256xf32>
    %add3A_106 = arith.constant 512 : i32
    %add3A_107 = vector.broadcast %add3A_106 : i32 to vector<400x256xi32>
    %add3A_108 = arith.addi %iota3A, %add3A_107 : vector<400x256xi32>
    %jit3A_109 = arith.constant 1073741824 : i32
    %broadcast_in_dim3A_110 = vector.broadcast %jit3A_109 : i32 to vector<400x256xi32>
    %select_n3A_111 = arith.select %eq3A_105, %add3A_108, %broadcast_in_dim3A_110 : vector<400x256xi1>, vector<400x256xi32>
    %eq3A_112 = arith.cmpf oeq, %slice3A_19, %min3A_93 : vector<400x256xf32>
    %add3A_113 = arith.constant 768 : i32
    %add3A_114 = vector.broadcast %add3A_113 : i32 to vector<400x256xi32>
    %add3A_115 = arith.addi %iota3A, %add3A_114 : vector<400x256xi32>
    %jit3A_116 = arith.constant 1073741824 : i32
    %broadcast_in_dim3A_117 = vector.broadcast %jit3A_116 : i32 to vector<400x256xi32>
    %select_n3A_118 = arith.select %eq3A_112, %add3A_115, %broadcast_in_dim3A_117 : vector<400x256xi1>, vector<400x256xi32>
    %eq3A_119 = arith.cmpf oeq, %slice3A_20, %min3A_93 : vector<400x256xf32>
    %add3A_120 = arith.constant 1024 : i32
    %add3A_121 = vector.broadcast %add3A_120 : i32 to vector<400x256xi32>
    %add3A_122 = arith.addi %iota3A, %add3A_121 : vector<400x256xi32>
    %jit3A_123 = arith.constant 1073741824 : i32
    %broadcast_in_dim3A_124 = vector.broadcast %jit3A_123 : i32 to vector<400x256xi32>
    %select_n3A_125 = arith.select %eq3A_119, %add3A_122, %broadcast_in_dim3A_124 : vector<400x256xi1>, vector<400x256xi32>
    %eq3A_126 = arith.cmpf oeq, %slice3A_21, %min3A_93 : vector<400x256xf32>
    %add3A_127 = arith.constant 1280 : i32
    %add3A_128 = vector.broadcast %add3A_127 : i32 to vector<400x256xi32>
    %add3A_129 = arith.addi %iota3A, %add3A_128 : vector<400x256xi32>
    %jit3A_130 = arith.constant 1073741824 : i32
    %broadcast_in_dim3A_131 = vector.broadcast %jit3A_130 : i32 to vector<400x256xi32>
    %select_n3A_132 = arith.select %eq3A_126, %add3A_129, %broadcast_in_dim3A_131 : vector<400x256xi1>, vector<400x256xi32>
    %eq3A_133 = arith.cmpf oeq, %slice3A_22, %min3A_93 : vector<400x256xf32>
    %add3A_134 = arith.constant 1536 : i32
    %add3A_135 = vector.broadcast %add3A_134 : i32 to vector<400x256xi32>
    %add3A_136 = arith.addi %iota3A, %add3A_135 : vector<400x256xi32>
    %jit3A_137 = arith.constant 1073741824 : i32
    %broadcast_in_dim3A_138 = vector.broadcast %jit3A_137 : i32 to vector<400x256xi32>
    %select_n3A_139 = arith.select %eq3A_133, %add3A_136, %broadcast_in_dim3A_138 : vector<400x256xi1>, vector<400x256xi32>
    %eq3A_140 = arith.cmpf oeq, %slice3A_23, %min3A_93 : vector<400x256xf32>
    %add3A_141 = arith.constant 1792 : i32
    %add3A_142 = vector.broadcast %add3A_141 : i32 to vector<400x256xi32>
    %add3A_143 = arith.addi %iota3A, %add3A_142 : vector<400x256xi32>
    %jit3A_144 = arith.constant 1073741824 : i32
    %broadcast_in_dim3A_145 = vector.broadcast %jit3A_144 : i32 to vector<400x256xi32>
    %select_n3A_146 = arith.select %eq3A_140, %add3A_143, %broadcast_in_dim3A_145 : vector<400x256xi1>, vector<400x256xi32>
    %eq3A_147 = arith.cmpf oeq, %slice3A_24, %min3A_93 : vector<400x256xf32>
    %add3A_148 = arith.constant 2048 : i32
    %add3A_149 = vector.broadcast %add3A_148 : i32 to vector<400x256xi32>
    %add3A_150 = arith.addi %iota3A, %add3A_149 : vector<400x256xi32>
    %jit3A_151 = arith.constant 1073741824 : i32
    %broadcast_in_dim3A_152 = vector.broadcast %jit3A_151 : i32 to vector<400x256xi32>
    %select_n3A_153 = arith.select %eq3A_147, %add3A_150, %broadcast_in_dim3A_152 : vector<400x256xi1>, vector<400x256xi32>
    %eq3A_154 = arith.cmpf oeq, %slice3A_25, %min3A_93 : vector<400x256xf32>
    %add3A_155 = arith.constant 2304 : i32
    %add3A_156 = vector.broadcast %add3A_155 : i32 to vector<400x256xi32>
    %add3A_157 = arith.addi %iota3A, %add3A_156 : vector<400x256xi32>
    %jit3A_158 = arith.constant 1073741824 : i32
    %broadcast_in_dim3A_159 = vector.broadcast %jit3A_158 : i32 to vector<400x256xi32>
    %select_n3A_160 = arith.select %eq3A_154, %add3A_157, %broadcast_in_dim3A_159 : vector<400x256xi1>, vector<400x256xi32>
    %eq3A_161 = arith.cmpf oeq, %slice3A_26, %min3A_93 : vector<400x256xf32>
    %add3A_162 = arith.constant 2560 : i32
    %add3A_163 = vector.broadcast %add3A_162 : i32 to vector<400x256xi32>
    %add3A_164 = arith.addi %iota3A, %add3A_163 : vector<400x256xi32>
    %jit3A_165 = arith.constant 1073741824 : i32
    %broadcast_in_dim3A_166 = vector.broadcast %jit3A_165 : i32 to vector<400x256xi32>
    %select_n3A_167 = arith.select %eq3A_161, %add3A_164, %broadcast_in_dim3A_166 : vector<400x256xi1>, vector<400x256xi32>
    %eq3A_168 = arith.cmpf oeq, %slice3A_27, %min3A_93 : vector<400x256xf32>
    %add3A_169 = arith.constant 2816 : i32
    %add3A_170 = vector.broadcast %add3A_169 : i32 to vector<400x256xi32>
    %add3A_171 = arith.addi %iota3A, %add3A_170 : vector<400x256xi32>
    %jit3A_172 = arith.constant 1073741824 : i32
    %broadcast_in_dim3A_173 = vector.broadcast %jit3A_172 : i32 to vector<400x256xi32>
    %select_n3A_174 = arith.select %eq3A_168, %add3A_171, %broadcast_in_dim3A_173 : vector<400x256xi1>, vector<400x256xi32>
    %eq3A_175 = arith.cmpf oeq, %slice3A_28, %min3A_93 : vector<400x256xf32>
    %add3A_176 = arith.constant 3072 : i32
    %add3A_177 = vector.broadcast %add3A_176 : i32 to vector<400x256xi32>
    %add3A_178 = arith.addi %iota3A, %add3A_177 : vector<400x256xi32>
    %jit3A_179 = arith.constant 1073741824 : i32
    %broadcast_in_dim3A_180 = vector.broadcast %jit3A_179 : i32 to vector<400x256xi32>
    %select_n3A_181 = arith.select %eq3A_175, %add3A_178, %broadcast_in_dim3A_180 : vector<400x256xi1>, vector<400x256xi32>
    %eq3A_182 = arith.cmpf oeq, %slice3A_29, %min3A_93 : vector<400x256xf32>
    %add3A_183 = arith.constant 3328 : i32
    %add3A_184 = vector.broadcast %add3A_183 : i32 to vector<400x256xi32>
    %add3A_185 = arith.addi %iota3A, %add3A_184 : vector<400x256xi32>
    %jit3A_186 = arith.constant 1073741824 : i32
    %broadcast_in_dim3A_187 = vector.broadcast %jit3A_186 : i32 to vector<400x256xi32>
    %select_n3A_188 = arith.select %eq3A_182, %add3A_185, %broadcast_in_dim3A_187 : vector<400x256xi1>, vector<400x256xi32>
    %eq3A_189 = arith.cmpf oeq, %slice3A_30, %min3A_93 : vector<400x256xf32>
    %add3A_190 = arith.constant 3584 : i32
    %add3A_191 = vector.broadcast %add3A_190 : i32 to vector<400x256xi32>
    %add3A_192 = arith.addi %iota3A, %add3A_191 : vector<400x256xi32>
    %jit3A_193 = arith.constant 1073741824 : i32
    %broadcast_in_dim3A_194 = vector.broadcast %jit3A_193 : i32 to vector<400x256xi32>
    %select_n3A_195 = arith.select %eq3A_189, %add3A_192, %broadcast_in_dim3A_194 : vector<400x256xi1>, vector<400x256xi32>
    %eq3A_196 = arith.cmpf oeq, %slice3A_31, %min3A_93 : vector<400x256xf32>
    %add3A_197 = arith.constant 3840 : i32
    %add3A_198 = vector.broadcast %add3A_197 : i32 to vector<400x256xi32>
    %add3A_199 = arith.addi %iota3A, %add3A_198 : vector<400x256xi32>
    %jit3A_200 = arith.constant 1073741824 : i32
    %broadcast_in_dim3A_201 = vector.broadcast %jit3A_200 : i32 to vector<400x256xi32>
    %select_n3A_202 = arith.select %eq3A_196, %add3A_199, %broadcast_in_dim3A_201 : vector<400x256xi1>, vector<400x256xi32>
    %eq3A_203 = arith.cmpf oeq, %slice3A_32, %min3A_93 : vector<400x256xf32>
    %add3A_204 = arith.constant 4096 : i32
    %add3A_205 = vector.broadcast %add3A_204 : i32 to vector<400x256xi32>
    %add3A_206 = arith.addi %iota3A, %add3A_205 : vector<400x256xi32>
    %jit3A_207 = arith.constant 1073741824 : i32
    %broadcast_in_dim3A_208 = vector.broadcast %jit3A_207 : i32 to vector<400x256xi32>
    %select_n3A_209 = arith.select %eq3A_203, %add3A_206, %broadcast_in_dim3A_208 : vector<400x256xi1>, vector<400x256xi32>
    %eq3A_210 = arith.cmpf oeq, %slice3A_33, %min3A_93 : vector<400x256xf32>
    %add3A_211 = arith.constant 4352 : i32
    %add3A_212 = vector.broadcast %add3A_211 : i32 to vector<400x256xi32>
    %add3A_213 = arith.addi %iota3A, %add3A_212 : vector<400x256xi32>
    %jit3A_214 = arith.constant 1073741824 : i32
    %broadcast_in_dim3A_215 = vector.broadcast %jit3A_214 : i32 to vector<400x256xi32>
    %select_n3A_216 = arith.select %eq3A_210, %add3A_213, %broadcast_in_dim3A_215 : vector<400x256xi1>, vector<400x256xi32>
    %eq3A_217 = arith.cmpf oeq, %slice3A_34, %min3A_93 : vector<400x256xf32>
    %add3A_218 = arith.constant 4608 : i32
    %add3A_219 = vector.broadcast %add3A_218 : i32 to vector<400x256xi32>
    %add3A_220 = arith.addi %iota3A, %add3A_219 : vector<400x256xi32>
    %jit3A_221 = arith.constant 1073741824 : i32
    %broadcast_in_dim3A_222 = vector.broadcast %jit3A_221 : i32 to vector<400x256xi32>
    %select_n3A_223 = arith.select %eq3A_217, %add3A_220, %broadcast_in_dim3A_222 : vector<400x256xi1>, vector<400x256xi32>
    %eq3A_224 = arith.cmpf oeq, %slice3A_35, %min3A_93 : vector<400x256xf32>
    %add3A_225 = arith.constant 4864 : i32
    %add3A_226 = vector.broadcast %add3A_225 : i32 to vector<400x256xi32>
    %add3A_227 = arith.addi %iota3A, %add3A_226 : vector<400x256xi32>
    %jit3A_228 = arith.constant 1073741824 : i32
    %broadcast_in_dim3A_229 = vector.broadcast %jit3A_228 : i32 to vector<400x256xi32>
    %select_n3A_230 = arith.select %eq3A_224, %add3A_227, %broadcast_in_dim3A_229 : vector<400x256xi1>, vector<400x256xi32>
    %eq3A_231 = arith.cmpf oeq, %slice3A_36, %min3A_93 : vector<400x256xf32>
    %add3A_232 = arith.constant 5120 : i32
    %add3A_233 = vector.broadcast %add3A_232 : i32 to vector<400x256xi32>
    %add3A_234 = arith.addi %iota3A, %add3A_233 : vector<400x256xi32>
    %jit3A_235 = arith.constant 1073741824 : i32
    %broadcast_in_dim3A_236 = vector.broadcast %jit3A_235 : i32 to vector<400x256xi32>
    %select_n3A_237 = arith.select %eq3A_231, %add3A_234, %broadcast_in_dim3A_236 : vector<400x256xi1>, vector<400x256xi32>
    %eq3A_238 = arith.cmpf oeq, %slice3A_37, %min3A_93 : vector<400x256xf32>
    %add3A_239 = arith.constant 5376 : i32
    %add3A_240 = vector.broadcast %add3A_239 : i32 to vector<400x256xi32>
    %add3A_241 = arith.addi %iota3A, %add3A_240 : vector<400x256xi32>
    %jit3A_242 = arith.constant 1073741824 : i32
    %broadcast_in_dim3A_243 = vector.broadcast %jit3A_242 : i32 to vector<400x256xi32>
    %select_n3A_244 = arith.select %eq3A_238, %add3A_241, %broadcast_in_dim3A_243 : vector<400x256xi1>, vector<400x256xi32>
    %eq3A_245 = arith.cmpf oeq, %slice3A_38, %min3A_93 : vector<400x256xf32>
    %add3A_246 = arith.constant 5632 : i32
    %add3A_247 = vector.broadcast %add3A_246 : i32 to vector<400x256xi32>
    %add3A_248 = arith.addi %iota3A, %add3A_247 : vector<400x256xi32>
    %jit3A_249 = arith.constant 1073741824 : i32
    %broadcast_in_dim3A_250 = vector.broadcast %jit3A_249 : i32 to vector<400x256xi32>
    %select_n3A_251 = arith.select %eq3A_245, %add3A_248, %broadcast_in_dim3A_250 : vector<400x256xi1>, vector<400x256xi32>
    %eq3A_252 = arith.cmpf oeq, %slice3A_39, %min3A_93 : vector<400x256xf32>
    %add3A_253 = arith.constant 5888 : i32
    %add3A_254 = vector.broadcast %add3A_253 : i32 to vector<400x256xi32>
    %add3A_255 = arith.addi %iota3A, %add3A_254 : vector<400x256xi32>
    %jit3A_256 = arith.constant 1073741824 : i32
    %broadcast_in_dim3A_257 = vector.broadcast %jit3A_256 : i32 to vector<400x256xi32>
    %select_n3A_258 = arith.select %eq3A_252, %add3A_255, %broadcast_in_dim3A_257 : vector<400x256xi1>, vector<400x256xi32>
    %eq3A_259 = arith.cmpf oeq, %slice3A_40, %min3A_93 : vector<400x256xf32>
    %add3A_260 = arith.constant 6144 : i32
    %add3A_261 = vector.broadcast %add3A_260 : i32 to vector<400x256xi32>
    %add3A_262 = arith.addi %iota3A, %add3A_261 : vector<400x256xi32>
    %jit3A_263 = arith.constant 1073741824 : i32
    %broadcast_in_dim3A_264 = vector.broadcast %jit3A_263 : i32 to vector<400x256xi32>
    %select_n3A_265 = arith.select %eq3A_259, %add3A_262, %broadcast_in_dim3A_264 : vector<400x256xi1>, vector<400x256xi32>
    %eq3A_266 = arith.cmpf oeq, %slice3A_41, %min3A_93 : vector<400x256xf32>
    %add3A_267 = arith.constant 6400 : i32
    %add3A_268 = vector.broadcast %add3A_267 : i32 to vector<400x256xi32>
    %add3A_269 = arith.addi %iota3A, %add3A_268 : vector<400x256xi32>
    %jit3A_270 = arith.constant 1073741824 : i32
    %broadcast_in_dim3A_271 = vector.broadcast %jit3A_270 : i32 to vector<400x256xi32>
    %select_n3A_272 = arith.select %eq3A_266, %add3A_269, %broadcast_in_dim3A_271 : vector<400x256xi1>, vector<400x256xi32>
    %eq3A_273 = arith.cmpf oeq, %slice3A_42, %min3A_93 : vector<400x256xf32>
    %add3A_274 = arith.constant 6656 : i32
    %add3A_275 = vector.broadcast %add3A_274 : i32 to vector<400x256xi32>
    %add3A_276 = arith.addi %iota3A, %add3A_275 : vector<400x256xi32>
    %jit3A_277 = arith.constant 1073741824 : i32
    %broadcast_in_dim3A_278 = vector.broadcast %jit3A_277 : i32 to vector<400x256xi32>
    %select_n3A_279 = arith.select %eq3A_273, %add3A_276, %broadcast_in_dim3A_278 : vector<400x256xi1>, vector<400x256xi32>
    %eq3A_280 = arith.cmpf oeq, %slice3A_43, %min3A_93 : vector<400x256xf32>
    %add3A_281 = arith.constant 6912 : i32
    %add3A_282 = vector.broadcast %add3A_281 : i32 to vector<400x256xi32>
    %add3A_283 = arith.addi %iota3A, %add3A_282 : vector<400x256xi32>
    %jit3A_284 = arith.constant 1073741824 : i32
    %broadcast_in_dim3A_285 = vector.broadcast %jit3A_284 : i32 to vector<400x256xi32>
    %select_n3A_286 = arith.select %eq3A_280, %add3A_283, %broadcast_in_dim3A_285 : vector<400x256xi1>, vector<400x256xi32>
    %eq3A_287 = arith.cmpf oeq, %slice3A_44, %min3A_93 : vector<400x256xf32>
    %add3A_288 = arith.constant 7168 : i32
    %add3A_289 = vector.broadcast %add3A_288 : i32 to vector<400x256xi32>
    %add3A_290 = arith.addi %iota3A, %add3A_289 : vector<400x256xi32>
    %jit3A_291 = arith.constant 1073741824 : i32
    %broadcast_in_dim3A_292 = vector.broadcast %jit3A_291 : i32 to vector<400x256xi32>
    %select_n3A_293 = arith.select %eq3A_287, %add3A_290, %broadcast_in_dim3A_292 : vector<400x256xi1>, vector<400x256xi32>
    %eq3A_294 = arith.cmpf oeq, %slice3A_45, %min3A_93 : vector<400x256xf32>
    %add3A_295 = arith.constant 7424 : i32
    %add3A_296 = vector.broadcast %add3A_295 : i32 to vector<400x256xi32>
    %add3A_297 = arith.addi %iota3A, %add3A_296 : vector<400x256xi32>
    %jit3A_298 = arith.constant 1073741824 : i32
    %broadcast_in_dim3A_299 = vector.broadcast %jit3A_298 : i32 to vector<400x256xi32>
    %select_n3A_300 = arith.select %eq3A_294, %add3A_297, %broadcast_in_dim3A_299 : vector<400x256xi1>, vector<400x256xi32>
    %eq3A_301 = arith.cmpf oeq, %slice3A_46, %min3A_93 : vector<400x256xf32>
    %add3A_302 = arith.constant 7680 : i32
    %add3A_303 = vector.broadcast %add3A_302 : i32 to vector<400x256xi32>
    %add3A_304 = arith.addi %iota3A, %add3A_303 : vector<400x256xi32>
    %jit3A_305 = arith.constant 1073741824 : i32
    %broadcast_in_dim3A_306 = vector.broadcast %jit3A_305 : i32 to vector<400x256xi32>
    %select_n3A_307 = arith.select %eq3A_301, %add3A_304, %broadcast_in_dim3A_306 : vector<400x256xi1>, vector<400x256xi32>
    %eq3A_308 = arith.cmpf oeq, %slice3A_47, %min3A_93 : vector<400x256xf32>
    %add3A_309 = arith.constant 7936 : i32
    %add3A_310 = vector.broadcast %add3A_309 : i32 to vector<400x256xi32>
    %add3A_311 = arith.addi %iota3A, %add3A_310 : vector<400x256xi32>
    %jit3A_312 = arith.constant 1073741824 : i32
    %broadcast_in_dim3A_313 = vector.broadcast %jit3A_312 : i32 to vector<400x256xi32>
    %select_n3A_314 = arith.select %eq3A_308, %add3A_311, %broadcast_in_dim3A_313 : vector<400x256xi1>, vector<400x256xi32>
    %eq3A_315 = arith.cmpf oeq, %slice3A_48, %min3A_93 : vector<400x256xf32>
    %add3A_316 = arith.constant 8192 : i32
    %add3A_317 = vector.broadcast %add3A_316 : i32 to vector<400x256xi32>
    %add3A_318 = arith.addi %iota3A, %add3A_317 : vector<400x256xi32>
    %jit3A_319 = arith.constant 1073741824 : i32
    %broadcast_in_dim3A_320 = vector.broadcast %jit3A_319 : i32 to vector<400x256xi32>
    %select_n3A_321 = arith.select %eq3A_315, %add3A_318, %broadcast_in_dim3A_320 : vector<400x256xi1>, vector<400x256xi32>
    %eq3A_322 = arith.cmpf oeq, %slice3A_49, %min3A_93 : vector<400x256xf32>
    %add3A_323 = arith.constant 8448 : i32
    %add3A_324 = vector.broadcast %add3A_323 : i32 to vector<400x256xi32>
    %add3A_325 = arith.addi %iota3A, %add3A_324 : vector<400x256xi32>
    %jit3A_326 = arith.constant 1073741824 : i32
    %broadcast_in_dim3A_327 = vector.broadcast %jit3A_326 : i32 to vector<400x256xi32>
    %select_n3A_328 = arith.select %eq3A_322, %add3A_325, %broadcast_in_dim3A_327 : vector<400x256xi1>, vector<400x256xi32>
    %eq3A_329 = arith.cmpf oeq, %slice3A_50, %min3A_93 : vector<400x256xf32>
    %add3A_330 = arith.constant 8704 : i32
    %add3A_331 = vector.broadcast %add3A_330 : i32 to vector<400x256xi32>
    %add3A_332 = arith.addi %iota3A, %add3A_331 : vector<400x256xi32>
    %jit3A_333 = arith.constant 1073741824 : i32
    %broadcast_in_dim3A_334 = vector.broadcast %jit3A_333 : i32 to vector<400x256xi32>
    %select_n3A_335 = arith.select %eq3A_329, %add3A_332, %broadcast_in_dim3A_334 : vector<400x256xi1>, vector<400x256xi32>
    %eq3A_336 = arith.cmpf oeq, %slice3A_51, %min3A_93 : vector<400x256xf32>
    %add3A_337 = arith.constant 8960 : i32
    %add3A_338 = vector.broadcast %add3A_337 : i32 to vector<400x256xi32>
    %add3A_339 = arith.addi %iota3A, %add3A_338 : vector<400x256xi32>
    %jit3A_340 = arith.constant 1073741824 : i32
    %broadcast_in_dim3A_341 = vector.broadcast %jit3A_340 : i32 to vector<400x256xi32>
    %select_n3A_342 = arith.select %eq3A_336, %add3A_339, %broadcast_in_dim3A_341 : vector<400x256xi1>, vector<400x256xi32>
    %eq3A_343 = arith.cmpf oeq, %slice3A_52, %min3A_93 : vector<400x256xf32>
    %add3A_344 = arith.constant 9216 : i32
    %add3A_345 = vector.broadcast %add3A_344 : i32 to vector<400x256xi32>
    %add3A_346 = arith.addi %iota3A, %add3A_345 : vector<400x256xi32>
    %jit3A_347 = arith.constant 1073741824 : i32
    %broadcast_in_dim3A_348 = vector.broadcast %jit3A_347 : i32 to vector<400x256xi32>
    %select_n3A_349 = arith.select %eq3A_343, %add3A_346, %broadcast_in_dim3A_348 : vector<400x256xi1>, vector<400x256xi32>
    %eq3A_350 = arith.cmpf oeq, %slice3A_53, %min3A_93 : vector<400x256xf32>
    %add3A_351 = arith.constant 9472 : i32
    %add3A_352 = vector.broadcast %add3A_351 : i32 to vector<400x256xi32>
    %add3A_353 = arith.addi %iota3A, %add3A_352 : vector<400x256xi32>
    %jit3A_354 = arith.constant 1073741824 : i32
    %broadcast_in_dim3A_355 = vector.broadcast %jit3A_354 : i32 to vector<400x256xi32>
    %select_n3A_356 = arith.select %eq3A_350, %add3A_353, %broadcast_in_dim3A_355 : vector<400x256xi1>, vector<400x256xi32>
    %eq3A_357 = arith.cmpf oeq, %slice3A_54, %min3A_93 : vector<400x256xf32>
    %add3A_358 = arith.constant 9728 : i32
    %add3A_359 = vector.broadcast %add3A_358 : i32 to vector<400x256xi32>
    %add3A_360 = arith.addi %iota3A, %add3A_359 : vector<400x256xi32>
    %jit3A_361 = arith.constant 1073741824 : i32
    %broadcast_in_dim3A_362 = vector.broadcast %jit3A_361 : i32 to vector<400x256xi32>
    %select_n3A_363 = arith.select %eq3A_357, %add3A_360, %broadcast_in_dim3A_362 : vector<400x256xi1>, vector<400x256xi32>
    %eq3A_364 = arith.cmpf oeq, %slice3A_55, %min3A_93 : vector<400x256xf32>
    %add3A_365 = arith.constant 9984 : i32
    %add3A_366 = vector.broadcast %add3A_365 : i32 to vector<400x256xi32>
    %add3A_367 = arith.addi %iota3A, %add3A_366 : vector<400x256xi32>
    %jit3A_368 = arith.constant 1073741824 : i32
    %broadcast_in_dim3A_369 = vector.broadcast %jit3A_368 : i32 to vector<400x256xi32>
    %select_n3A_370 = arith.select %eq3A_364, %add3A_367, %broadcast_in_dim3A_369 : vector<400x256xi1>, vector<400x256xi32>
    %min3A_371 = arith.minsi %select_n3A, %select_n3A_104 : vector<400x256xi32>
    %min3A_372 = arith.minsi %select_n3A_111, %select_n3A_118 : vector<400x256xi32>
    %min3A_373 = arith.minsi %select_n3A_125, %select_n3A_132 : vector<400x256xi32>
    %min3A_374 = arith.minsi %select_n3A_139, %select_n3A_146 : vector<400x256xi32>
    %min3A_375 = arith.minsi %select_n3A_153, %select_n3A_160 : vector<400x256xi32>
    %min3A_376 = arith.minsi %select_n3A_167, %select_n3A_174 : vector<400x256xi32>
    %min3A_377 = arith.minsi %select_n3A_181, %select_n3A_188 : vector<400x256xi32>
    %min3A_378 = arith.minsi %select_n3A_195, %select_n3A_202 : vector<400x256xi32>
    %min3A_379 = arith.minsi %select_n3A_209, %select_n3A_216 : vector<400x256xi32>
    %min3A_380 = arith.minsi %select_n3A_223, %select_n3A_230 : vector<400x256xi32>
    %min3A_381 = arith.minsi %select_n3A_237, %select_n3A_244 : vector<400x256xi32>
    %min3A_382 = arith.minsi %select_n3A_251, %select_n3A_258 : vector<400x256xi32>
    %min3A_383 = arith.minsi %select_n3A_265, %select_n3A_272 : vector<400x256xi32>
    %min3A_384 = arith.minsi %select_n3A_279, %select_n3A_286 : vector<400x256xi32>
    %min3A_385 = arith.minsi %select_n3A_293, %select_n3A_300 : vector<400x256xi32>
    %min3A_386 = arith.minsi %select_n3A_307, %select_n3A_314 : vector<400x256xi32>
    %min3A_387 = arith.minsi %select_n3A_321, %select_n3A_328 : vector<400x256xi32>
    %min3A_388 = arith.minsi %select_n3A_335, %select_n3A_342 : vector<400x256xi32>
    %min3A_389 = arith.minsi %select_n3A_349, %select_n3A_356 : vector<400x256xi32>
    %min3A_390 = arith.minsi %select_n3A_363, %select_n3A_370 : vector<400x256xi32>
    %min3A_391 = arith.minsi %min3A_371, %min3A_372 : vector<400x256xi32>
    %min3A_392 = arith.minsi %min3A_373, %min3A_374 : vector<400x256xi32>
    %min3A_393 = arith.minsi %min3A_375, %min3A_376 : vector<400x256xi32>
    %min3A_394 = arith.minsi %min3A_377, %min3A_378 : vector<400x256xi32>
    %min3A_395 = arith.minsi %min3A_379, %min3A_380 : vector<400x256xi32>
    %min3A_396 = arith.minsi %min3A_381, %min3A_382 : vector<400x256xi32>
    %min3A_397 = arith.minsi %min3A_383, %min3A_384 : vector<400x256xi32>
    %min3A_398 = arith.minsi %min3A_385, %min3A_386 : vector<400x256xi32>
    %min3A_399 = arith.minsi %min3A_387, %min3A_388 : vector<400x256xi32>
    %min3A_400 = arith.minsi %min3A_389, %min3A_390 : vector<400x256xi32>
    %min3A_401 = arith.minsi %min3A_391, %min3A_392 : vector<400x256xi32>
    %min3A_402 = arith.minsi %min3A_393, %min3A_394 : vector<400x256xi32>
    %min3A_403 = arith.minsi %min3A_395, %min3A_396 : vector<400x256xi32>
    %min3A_404 = arith.minsi %min3A_397, %min3A_398 : vector<400x256xi32>
    %min3A_405 = arith.minsi %min3A_399, %min3A_400 : vector<400x256xi32>
    %min3A_406 = arith.minsi %min3A_401, %min3A_402 : vector<400x256xi32>
    %min3A_407 = arith.minsi %min3A_403, %min3A_404 : vector<400x256xi32>
    %min3A_408 = arith.minsi %min3A_406, %min3A_407 : vector<400x256xi32>
    %min3A_409 = arith.minsi %min3A_408, %min3A_405 : vector<400x256xi32>
    %eq3A_410 = arith.cmpf oeq, %slice3A, %min3A_93 : vector<400x256xf32>
    %jit3A_411 = arith.constant 0x7F800000 : f32
    %broadcast_in_dim3A_412 = vector.broadcast %jit3A_411 : f32 to vector<400x256xf32>
    %select_n3A_413 = arith.select %eq3A_410, %broadcast_in_dim3A_412, %slice3A : vector<400x256xi1>, vector<400x256xf32>
    %eq3A_414 = arith.cmpf oeq, %slice3A_17, %min3A_93 : vector<400x256xf32>
    %jit3A_415 = arith.constant 0x7F800000 : f32
    %broadcast_in_dim3A_416 = vector.broadcast %jit3A_415 : f32 to vector<400x256xf32>
    %select_n3A_417 = arith.select %eq3A_414, %broadcast_in_dim3A_416, %slice3A_17 : vector<400x256xi1>, vector<400x256xf32>
    %eq3A_418 = arith.cmpf oeq, %slice3A_18, %min3A_93 : vector<400x256xf32>
    %jit3A_419 = arith.constant 0x7F800000 : f32
    %broadcast_in_dim3A_420 = vector.broadcast %jit3A_419 : f32 to vector<400x256xf32>
    %select_n3A_421 = arith.select %eq3A_418, %broadcast_in_dim3A_420, %slice3A_18 : vector<400x256xi1>, vector<400x256xf32>
    %eq3A_422 = arith.cmpf oeq, %slice3A_19, %min3A_93 : vector<400x256xf32>
    %jit3A_423 = arith.constant 0x7F800000 : f32
    %broadcast_in_dim3A_424 = vector.broadcast %jit3A_423 : f32 to vector<400x256xf32>
    %select_n3A_425 = arith.select %eq3A_422, %broadcast_in_dim3A_424, %slice3A_19 : vector<400x256xi1>, vector<400x256xf32>
    %eq3A_426 = arith.cmpf oeq, %slice3A_20, %min3A_93 : vector<400x256xf32>
    %jit3A_427 = arith.constant 0x7F800000 : f32
    %broadcast_in_dim3A_428 = vector.broadcast %jit3A_427 : f32 to vector<400x256xf32>
    %select_n3A_429 = arith.select %eq3A_426, %broadcast_in_dim3A_428, %slice3A_20 : vector<400x256xi1>, vector<400x256xf32>
    %eq3A_430 = arith.cmpf oeq, %slice3A_21, %min3A_93 : vector<400x256xf32>
    %jit3A_431 = arith.constant 0x7F800000 : f32
    %broadcast_in_dim3A_432 = vector.broadcast %jit3A_431 : f32 to vector<400x256xf32>
    %select_n3A_433 = arith.select %eq3A_430, %broadcast_in_dim3A_432, %slice3A_21 : vector<400x256xi1>, vector<400x256xf32>
    %eq3A_434 = arith.cmpf oeq, %slice3A_22, %min3A_93 : vector<400x256xf32>
    %jit3A_435 = arith.constant 0x7F800000 : f32
    %broadcast_in_dim3A_436 = vector.broadcast %jit3A_435 : f32 to vector<400x256xf32>
    %select_n3A_437 = arith.select %eq3A_434, %broadcast_in_dim3A_436, %slice3A_22 : vector<400x256xi1>, vector<400x256xf32>
    %eq3A_438 = arith.cmpf oeq, %slice3A_23, %min3A_93 : vector<400x256xf32>
    %jit3A_439 = arith.constant 0x7F800000 : f32
    %broadcast_in_dim3A_440 = vector.broadcast %jit3A_439 : f32 to vector<400x256xf32>
    %select_n3A_441 = arith.select %eq3A_438, %broadcast_in_dim3A_440, %slice3A_23 : vector<400x256xi1>, vector<400x256xf32>
    %eq3A_442 = arith.cmpf oeq, %slice3A_24, %min3A_93 : vector<400x256xf32>
    %jit3A_443 = arith.constant 0x7F800000 : f32
    %broadcast_in_dim3A_444 = vector.broadcast %jit3A_443 : f32 to vector<400x256xf32>
    %select_n3A_445 = arith.select %eq3A_442, %broadcast_in_dim3A_444, %slice3A_24 : vector<400x256xi1>, vector<400x256xf32>
    %eq3A_446 = arith.cmpf oeq, %slice3A_25, %min3A_93 : vector<400x256xf32>
    %jit3A_447 = arith.constant 0x7F800000 : f32
    %broadcast_in_dim3A_448 = vector.broadcast %jit3A_447 : f32 to vector<400x256xf32>
    %select_n3A_449 = arith.select %eq3A_446, %broadcast_in_dim3A_448, %slice3A_25 : vector<400x256xi1>, vector<400x256xf32>
    %eq3A_450 = arith.cmpf oeq, %slice3A_26, %min3A_93 : vector<400x256xf32>
    %jit3A_451 = arith.constant 0x7F800000 : f32
    %broadcast_in_dim3A_452 = vector.broadcast %jit3A_451 : f32 to vector<400x256xf32>
    %select_n3A_453 = arith.select %eq3A_450, %broadcast_in_dim3A_452, %slice3A_26 : vector<400x256xi1>, vector<400x256xf32>
    %eq3A_454 = arith.cmpf oeq, %slice3A_27, %min3A_93 : vector<400x256xf32>
    %jit3A_455 = arith.constant 0x7F800000 : f32
    %broadcast_in_dim3A_456 = vector.broadcast %jit3A_455 : f32 to vector<400x256xf32>
    %select_n3A_457 = arith.select %eq3A_454, %broadcast_in_dim3A_456, %slice3A_27 : vector<400x256xi1>, vector<400x256xf32>
    %eq3A_458 = arith.cmpf oeq, %slice3A_28, %min3A_93 : vector<400x256xf32>
    %jit3A_459 = arith.constant 0x7F800000 : f32
    %broadcast_in_dim3A_460 = vector.broadcast %jit3A_459 : f32 to vector<400x256xf32>
    %select_n3A_461 = arith.select %eq3A_458, %broadcast_in_dim3A_460, %slice3A_28 : vector<400x256xi1>, vector<400x256xf32>
    %eq3A_462 = arith.cmpf oeq, %slice3A_29, %min3A_93 : vector<400x256xf32>
    %jit3A_463 = arith.constant 0x7F800000 : f32
    %broadcast_in_dim3A_464 = vector.broadcast %jit3A_463 : f32 to vector<400x256xf32>
    %select_n3A_465 = arith.select %eq3A_462, %broadcast_in_dim3A_464, %slice3A_29 : vector<400x256xi1>, vector<400x256xf32>
    %eq3A_466 = arith.cmpf oeq, %slice3A_30, %min3A_93 : vector<400x256xf32>
    %jit3A_467 = arith.constant 0x7F800000 : f32
    %broadcast_in_dim3A_468 = vector.broadcast %jit3A_467 : f32 to vector<400x256xf32>
    %select_n3A_469 = arith.select %eq3A_466, %broadcast_in_dim3A_468, %slice3A_30 : vector<400x256xi1>, vector<400x256xf32>
    %eq3A_470 = arith.cmpf oeq, %slice3A_31, %min3A_93 : vector<400x256xf32>
    %jit3A_471 = arith.constant 0x7F800000 : f32
    %broadcast_in_dim3A_472 = vector.broadcast %jit3A_471 : f32 to vector<400x256xf32>
    %select_n3A_473 = arith.select %eq3A_470, %broadcast_in_dim3A_472, %slice3A_31 : vector<400x256xi1>, vector<400x256xf32>
    %eq3A_474 = arith.cmpf oeq, %slice3A_32, %min3A_93 : vector<400x256xf32>
    %jit3A_475 = arith.constant 0x7F800000 : f32
    %broadcast_in_dim3A_476 = vector.broadcast %jit3A_475 : f32 to vector<400x256xf32>
    %select_n3A_477 = arith.select %eq3A_474, %broadcast_in_dim3A_476, %slice3A_32 : vector<400x256xi1>, vector<400x256xf32>
    %eq3A_478 = arith.cmpf oeq, %slice3A_33, %min3A_93 : vector<400x256xf32>
    %jit3A_479 = arith.constant 0x7F800000 : f32
    %broadcast_in_dim3A_480 = vector.broadcast %jit3A_479 : f32 to vector<400x256xf32>
    %select_n3A_481 = arith.select %eq3A_478, %broadcast_in_dim3A_480, %slice3A_33 : vector<400x256xi1>, vector<400x256xf32>
    %eq3A_482 = arith.cmpf oeq, %slice3A_34, %min3A_93 : vector<400x256xf32>
    %jit3A_483 = arith.constant 0x7F800000 : f32
    %broadcast_in_dim3A_484 = vector.broadcast %jit3A_483 : f32 to vector<400x256xf32>
    %select_n3A_485 = arith.select %eq3A_482, %broadcast_in_dim3A_484, %slice3A_34 : vector<400x256xi1>, vector<400x256xf32>
    %eq3A_486 = arith.cmpf oeq, %slice3A_35, %min3A_93 : vector<400x256xf32>
    %jit3A_487 = arith.constant 0x7F800000 : f32
    %broadcast_in_dim3A_488 = vector.broadcast %jit3A_487 : f32 to vector<400x256xf32>
    %select_n3A_489 = arith.select %eq3A_486, %broadcast_in_dim3A_488, %slice3A_35 : vector<400x256xi1>, vector<400x256xf32>
    %eq3A_490 = arith.cmpf oeq, %slice3A_36, %min3A_93 : vector<400x256xf32>
    %jit3A_491 = arith.constant 0x7F800000 : f32
    %broadcast_in_dim3A_492 = vector.broadcast %jit3A_491 : f32 to vector<400x256xf32>
    %select_n3A_493 = arith.select %eq3A_490, %broadcast_in_dim3A_492, %slice3A_36 : vector<400x256xi1>, vector<400x256xf32>
    %eq3A_494 = arith.cmpf oeq, %slice3A_37, %min3A_93 : vector<400x256xf32>
    %jit3A_495 = arith.constant 0x7F800000 : f32
    %broadcast_in_dim3A_496 = vector.broadcast %jit3A_495 : f32 to vector<400x256xf32>
    %select_n3A_497 = arith.select %eq3A_494, %broadcast_in_dim3A_496, %slice3A_37 : vector<400x256xi1>, vector<400x256xf32>
    %eq3A_498 = arith.cmpf oeq, %slice3A_38, %min3A_93 : vector<400x256xf32>
    %jit3A_499 = arith.constant 0x7F800000 : f32
    %broadcast_in_dim3A_500 = vector.broadcast %jit3A_499 : f32 to vector<400x256xf32>
    %select_n3A_501 = arith.select %eq3A_498, %broadcast_in_dim3A_500, %slice3A_38 : vector<400x256xi1>, vector<400x256xf32>
    %eq3A_502 = arith.cmpf oeq, %slice3A_39, %min3A_93 : vector<400x256xf32>
    %jit3A_503 = arith.constant 0x7F800000 : f32
    %broadcast_in_dim3A_504 = vector.broadcast %jit3A_503 : f32 to vector<400x256xf32>
    %select_n3A_505 = arith.select %eq3A_502, %broadcast_in_dim3A_504, %slice3A_39 : vector<400x256xi1>, vector<400x256xf32>
    %eq3A_506 = arith.cmpf oeq, %slice3A_40, %min3A_93 : vector<400x256xf32>
    %jit3A_507 = arith.constant 0x7F800000 : f32
    %broadcast_in_dim3A_508 = vector.broadcast %jit3A_507 : f32 to vector<400x256xf32>
    %select_n3A_509 = arith.select %eq3A_506, %broadcast_in_dim3A_508, %slice3A_40 : vector<400x256xi1>, vector<400x256xf32>
    %eq3A_510 = arith.cmpf oeq, %slice3A_41, %min3A_93 : vector<400x256xf32>
    %jit3A_511 = arith.constant 0x7F800000 : f32
    %broadcast_in_dim3A_512 = vector.broadcast %jit3A_511 : f32 to vector<400x256xf32>
    %select_n3A_513 = arith.select %eq3A_510, %broadcast_in_dim3A_512, %slice3A_41 : vector<400x256xi1>, vector<400x256xf32>
    %eq3A_514 = arith.cmpf oeq, %slice3A_42, %min3A_93 : vector<400x256xf32>
    %jit3A_515 = arith.constant 0x7F800000 : f32
    %broadcast_in_dim3A_516 = vector.broadcast %jit3A_515 : f32 to vector<400x256xf32>
    %select_n3A_517 = arith.select %eq3A_514, %broadcast_in_dim3A_516, %slice3A_42 : vector<400x256xi1>, vector<400x256xf32>
    %eq3A_518 = arith.cmpf oeq, %slice3A_43, %min3A_93 : vector<400x256xf32>
    %jit3A_519 = arith.constant 0x7F800000 : f32
    %broadcast_in_dim3A_520 = vector.broadcast %jit3A_519 : f32 to vector<400x256xf32>
    %select_n3A_521 = arith.select %eq3A_518, %broadcast_in_dim3A_520, %slice3A_43 : vector<400x256xi1>, vector<400x256xf32>
    %eq3A_522 = arith.cmpf oeq, %slice3A_44, %min3A_93 : vector<400x256xf32>
    %jit3A_523 = arith.constant 0x7F800000 : f32
    %broadcast_in_dim3A_524 = vector.broadcast %jit3A_523 : f32 to vector<400x256xf32>
    %select_n3A_525 = arith.select %eq3A_522, %broadcast_in_dim3A_524, %slice3A_44 : vector<400x256xi1>, vector<400x256xf32>
    %eq3A_526 = arith.cmpf oeq, %slice3A_45, %min3A_93 : vector<400x256xf32>
    %jit3A_527 = arith.constant 0x7F800000 : f32
    %broadcast_in_dim3A_528 = vector.broadcast %jit3A_527 : f32 to vector<400x256xf32>
    %select_n3A_529 = arith.select %eq3A_526, %broadcast_in_dim3A_528, %slice3A_45 : vector<400x256xi1>, vector<400x256xf32>
    %eq3A_530 = arith.cmpf oeq, %slice3A_46, %min3A_93 : vector<400x256xf32>
    %jit3A_531 = arith.constant 0x7F800000 : f32
    %broadcast_in_dim3A_532 = vector.broadcast %jit3A_531 : f32 to vector<400x256xf32>
    %select_n3A_533 = arith.select %eq3A_530, %broadcast_in_dim3A_532, %slice3A_46 : vector<400x256xi1>, vector<400x256xf32>
    %eq3A_534 = arith.cmpf oeq, %slice3A_47, %min3A_93 : vector<400x256xf32>
    %jit3A_535 = arith.constant 0x7F800000 : f32
    %broadcast_in_dim3A_536 = vector.broadcast %jit3A_535 : f32 to vector<400x256xf32>
    %select_n3A_537 = arith.select %eq3A_534, %broadcast_in_dim3A_536, %slice3A_47 : vector<400x256xi1>, vector<400x256xf32>
    %eq3A_538 = arith.cmpf oeq, %slice3A_48, %min3A_93 : vector<400x256xf32>
    %jit3A_539 = arith.constant 0x7F800000 : f32
    %broadcast_in_dim3A_540 = vector.broadcast %jit3A_539 : f32 to vector<400x256xf32>
    %select_n3A_541 = arith.select %eq3A_538, %broadcast_in_dim3A_540, %slice3A_48 : vector<400x256xi1>, vector<400x256xf32>
    %eq3A_542 = arith.cmpf oeq, %slice3A_49, %min3A_93 : vector<400x256xf32>
    %jit3A_543 = arith.constant 0x7F800000 : f32
    %broadcast_in_dim3A_544 = vector.broadcast %jit3A_543 : f32 to vector<400x256xf32>
    %select_n3A_545 = arith.select %eq3A_542, %broadcast_in_dim3A_544, %slice3A_49 : vector<400x256xi1>, vector<400x256xf32>
    %eq3A_546 = arith.cmpf oeq, %slice3A_50, %min3A_93 : vector<400x256xf32>
    %jit3A_547 = arith.constant 0x7F800000 : f32
    %broadcast_in_dim3A_548 = vector.broadcast %jit3A_547 : f32 to vector<400x256xf32>
    %select_n3A_549 = arith.select %eq3A_546, %broadcast_in_dim3A_548, %slice3A_50 : vector<400x256xi1>, vector<400x256xf32>
    %eq3A_550 = arith.cmpf oeq, %slice3A_51, %min3A_93 : vector<400x256xf32>
    %jit3A_551 = arith.constant 0x7F800000 : f32
    %broadcast_in_dim3A_552 = vector.broadcast %jit3A_551 : f32 to vector<400x256xf32>
    %select_n3A_553 = arith.select %eq3A_550, %broadcast_in_dim3A_552, %slice3A_51 : vector<400x256xi1>, vector<400x256xf32>
    %eq3A_554 = arith.cmpf oeq, %slice3A_52, %min3A_93 : vector<400x256xf32>
    %jit3A_555 = arith.constant 0x7F800000 : f32
    %broadcast_in_dim3A_556 = vector.broadcast %jit3A_555 : f32 to vector<400x256xf32>
    %select_n3A_557 = arith.select %eq3A_554, %broadcast_in_dim3A_556, %slice3A_52 : vector<400x256xi1>, vector<400x256xf32>
    %eq3A_558 = arith.cmpf oeq, %slice3A_53, %min3A_93 : vector<400x256xf32>
    %jit3A_559 = arith.constant 0x7F800000 : f32
    %broadcast_in_dim3A_560 = vector.broadcast %jit3A_559 : f32 to vector<400x256xf32>
    %select_n3A_561 = arith.select %eq3A_558, %broadcast_in_dim3A_560, %slice3A_53 : vector<400x256xi1>, vector<400x256xf32>
    %eq3A_562 = arith.cmpf oeq, %slice3A_54, %min3A_93 : vector<400x256xf32>
    %jit3A_563 = arith.constant 0x7F800000 : f32
    %broadcast_in_dim3A_564 = vector.broadcast %jit3A_563 : f32 to vector<400x256xf32>
    %select_n3A_565 = arith.select %eq3A_562, %broadcast_in_dim3A_564, %slice3A_54 : vector<400x256xi1>, vector<400x256xf32>
    %eq3A_566 = arith.cmpf oeq, %slice3A_55, %min3A_93 : vector<400x256xf32>
    %jit3A_567 = arith.constant 0x7F800000 : f32
    %broadcast_in_dim3A_568 = vector.broadcast %jit3A_567 : f32 to vector<400x256xf32>
    %select_n3A_569 = arith.select %eq3A_566, %broadcast_in_dim3A_568, %slice3A_55 : vector<400x256xi1>, vector<400x256xf32>
    %min3A_570 = arith.minimumf %select_n3A_413, %select_n3A_417 : vector<400x256xf32>
    %min3A_571 = arith.minimumf %select_n3A_421, %select_n3A_425 : vector<400x256xf32>
    %min3A_572 = arith.minimumf %select_n3A_429, %select_n3A_433 : vector<400x256xf32>
    %min3A_573 = arith.minimumf %select_n3A_437, %select_n3A_441 : vector<400x256xf32>
    %min3A_574 = arith.minimumf %select_n3A_445, %select_n3A_449 : vector<400x256xf32>
    %min3A_575 = arith.minimumf %select_n3A_453, %select_n3A_457 : vector<400x256xf32>
    %min3A_576 = arith.minimumf %select_n3A_461, %select_n3A_465 : vector<400x256xf32>
    %min3A_577 = arith.minimumf %select_n3A_469, %select_n3A_473 : vector<400x256xf32>
    %min3A_578 = arith.minimumf %select_n3A_477, %select_n3A_481 : vector<400x256xf32>
    %min3A_579 = arith.minimumf %select_n3A_485, %select_n3A_489 : vector<400x256xf32>
    %min3A_580 = arith.minimumf %select_n3A_493, %select_n3A_497 : vector<400x256xf32>
    %min3A_581 = arith.minimumf %select_n3A_501, %select_n3A_505 : vector<400x256xf32>
    %min3A_582 = arith.minimumf %select_n3A_509, %select_n3A_513 : vector<400x256xf32>
    %min3A_583 = arith.minimumf %select_n3A_517, %select_n3A_521 : vector<400x256xf32>
    %min3A_584 = arith.minimumf %select_n3A_525, %select_n3A_529 : vector<400x256xf32>
    %min3A_585 = arith.minimumf %select_n3A_533, %select_n3A_537 : vector<400x256xf32>
    %min3A_586 = arith.minimumf %select_n3A_541, %select_n3A_545 : vector<400x256xf32>
    %min3A_587 = arith.minimumf %select_n3A_549, %select_n3A_553 : vector<400x256xf32>
    %min3A_588 = arith.minimumf %select_n3A_557, %select_n3A_561 : vector<400x256xf32>
    %min3A_589 = arith.minimumf %select_n3A_565, %select_n3A_569 : vector<400x256xf32>
    %min3A_590 = arith.minimumf %min3A_570, %min3A_571 : vector<400x256xf32>
    %min3A_591 = arith.minimumf %min3A_572, %min3A_573 : vector<400x256xf32>
    %min3A_592 = arith.minimumf %min3A_574, %min3A_575 : vector<400x256xf32>
    %min3A_593 = arith.minimumf %min3A_576, %min3A_577 : vector<400x256xf32>
    %min3A_594 = arith.minimumf %min3A_578, %min3A_579 : vector<400x256xf32>
    %min3A_595 = arith.minimumf %min3A_580, %min3A_581 : vector<400x256xf32>
    %min3A_596 = arith.minimumf %min3A_582, %min3A_583 : vector<400x256xf32>
    %min3A_597 = arith.minimumf %min3A_584, %min3A_585 : vector<400x256xf32>
    %min3A_598 = arith.minimumf %min3A_586, %min3A_587 : vector<400x256xf32>
    %min3A_599 = arith.minimumf %min3A_588, %min3A_589 : vector<400x256xf32>
    %min3A_600 = arith.minimumf %min3A_590, %min3A_591 : vector<400x256xf32>
    %min3A_601 = arith.minimumf %min3A_592, %min3A_593 : vector<400x256xf32>
    %min3A_602 = arith.minimumf %min3A_594, %min3A_595 : vector<400x256xf32>
    %min3A_603 = arith.minimumf %min3A_596, %min3A_597 : vector<400x256xf32>
    %min3A_604 = arith.minimumf %min3A_598, %min3A_599 : vector<400x256xf32>
    %min3A_605 = arith.minimumf %min3A_600, %min3A_601 : vector<400x256xf32>
    %min3A_606 = arith.minimumf %min3A_602, %min3A_603 : vector<400x256xf32>
    %min3A_607 = arith.minimumf %min3A_605, %min3A_606 : vector<400x256xf32>
    %min3A_608 = arith.minimumf %min3A_607, %min3A_604 : vector<400x256xf32>
    %eq3A_609 = arith.cmpf oeq, %select_n3A_413, %min3A_608 : vector<400x256xf32>
    %add3A_610 = arith.constant 0 : i32
    %add3A_611 = vector.broadcast %add3A_610 : i32 to vector<400x256xi32>
    %add3A_612 = arith.addi %iota3A, %add3A_611 : vector<400x256xi32>
    %jit3A_613 = arith.constant 1073741824 : i32
    %broadcast_in_dim3A_614 = vector.broadcast %jit3A_613 : i32 to vector<400x256xi32>
    %select_n3A_615 = arith.select %eq3A_609, %add3A_612, %broadcast_in_dim3A_614 : vector<400x256xi1>, vector<400x256xi32>
    %eq3A_616 = arith.cmpf oeq, %select_n3A_417, %min3A_608 : vector<400x256xf32>
    %add3A_617 = arith.constant 256 : i32
    %add3A_618 = vector.broadcast %add3A_617 : i32 to vector<400x256xi32>
    %add3A_619 = arith.addi %iota3A, %add3A_618 : vector<400x256xi32>
    %jit3A_620 = arith.constant 1073741824 : i32
    %broadcast_in_dim3A_621 = vector.broadcast %jit3A_620 : i32 to vector<400x256xi32>
    %select_n3A_622 = arith.select %eq3A_616, %add3A_619, %broadcast_in_dim3A_621 : vector<400x256xi1>, vector<400x256xi32>
    %eq3A_623 = arith.cmpf oeq, %select_n3A_421, %min3A_608 : vector<400x256xf32>
    %add3A_624 = arith.constant 512 : i32
    %add3A_625 = vector.broadcast %add3A_624 : i32 to vector<400x256xi32>
    %add3A_626 = arith.addi %iota3A, %add3A_625 : vector<400x256xi32>
    %jit3A_627 = arith.constant 1073741824 : i32
    %broadcast_in_dim3A_628 = vector.broadcast %jit3A_627 : i32 to vector<400x256xi32>
    %select_n3A_629 = arith.select %eq3A_623, %add3A_626, %broadcast_in_dim3A_628 : vector<400x256xi1>, vector<400x256xi32>
    %eq3A_630 = arith.cmpf oeq, %select_n3A_425, %min3A_608 : vector<400x256xf32>
    %add3A_631 = arith.constant 768 : i32
    %add3A_632 = vector.broadcast %add3A_631 : i32 to vector<400x256xi32>
    %add3A_633 = arith.addi %iota3A, %add3A_632 : vector<400x256xi32>
    %jit3A_634 = arith.constant 1073741824 : i32
    %broadcast_in_dim3A_635 = vector.broadcast %jit3A_634 : i32 to vector<400x256xi32>
    %select_n3A_636 = arith.select %eq3A_630, %add3A_633, %broadcast_in_dim3A_635 : vector<400x256xi1>, vector<400x256xi32>
    %eq3A_637 = arith.cmpf oeq, %select_n3A_429, %min3A_608 : vector<400x256xf32>
    %add3A_638 = arith.constant 1024 : i32
    %add3A_639 = vector.broadcast %add3A_638 : i32 to vector<400x256xi32>
    %add3A_640 = arith.addi %iota3A, %add3A_639 : vector<400x256xi32>
    %jit3A_641 = arith.constant 1073741824 : i32
    %broadcast_in_dim3A_642 = vector.broadcast %jit3A_641 : i32 to vector<400x256xi32>
    %select_n3A_643 = arith.select %eq3A_637, %add3A_640, %broadcast_in_dim3A_642 : vector<400x256xi1>, vector<400x256xi32>
    %eq3A_644 = arith.cmpf oeq, %select_n3A_433, %min3A_608 : vector<400x256xf32>
    %add3A_645 = arith.constant 1280 : i32
    %add3A_646 = vector.broadcast %add3A_645 : i32 to vector<400x256xi32>
    %add3A_647 = arith.addi %iota3A, %add3A_646 : vector<400x256xi32>
    %jit3A_648 = arith.constant 1073741824 : i32
    %broadcast_in_dim3A_649 = vector.broadcast %jit3A_648 : i32 to vector<400x256xi32>
    %select_n3A_650 = arith.select %eq3A_644, %add3A_647, %broadcast_in_dim3A_649 : vector<400x256xi1>, vector<400x256xi32>
    %eq3A_651 = arith.cmpf oeq, %select_n3A_437, %min3A_608 : vector<400x256xf32>
    %add3A_652 = arith.constant 1536 : i32
    %add3A_653 = vector.broadcast %add3A_652 : i32 to vector<400x256xi32>
    %add3A_654 = arith.addi %iota3A, %add3A_653 : vector<400x256xi32>
    %jit3A_655 = arith.constant 1073741824 : i32
    %broadcast_in_dim3A_656 = vector.broadcast %jit3A_655 : i32 to vector<400x256xi32>
    %select_n3A_657 = arith.select %eq3A_651, %add3A_654, %broadcast_in_dim3A_656 : vector<400x256xi1>, vector<400x256xi32>
    %eq3A_658 = arith.cmpf oeq, %select_n3A_441, %min3A_608 : vector<400x256xf32>
    %add3A_659 = arith.constant 1792 : i32
    %add3A_660 = vector.broadcast %add3A_659 : i32 to vector<400x256xi32>
    %add3A_661 = arith.addi %iota3A, %add3A_660 : vector<400x256xi32>
    %jit3A_662 = arith.constant 1073741824 : i32
    %broadcast_in_dim3A_663 = vector.broadcast %jit3A_662 : i32 to vector<400x256xi32>
    %select_n3A_664 = arith.select %eq3A_658, %add3A_661, %broadcast_in_dim3A_663 : vector<400x256xi1>, vector<400x256xi32>
    %eq3A_665 = arith.cmpf oeq, %select_n3A_445, %min3A_608 : vector<400x256xf32>
    %add3A_666 = arith.constant 2048 : i32
    %add3A_667 = vector.broadcast %add3A_666 : i32 to vector<400x256xi32>
    %add3A_668 = arith.addi %iota3A, %add3A_667 : vector<400x256xi32>
    %jit3A_669 = arith.constant 1073741824 : i32
    %broadcast_in_dim3A_670 = vector.broadcast %jit3A_669 : i32 to vector<400x256xi32>
    %select_n3A_671 = arith.select %eq3A_665, %add3A_668, %broadcast_in_dim3A_670 : vector<400x256xi1>, vector<400x256xi32>
    %eq3A_672 = arith.cmpf oeq, %select_n3A_449, %min3A_608 : vector<400x256xf32>
    %add3A_673 = arith.constant 2304 : i32
    %add3A_674 = vector.broadcast %add3A_673 : i32 to vector<400x256xi32>
    %add3A_675 = arith.addi %iota3A, %add3A_674 : vector<400x256xi32>
    %jit3A_676 = arith.constant 1073741824 : i32
    %broadcast_in_dim3A_677 = vector.broadcast %jit3A_676 : i32 to vector<400x256xi32>
    %select_n3A_678 = arith.select %eq3A_672, %add3A_675, %broadcast_in_dim3A_677 : vector<400x256xi1>, vector<400x256xi32>
    %eq3A_679 = arith.cmpf oeq, %select_n3A_453, %min3A_608 : vector<400x256xf32>
    %add3A_680 = arith.constant 2560 : i32
    %add3A_681 = vector.broadcast %add3A_680 : i32 to vector<400x256xi32>
    %add3A_682 = arith.addi %iota3A, %add3A_681 : vector<400x256xi32>
    %jit3A_683 = arith.constant 1073741824 : i32
    %broadcast_in_dim3A_684 = vector.broadcast %jit3A_683 : i32 to vector<400x256xi32>
    %select_n3A_685 = arith.select %eq3A_679, %add3A_682, %broadcast_in_dim3A_684 : vector<400x256xi1>, vector<400x256xi32>
    %eq3A_686 = arith.cmpf oeq, %select_n3A_457, %min3A_608 : vector<400x256xf32>
    %add3A_687 = arith.constant 2816 : i32
    %add3A_688 = vector.broadcast %add3A_687 : i32 to vector<400x256xi32>
    %add3A_689 = arith.addi %iota3A, %add3A_688 : vector<400x256xi32>
    %jit3A_690 = arith.constant 1073741824 : i32
    %broadcast_in_dim3A_691 = vector.broadcast %jit3A_690 : i32 to vector<400x256xi32>
    %select_n3A_692 = arith.select %eq3A_686, %add3A_689, %broadcast_in_dim3A_691 : vector<400x256xi1>, vector<400x256xi32>
    %eq3A_693 = arith.cmpf oeq, %select_n3A_461, %min3A_608 : vector<400x256xf32>
    %add3A_694 = arith.constant 3072 : i32
    %add3A_695 = vector.broadcast %add3A_694 : i32 to vector<400x256xi32>
    %add3A_696 = arith.addi %iota3A, %add3A_695 : vector<400x256xi32>
    %jit3A_697 = arith.constant 1073741824 : i32
    %broadcast_in_dim3A_698 = vector.broadcast %jit3A_697 : i32 to vector<400x256xi32>
    %select_n3A_699 = arith.select %eq3A_693, %add3A_696, %broadcast_in_dim3A_698 : vector<400x256xi1>, vector<400x256xi32>
    %eq3A_700 = arith.cmpf oeq, %select_n3A_465, %min3A_608 : vector<400x256xf32>
    %add3A_701 = arith.constant 3328 : i32
    %add3A_702 = vector.broadcast %add3A_701 : i32 to vector<400x256xi32>
    %add3A_703 = arith.addi %iota3A, %add3A_702 : vector<400x256xi32>
    %jit3A_704 = arith.constant 1073741824 : i32
    %broadcast_in_dim3A_705 = vector.broadcast %jit3A_704 : i32 to vector<400x256xi32>
    %select_n3A_706 = arith.select %eq3A_700, %add3A_703, %broadcast_in_dim3A_705 : vector<400x256xi1>, vector<400x256xi32>
    %eq3A_707 = arith.cmpf oeq, %select_n3A_469, %min3A_608 : vector<400x256xf32>
    %add3A_708 = arith.constant 3584 : i32
    %add3A_709 = vector.broadcast %add3A_708 : i32 to vector<400x256xi32>
    %add3A_710 = arith.addi %iota3A, %add3A_709 : vector<400x256xi32>
    %jit3A_711 = arith.constant 1073741824 : i32
    %broadcast_in_dim3A_712 = vector.broadcast %jit3A_711 : i32 to vector<400x256xi32>
    %select_n3A_713 = arith.select %eq3A_707, %add3A_710, %broadcast_in_dim3A_712 : vector<400x256xi1>, vector<400x256xi32>
    %eq3A_714 = arith.cmpf oeq, %select_n3A_473, %min3A_608 : vector<400x256xf32>
    %add3A_715 = arith.constant 3840 : i32
    %add3A_716 = vector.broadcast %add3A_715 : i32 to vector<400x256xi32>
    %add3A_717 = arith.addi %iota3A, %add3A_716 : vector<400x256xi32>
    %jit3A_718 = arith.constant 1073741824 : i32
    %broadcast_in_dim3A_719 = vector.broadcast %jit3A_718 : i32 to vector<400x256xi32>
    %select_n3A_720 = arith.select %eq3A_714, %add3A_717, %broadcast_in_dim3A_719 : vector<400x256xi1>, vector<400x256xi32>
    %eq3A_721 = arith.cmpf oeq, %select_n3A_477, %min3A_608 : vector<400x256xf32>
    %add3A_722 = arith.constant 4096 : i32
    %add3A_723 = vector.broadcast %add3A_722 : i32 to vector<400x256xi32>
    %add3A_724 = arith.addi %iota3A, %add3A_723 : vector<400x256xi32>
    %jit3A_725 = arith.constant 1073741824 : i32
    %broadcast_in_dim3A_726 = vector.broadcast %jit3A_725 : i32 to vector<400x256xi32>
    %select_n3A_727 = arith.select %eq3A_721, %add3A_724, %broadcast_in_dim3A_726 : vector<400x256xi1>, vector<400x256xi32>
    %eq3A_728 = arith.cmpf oeq, %select_n3A_481, %min3A_608 : vector<400x256xf32>
    %add3A_729 = arith.constant 4352 : i32
    %add3A_730 = vector.broadcast %add3A_729 : i32 to vector<400x256xi32>
    %add3A_731 = arith.addi %iota3A, %add3A_730 : vector<400x256xi32>
    %jit3A_732 = arith.constant 1073741824 : i32
    %broadcast_in_dim3A_733 = vector.broadcast %jit3A_732 : i32 to vector<400x256xi32>
    %select_n3A_734 = arith.select %eq3A_728, %add3A_731, %broadcast_in_dim3A_733 : vector<400x256xi1>, vector<400x256xi32>
    %eq3A_735 = arith.cmpf oeq, %select_n3A_485, %min3A_608 : vector<400x256xf32>
    %add3A_736 = arith.constant 4608 : i32
    %add3A_737 = vector.broadcast %add3A_736 : i32 to vector<400x256xi32>
    %add3A_738 = arith.addi %iota3A, %add3A_737 : vector<400x256xi32>
    %jit3A_739 = arith.constant 1073741824 : i32
    %broadcast_in_dim3A_740 = vector.broadcast %jit3A_739 : i32 to vector<400x256xi32>
    %select_n3A_741 = arith.select %eq3A_735, %add3A_738, %broadcast_in_dim3A_740 : vector<400x256xi1>, vector<400x256xi32>
    %eq3A_742 = arith.cmpf oeq, %select_n3A_489, %min3A_608 : vector<400x256xf32>
    %add3A_743 = arith.constant 4864 : i32
    %add3A_744 = vector.broadcast %add3A_743 : i32 to vector<400x256xi32>
    %add3A_745 = arith.addi %iota3A, %add3A_744 : vector<400x256xi32>
    %jit3A_746 = arith.constant 1073741824 : i32
    %broadcast_in_dim3A_747 = vector.broadcast %jit3A_746 : i32 to vector<400x256xi32>
    %select_n3A_748 = arith.select %eq3A_742, %add3A_745, %broadcast_in_dim3A_747 : vector<400x256xi1>, vector<400x256xi32>
    %eq3A_749 = arith.cmpf oeq, %select_n3A_493, %min3A_608 : vector<400x256xf32>
    %add3A_750 = arith.constant 5120 : i32
    %add3A_751 = vector.broadcast %add3A_750 : i32 to vector<400x256xi32>
    %add3A_752 = arith.addi %iota3A, %add3A_751 : vector<400x256xi32>
    %jit3A_753 = arith.constant 1073741824 : i32
    %broadcast_in_dim3A_754 = vector.broadcast %jit3A_753 : i32 to vector<400x256xi32>
    %select_n3A_755 = arith.select %eq3A_749, %add3A_752, %broadcast_in_dim3A_754 : vector<400x256xi1>, vector<400x256xi32>
    %eq3A_756 = arith.cmpf oeq, %select_n3A_497, %min3A_608 : vector<400x256xf32>
    %add3A_757 = arith.constant 5376 : i32
    %add3A_758 = vector.broadcast %add3A_757 : i32 to vector<400x256xi32>
    %add3A_759 = arith.addi %iota3A, %add3A_758 : vector<400x256xi32>
    %jit3A_760 = arith.constant 1073741824 : i32
    %broadcast_in_dim3A_761 = vector.broadcast %jit3A_760 : i32 to vector<400x256xi32>
    %select_n3A_762 = arith.select %eq3A_756, %add3A_759, %broadcast_in_dim3A_761 : vector<400x256xi1>, vector<400x256xi32>
    %eq3A_763 = arith.cmpf oeq, %select_n3A_501, %min3A_608 : vector<400x256xf32>
    %add3A_764 = arith.constant 5632 : i32
    %add3A_765 = vector.broadcast %add3A_764 : i32 to vector<400x256xi32>
    %add3A_766 = arith.addi %iota3A, %add3A_765 : vector<400x256xi32>
    %jit3A_767 = arith.constant 1073741824 : i32
    %broadcast_in_dim3A_768 = vector.broadcast %jit3A_767 : i32 to vector<400x256xi32>
    %select_n3A_769 = arith.select %eq3A_763, %add3A_766, %broadcast_in_dim3A_768 : vector<400x256xi1>, vector<400x256xi32>
    %eq3A_770 = arith.cmpf oeq, %select_n3A_505, %min3A_608 : vector<400x256xf32>
    %add3A_771 = arith.constant 5888 : i32
    %add3A_772 = vector.broadcast %add3A_771 : i32 to vector<400x256xi32>
    %add3A_773 = arith.addi %iota3A, %add3A_772 : vector<400x256xi32>
    %jit3A_774 = arith.constant 1073741824 : i32
    %broadcast_in_dim3A_775 = vector.broadcast %jit3A_774 : i32 to vector<400x256xi32>
    %select_n3A_776 = arith.select %eq3A_770, %add3A_773, %broadcast_in_dim3A_775 : vector<400x256xi1>, vector<400x256xi32>
    %eq3A_777 = arith.cmpf oeq, %select_n3A_509, %min3A_608 : vector<400x256xf32>
    %add3A_778 = arith.constant 6144 : i32
    %add3A_779 = vector.broadcast %add3A_778 : i32 to vector<400x256xi32>
    %add3A_780 = arith.addi %iota3A, %add3A_779 : vector<400x256xi32>
    %jit3A_781 = arith.constant 1073741824 : i32
    %broadcast_in_dim3A_782 = vector.broadcast %jit3A_781 : i32 to vector<400x256xi32>
    %select_n3A_783 = arith.select %eq3A_777, %add3A_780, %broadcast_in_dim3A_782 : vector<400x256xi1>, vector<400x256xi32>
    %eq3A_784 = arith.cmpf oeq, %select_n3A_513, %min3A_608 : vector<400x256xf32>
    %add3A_785 = arith.constant 6400 : i32
    %add3A_786 = vector.broadcast %add3A_785 : i32 to vector<400x256xi32>
    %add3A_787 = arith.addi %iota3A, %add3A_786 : vector<400x256xi32>
    %jit3A_788 = arith.constant 1073741824 : i32
    %broadcast_in_dim3A_789 = vector.broadcast %jit3A_788 : i32 to vector<400x256xi32>
    %select_n3A_790 = arith.select %eq3A_784, %add3A_787, %broadcast_in_dim3A_789 : vector<400x256xi1>, vector<400x256xi32>
    %eq3A_791 = arith.cmpf oeq, %select_n3A_517, %min3A_608 : vector<400x256xf32>
    %add3A_792 = arith.constant 6656 : i32
    %add3A_793 = vector.broadcast %add3A_792 : i32 to vector<400x256xi32>
    %add3A_794 = arith.addi %iota3A, %add3A_793 : vector<400x256xi32>
    %jit3A_795 = arith.constant 1073741824 : i32
    %broadcast_in_dim3A_796 = vector.broadcast %jit3A_795 : i32 to vector<400x256xi32>
    %select_n3A_797 = arith.select %eq3A_791, %add3A_794, %broadcast_in_dim3A_796 : vector<400x256xi1>, vector<400x256xi32>
    %eq3A_798 = arith.cmpf oeq, %select_n3A_521, %min3A_608 : vector<400x256xf32>
    %add3A_799 = arith.constant 6912 : i32
    %add3A_800 = vector.broadcast %add3A_799 : i32 to vector<400x256xi32>
    %add3A_801 = arith.addi %iota3A, %add3A_800 : vector<400x256xi32>
    %jit3A_802 = arith.constant 1073741824 : i32
    %broadcast_in_dim3A_803 = vector.broadcast %jit3A_802 : i32 to vector<400x256xi32>
    %select_n3A_804 = arith.select %eq3A_798, %add3A_801, %broadcast_in_dim3A_803 : vector<400x256xi1>, vector<400x256xi32>
    %eq3A_805 = arith.cmpf oeq, %select_n3A_525, %min3A_608 : vector<400x256xf32>
    %add3A_806 = arith.constant 7168 : i32
    %add3A_807 = vector.broadcast %add3A_806 : i32 to vector<400x256xi32>
    %add3A_808 = arith.addi %iota3A, %add3A_807 : vector<400x256xi32>
    %jit3A_809 = arith.constant 1073741824 : i32
    %broadcast_in_dim3A_810 = vector.broadcast %jit3A_809 : i32 to vector<400x256xi32>
    %select_n3A_811 = arith.select %eq3A_805, %add3A_808, %broadcast_in_dim3A_810 : vector<400x256xi1>, vector<400x256xi32>
    %eq3A_812 = arith.cmpf oeq, %select_n3A_529, %min3A_608 : vector<400x256xf32>
    %add3A_813 = arith.constant 7424 : i32
    %add3A_814 = vector.broadcast %add3A_813 : i32 to vector<400x256xi32>
    %add3A_815 = arith.addi %iota3A, %add3A_814 : vector<400x256xi32>
    %jit3A_816 = arith.constant 1073741824 : i32
    %broadcast_in_dim3A_817 = vector.broadcast %jit3A_816 : i32 to vector<400x256xi32>
    %select_n3A_818 = arith.select %eq3A_812, %add3A_815, %broadcast_in_dim3A_817 : vector<400x256xi1>, vector<400x256xi32>
    %eq3A_819 = arith.cmpf oeq, %select_n3A_533, %min3A_608 : vector<400x256xf32>
    %add3A_820 = arith.constant 7680 : i32
    %add3A_821 = vector.broadcast %add3A_820 : i32 to vector<400x256xi32>
    %add3A_822 = arith.addi %iota3A, %add3A_821 : vector<400x256xi32>
    %jit3A_823 = arith.constant 1073741824 : i32
    %broadcast_in_dim3A_824 = vector.broadcast %jit3A_823 : i32 to vector<400x256xi32>
    %select_n3A_825 = arith.select %eq3A_819, %add3A_822, %broadcast_in_dim3A_824 : vector<400x256xi1>, vector<400x256xi32>
    %eq3A_826 = arith.cmpf oeq, %select_n3A_537, %min3A_608 : vector<400x256xf32>
    %add3A_827 = arith.constant 7936 : i32
    %add3A_828 = vector.broadcast %add3A_827 : i32 to vector<400x256xi32>
    %add3A_829 = arith.addi %iota3A, %add3A_828 : vector<400x256xi32>
    %jit3A_830 = arith.constant 1073741824 : i32
    %broadcast_in_dim3A_831 = vector.broadcast %jit3A_830 : i32 to vector<400x256xi32>
    %select_n3A_832 = arith.select %eq3A_826, %add3A_829, %broadcast_in_dim3A_831 : vector<400x256xi1>, vector<400x256xi32>
    %eq3A_833 = arith.cmpf oeq, %select_n3A_541, %min3A_608 : vector<400x256xf32>
    %add3A_834 = arith.constant 8192 : i32
    %add3A_835 = vector.broadcast %add3A_834 : i32 to vector<400x256xi32>
    %add3A_836 = arith.addi %iota3A, %add3A_835 : vector<400x256xi32>
    %jit3A_837 = arith.constant 1073741824 : i32
    %broadcast_in_dim3A_838 = vector.broadcast %jit3A_837 : i32 to vector<400x256xi32>
    %select_n3A_839 = arith.select %eq3A_833, %add3A_836, %broadcast_in_dim3A_838 : vector<400x256xi1>, vector<400x256xi32>
    %eq3A_840 = arith.cmpf oeq, %select_n3A_545, %min3A_608 : vector<400x256xf32>
    %add3A_841 = arith.constant 8448 : i32
    %add3A_842 = vector.broadcast %add3A_841 : i32 to vector<400x256xi32>
    %add3A_843 = arith.addi %iota3A, %add3A_842 : vector<400x256xi32>
    %jit3A_844 = arith.constant 1073741824 : i32
    %broadcast_in_dim3A_845 = vector.broadcast %jit3A_844 : i32 to vector<400x256xi32>
    %select_n3A_846 = arith.select %eq3A_840, %add3A_843, %broadcast_in_dim3A_845 : vector<400x256xi1>, vector<400x256xi32>
    %eq3A_847 = arith.cmpf oeq, %select_n3A_549, %min3A_608 : vector<400x256xf32>
    %add3A_848 = arith.constant 8704 : i32
    %add3A_849 = vector.broadcast %add3A_848 : i32 to vector<400x256xi32>
    %add3A_850 = arith.addi %iota3A, %add3A_849 : vector<400x256xi32>
    %jit3A_851 = arith.constant 1073741824 : i32
    %broadcast_in_dim3A_852 = vector.broadcast %jit3A_851 : i32 to vector<400x256xi32>
    %select_n3A_853 = arith.select %eq3A_847, %add3A_850, %broadcast_in_dim3A_852 : vector<400x256xi1>, vector<400x256xi32>
    %eq3A_854 = arith.cmpf oeq, %select_n3A_553, %min3A_608 : vector<400x256xf32>
    %add3A_855 = arith.constant 8960 : i32
    %add3A_856 = vector.broadcast %add3A_855 : i32 to vector<400x256xi32>
    %add3A_857 = arith.addi %iota3A, %add3A_856 : vector<400x256xi32>
    %jit3A_858 = arith.constant 1073741824 : i32
    %broadcast_in_dim3A_859 = vector.broadcast %jit3A_858 : i32 to vector<400x256xi32>
    %select_n3A_860 = arith.select %eq3A_854, %add3A_857, %broadcast_in_dim3A_859 : vector<400x256xi1>, vector<400x256xi32>
    %eq3A_861 = arith.cmpf oeq, %select_n3A_557, %min3A_608 : vector<400x256xf32>
    %add3A_862 = arith.constant 9216 : i32
    %add3A_863 = vector.broadcast %add3A_862 : i32 to vector<400x256xi32>
    %add3A_864 = arith.addi %iota3A, %add3A_863 : vector<400x256xi32>
    %jit3A_865 = arith.constant 1073741824 : i32
    %broadcast_in_dim3A_866 = vector.broadcast %jit3A_865 : i32 to vector<400x256xi32>
    %select_n3A_867 = arith.select %eq3A_861, %add3A_864, %broadcast_in_dim3A_866 : vector<400x256xi1>, vector<400x256xi32>
    %eq3A_868 = arith.cmpf oeq, %select_n3A_561, %min3A_608 : vector<400x256xf32>
    %add3A_869 = arith.constant 9472 : i32
    %add3A_870 = vector.broadcast %add3A_869 : i32 to vector<400x256xi32>
    %add3A_871 = arith.addi %iota3A, %add3A_870 : vector<400x256xi32>
    %jit3A_872 = arith.constant 1073741824 : i32
    %broadcast_in_dim3A_873 = vector.broadcast %jit3A_872 : i32 to vector<400x256xi32>
    %select_n3A_874 = arith.select %eq3A_868, %add3A_871, %broadcast_in_dim3A_873 : vector<400x256xi1>, vector<400x256xi32>
    %eq3A_875 = arith.cmpf oeq, %select_n3A_565, %min3A_608 : vector<400x256xf32>
    %add3A_876 = arith.constant 9728 : i32
    %add3A_877 = vector.broadcast %add3A_876 : i32 to vector<400x256xi32>
    %add3A_878 = arith.addi %iota3A, %add3A_877 : vector<400x256xi32>
    %jit3A_879 = arith.constant 1073741824 : i32
    %broadcast_in_dim3A_880 = vector.broadcast %jit3A_879 : i32 to vector<400x256xi32>
    %select_n3A_881 = arith.select %eq3A_875, %add3A_878, %broadcast_in_dim3A_880 : vector<400x256xi1>, vector<400x256xi32>
    %eq3A_882 = arith.cmpf oeq, %select_n3A_569, %min3A_608 : vector<400x256xf32>
    %add3A_883 = arith.constant 9984 : i32
    %add3A_884 = vector.broadcast %add3A_883 : i32 to vector<400x256xi32>
    %add3A_885 = arith.addi %iota3A, %add3A_884 : vector<400x256xi32>
    %jit3A_886 = arith.constant 1073741824 : i32
    %broadcast_in_dim3A_887 = vector.broadcast %jit3A_886 : i32 to vector<400x256xi32>
    %select_n3A_888 = arith.select %eq3A_882, %add3A_885, %broadcast_in_dim3A_887 : vector<400x256xi1>, vector<400x256xi32>
    %min3A_889 = arith.minsi %select_n3A_615, %select_n3A_622 : vector<400x256xi32>
    %min3A_890 = arith.minsi %select_n3A_629, %select_n3A_636 : vector<400x256xi32>
    %min3A_891 = arith.minsi %select_n3A_643, %select_n3A_650 : vector<400x256xi32>
    %min3A_892 = arith.minsi %select_n3A_657, %select_n3A_664 : vector<400x256xi32>
    %min3A_893 = arith.minsi %select_n3A_671, %select_n3A_678 : vector<400x256xi32>
    %min3A_894 = arith.minsi %select_n3A_685, %select_n3A_692 : vector<400x256xi32>
    %min3A_895 = arith.minsi %select_n3A_699, %select_n3A_706 : vector<400x256xi32>
    %min3A_896 = arith.minsi %select_n3A_713, %select_n3A_720 : vector<400x256xi32>
    %min3A_897 = arith.minsi %select_n3A_727, %select_n3A_734 : vector<400x256xi32>
    %min3A_898 = arith.minsi %select_n3A_741, %select_n3A_748 : vector<400x256xi32>
    %min3A_899 = arith.minsi %select_n3A_755, %select_n3A_762 : vector<400x256xi32>
    %min3A_900 = arith.minsi %select_n3A_769, %select_n3A_776 : vector<400x256xi32>
    %min3A_901 = arith.minsi %select_n3A_783, %select_n3A_790 : vector<400x256xi32>
    %min3A_902 = arith.minsi %select_n3A_797, %select_n3A_804 : vector<400x256xi32>
    %min3A_903 = arith.minsi %select_n3A_811, %select_n3A_818 : vector<400x256xi32>
    %min3A_904 = arith.minsi %select_n3A_825, %select_n3A_832 : vector<400x256xi32>
    %min3A_905 = arith.minsi %select_n3A_839, %select_n3A_846 : vector<400x256xi32>
    %min3A_906 = arith.minsi %select_n3A_853, %select_n3A_860 : vector<400x256xi32>
    %min3A_907 = arith.minsi %select_n3A_867, %select_n3A_874 : vector<400x256xi32>
    %min3A_908 = arith.minsi %select_n3A_881, %select_n3A_888 : vector<400x256xi32>
    %min3A_909 = arith.minsi %min3A_889, %min3A_890 : vector<400x256xi32>
    %min3A_910 = arith.minsi %min3A_891, %min3A_892 : vector<400x256xi32>
    %min3A_911 = arith.minsi %min3A_893, %min3A_894 : vector<400x256xi32>
    %min3A_912 = arith.minsi %min3A_895, %min3A_896 : vector<400x256xi32>
    %min3A_913 = arith.minsi %min3A_897, %min3A_898 : vector<400x256xi32>
    %min3A_914 = arith.minsi %min3A_899, %min3A_900 : vector<400x256xi32>
    %min3A_915 = arith.minsi %min3A_901, %min3A_902 : vector<400x256xi32>
    %min3A_916 = arith.minsi %min3A_903, %min3A_904 : vector<400x256xi32>
    %min3A_917 = arith.minsi %min3A_905, %min3A_906 : vector<400x256xi32>
    %min3A_918 = arith.minsi %min3A_907, %min3A_908 : vector<400x256xi32>
    %min3A_919 = arith.minsi %min3A_909, %min3A_910 : vector<400x256xi32>
    %min3A_920 = arith.minsi %min3A_911, %min3A_912 : vector<400x256xi32>
    %min3A_921 = arith.minsi %min3A_913, %min3A_914 : vector<400x256xi32>
    %min3A_922 = arith.minsi %min3A_915, %min3A_916 : vector<400x256xi32>
    %min3A_923 = arith.minsi %min3A_917, %min3A_918 : vector<400x256xi32>
    %min3A_924 = arith.minsi %min3A_919, %min3A_920 : vector<400x256xi32>
    %min3A_925 = arith.minsi %min3A_921, %min3A_922 : vector<400x256xi32>
    %min3A_926 = arith.minsi %min3A_924, %min3A_925 : vector<400x256xi32>
    %min3A_927 = arith.minsi %min3A_926, %min3A_923 : vector<400x256xi32>
    %eq3A_928 = arith.cmpf oeq, %select_n3A_413, %min3A_608 : vector<400x256xf32>
    %jit3A_929 = arith.constant 0x7F800000 : f32
    %broadcast_in_dim3A_930 = vector.broadcast %jit3A_929 : f32 to vector<400x256xf32>
    %select_n3A_931 = arith.select %eq3A_928, %broadcast_in_dim3A_930, %select_n3A_413 : vector<400x256xi1>, vector<400x256xf32>
    %eq3A_932 = arith.cmpf oeq, %select_n3A_417, %min3A_608 : vector<400x256xf32>
    %jit3A_933 = arith.constant 0x7F800000 : f32
    %broadcast_in_dim3A_934 = vector.broadcast %jit3A_933 : f32 to vector<400x256xf32>
    %select_n3A_935 = arith.select %eq3A_932, %broadcast_in_dim3A_934, %select_n3A_417 : vector<400x256xi1>, vector<400x256xf32>
    %eq3A_936 = arith.cmpf oeq, %select_n3A_421, %min3A_608 : vector<400x256xf32>
    %jit3A_937 = arith.constant 0x7F800000 : f32
    %broadcast_in_dim3A_938 = vector.broadcast %jit3A_937 : f32 to vector<400x256xf32>
    %select_n3A_939 = arith.select %eq3A_936, %broadcast_in_dim3A_938, %select_n3A_421 : vector<400x256xi1>, vector<400x256xf32>
    %eq3A_940 = arith.cmpf oeq, %select_n3A_425, %min3A_608 : vector<400x256xf32>
    %jit3A_941 = arith.constant 0x7F800000 : f32
    %broadcast_in_dim3A_942 = vector.broadcast %jit3A_941 : f32 to vector<400x256xf32>
    %select_n3A_943 = arith.select %eq3A_940, %broadcast_in_dim3A_942, %select_n3A_425 : vector<400x256xi1>, vector<400x256xf32>
    %eq3A_944 = arith.cmpf oeq, %select_n3A_429, %min3A_608 : vector<400x256xf32>
    %jit3A_945 = arith.constant 0x7F800000 : f32
    %broadcast_in_dim3A_946 = vector.broadcast %jit3A_945 : f32 to vector<400x256xf32>
    %select_n3A_947 = arith.select %eq3A_944, %broadcast_in_dim3A_946, %select_n3A_429 : vector<400x256xi1>, vector<400x256xf32>
    %eq3A_948 = arith.cmpf oeq, %select_n3A_433, %min3A_608 : vector<400x256xf32>
    %jit3A_949 = arith.constant 0x7F800000 : f32
    %broadcast_in_dim3A_950 = vector.broadcast %jit3A_949 : f32 to vector<400x256xf32>
    %select_n3A_951 = arith.select %eq3A_948, %broadcast_in_dim3A_950, %select_n3A_433 : vector<400x256xi1>, vector<400x256xf32>
    %eq3A_952 = arith.cmpf oeq, %select_n3A_437, %min3A_608 : vector<400x256xf32>
    %jit3A_953 = arith.constant 0x7F800000 : f32
    %broadcast_in_dim3A_954 = vector.broadcast %jit3A_953 : f32 to vector<400x256xf32>
    %select_n3A_955 = arith.select %eq3A_952, %broadcast_in_dim3A_954, %select_n3A_437 : vector<400x256xi1>, vector<400x256xf32>
    %eq3A_956 = arith.cmpf oeq, %select_n3A_441, %min3A_608 : vector<400x256xf32>
    %jit3A_957 = arith.constant 0x7F800000 : f32
    %broadcast_in_dim3A_958 = vector.broadcast %jit3A_957 : f32 to vector<400x256xf32>
    %select_n3A_959 = arith.select %eq3A_956, %broadcast_in_dim3A_958, %select_n3A_441 : vector<400x256xi1>, vector<400x256xf32>
    %eq3A_960 = arith.cmpf oeq, %select_n3A_445, %min3A_608 : vector<400x256xf32>
    %jit3A_961 = arith.constant 0x7F800000 : f32
    %broadcast_in_dim3A_962 = vector.broadcast %jit3A_961 : f32 to vector<400x256xf32>
    %select_n3A_963 = arith.select %eq3A_960, %broadcast_in_dim3A_962, %select_n3A_445 : vector<400x256xi1>, vector<400x256xf32>
    %eq3A_964 = arith.cmpf oeq, %select_n3A_449, %min3A_608 : vector<400x256xf32>
    %jit3A_965 = arith.constant 0x7F800000 : f32
    %broadcast_in_dim3A_966 = vector.broadcast %jit3A_965 : f32 to vector<400x256xf32>
    %select_n3A_967 = arith.select %eq3A_964, %broadcast_in_dim3A_966, %select_n3A_449 : vector<400x256xi1>, vector<400x256xf32>
    %eq3A_968 = arith.cmpf oeq, %select_n3A_453, %min3A_608 : vector<400x256xf32>
    %jit3A_969 = arith.constant 0x7F800000 : f32
    %broadcast_in_dim3A_970 = vector.broadcast %jit3A_969 : f32 to vector<400x256xf32>
    %select_n3A_971 = arith.select %eq3A_968, %broadcast_in_dim3A_970, %select_n3A_453 : vector<400x256xi1>, vector<400x256xf32>
    %eq3A_972 = arith.cmpf oeq, %select_n3A_457, %min3A_608 : vector<400x256xf32>
    %jit3A_973 = arith.constant 0x7F800000 : f32
    %broadcast_in_dim3A_974 = vector.broadcast %jit3A_973 : f32 to vector<400x256xf32>
    %select_n3A_975 = arith.select %eq3A_972, %broadcast_in_dim3A_974, %select_n3A_457 : vector<400x256xi1>, vector<400x256xf32>
    %eq3A_976 = arith.cmpf oeq, %select_n3A_461, %min3A_608 : vector<400x256xf32>
    %jit3A_977 = arith.constant 0x7F800000 : f32
    %broadcast_in_dim3A_978 = vector.broadcast %jit3A_977 : f32 to vector<400x256xf32>
    %select_n3A_979 = arith.select %eq3A_976, %broadcast_in_dim3A_978, %select_n3A_461 : vector<400x256xi1>, vector<400x256xf32>
    %eq3A_980 = arith.cmpf oeq, %select_n3A_465, %min3A_608 : vector<400x256xf32>
    %jit3A_981 = arith.constant 0x7F800000 : f32
    %broadcast_in_dim3A_982 = vector.broadcast %jit3A_981 : f32 to vector<400x256xf32>
    %select_n3A_983 = arith.select %eq3A_980, %broadcast_in_dim3A_982, %select_n3A_465 : vector<400x256xi1>, vector<400x256xf32>
    %eq3A_984 = arith.cmpf oeq, %select_n3A_469, %min3A_608 : vector<400x256xf32>
    %jit3A_985 = arith.constant 0x7F800000 : f32
    %broadcast_in_dim3A_986 = vector.broadcast %jit3A_985 : f32 to vector<400x256xf32>
    %select_n3A_987 = arith.select %eq3A_984, %broadcast_in_dim3A_986, %select_n3A_469 : vector<400x256xi1>, vector<400x256xf32>
    %eq3A_988 = arith.cmpf oeq, %select_n3A_473, %min3A_608 : vector<400x256xf32>
    %jit3A_989 = arith.constant 0x7F800000 : f32
    %broadcast_in_dim3A_990 = vector.broadcast %jit3A_989 : f32 to vector<400x256xf32>
    %select_n3A_991 = arith.select %eq3A_988, %broadcast_in_dim3A_990, %select_n3A_473 : vector<400x256xi1>, vector<400x256xf32>
    %eq3A_992 = arith.cmpf oeq, %select_n3A_477, %min3A_608 : vector<400x256xf32>
    %jit3A_993 = arith.constant 0x7F800000 : f32
    %broadcast_in_dim3A_994 = vector.broadcast %jit3A_993 : f32 to vector<400x256xf32>
    %select_n3A_995 = arith.select %eq3A_992, %broadcast_in_dim3A_994, %select_n3A_477 : vector<400x256xi1>, vector<400x256xf32>
    %eq3A_996 = arith.cmpf oeq, %select_n3A_481, %min3A_608 : vector<400x256xf32>
    %jit3A_997 = arith.constant 0x7F800000 : f32
    %broadcast_in_dim3A_998 = vector.broadcast %jit3A_997 : f32 to vector<400x256xf32>
    %select_n3A_999 = arith.select %eq3A_996, %broadcast_in_dim3A_998, %select_n3A_481 : vector<400x256xi1>, vector<400x256xf32>
    %eq3A_1000 = arith.cmpf oeq, %select_n3A_485, %min3A_608 : vector<400x256xf32>
    %jit3A_1001 = arith.constant 0x7F800000 : f32
    %broadcast_in_dim3A_1002 = vector.broadcast %jit3A_1001 : f32 to vector<400x256xf32>
    %select_n3A_1003 = arith.select %eq3A_1000, %broadcast_in_dim3A_1002, %select_n3A_485 : vector<400x256xi1>, vector<400x256xf32>
    %eq3A_1004 = arith.cmpf oeq, %select_n3A_489, %min3A_608 : vector<400x256xf32>
    %jit3A_1005 = arith.constant 0x7F800000 : f32
    %broadcast_in_dim3A_1006 = vector.broadcast %jit3A_1005 : f32 to vector<400x256xf32>
    %select_n3A_1007 = arith.select %eq3A_1004, %broadcast_in_dim3A_1006, %select_n3A_489 : vector<400x256xi1>, vector<400x256xf32>
    %eq3A_1008 = arith.cmpf oeq, %select_n3A_493, %min3A_608 : vector<400x256xf32>
    %jit3A_1009 = arith.constant 0x7F800000 : f32
    %broadcast_in_dim3A_1010 = vector.broadcast %jit3A_1009 : f32 to vector<400x256xf32>
    %select_n3A_1011 = arith.select %eq3A_1008, %broadcast_in_dim3A_1010, %select_n3A_493 : vector<400x256xi1>, vector<400x256xf32>
    %eq3A_1012 = arith.cmpf oeq, %select_n3A_497, %min3A_608 : vector<400x256xf32>
    %jit3A_1013 = arith.constant 0x7F800000 : f32
    %broadcast_in_dim3A_1014 = vector.broadcast %jit3A_1013 : f32 to vector<400x256xf32>
    %select_n3A_1015 = arith.select %eq3A_1012, %broadcast_in_dim3A_1014, %select_n3A_497 : vector<400x256xi1>, vector<400x256xf32>
    %eq3A_1016 = arith.cmpf oeq, %select_n3A_501, %min3A_608 : vector<400x256xf32>
    %jit3A_1017 = arith.constant 0x7F800000 : f32
    %broadcast_in_dim3A_1018 = vector.broadcast %jit3A_1017 : f32 to vector<400x256xf32>
    %select_n3A_1019 = arith.select %eq3A_1016, %broadcast_in_dim3A_1018, %select_n3A_501 : vector<400x256xi1>, vector<400x256xf32>
    %eq3A_1020 = arith.cmpf oeq, %select_n3A_505, %min3A_608 : vector<400x256xf32>
    %jit3A_1021 = arith.constant 0x7F800000 : f32
    %broadcast_in_dim3A_1022 = vector.broadcast %jit3A_1021 : f32 to vector<400x256xf32>
    %select_n3A_1023 = arith.select %eq3A_1020, %broadcast_in_dim3A_1022, %select_n3A_505 : vector<400x256xi1>, vector<400x256xf32>
    %eq3A_1024 = arith.cmpf oeq, %select_n3A_509, %min3A_608 : vector<400x256xf32>
    %jit3A_1025 = arith.constant 0x7F800000 : f32
    %broadcast_in_dim3A_1026 = vector.broadcast %jit3A_1025 : f32 to vector<400x256xf32>
    %select_n3A_1027 = arith.select %eq3A_1024, %broadcast_in_dim3A_1026, %select_n3A_509 : vector<400x256xi1>, vector<400x256xf32>
    %eq3A_1028 = arith.cmpf oeq, %select_n3A_513, %min3A_608 : vector<400x256xf32>
    %jit3A_1029 = arith.constant 0x7F800000 : f32
    %broadcast_in_dim3A_1030 = vector.broadcast %jit3A_1029 : f32 to vector<400x256xf32>
    %select_n3A_1031 = arith.select %eq3A_1028, %broadcast_in_dim3A_1030, %select_n3A_513 : vector<400x256xi1>, vector<400x256xf32>
    %eq3A_1032 = arith.cmpf oeq, %select_n3A_517, %min3A_608 : vector<400x256xf32>
    %jit3A_1033 = arith.constant 0x7F800000 : f32
    %broadcast_in_dim3A_1034 = vector.broadcast %jit3A_1033 : f32 to vector<400x256xf32>
    %select_n3A_1035 = arith.select %eq3A_1032, %broadcast_in_dim3A_1034, %select_n3A_517 : vector<400x256xi1>, vector<400x256xf32>
    %eq3A_1036 = arith.cmpf oeq, %select_n3A_521, %min3A_608 : vector<400x256xf32>
    %jit3A_1037 = arith.constant 0x7F800000 : f32
    %broadcast_in_dim3A_1038 = vector.broadcast %jit3A_1037 : f32 to vector<400x256xf32>
    %select_n3A_1039 = arith.select %eq3A_1036, %broadcast_in_dim3A_1038, %select_n3A_521 : vector<400x256xi1>, vector<400x256xf32>
    %eq3A_1040 = arith.cmpf oeq, %select_n3A_525, %min3A_608 : vector<400x256xf32>
    %jit3A_1041 = arith.constant 0x7F800000 : f32
    %broadcast_in_dim3A_1042 = vector.broadcast %jit3A_1041 : f32 to vector<400x256xf32>
    %select_n3A_1043 = arith.select %eq3A_1040, %broadcast_in_dim3A_1042, %select_n3A_525 : vector<400x256xi1>, vector<400x256xf32>
    %eq3A_1044 = arith.cmpf oeq, %select_n3A_529, %min3A_608 : vector<400x256xf32>
    %jit3A_1045 = arith.constant 0x7F800000 : f32
    %broadcast_in_dim3A_1046 = vector.broadcast %jit3A_1045 : f32 to vector<400x256xf32>
    %select_n3A_1047 = arith.select %eq3A_1044, %broadcast_in_dim3A_1046, %select_n3A_529 : vector<400x256xi1>, vector<400x256xf32>
    %eq3A_1048 = arith.cmpf oeq, %select_n3A_533, %min3A_608 : vector<400x256xf32>
    %jit3A_1049 = arith.constant 0x7F800000 : f32
    %broadcast_in_dim3A_1050 = vector.broadcast %jit3A_1049 : f32 to vector<400x256xf32>
    %select_n3A_1051 = arith.select %eq3A_1048, %broadcast_in_dim3A_1050, %select_n3A_533 : vector<400x256xi1>, vector<400x256xf32>
    %eq3A_1052 = arith.cmpf oeq, %select_n3A_537, %min3A_608 : vector<400x256xf32>
    %jit3A_1053 = arith.constant 0x7F800000 : f32
    %broadcast_in_dim3A_1054 = vector.broadcast %jit3A_1053 : f32 to vector<400x256xf32>
    %select_n3A_1055 = arith.select %eq3A_1052, %broadcast_in_dim3A_1054, %select_n3A_537 : vector<400x256xi1>, vector<400x256xf32>
    %eq3A_1056 = arith.cmpf oeq, %select_n3A_541, %min3A_608 : vector<400x256xf32>
    %jit3A_1057 = arith.constant 0x7F800000 : f32
    %broadcast_in_dim3A_1058 = vector.broadcast %jit3A_1057 : f32 to vector<400x256xf32>
    %select_n3A_1059 = arith.select %eq3A_1056, %broadcast_in_dim3A_1058, %select_n3A_541 : vector<400x256xi1>, vector<400x256xf32>
    %eq3A_1060 = arith.cmpf oeq, %select_n3A_545, %min3A_608 : vector<400x256xf32>
    %jit3A_1061 = arith.constant 0x7F800000 : f32
    %broadcast_in_dim3A_1062 = vector.broadcast %jit3A_1061 : f32 to vector<400x256xf32>
    %select_n3A_1063 = arith.select %eq3A_1060, %broadcast_in_dim3A_1062, %select_n3A_545 : vector<400x256xi1>, vector<400x256xf32>
    %eq3A_1064 = arith.cmpf oeq, %select_n3A_549, %min3A_608 : vector<400x256xf32>
    %jit3A_1065 = arith.constant 0x7F800000 : f32
    %broadcast_in_dim3A_1066 = vector.broadcast %jit3A_1065 : f32 to vector<400x256xf32>
    %select_n3A_1067 = arith.select %eq3A_1064, %broadcast_in_dim3A_1066, %select_n3A_549 : vector<400x256xi1>, vector<400x256xf32>
    %eq3A_1068 = arith.cmpf oeq, %select_n3A_553, %min3A_608 : vector<400x256xf32>
    %jit3A_1069 = arith.constant 0x7F800000 : f32
    %broadcast_in_dim3A_1070 = vector.broadcast %jit3A_1069 : f32 to vector<400x256xf32>
    %select_n3A_1071 = arith.select %eq3A_1068, %broadcast_in_dim3A_1070, %select_n3A_553 : vector<400x256xi1>, vector<400x256xf32>
    %eq3A_1072 = arith.cmpf oeq, %select_n3A_557, %min3A_608 : vector<400x256xf32>
    %jit3A_1073 = arith.constant 0x7F800000 : f32
    %broadcast_in_dim3A_1074 = vector.broadcast %jit3A_1073 : f32 to vector<400x256xf32>
    %select_n3A_1075 = arith.select %eq3A_1072, %broadcast_in_dim3A_1074, %select_n3A_557 : vector<400x256xi1>, vector<400x256xf32>
    %eq3A_1076 = arith.cmpf oeq, %select_n3A_561, %min3A_608 : vector<400x256xf32>
    %jit3A_1077 = arith.constant 0x7F800000 : f32
    %broadcast_in_dim3A_1078 = vector.broadcast %jit3A_1077 : f32 to vector<400x256xf32>
    %select_n3A_1079 = arith.select %eq3A_1076, %broadcast_in_dim3A_1078, %select_n3A_561 : vector<400x256xi1>, vector<400x256xf32>
    %eq3A_1080 = arith.cmpf oeq, %select_n3A_565, %min3A_608 : vector<400x256xf32>
    %jit3A_1081 = arith.constant 0x7F800000 : f32
    %broadcast_in_dim3A_1082 = vector.broadcast %jit3A_1081 : f32 to vector<400x256xf32>
    %select_n3A_1083 = arith.select %eq3A_1080, %broadcast_in_dim3A_1082, %select_n3A_565 : vector<400x256xi1>, vector<400x256xf32>
    %eq3A_1084 = arith.cmpf oeq, %select_n3A_569, %min3A_608 : vector<400x256xf32>
    %jit3A_1085 = arith.constant 0x7F800000 : f32
    %broadcast_in_dim3A_1086 = vector.broadcast %jit3A_1085 : f32 to vector<400x256xf32>
    %select_n3A_1087 = arith.select %eq3A_1084, %broadcast_in_dim3A_1086, %select_n3A_569 : vector<400x256xi1>, vector<400x256xf32>
    %min3A_1088 = arith.minimumf %select_n3A_931, %select_n3A_935 : vector<400x256xf32>
    %min3A_1089 = arith.minimumf %select_n3A_939, %select_n3A_943 : vector<400x256xf32>
    %min3A_1090 = arith.minimumf %select_n3A_947, %select_n3A_951 : vector<400x256xf32>
    %min3A_1091 = arith.minimumf %select_n3A_955, %select_n3A_959 : vector<400x256xf32>
    %min3A_1092 = arith.minimumf %select_n3A_963, %select_n3A_967 : vector<400x256xf32>
    %min3A_1093 = arith.minimumf %select_n3A_971, %select_n3A_975 : vector<400x256xf32>
    %min3A_1094 = arith.minimumf %select_n3A_979, %select_n3A_983 : vector<400x256xf32>
    %min3A_1095 = arith.minimumf %select_n3A_987, %select_n3A_991 : vector<400x256xf32>
    %min3A_1096 = arith.minimumf %select_n3A_995, %select_n3A_999 : vector<400x256xf32>
    %min3A_1097 = arith.minimumf %select_n3A_1003, %select_n3A_1007 : vector<400x256xf32>
    %min3A_1098 = arith.minimumf %select_n3A_1011, %select_n3A_1015 : vector<400x256xf32>
    %min3A_1099 = arith.minimumf %select_n3A_1019, %select_n3A_1023 : vector<400x256xf32>
    %min3A_1100 = arith.minimumf %select_n3A_1027, %select_n3A_1031 : vector<400x256xf32>
    %min3A_1101 = arith.minimumf %select_n3A_1035, %select_n3A_1039 : vector<400x256xf32>
    %min3A_1102 = arith.minimumf %select_n3A_1043, %select_n3A_1047 : vector<400x256xf32>
    %min3A_1103 = arith.minimumf %select_n3A_1051, %select_n3A_1055 : vector<400x256xf32>
    %min3A_1104 = arith.minimumf %select_n3A_1059, %select_n3A_1063 : vector<400x256xf32>
    %min3A_1105 = arith.minimumf %select_n3A_1067, %select_n3A_1071 : vector<400x256xf32>
    %min3A_1106 = arith.minimumf %select_n3A_1075, %select_n3A_1079 : vector<400x256xf32>
    %min3A_1107 = arith.minimumf %select_n3A_1083, %select_n3A_1087 : vector<400x256xf32>
    %min3A_1108 = arith.minimumf %min3A_1088, %min3A_1089 : vector<400x256xf32>
    %min3A_1109 = arith.minimumf %min3A_1090, %min3A_1091 : vector<400x256xf32>
    %min3A_1110 = arith.minimumf %min3A_1092, %min3A_1093 : vector<400x256xf32>
    %min3A_1111 = arith.minimumf %min3A_1094, %min3A_1095 : vector<400x256xf32>
    %min3A_1112 = arith.minimumf %min3A_1096, %min3A_1097 : vector<400x256xf32>
    %min3A_1113 = arith.minimumf %min3A_1098, %min3A_1099 : vector<400x256xf32>
    %min3A_1114 = arith.minimumf %min3A_1100, %min3A_1101 : vector<400x256xf32>
    %min3A_1115 = arith.minimumf %min3A_1102, %min3A_1103 : vector<400x256xf32>
    %min3A_1116 = arith.minimumf %min3A_1104, %min3A_1105 : vector<400x256xf32>
    %min3A_1117 = arith.minimumf %min3A_1106, %min3A_1107 : vector<400x256xf32>
    %min3A_1118 = arith.minimumf %min3A_1108, %min3A_1109 : vector<400x256xf32>
    %min3A_1119 = arith.minimumf %min3A_1110, %min3A_1111 : vector<400x256xf32>
    %min3A_1120 = arith.minimumf %min3A_1112, %min3A_1113 : vector<400x256xf32>
    %min3A_1121 = arith.minimumf %min3A_1114, %min3A_1115 : vector<400x256xf32>
    %min3A_1122 = arith.minimumf %min3A_1116, %min3A_1117 : vector<400x256xf32>
    %min3A_1123 = arith.minimumf %min3A_1118, %min3A_1119 : vector<400x256xf32>
    %min3A_1124 = arith.minimumf %min3A_1120, %min3A_1121 : vector<400x256xf32>
    %min3A_1125 = arith.minimumf %min3A_1123, %min3A_1124 : vector<400x256xf32>
    %min3A_1126 = arith.minimumf %min3A_1125, %min3A_1122 : vector<400x256xf32>
    %eq3A_1127 = arith.cmpf oeq, %select_n3A_931, %min3A_1126 : vector<400x256xf32>
    %add3A_1128 = arith.constant 0 : i32
    %add3A_1129 = vector.broadcast %add3A_1128 : i32 to vector<400x256xi32>
    %add3A_1130 = arith.addi %iota3A, %add3A_1129 : vector<400x256xi32>
    %jit3A_1131 = arith.constant 1073741824 : i32
    %broadcast_in_dim3A_1132 = vector.broadcast %jit3A_1131 : i32 to vector<400x256xi32>
    %select_n3A_1133 = arith.select %eq3A_1127, %add3A_1130, %broadcast_in_dim3A_1132 : vector<400x256xi1>, vector<400x256xi32>
    %eq3A_1134 = arith.cmpf oeq, %select_n3A_935, %min3A_1126 : vector<400x256xf32>
    %add3A_1135 = arith.constant 256 : i32
    %add3A_1136 = vector.broadcast %add3A_1135 : i32 to vector<400x256xi32>
    %add3A_1137 = arith.addi %iota3A, %add3A_1136 : vector<400x256xi32>
    %jit3A_1138 = arith.constant 1073741824 : i32
    %broadcast_in_dim3A_1139 = vector.broadcast %jit3A_1138 : i32 to vector<400x256xi32>
    %select_n3A_1140 = arith.select %eq3A_1134, %add3A_1137, %broadcast_in_dim3A_1139 : vector<400x256xi1>, vector<400x256xi32>
    %eq3A_1141 = arith.cmpf oeq, %select_n3A_939, %min3A_1126 : vector<400x256xf32>
    %add3A_1142 = arith.constant 512 : i32
    %add3A_1143 = vector.broadcast %add3A_1142 : i32 to vector<400x256xi32>
    %add3A_1144 = arith.addi %iota3A, %add3A_1143 : vector<400x256xi32>
    %jit3A_1145 = arith.constant 1073741824 : i32
    %broadcast_in_dim3A_1146 = vector.broadcast %jit3A_1145 : i32 to vector<400x256xi32>
    %select_n3A_1147 = arith.select %eq3A_1141, %add3A_1144, %broadcast_in_dim3A_1146 : vector<400x256xi1>, vector<400x256xi32>
    %eq3A_1148 = arith.cmpf oeq, %select_n3A_943, %min3A_1126 : vector<400x256xf32>
    %add3A_1149 = arith.constant 768 : i32
    %add3A_1150 = vector.broadcast %add3A_1149 : i32 to vector<400x256xi32>
    %add3A_1151 = arith.addi %iota3A, %add3A_1150 : vector<400x256xi32>
    %jit3A_1152 = arith.constant 1073741824 : i32
    %broadcast_in_dim3A_1153 = vector.broadcast %jit3A_1152 : i32 to vector<400x256xi32>
    %select_n3A_1154 = arith.select %eq3A_1148, %add3A_1151, %broadcast_in_dim3A_1153 : vector<400x256xi1>, vector<400x256xi32>
    %eq3A_1155 = arith.cmpf oeq, %select_n3A_947, %min3A_1126 : vector<400x256xf32>
    %add3A_1156 = arith.constant 1024 : i32
    %add3A_1157 = vector.broadcast %add3A_1156 : i32 to vector<400x256xi32>
    %add3A_1158 = arith.addi %iota3A, %add3A_1157 : vector<400x256xi32>
    %jit3A_1159 = arith.constant 1073741824 : i32
    %broadcast_in_dim3A_1160 = vector.broadcast %jit3A_1159 : i32 to vector<400x256xi32>
    %select_n3A_1161 = arith.select %eq3A_1155, %add3A_1158, %broadcast_in_dim3A_1160 : vector<400x256xi1>, vector<400x256xi32>
    %eq3A_1162 = arith.cmpf oeq, %select_n3A_951, %min3A_1126 : vector<400x256xf32>
    %add3A_1163 = arith.constant 1280 : i32
    %add3A_1164 = vector.broadcast %add3A_1163 : i32 to vector<400x256xi32>
    %add3A_1165 = arith.addi %iota3A, %add3A_1164 : vector<400x256xi32>
    %jit3A_1166 = arith.constant 1073741824 : i32
    %broadcast_in_dim3A_1167 = vector.broadcast %jit3A_1166 : i32 to vector<400x256xi32>
    %select_n3A_1168 = arith.select %eq3A_1162, %add3A_1165, %broadcast_in_dim3A_1167 : vector<400x256xi1>, vector<400x256xi32>
    %eq3A_1169 = arith.cmpf oeq, %select_n3A_955, %min3A_1126 : vector<400x256xf32>
    %add3A_1170 = arith.constant 1536 : i32
    %add3A_1171 = vector.broadcast %add3A_1170 : i32 to vector<400x256xi32>
    %add3A_1172 = arith.addi %iota3A, %add3A_1171 : vector<400x256xi32>
    %jit3A_1173 = arith.constant 1073741824 : i32
    %broadcast_in_dim3A_1174 = vector.broadcast %jit3A_1173 : i32 to vector<400x256xi32>
    %select_n3A_1175 = arith.select %eq3A_1169, %add3A_1172, %broadcast_in_dim3A_1174 : vector<400x256xi1>, vector<400x256xi32>
    %eq3A_1176 = arith.cmpf oeq, %select_n3A_959, %min3A_1126 : vector<400x256xf32>
    %add3A_1177 = arith.constant 1792 : i32
    %add3A_1178 = vector.broadcast %add3A_1177 : i32 to vector<400x256xi32>
    %add3A_1179 = arith.addi %iota3A, %add3A_1178 : vector<400x256xi32>
    %jit3A_1180 = arith.constant 1073741824 : i32
    %broadcast_in_dim3A_1181 = vector.broadcast %jit3A_1180 : i32 to vector<400x256xi32>
    %select_n3A_1182 = arith.select %eq3A_1176, %add3A_1179, %broadcast_in_dim3A_1181 : vector<400x256xi1>, vector<400x256xi32>
    %eq3A_1183 = arith.cmpf oeq, %select_n3A_963, %min3A_1126 : vector<400x256xf32>
    %add3A_1184 = arith.constant 2048 : i32
    %add3A_1185 = vector.broadcast %add3A_1184 : i32 to vector<400x256xi32>
    %add3A_1186 = arith.addi %iota3A, %add3A_1185 : vector<400x256xi32>
    %jit3A_1187 = arith.constant 1073741824 : i32
    %broadcast_in_dim3A_1188 = vector.broadcast %jit3A_1187 : i32 to vector<400x256xi32>
    %select_n3A_1189 = arith.select %eq3A_1183, %add3A_1186, %broadcast_in_dim3A_1188 : vector<400x256xi1>, vector<400x256xi32>
    %eq3A_1190 = arith.cmpf oeq, %select_n3A_967, %min3A_1126 : vector<400x256xf32>
    %add3A_1191 = arith.constant 2304 : i32
    %add3A_1192 = vector.broadcast %add3A_1191 : i32 to vector<400x256xi32>
    %add3A_1193 = arith.addi %iota3A, %add3A_1192 : vector<400x256xi32>
    %jit3A_1194 = arith.constant 1073741824 : i32
    %broadcast_in_dim3A_1195 = vector.broadcast %jit3A_1194 : i32 to vector<400x256xi32>
    %select_n3A_1196 = arith.select %eq3A_1190, %add3A_1193, %broadcast_in_dim3A_1195 : vector<400x256xi1>, vector<400x256xi32>
    %eq3A_1197 = arith.cmpf oeq, %select_n3A_971, %min3A_1126 : vector<400x256xf32>
    %add3A_1198 = arith.constant 2560 : i32
    %add3A_1199 = vector.broadcast %add3A_1198 : i32 to vector<400x256xi32>
    %add3A_1200 = arith.addi %iota3A, %add3A_1199 : vector<400x256xi32>
    %jit3A_1201 = arith.constant 1073741824 : i32
    %broadcast_in_dim3A_1202 = vector.broadcast %jit3A_1201 : i32 to vector<400x256xi32>
    %select_n3A_1203 = arith.select %eq3A_1197, %add3A_1200, %broadcast_in_dim3A_1202 : vector<400x256xi1>, vector<400x256xi32>
    %eq3A_1204 = arith.cmpf oeq, %select_n3A_975, %min3A_1126 : vector<400x256xf32>
    %add3A_1205 = arith.constant 2816 : i32
    %add3A_1206 = vector.broadcast %add3A_1205 : i32 to vector<400x256xi32>
    %add3A_1207 = arith.addi %iota3A, %add3A_1206 : vector<400x256xi32>
    %jit3A_1208 = arith.constant 1073741824 : i32
    %broadcast_in_dim3A_1209 = vector.broadcast %jit3A_1208 : i32 to vector<400x256xi32>
    %select_n3A_1210 = arith.select %eq3A_1204, %add3A_1207, %broadcast_in_dim3A_1209 : vector<400x256xi1>, vector<400x256xi32>
    %eq3A_1211 = arith.cmpf oeq, %select_n3A_979, %min3A_1126 : vector<400x256xf32>
    %add3A_1212 = arith.constant 3072 : i32
    %add3A_1213 = vector.broadcast %add3A_1212 : i32 to vector<400x256xi32>
    %add3A_1214 = arith.addi %iota3A, %add3A_1213 : vector<400x256xi32>
    %jit3A_1215 = arith.constant 1073741824 : i32
    %broadcast_in_dim3A_1216 = vector.broadcast %jit3A_1215 : i32 to vector<400x256xi32>
    %select_n3A_1217 = arith.select %eq3A_1211, %add3A_1214, %broadcast_in_dim3A_1216 : vector<400x256xi1>, vector<400x256xi32>
    %eq3A_1218 = arith.cmpf oeq, %select_n3A_983, %min3A_1126 : vector<400x256xf32>
    %add3A_1219 = arith.constant 3328 : i32
    %add3A_1220 = vector.broadcast %add3A_1219 : i32 to vector<400x256xi32>
    %add3A_1221 = arith.addi %iota3A, %add3A_1220 : vector<400x256xi32>
    %jit3A_1222 = arith.constant 1073741824 : i32
    %broadcast_in_dim3A_1223 = vector.broadcast %jit3A_1222 : i32 to vector<400x256xi32>
    %select_n3A_1224 = arith.select %eq3A_1218, %add3A_1221, %broadcast_in_dim3A_1223 : vector<400x256xi1>, vector<400x256xi32>
    %eq3A_1225 = arith.cmpf oeq, %select_n3A_987, %min3A_1126 : vector<400x256xf32>
    %add3A_1226 = arith.constant 3584 : i32
    %add3A_1227 = vector.broadcast %add3A_1226 : i32 to vector<400x256xi32>
    %add3A_1228 = arith.addi %iota3A, %add3A_1227 : vector<400x256xi32>
    %jit3A_1229 = arith.constant 1073741824 : i32
    %broadcast_in_dim3A_1230 = vector.broadcast %jit3A_1229 : i32 to vector<400x256xi32>
    %select_n3A_1231 = arith.select %eq3A_1225, %add3A_1228, %broadcast_in_dim3A_1230 : vector<400x256xi1>, vector<400x256xi32>
    %eq3A_1232 = arith.cmpf oeq, %select_n3A_991, %min3A_1126 : vector<400x256xf32>
    %add3A_1233 = arith.constant 3840 : i32
    %add3A_1234 = vector.broadcast %add3A_1233 : i32 to vector<400x256xi32>
    %add3A_1235 = arith.addi %iota3A, %add3A_1234 : vector<400x256xi32>
    %jit3A_1236 = arith.constant 1073741824 : i32
    %broadcast_in_dim3A_1237 = vector.broadcast %jit3A_1236 : i32 to vector<400x256xi32>
    %select_n3A_1238 = arith.select %eq3A_1232, %add3A_1235, %broadcast_in_dim3A_1237 : vector<400x256xi1>, vector<400x256xi32>
    %eq3A_1239 = arith.cmpf oeq, %select_n3A_995, %min3A_1126 : vector<400x256xf32>
    %add3A_1240 = arith.constant 4096 : i32
    %add3A_1241 = vector.broadcast %add3A_1240 : i32 to vector<400x256xi32>
    %add3A_1242 = arith.addi %iota3A, %add3A_1241 : vector<400x256xi32>
    %jit3A_1243 = arith.constant 1073741824 : i32
    %broadcast_in_dim3A_1244 = vector.broadcast %jit3A_1243 : i32 to vector<400x256xi32>
    %select_n3A_1245 = arith.select %eq3A_1239, %add3A_1242, %broadcast_in_dim3A_1244 : vector<400x256xi1>, vector<400x256xi32>
    %eq3A_1246 = arith.cmpf oeq, %select_n3A_999, %min3A_1126 : vector<400x256xf32>
    %add3A_1247 = arith.constant 4352 : i32
    %add3A_1248 = vector.broadcast %add3A_1247 : i32 to vector<400x256xi32>
    %add3A_1249 = arith.addi %iota3A, %add3A_1248 : vector<400x256xi32>
    %jit3A_1250 = arith.constant 1073741824 : i32
    %broadcast_in_dim3A_1251 = vector.broadcast %jit3A_1250 : i32 to vector<400x256xi32>
    %select_n3A_1252 = arith.select %eq3A_1246, %add3A_1249, %broadcast_in_dim3A_1251 : vector<400x256xi1>, vector<400x256xi32>
    %eq3A_1253 = arith.cmpf oeq, %select_n3A_1003, %min3A_1126 : vector<400x256xf32>
    %add3A_1254 = arith.constant 4608 : i32
    %add3A_1255 = vector.broadcast %add3A_1254 : i32 to vector<400x256xi32>
    %add3A_1256 = arith.addi %iota3A, %add3A_1255 : vector<400x256xi32>
    %jit3A_1257 = arith.constant 1073741824 : i32
    %broadcast_in_dim3A_1258 = vector.broadcast %jit3A_1257 : i32 to vector<400x256xi32>
    %select_n3A_1259 = arith.select %eq3A_1253, %add3A_1256, %broadcast_in_dim3A_1258 : vector<400x256xi1>, vector<400x256xi32>
    %eq3A_1260 = arith.cmpf oeq, %select_n3A_1007, %min3A_1126 : vector<400x256xf32>
    %add3A_1261 = arith.constant 4864 : i32
    %add3A_1262 = vector.broadcast %add3A_1261 : i32 to vector<400x256xi32>
    %add3A_1263 = arith.addi %iota3A, %add3A_1262 : vector<400x256xi32>
    %jit3A_1264 = arith.constant 1073741824 : i32
    %broadcast_in_dim3A_1265 = vector.broadcast %jit3A_1264 : i32 to vector<400x256xi32>
    %select_n3A_1266 = arith.select %eq3A_1260, %add3A_1263, %broadcast_in_dim3A_1265 : vector<400x256xi1>, vector<400x256xi32>
    %eq3A_1267 = arith.cmpf oeq, %select_n3A_1011, %min3A_1126 : vector<400x256xf32>
    %add3A_1268 = arith.constant 5120 : i32
    %add3A_1269 = vector.broadcast %add3A_1268 : i32 to vector<400x256xi32>
    %add3A_1270 = arith.addi %iota3A, %add3A_1269 : vector<400x256xi32>
    %jit3A_1271 = arith.constant 1073741824 : i32
    %broadcast_in_dim3A_1272 = vector.broadcast %jit3A_1271 : i32 to vector<400x256xi32>
    %select_n3A_1273 = arith.select %eq3A_1267, %add3A_1270, %broadcast_in_dim3A_1272 : vector<400x256xi1>, vector<400x256xi32>
    %eq3A_1274 = arith.cmpf oeq, %select_n3A_1015, %min3A_1126 : vector<400x256xf32>
    %add3A_1275 = arith.constant 5376 : i32
    %add3A_1276 = vector.broadcast %add3A_1275 : i32 to vector<400x256xi32>
    %add3A_1277 = arith.addi %iota3A, %add3A_1276 : vector<400x256xi32>
    %jit3A_1278 = arith.constant 1073741824 : i32
    %broadcast_in_dim3A_1279 = vector.broadcast %jit3A_1278 : i32 to vector<400x256xi32>
    %select_n3A_1280 = arith.select %eq3A_1274, %add3A_1277, %broadcast_in_dim3A_1279 : vector<400x256xi1>, vector<400x256xi32>
    %eq3A_1281 = arith.cmpf oeq, %select_n3A_1019, %min3A_1126 : vector<400x256xf32>
    %add3A_1282 = arith.constant 5632 : i32
    %add3A_1283 = vector.broadcast %add3A_1282 : i32 to vector<400x256xi32>
    %add3A_1284 = arith.addi %iota3A, %add3A_1283 : vector<400x256xi32>
    %jit3A_1285 = arith.constant 1073741824 : i32
    %broadcast_in_dim3A_1286 = vector.broadcast %jit3A_1285 : i32 to vector<400x256xi32>
    %select_n3A_1287 = arith.select %eq3A_1281, %add3A_1284, %broadcast_in_dim3A_1286 : vector<400x256xi1>, vector<400x256xi32>
    %eq3A_1288 = arith.cmpf oeq, %select_n3A_1023, %min3A_1126 : vector<400x256xf32>
    %add3A_1289 = arith.constant 5888 : i32
    %add3A_1290 = vector.broadcast %add3A_1289 : i32 to vector<400x256xi32>
    %add3A_1291 = arith.addi %iota3A, %add3A_1290 : vector<400x256xi32>
    %jit3A_1292 = arith.constant 1073741824 : i32
    %broadcast_in_dim3A_1293 = vector.broadcast %jit3A_1292 : i32 to vector<400x256xi32>
    %select_n3A_1294 = arith.select %eq3A_1288, %add3A_1291, %broadcast_in_dim3A_1293 : vector<400x256xi1>, vector<400x256xi32>
    %eq3A_1295 = arith.cmpf oeq, %select_n3A_1027, %min3A_1126 : vector<400x256xf32>
    %add3A_1296 = arith.constant 6144 : i32
    %add3A_1297 = vector.broadcast %add3A_1296 : i32 to vector<400x256xi32>
    %add3A_1298 = arith.addi %iota3A, %add3A_1297 : vector<400x256xi32>
    %jit3A_1299 = arith.constant 1073741824 : i32
    %broadcast_in_dim3A_1300 = vector.broadcast %jit3A_1299 : i32 to vector<400x256xi32>
    %select_n3A_1301 = arith.select %eq3A_1295, %add3A_1298, %broadcast_in_dim3A_1300 : vector<400x256xi1>, vector<400x256xi32>
    %eq3A_1302 = arith.cmpf oeq, %select_n3A_1031, %min3A_1126 : vector<400x256xf32>
    %add3A_1303 = arith.constant 6400 : i32
    %add3A_1304 = vector.broadcast %add3A_1303 : i32 to vector<400x256xi32>
    %add3A_1305 = arith.addi %iota3A, %add3A_1304 : vector<400x256xi32>
    %jit3A_1306 = arith.constant 1073741824 : i32
    %broadcast_in_dim3A_1307 = vector.broadcast %jit3A_1306 : i32 to vector<400x256xi32>
    %select_n3A_1308 = arith.select %eq3A_1302, %add3A_1305, %broadcast_in_dim3A_1307 : vector<400x256xi1>, vector<400x256xi32>
    %eq3A_1309 = arith.cmpf oeq, %select_n3A_1035, %min3A_1126 : vector<400x256xf32>
    %add3A_1310 = arith.constant 6656 : i32
    %add3A_1311 = vector.broadcast %add3A_1310 : i32 to vector<400x256xi32>
    %add3A_1312 = arith.addi %iota3A, %add3A_1311 : vector<400x256xi32>
    %jit3A_1313 = arith.constant 1073741824 : i32
    %broadcast_in_dim3A_1314 = vector.broadcast %jit3A_1313 : i32 to vector<400x256xi32>
    %select_n3A_1315 = arith.select %eq3A_1309, %add3A_1312, %broadcast_in_dim3A_1314 : vector<400x256xi1>, vector<400x256xi32>
    %eq3A_1316 = arith.cmpf oeq, %select_n3A_1039, %min3A_1126 : vector<400x256xf32>
    %add3A_1317 = arith.constant 6912 : i32
    %add3A_1318 = vector.broadcast %add3A_1317 : i32 to vector<400x256xi32>
    %add3A_1319 = arith.addi %iota3A, %add3A_1318 : vector<400x256xi32>
    %jit3A_1320 = arith.constant 1073741824 : i32
    %broadcast_in_dim3A_1321 = vector.broadcast %jit3A_1320 : i32 to vector<400x256xi32>
    %select_n3A_1322 = arith.select %eq3A_1316, %add3A_1319, %broadcast_in_dim3A_1321 : vector<400x256xi1>, vector<400x256xi32>
    %eq3A_1323 = arith.cmpf oeq, %select_n3A_1043, %min3A_1126 : vector<400x256xf32>
    %add3A_1324 = arith.constant 7168 : i32
    %add3A_1325 = vector.broadcast %add3A_1324 : i32 to vector<400x256xi32>
    %add3A_1326 = arith.addi %iota3A, %add3A_1325 : vector<400x256xi32>
    %jit3A_1327 = arith.constant 1073741824 : i32
    %broadcast_in_dim3A_1328 = vector.broadcast %jit3A_1327 : i32 to vector<400x256xi32>
    %select_n3A_1329 = arith.select %eq3A_1323, %add3A_1326, %broadcast_in_dim3A_1328 : vector<400x256xi1>, vector<400x256xi32>
    %eq3A_1330 = arith.cmpf oeq, %select_n3A_1047, %min3A_1126 : vector<400x256xf32>
    %add3A_1331 = arith.constant 7424 : i32
    %add3A_1332 = vector.broadcast %add3A_1331 : i32 to vector<400x256xi32>
    %add3A_1333 = arith.addi %iota3A, %add3A_1332 : vector<400x256xi32>
    %jit3A_1334 = arith.constant 1073741824 : i32
    %broadcast_in_dim3A_1335 = vector.broadcast %jit3A_1334 : i32 to vector<400x256xi32>
    %select_n3A_1336 = arith.select %eq3A_1330, %add3A_1333, %broadcast_in_dim3A_1335 : vector<400x256xi1>, vector<400x256xi32>
    %eq3A_1337 = arith.cmpf oeq, %select_n3A_1051, %min3A_1126 : vector<400x256xf32>
    %add3A_1338 = arith.constant 7680 : i32
    %add3A_1339 = vector.broadcast %add3A_1338 : i32 to vector<400x256xi32>
    %add3A_1340 = arith.addi %iota3A, %add3A_1339 : vector<400x256xi32>
    %jit3A_1341 = arith.constant 1073741824 : i32
    %broadcast_in_dim3A_1342 = vector.broadcast %jit3A_1341 : i32 to vector<400x256xi32>
    %select_n3A_1343 = arith.select %eq3A_1337, %add3A_1340, %broadcast_in_dim3A_1342 : vector<400x256xi1>, vector<400x256xi32>
    %eq3A_1344 = arith.cmpf oeq, %select_n3A_1055, %min3A_1126 : vector<400x256xf32>
    %add3A_1345 = arith.constant 7936 : i32
    %add3A_1346 = vector.broadcast %add3A_1345 : i32 to vector<400x256xi32>
    %add3A_1347 = arith.addi %iota3A, %add3A_1346 : vector<400x256xi32>
    %jit3A_1348 = arith.constant 1073741824 : i32
    %broadcast_in_dim3A_1349 = vector.broadcast %jit3A_1348 : i32 to vector<400x256xi32>
    %select_n3A_1350 = arith.select %eq3A_1344, %add3A_1347, %broadcast_in_dim3A_1349 : vector<400x256xi1>, vector<400x256xi32>
    %eq3A_1351 = arith.cmpf oeq, %select_n3A_1059, %min3A_1126 : vector<400x256xf32>
    %add3A_1352 = arith.constant 8192 : i32
    %add3A_1353 = vector.broadcast %add3A_1352 : i32 to vector<400x256xi32>
    %add3A_1354 = arith.addi %iota3A, %add3A_1353 : vector<400x256xi32>
    %jit3A_1355 = arith.constant 1073741824 : i32
    %broadcast_in_dim3A_1356 = vector.broadcast %jit3A_1355 : i32 to vector<400x256xi32>
    %select_n3A_1357 = arith.select %eq3A_1351, %add3A_1354, %broadcast_in_dim3A_1356 : vector<400x256xi1>, vector<400x256xi32>
    %eq3A_1358 = arith.cmpf oeq, %select_n3A_1063, %min3A_1126 : vector<400x256xf32>
    %add3A_1359 = arith.constant 8448 : i32
    %add3A_1360 = vector.broadcast %add3A_1359 : i32 to vector<400x256xi32>
    %add3A_1361 = arith.addi %iota3A, %add3A_1360 : vector<400x256xi32>
    %jit3A_1362 = arith.constant 1073741824 : i32
    %broadcast_in_dim3A_1363 = vector.broadcast %jit3A_1362 : i32 to vector<400x256xi32>
    %select_n3A_1364 = arith.select %eq3A_1358, %add3A_1361, %broadcast_in_dim3A_1363 : vector<400x256xi1>, vector<400x256xi32>
    %eq3A_1365 = arith.cmpf oeq, %select_n3A_1067, %min3A_1126 : vector<400x256xf32>
    %add3A_1366 = arith.constant 8704 : i32
    %add3A_1367 = vector.broadcast %add3A_1366 : i32 to vector<400x256xi32>
    %add3A_1368 = arith.addi %iota3A, %add3A_1367 : vector<400x256xi32>
    %jit3A_1369 = arith.constant 1073741824 : i32
    %broadcast_in_dim3A_1370 = vector.broadcast %jit3A_1369 : i32 to vector<400x256xi32>
    %select_n3A_1371 = arith.select %eq3A_1365, %add3A_1368, %broadcast_in_dim3A_1370 : vector<400x256xi1>, vector<400x256xi32>
    %eq3A_1372 = arith.cmpf oeq, %select_n3A_1071, %min3A_1126 : vector<400x256xf32>
    %add3A_1373 = arith.constant 8960 : i32
    %add3A_1374 = vector.broadcast %add3A_1373 : i32 to vector<400x256xi32>
    %add3A_1375 = arith.addi %iota3A, %add3A_1374 : vector<400x256xi32>
    %jit3A_1376 = arith.constant 1073741824 : i32
    %broadcast_in_dim3A_1377 = vector.broadcast %jit3A_1376 : i32 to vector<400x256xi32>
    %select_n3A_1378 = arith.select %eq3A_1372, %add3A_1375, %broadcast_in_dim3A_1377 : vector<400x256xi1>, vector<400x256xi32>
    %eq3A_1379 = arith.cmpf oeq, %select_n3A_1075, %min3A_1126 : vector<400x256xf32>
    %add3A_1380 = arith.constant 9216 : i32
    %add3A_1381 = vector.broadcast %add3A_1380 : i32 to vector<400x256xi32>
    %add3A_1382 = arith.addi %iota3A, %add3A_1381 : vector<400x256xi32>
    %jit3A_1383 = arith.constant 1073741824 : i32
    %broadcast_in_dim3A_1384 = vector.broadcast %jit3A_1383 : i32 to vector<400x256xi32>
    %select_n3A_1385 = arith.select %eq3A_1379, %add3A_1382, %broadcast_in_dim3A_1384 : vector<400x256xi1>, vector<400x256xi32>
    %eq3A_1386 = arith.cmpf oeq, %select_n3A_1079, %min3A_1126 : vector<400x256xf32>
    %add3A_1387 = arith.constant 9472 : i32
    %add3A_1388 = vector.broadcast %add3A_1387 : i32 to vector<400x256xi32>
    %add3A_1389 = arith.addi %iota3A, %add3A_1388 : vector<400x256xi32>
    %jit3A_1390 = arith.constant 1073741824 : i32
    %broadcast_in_dim3A_1391 = vector.broadcast %jit3A_1390 : i32 to vector<400x256xi32>
    %select_n3A_1392 = arith.select %eq3A_1386, %add3A_1389, %broadcast_in_dim3A_1391 : vector<400x256xi1>, vector<400x256xi32>
    %eq3A_1393 = arith.cmpf oeq, %select_n3A_1083, %min3A_1126 : vector<400x256xf32>
    %add3A_1394 = arith.constant 9728 : i32
    %add3A_1395 = vector.broadcast %add3A_1394 : i32 to vector<400x256xi32>
    %add3A_1396 = arith.addi %iota3A, %add3A_1395 : vector<400x256xi32>
    %jit3A_1397 = arith.constant 1073741824 : i32
    %broadcast_in_dim3A_1398 = vector.broadcast %jit3A_1397 : i32 to vector<400x256xi32>
    %select_n3A_1399 = arith.select %eq3A_1393, %add3A_1396, %broadcast_in_dim3A_1398 : vector<400x256xi1>, vector<400x256xi32>
    %eq3A_1400 = arith.cmpf oeq, %select_n3A_1087, %min3A_1126 : vector<400x256xf32>
    %add3A_1401 = arith.constant 9984 : i32
    %add3A_1402 = vector.broadcast %add3A_1401 : i32 to vector<400x256xi32>
    %add3A_1403 = arith.addi %iota3A, %add3A_1402 : vector<400x256xi32>
    %jit3A_1404 = arith.constant 1073741824 : i32
    %broadcast_in_dim3A_1405 = vector.broadcast %jit3A_1404 : i32 to vector<400x256xi32>
    %select_n3A_1406 = arith.select %eq3A_1400, %add3A_1403, %broadcast_in_dim3A_1405 : vector<400x256xi1>, vector<400x256xi32>
    %min3A_1407 = arith.minsi %select_n3A_1133, %select_n3A_1140 : vector<400x256xi32>
    %min3A_1408 = arith.minsi %select_n3A_1147, %select_n3A_1154 : vector<400x256xi32>
    %min3A_1409 = arith.minsi %select_n3A_1161, %select_n3A_1168 : vector<400x256xi32>
    %min3A_1410 = arith.minsi %select_n3A_1175, %select_n3A_1182 : vector<400x256xi32>
    %min3A_1411 = arith.minsi %select_n3A_1189, %select_n3A_1196 : vector<400x256xi32>
    %min3A_1412 = arith.minsi %select_n3A_1203, %select_n3A_1210 : vector<400x256xi32>
    %min3A_1413 = arith.minsi %select_n3A_1217, %select_n3A_1224 : vector<400x256xi32>
    %min3A_1414 = arith.minsi %select_n3A_1231, %select_n3A_1238 : vector<400x256xi32>
    %min3A_1415 = arith.minsi %select_n3A_1245, %select_n3A_1252 : vector<400x256xi32>
    %min3A_1416 = arith.minsi %select_n3A_1259, %select_n3A_1266 : vector<400x256xi32>
    %min3A_1417 = arith.minsi %select_n3A_1273, %select_n3A_1280 : vector<400x256xi32>
    %min3A_1418 = arith.minsi %select_n3A_1287, %select_n3A_1294 : vector<400x256xi32>
    %min3A_1419 = arith.minsi %select_n3A_1301, %select_n3A_1308 : vector<400x256xi32>
    %min3A_1420 = arith.minsi %select_n3A_1315, %select_n3A_1322 : vector<400x256xi32>
    %min3A_1421 = arith.minsi %select_n3A_1329, %select_n3A_1336 : vector<400x256xi32>
    %min3A_1422 = arith.minsi %select_n3A_1343, %select_n3A_1350 : vector<400x256xi32>
    %min3A_1423 = arith.minsi %select_n3A_1357, %select_n3A_1364 : vector<400x256xi32>
    %min3A_1424 = arith.minsi %select_n3A_1371, %select_n3A_1378 : vector<400x256xi32>
    %min3A_1425 = arith.minsi %select_n3A_1385, %select_n3A_1392 : vector<400x256xi32>
    %min3A_1426 = arith.minsi %select_n3A_1399, %select_n3A_1406 : vector<400x256xi32>
    %min3A_1427 = arith.minsi %min3A_1407, %min3A_1408 : vector<400x256xi32>
    %min3A_1428 = arith.minsi %min3A_1409, %min3A_1410 : vector<400x256xi32>
    %min3A_1429 = arith.minsi %min3A_1411, %min3A_1412 : vector<400x256xi32>
    %min3A_1430 = arith.minsi %min3A_1413, %min3A_1414 : vector<400x256xi32>
    %min3A_1431 = arith.minsi %min3A_1415, %min3A_1416 : vector<400x256xi32>
    %min3A_1432 = arith.minsi %min3A_1417, %min3A_1418 : vector<400x256xi32>
    %min3A_1433 = arith.minsi %min3A_1419, %min3A_1420 : vector<400x256xi32>
    %min3A_1434 = arith.minsi %min3A_1421, %min3A_1422 : vector<400x256xi32>
    %min3A_1435 = arith.minsi %min3A_1423, %min3A_1424 : vector<400x256xi32>
    %min3A_1436 = arith.minsi %min3A_1425, %min3A_1426 : vector<400x256xi32>
    %min3A_1437 = arith.minsi %min3A_1427, %min3A_1428 : vector<400x256xi32>
    %min3A_1438 = arith.minsi %min3A_1429, %min3A_1430 : vector<400x256xi32>
    %min3A_1439 = arith.minsi %min3A_1431, %min3A_1432 : vector<400x256xi32>
    %min3A_1440 = arith.minsi %min3A_1433, %min3A_1434 : vector<400x256xi32>
    %min3A_1441 = arith.minsi %min3A_1435, %min3A_1436 : vector<400x256xi32>
    %min3A_1442 = arith.minsi %min3A_1437, %min3A_1438 : vector<400x256xi32>
    %min3A_1443 = arith.minsi %min3A_1439, %min3A_1440 : vector<400x256xi32>
    %min3A_1444 = arith.minsi %min3A_1442, %min3A_1443 : vector<400x256xi32>
    %min3A_1445 = arith.minsi %min3A_1444, %min3A_1441 : vector<400x256xi32>
    %concatenate3A = tpu.concatenate %min3A_93, %min3A_608, %min3A_1126 in 1 : vector<400x256xf32>, vector<400x256xf32>, vector<400x256xf32> -> vector<400x768xf32>
    %concatenate3A_1446 = tpu.concatenate %min3A_409, %min3A_927, %min3A_1445 in 1 : vector<400x256xi32>, vector<400x256xi32>, vector<400x256xi32> -> vector<400x768xi32>
    %iota3A_1447 = tpu.iota {dimensions = array<i32: 1>} : vector<400x16xi32>
    %broadcast_in_dim3A_1448 = arith.constant 0 : i32
    %broadcast_in_dim3A_1449 = vector.broadcast %broadcast_in_dim3A_1448 : i32 to vector<400x16xi32>
    %scan3A = arith.constant 0 : i32
    %scan3A_1450 = arith.constant 16 : i32
    %scan3A_1451 = arith.addi %scan3A, %scan3A_1450 : i32
    %scan3A_1452 = arith.constant 1 : i32
    %scan3A_1453:2 = scf.for %scan3A_1457 = %scan3A to %scan3A_1451 step %scan3A_1452 iter_args(%scan3A_1458 = %concatenate3A, %scan3A_1459 = %broadcast_in_dim3A_1449) -> (vector<400x768xf32>, vector<400x16xi32>)  : i32 {
      %reduce_min3A = arith.constant dense<0x7F800000> : vector<400xf32>
      %reduce_min3A_1460 = vector.multi_reduction <minimumf>, %scan3A_1458, %reduce_min3A [1] : vector<400x768xf32> to vector<400xf32>
      %broadcast_in_dim3A_1461 = vector.shape_cast %reduce_min3A_1460 : vector<400xf32> to vector<400x1xf32>
      %eq3A_1462 = vector.broadcast %broadcast_in_dim3A_1461 : vector<400x1xf32> to vector<400x768xf32>
      %eq3A_1463 = arith.cmpf oeq, %scan3A_1458, %eq3A_1462 : vector<400x768xf32>
      %jit3A_1464 = arith.constant 1073741824 : i32
      %broadcast_in_dim3A_1465 = vector.broadcast %jit3A_1464 : i32 to vector<400x768xi32>
      %select_n3A_1466 = arith.select %eq3A_1463, %concatenate3A_1446, %broadcast_in_dim3A_1465 : vector<400x768xi1>, vector<400x768xi32>
      %reduce_min3A_1467 = arith.constant dense<2147483647> : vector<400xi32>
      %reduce_min3A_1468 = vector.multi_reduction <minsi>, %select_n3A_1466, %reduce_min3A_1467 [1] : vector<400x768xi32> to vector<400xi32>
      %broadcast_in_dim3A_1469 = vector.shape_cast %reduce_min3A_1468 : vector<400xi32> to vector<400x1xi32>
      %eq3A_1470 = vector.broadcast %scan3A_1457 : i32 to vector<400x16xi32>
      %eq3A_1471 = arith.cmpi eq, %iota3A_1447, %eq3A_1470 : vector<400x16xi32>
      %broadcast_in_dim3A_1472 = vector.shape_cast %broadcast_in_dim3A_1469 : vector<400x1xi32> to vector<400x1xi32>
      %broadcast_in_dim3A_1473 = vector.broadcast %broadcast_in_dim3A_1472 : vector<400x1xi32> to vector<400x16xi32>
      %select_n3A_1474 = arith.select %eq3A_1471, %broadcast_in_dim3A_1473, %scan3A_1459 : vector<400x16xi1>, vector<400x16xi32>
      %eq3A_1475 = vector.broadcast %broadcast_in_dim3A_1469 : vector<400x1xi32> to vector<400x768xi32>
      %eq3A_1476 = arith.cmpi eq, %concatenate3A_1446, %eq3A_1475 : vector<400x768xi32>
      %and3A = arith.andi %eq3A_1463, %eq3A_1476 : vector<400x768xi1>
      %jit3A_1477 = arith.constant 0x7F800000 : f32
      %broadcast_in_dim3A_1478 = vector.broadcast %jit3A_1477 : f32 to vector<400x768xf32>
      %select_n3A_1479 = arith.select %and3A, %broadcast_in_dim3A_1478, %scan3A_1458 : vector<400x768xi1>, vector<400x768xf32>
      scf.yield %select_n3A_1479, %select_n3A_1474 : vector<400x768xf32>, vector<400x16xi32>
    }
    %scan3A_1454 = arith.constant 16 : i32
    %swap3A = arith.constant 0 : index
    %swap3A_1455 = arith.constant 0 : index
    %swap3A_1456 = vector.load %arg3[%swap3A, %swap3A_1455] : memref<400x16xi32, #tpu.memory_space<vmem>>, vector<400x16xi32>
    tpu.vector_store %arg3[%swap3A, %swap3A_1455], %scan3A_1453#1 {strides = array<i32>} : memref<400x16xi32, #tpu.memory_space<vmem>>, vector<400x16xi32>,
    return
  }
  func.func @transform_0(%arg0: i32) -> (i32, i32) {
    %c0_i32 = arith.constant 0 : i32
    %c0_i32_0 = arith.constant 0 : i32
    return %arg0, %c0_i32 : i32, i32
  }
  func.func @transform_1(%arg0: i32) -> (i32, i32) {
    %c0_i32 = arith.constant 0 : i32
    %c0_i32_0 = arith.constant 0 : i32
    %c0_i32_1 = arith.constant 0 : i32
    return %c0_i32, %c0_i32_0 : i32, i32
  }
  func.func @transform_2(%arg0: i32) -> (i32, i32) {
    %c0_i32 = arith.constant 0 : i32
    %c0_i32_0 = arith.constant 0 : i32
    return %arg0, %c0_i32 : i32, i32
  }
}

module attributes {stable_mosaic.version = 14 : i64} {
  func.func @_knn_body(%arg0: i32, %arg1: memref<512x3xf32, #tpu.memory_space<vmem>>, %arg2: memref<3x2560xf32, #tpu.memory_space<vmem>>, %arg3: memref<512x16xi32, #tpu.memory_space<vmem>>) attributes {dimension_semantics = [#tpu.dimension_semantics<arbitrary>], iteration_bounds = array<i64: 5>, scalar_prefetch = 0 : i64, scratch_operands = 0 : i64, tpu.core_type = #tpu.core_type<tc>, window_params = [{transform_indices = @transform_0, window_bounds = array<i64: 512, 3>}, {pipeline_mode = #tpu.pipeline_mode<synchronous>, transform_indices = @transform_1, window_bounds = array<i64: 3, 2560>}, {transform_indices = @transform_2, window_bounds = array<i64: 512, 16>}]} {
    %get3A = arith.constant 0 : index
    %get3A_0 = arith.constant 0 : index
    %get3A_1 = vector.load %arg1[%get3A, %get3A_0] : memref<512x3xf32, #tpu.memory_space<vmem>>, vector<512x3xf32>
    %get3A_2 = arith.constant 0 : index
    %get3A_3 = arith.constant 0 : index
    %get3A_4 = vector.load %arg2[%get3A_2, %get3A_3] : memref<3x2560xf32, #tpu.memory_space<vmem>>, vector<3x2560xf32>
    %mul3A = arith.mulf %get3A_1, %get3A_1 : vector<512x3xf32>
    %reduce_sum3A = arith.constant dense<0.000000e+00> : vector<512xf32>
    %reduce_sum3A_5 = vector.multi_reduction <add>, %mul3A, %reduce_sum3A [1] : vector<512x3xf32> to vector<512xf32>
    %broadcast_in_dim3A = vector.shape_cast %reduce_sum3A_5 : vector<512xf32> to vector<512x1xf32>
    %mul3A_6 = arith.mulf %get3A_4, %get3A_4 : vector<3x2560xf32>
    %reduce_sum3A_7 = arith.constant dense<0.000000e+00> : vector<2560xf32>
    %reduce_sum3A_8 = vector.multi_reduction <add>, %mul3A_6, %reduce_sum3A_7 [0] : vector<3x2560xf32> to vector<2560xf32>
    %broadcast_in_dim3A_9 = vector.shape_cast %reduce_sum3A_8 : vector<2560xf32> to vector<1x2560xf32>
    %convert_element_type3A = arith.truncf %get3A_1 : vector<512x3xf32> to vector<512x3xbf16>
    %convert_element_type3A_10 = arith.truncf %get3A_4 : vector<3x2560xf32> to vector<3x2560xbf16>
    %dot_general3A = arith.constant dense<0.000000e+00> : vector<512x2560xf32>
    %dot_general3A_11 = tpu.matmul %convert_element_type3A, %convert_element_type3A_10, %dot_general3A {dimension_numbers = #tpu.dot_dimension_numbers<[1], [0], [0], [1], [0, 0, 1, 1], [], []>, transpose_lhs_hint = false} : vector<512x3xbf16>, vector<3x2560xbf16>, vector<512x2560xf32> -> vector<512x2560xf32>
    %add3A = vector.broadcast %broadcast_in_dim3A : vector<512x1xf32> to vector<512x2560xf32>
    %add3A_12 = vector.broadcast %broadcast_in_dim3A_9 : vector<1x2560xf32> to vector<512x2560xf32>
    %add3A_13 = arith.addf %add3A, %add3A_12 : vector<512x2560xf32>
    %mul3A_14 = arith.constant 2.000000e+00 : f32
    %mul3A_15 = vector.broadcast %mul3A_14 : f32 to vector<512x2560xf32>
    %mul3A_16 = arith.mulf %mul3A_15, %dot_general3A_11 : vector<512x2560xf32>
    %sub3A = arith.subf %add3A_13, %mul3A_16 : vector<512x2560xf32>
    %iota3A = tpu.iota {dimensions = array<i32: 1>} : vector<512x128xi32>
    %slice3A = vector.extract_strided_slice %sub3A {offsets = [0, 0], sizes = [512, 128], strides = [1, 1]} : vector<512x2560xf32> to vector<512x128xf32>
    %slice3A_17 = vector.extract_strided_slice %sub3A {offsets = [0, 128], sizes = [512, 128], strides = [1, 1]} : vector<512x2560xf32> to vector<512x128xf32>
    %slice3A_18 = vector.extract_strided_slice %sub3A {offsets = [0, 256], sizes = [512, 128], strides = [1, 1]} : vector<512x2560xf32> to vector<512x128xf32>
    %slice3A_19 = vector.extract_strided_slice %sub3A {offsets = [0, 384], sizes = [512, 128], strides = [1, 1]} : vector<512x2560xf32> to vector<512x128xf32>
    %slice3A_20 = vector.extract_strided_slice %sub3A {offsets = [0, 512], sizes = [512, 128], strides = [1, 1]} : vector<512x2560xf32> to vector<512x128xf32>
    %slice3A_21 = vector.extract_strided_slice %sub3A {offsets = [0, 640], sizes = [512, 128], strides = [1, 1]} : vector<512x2560xf32> to vector<512x128xf32>
    %slice3A_22 = vector.extract_strided_slice %sub3A {offsets = [0, 768], sizes = [512, 128], strides = [1, 1]} : vector<512x2560xf32> to vector<512x128xf32>
    %slice3A_23 = vector.extract_strided_slice %sub3A {offsets = [0, 896], sizes = [512, 128], strides = [1, 1]} : vector<512x2560xf32> to vector<512x128xf32>
    %slice3A_24 = vector.extract_strided_slice %sub3A {offsets = [0, 1024], sizes = [512, 128], strides = [1, 1]} : vector<512x2560xf32> to vector<512x128xf32>
    %slice3A_25 = vector.extract_strided_slice %sub3A {offsets = [0, 1152], sizes = [512, 128], strides = [1, 1]} : vector<512x2560xf32> to vector<512x128xf32>
    %slice3A_26 = vector.extract_strided_slice %sub3A {offsets = [0, 1280], sizes = [512, 128], strides = [1, 1]} : vector<512x2560xf32> to vector<512x128xf32>
    %slice3A_27 = vector.extract_strided_slice %sub3A {offsets = [0, 1408], sizes = [512, 128], strides = [1, 1]} : vector<512x2560xf32> to vector<512x128xf32>
    %slice3A_28 = vector.extract_strided_slice %sub3A {offsets = [0, 1536], sizes = [512, 128], strides = [1, 1]} : vector<512x2560xf32> to vector<512x128xf32>
    %slice3A_29 = vector.extract_strided_slice %sub3A {offsets = [0, 1664], sizes = [512, 128], strides = [1, 1]} : vector<512x2560xf32> to vector<512x128xf32>
    %slice3A_30 = vector.extract_strided_slice %sub3A {offsets = [0, 1792], sizes = [512, 128], strides = [1, 1]} : vector<512x2560xf32> to vector<512x128xf32>
    %slice3A_31 = vector.extract_strided_slice %sub3A {offsets = [0, 1920], sizes = [512, 128], strides = [1, 1]} : vector<512x2560xf32> to vector<512x128xf32>
    %slice3A_32 = vector.extract_strided_slice %sub3A {offsets = [0, 2048], sizes = [512, 128], strides = [1, 1]} : vector<512x2560xf32> to vector<512x128xf32>
    %slice3A_33 = vector.extract_strided_slice %sub3A {offsets = [0, 2176], sizes = [512, 128], strides = [1, 1]} : vector<512x2560xf32> to vector<512x128xf32>
    %slice3A_34 = vector.extract_strided_slice %sub3A {offsets = [0, 2304], sizes = [512, 128], strides = [1, 1]} : vector<512x2560xf32> to vector<512x128xf32>
    %slice3A_35 = vector.extract_strided_slice %sub3A {offsets = [0, 2432], sizes = [512, 128], strides = [1, 1]} : vector<512x2560xf32> to vector<512x128xf32>
    %min3A = arith.minimumf %slice3A, %slice3A_17 : vector<512x128xf32>
    %min3A_36 = arith.minimumf %slice3A_18, %slice3A_19 : vector<512x128xf32>
    %min3A_37 = arith.minimumf %slice3A_20, %slice3A_21 : vector<512x128xf32>
    %min3A_38 = arith.minimumf %slice3A_22, %slice3A_23 : vector<512x128xf32>
    %min3A_39 = arith.minimumf %slice3A_24, %slice3A_25 : vector<512x128xf32>
    %min3A_40 = arith.minimumf %slice3A_26, %slice3A_27 : vector<512x128xf32>
    %min3A_41 = arith.minimumf %slice3A_28, %slice3A_29 : vector<512x128xf32>
    %min3A_42 = arith.minimumf %slice3A_30, %slice3A_31 : vector<512x128xf32>
    %min3A_43 = arith.minimumf %slice3A_32, %slice3A_33 : vector<512x128xf32>
    %min3A_44 = arith.minimumf %slice3A_34, %slice3A_35 : vector<512x128xf32>
    %min3A_45 = arith.minimumf %min3A, %min3A_36 : vector<512x128xf32>
    %min3A_46 = arith.minimumf %min3A_37, %min3A_38 : vector<512x128xf32>
    %min3A_47 = arith.minimumf %min3A_39, %min3A_40 : vector<512x128xf32>
    %min3A_48 = arith.minimumf %min3A_41, %min3A_42 : vector<512x128xf32>
    %min3A_49 = arith.minimumf %min3A_43, %min3A_44 : vector<512x128xf32>
    %min3A_50 = arith.minimumf %min3A_45, %min3A_46 : vector<512x128xf32>
    %min3A_51 = arith.minimumf %min3A_47, %min3A_48 : vector<512x128xf32>
    %min3A_52 = arith.minimumf %min3A_50, %min3A_51 : vector<512x128xf32>
    %min3A_53 = arith.minimumf %min3A_52, %min3A_49 : vector<512x128xf32>
    %eq3A = arith.cmpf oeq, %slice3A, %min3A_53 : vector<512x128xf32>
    %add3A_54 = arith.constant 0 : i32
    %add3A_55 = vector.broadcast %add3A_54 : i32 to vector<512x128xi32>
    %add3A_56 = arith.addi %iota3A, %add3A_55 : vector<512x128xi32>
    %jit3A = arith.constant 1073741824 : i32
    %broadcast_in_dim3A_57 = vector.broadcast %jit3A : i32 to vector<512x128xi32>
    %select_n3A = arith.select %eq3A, %add3A_56, %broadcast_in_dim3A_57 : vector<512x128xi1>, vector<512x128xi32>
    %eq3A_58 = arith.cmpf oeq, %slice3A_17, %min3A_53 : vector<512x128xf32>
    %add3A_59 = arith.constant 128 : i32
    %add3A_60 = vector.broadcast %add3A_59 : i32 to vector<512x128xi32>
    %add3A_61 = arith.addi %iota3A, %add3A_60 : vector<512x128xi32>
    %jit3A_62 = arith.constant 1073741824 : i32
    %broadcast_in_dim3A_63 = vector.broadcast %jit3A_62 : i32 to vector<512x128xi32>
    %select_n3A_64 = arith.select %eq3A_58, %add3A_61, %broadcast_in_dim3A_63 : vector<512x128xi1>, vector<512x128xi32>
    %eq3A_65 = arith.cmpf oeq, %slice3A_18, %min3A_53 : vector<512x128xf32>
    %add3A_66 = arith.constant 256 : i32
    %add3A_67 = vector.broadcast %add3A_66 : i32 to vector<512x128xi32>
    %add3A_68 = arith.addi %iota3A, %add3A_67 : vector<512x128xi32>
    %jit3A_69 = arith.constant 1073741824 : i32
    %broadcast_in_dim3A_70 = vector.broadcast %jit3A_69 : i32 to vector<512x128xi32>
    %select_n3A_71 = arith.select %eq3A_65, %add3A_68, %broadcast_in_dim3A_70 : vector<512x128xi1>, vector<512x128xi32>
    %eq3A_72 = arith.cmpf oeq, %slice3A_19, %min3A_53 : vector<512x128xf32>
    %add3A_73 = arith.constant 384 : i32
    %add3A_74 = vector.broadcast %add3A_73 : i32 to vector<512x128xi32>
    %add3A_75 = arith.addi %iota3A, %add3A_74 : vector<512x128xi32>
    %jit3A_76 = arith.constant 1073741824 : i32
    %broadcast_in_dim3A_77 = vector.broadcast %jit3A_76 : i32 to vector<512x128xi32>
    %select_n3A_78 = arith.select %eq3A_72, %add3A_75, %broadcast_in_dim3A_77 : vector<512x128xi1>, vector<512x128xi32>
    %eq3A_79 = arith.cmpf oeq, %slice3A_20, %min3A_53 : vector<512x128xf32>
    %add3A_80 = arith.constant 512 : i32
    %add3A_81 = vector.broadcast %add3A_80 : i32 to vector<512x128xi32>
    %add3A_82 = arith.addi %iota3A, %add3A_81 : vector<512x128xi32>
    %jit3A_83 = arith.constant 1073741824 : i32
    %broadcast_in_dim3A_84 = vector.broadcast %jit3A_83 : i32 to vector<512x128xi32>
    %select_n3A_85 = arith.select %eq3A_79, %add3A_82, %broadcast_in_dim3A_84 : vector<512x128xi1>, vector<512x128xi32>
    %eq3A_86 = arith.cmpf oeq, %slice3A_21, %min3A_53 : vector<512x128xf32>
    %add3A_87 = arith.constant 640 : i32
    %add3A_88 = vector.broadcast %add3A_87 : i32 to vector<512x128xi32>
    %add3A_89 = arith.addi %iota3A, %add3A_88 : vector<512x128xi32>
    %jit3A_90 = arith.constant 1073741824 : i32
    %broadcast_in_dim3A_91 = vector.broadcast %jit3A_90 : i32 to vector<512x128xi32>
    %select_n3A_92 = arith.select %eq3A_86, %add3A_89, %broadcast_in_dim3A_91 : vector<512x128xi1>, vector<512x128xi32>
    %eq3A_93 = arith.cmpf oeq, %slice3A_22, %min3A_53 : vector<512x128xf32>
    %add3A_94 = arith.constant 768 : i32
    %add3A_95 = vector.broadcast %add3A_94 : i32 to vector<512x128xi32>
    %add3A_96 = arith.addi %iota3A, %add3A_95 : vector<512x128xi32>
    %jit3A_97 = arith.constant 1073741824 : i32
    %broadcast_in_dim3A_98 = vector.broadcast %jit3A_97 : i32 to vector<512x128xi32>
    %select_n3A_99 = arith.select %eq3A_93, %add3A_96, %broadcast_in_dim3A_98 : vector<512x128xi1>, vector<512x128xi32>
    %eq3A_100 = arith.cmpf oeq, %slice3A_23, %min3A_53 : vector<512x128xf32>
    %add3A_101 = arith.constant 896 : i32
    %add3A_102 = vector.broadcast %add3A_101 : i32 to vector<512x128xi32>
    %add3A_103 = arith.addi %iota3A, %add3A_102 : vector<512x128xi32>
    %jit3A_104 = arith.constant 1073741824 : i32
    %broadcast_in_dim3A_105 = vector.broadcast %jit3A_104 : i32 to vector<512x128xi32>
    %select_n3A_106 = arith.select %eq3A_100, %add3A_103, %broadcast_in_dim3A_105 : vector<512x128xi1>, vector<512x128xi32>
    %eq3A_107 = arith.cmpf oeq, %slice3A_24, %min3A_53 : vector<512x128xf32>
    %add3A_108 = arith.constant 1024 : i32
    %add3A_109 = vector.broadcast %add3A_108 : i32 to vector<512x128xi32>
    %add3A_110 = arith.addi %iota3A, %add3A_109 : vector<512x128xi32>
    %jit3A_111 = arith.constant 1073741824 : i32
    %broadcast_in_dim3A_112 = vector.broadcast %jit3A_111 : i32 to vector<512x128xi32>
    %select_n3A_113 = arith.select %eq3A_107, %add3A_110, %broadcast_in_dim3A_112 : vector<512x128xi1>, vector<512x128xi32>
    %eq3A_114 = arith.cmpf oeq, %slice3A_25, %min3A_53 : vector<512x128xf32>
    %add3A_115 = arith.constant 1152 : i32
    %add3A_116 = vector.broadcast %add3A_115 : i32 to vector<512x128xi32>
    %add3A_117 = arith.addi %iota3A, %add3A_116 : vector<512x128xi32>
    %jit3A_118 = arith.constant 1073741824 : i32
    %broadcast_in_dim3A_119 = vector.broadcast %jit3A_118 : i32 to vector<512x128xi32>
    %select_n3A_120 = arith.select %eq3A_114, %add3A_117, %broadcast_in_dim3A_119 : vector<512x128xi1>, vector<512x128xi32>
    %eq3A_121 = arith.cmpf oeq, %slice3A_26, %min3A_53 : vector<512x128xf32>
    %add3A_122 = arith.constant 1280 : i32
    %add3A_123 = vector.broadcast %add3A_122 : i32 to vector<512x128xi32>
    %add3A_124 = arith.addi %iota3A, %add3A_123 : vector<512x128xi32>
    %jit3A_125 = arith.constant 1073741824 : i32
    %broadcast_in_dim3A_126 = vector.broadcast %jit3A_125 : i32 to vector<512x128xi32>
    %select_n3A_127 = arith.select %eq3A_121, %add3A_124, %broadcast_in_dim3A_126 : vector<512x128xi1>, vector<512x128xi32>
    %eq3A_128 = arith.cmpf oeq, %slice3A_27, %min3A_53 : vector<512x128xf32>
    %add3A_129 = arith.constant 1408 : i32
    %add3A_130 = vector.broadcast %add3A_129 : i32 to vector<512x128xi32>
    %add3A_131 = arith.addi %iota3A, %add3A_130 : vector<512x128xi32>
    %jit3A_132 = arith.constant 1073741824 : i32
    %broadcast_in_dim3A_133 = vector.broadcast %jit3A_132 : i32 to vector<512x128xi32>
    %select_n3A_134 = arith.select %eq3A_128, %add3A_131, %broadcast_in_dim3A_133 : vector<512x128xi1>, vector<512x128xi32>
    %eq3A_135 = arith.cmpf oeq, %slice3A_28, %min3A_53 : vector<512x128xf32>
    %add3A_136 = arith.constant 1536 : i32
    %add3A_137 = vector.broadcast %add3A_136 : i32 to vector<512x128xi32>
    %add3A_138 = arith.addi %iota3A, %add3A_137 : vector<512x128xi32>
    %jit3A_139 = arith.constant 1073741824 : i32
    %broadcast_in_dim3A_140 = vector.broadcast %jit3A_139 : i32 to vector<512x128xi32>
    %select_n3A_141 = arith.select %eq3A_135, %add3A_138, %broadcast_in_dim3A_140 : vector<512x128xi1>, vector<512x128xi32>
    %eq3A_142 = arith.cmpf oeq, %slice3A_29, %min3A_53 : vector<512x128xf32>
    %add3A_143 = arith.constant 1664 : i32
    %add3A_144 = vector.broadcast %add3A_143 : i32 to vector<512x128xi32>
    %add3A_145 = arith.addi %iota3A, %add3A_144 : vector<512x128xi32>
    %jit3A_146 = arith.constant 1073741824 : i32
    %broadcast_in_dim3A_147 = vector.broadcast %jit3A_146 : i32 to vector<512x128xi32>
    %select_n3A_148 = arith.select %eq3A_142, %add3A_145, %broadcast_in_dim3A_147 : vector<512x128xi1>, vector<512x128xi32>
    %eq3A_149 = arith.cmpf oeq, %slice3A_30, %min3A_53 : vector<512x128xf32>
    %add3A_150 = arith.constant 1792 : i32
    %add3A_151 = vector.broadcast %add3A_150 : i32 to vector<512x128xi32>
    %add3A_152 = arith.addi %iota3A, %add3A_151 : vector<512x128xi32>
    %jit3A_153 = arith.constant 1073741824 : i32
    %broadcast_in_dim3A_154 = vector.broadcast %jit3A_153 : i32 to vector<512x128xi32>
    %select_n3A_155 = arith.select %eq3A_149, %add3A_152, %broadcast_in_dim3A_154 : vector<512x128xi1>, vector<512x128xi32>
    %eq3A_156 = arith.cmpf oeq, %slice3A_31, %min3A_53 : vector<512x128xf32>
    %add3A_157 = arith.constant 1920 : i32
    %add3A_158 = vector.broadcast %add3A_157 : i32 to vector<512x128xi32>
    %add3A_159 = arith.addi %iota3A, %add3A_158 : vector<512x128xi32>
    %jit3A_160 = arith.constant 1073741824 : i32
    %broadcast_in_dim3A_161 = vector.broadcast %jit3A_160 : i32 to vector<512x128xi32>
    %select_n3A_162 = arith.select %eq3A_156, %add3A_159, %broadcast_in_dim3A_161 : vector<512x128xi1>, vector<512x128xi32>
    %eq3A_163 = arith.cmpf oeq, %slice3A_32, %min3A_53 : vector<512x128xf32>
    %add3A_164 = arith.constant 2048 : i32
    %add3A_165 = vector.broadcast %add3A_164 : i32 to vector<512x128xi32>
    %add3A_166 = arith.addi %iota3A, %add3A_165 : vector<512x128xi32>
    %jit3A_167 = arith.constant 1073741824 : i32
    %broadcast_in_dim3A_168 = vector.broadcast %jit3A_167 : i32 to vector<512x128xi32>
    %select_n3A_169 = arith.select %eq3A_163, %add3A_166, %broadcast_in_dim3A_168 : vector<512x128xi1>, vector<512x128xi32>
    %eq3A_170 = arith.cmpf oeq, %slice3A_33, %min3A_53 : vector<512x128xf32>
    %add3A_171 = arith.constant 2176 : i32
    %add3A_172 = vector.broadcast %add3A_171 : i32 to vector<512x128xi32>
    %add3A_173 = arith.addi %iota3A, %add3A_172 : vector<512x128xi32>
    %jit3A_174 = arith.constant 1073741824 : i32
    %broadcast_in_dim3A_175 = vector.broadcast %jit3A_174 : i32 to vector<512x128xi32>
    %select_n3A_176 = arith.select %eq3A_170, %add3A_173, %broadcast_in_dim3A_175 : vector<512x128xi1>, vector<512x128xi32>
    %eq3A_177 = arith.cmpf oeq, %slice3A_34, %min3A_53 : vector<512x128xf32>
    %add3A_178 = arith.constant 2304 : i32
    %add3A_179 = vector.broadcast %add3A_178 : i32 to vector<512x128xi32>
    %add3A_180 = arith.addi %iota3A, %add3A_179 : vector<512x128xi32>
    %jit3A_181 = arith.constant 1073741824 : i32
    %broadcast_in_dim3A_182 = vector.broadcast %jit3A_181 : i32 to vector<512x128xi32>
    %select_n3A_183 = arith.select %eq3A_177, %add3A_180, %broadcast_in_dim3A_182 : vector<512x128xi1>, vector<512x128xi32>
    %eq3A_184 = arith.cmpf oeq, %slice3A_35, %min3A_53 : vector<512x128xf32>
    %add3A_185 = arith.constant 2432 : i32
    %add3A_186 = vector.broadcast %add3A_185 : i32 to vector<512x128xi32>
    %add3A_187 = arith.addi %iota3A, %add3A_186 : vector<512x128xi32>
    %jit3A_188 = arith.constant 1073741824 : i32
    %broadcast_in_dim3A_189 = vector.broadcast %jit3A_188 : i32 to vector<512x128xi32>
    %select_n3A_190 = arith.select %eq3A_184, %add3A_187, %broadcast_in_dim3A_189 : vector<512x128xi1>, vector<512x128xi32>
    %min3A_191 = arith.minsi %select_n3A, %select_n3A_64 : vector<512x128xi32>
    %min3A_192 = arith.minsi %select_n3A_71, %select_n3A_78 : vector<512x128xi32>
    %min3A_193 = arith.minsi %select_n3A_85, %select_n3A_92 : vector<512x128xi32>
    %min3A_194 = arith.minsi %select_n3A_99, %select_n3A_106 : vector<512x128xi32>
    %min3A_195 = arith.minsi %select_n3A_113, %select_n3A_120 : vector<512x128xi32>
    %min3A_196 = arith.minsi %select_n3A_127, %select_n3A_134 : vector<512x128xi32>
    %min3A_197 = arith.minsi %select_n3A_141, %select_n3A_148 : vector<512x128xi32>
    %min3A_198 = arith.minsi %select_n3A_155, %select_n3A_162 : vector<512x128xi32>
    %min3A_199 = arith.minsi %select_n3A_169, %select_n3A_176 : vector<512x128xi32>
    %min3A_200 = arith.minsi %select_n3A_183, %select_n3A_190 : vector<512x128xi32>
    %min3A_201 = arith.minsi %min3A_191, %min3A_192 : vector<512x128xi32>
    %min3A_202 = arith.minsi %min3A_193, %min3A_194 : vector<512x128xi32>
    %min3A_203 = arith.minsi %min3A_195, %min3A_196 : vector<512x128xi32>
    %min3A_204 = arith.minsi %min3A_197, %min3A_198 : vector<512x128xi32>
    %min3A_205 = arith.minsi %min3A_199, %min3A_200 : vector<512x128xi32>
    %min3A_206 = arith.minsi %min3A_201, %min3A_202 : vector<512x128xi32>
    %min3A_207 = arith.minsi %min3A_203, %min3A_204 : vector<512x128xi32>
    %min3A_208 = arith.minsi %min3A_206, %min3A_207 : vector<512x128xi32>
    %min3A_209 = arith.minsi %min3A_208, %min3A_205 : vector<512x128xi32>
    %eq3A_210 = arith.cmpf oeq, %slice3A, %min3A_53 : vector<512x128xf32>
    %jit3A_211 = arith.constant 0x7F800000 : f32
    %broadcast_in_dim3A_212 = vector.broadcast %jit3A_211 : f32 to vector<512x128xf32>
    %select_n3A_213 = arith.select %eq3A_210, %broadcast_in_dim3A_212, %slice3A : vector<512x128xi1>, vector<512x128xf32>
    %eq3A_214 = arith.cmpf oeq, %slice3A_17, %min3A_53 : vector<512x128xf32>
    %jit3A_215 = arith.constant 0x7F800000 : f32
    %broadcast_in_dim3A_216 = vector.broadcast %jit3A_215 : f32 to vector<512x128xf32>
    %select_n3A_217 = arith.select %eq3A_214, %broadcast_in_dim3A_216, %slice3A_17 : vector<512x128xi1>, vector<512x128xf32>
    %eq3A_218 = arith.cmpf oeq, %slice3A_18, %min3A_53 : vector<512x128xf32>
    %jit3A_219 = arith.constant 0x7F800000 : f32
    %broadcast_in_dim3A_220 = vector.broadcast %jit3A_219 : f32 to vector<512x128xf32>
    %select_n3A_221 = arith.select %eq3A_218, %broadcast_in_dim3A_220, %slice3A_18 : vector<512x128xi1>, vector<512x128xf32>
    %eq3A_222 = arith.cmpf oeq, %slice3A_19, %min3A_53 : vector<512x128xf32>
    %jit3A_223 = arith.constant 0x7F800000 : f32
    %broadcast_in_dim3A_224 = vector.broadcast %jit3A_223 : f32 to vector<512x128xf32>
    %select_n3A_225 = arith.select %eq3A_222, %broadcast_in_dim3A_224, %slice3A_19 : vector<512x128xi1>, vector<512x128xf32>
    %eq3A_226 = arith.cmpf oeq, %slice3A_20, %min3A_53 : vector<512x128xf32>
    %jit3A_227 = arith.constant 0x7F800000 : f32
    %broadcast_in_dim3A_228 = vector.broadcast %jit3A_227 : f32 to vector<512x128xf32>
    %select_n3A_229 = arith.select %eq3A_226, %broadcast_in_dim3A_228, %slice3A_20 : vector<512x128xi1>, vector<512x128xf32>
    %eq3A_230 = arith.cmpf oeq, %slice3A_21, %min3A_53 : vector<512x128xf32>
    %jit3A_231 = arith.constant 0x7F800000 : f32
    %broadcast_in_dim3A_232 = vector.broadcast %jit3A_231 : f32 to vector<512x128xf32>
    %select_n3A_233 = arith.select %eq3A_230, %broadcast_in_dim3A_232, %slice3A_21 : vector<512x128xi1>, vector<512x128xf32>
    %eq3A_234 = arith.cmpf oeq, %slice3A_22, %min3A_53 : vector<512x128xf32>
    %jit3A_235 = arith.constant 0x7F800000 : f32
    %broadcast_in_dim3A_236 = vector.broadcast %jit3A_235 : f32 to vector<512x128xf32>
    %select_n3A_237 = arith.select %eq3A_234, %broadcast_in_dim3A_236, %slice3A_22 : vector<512x128xi1>, vector<512x128xf32>
    %eq3A_238 = arith.cmpf oeq, %slice3A_23, %min3A_53 : vector<512x128xf32>
    %jit3A_239 = arith.constant 0x7F800000 : f32
    %broadcast_in_dim3A_240 = vector.broadcast %jit3A_239 : f32 to vector<512x128xf32>
    %select_n3A_241 = arith.select %eq3A_238, %broadcast_in_dim3A_240, %slice3A_23 : vector<512x128xi1>, vector<512x128xf32>
    %eq3A_242 = arith.cmpf oeq, %slice3A_24, %min3A_53 : vector<512x128xf32>
    %jit3A_243 = arith.constant 0x7F800000 : f32
    %broadcast_in_dim3A_244 = vector.broadcast %jit3A_243 : f32 to vector<512x128xf32>
    %select_n3A_245 = arith.select %eq3A_242, %broadcast_in_dim3A_244, %slice3A_24 : vector<512x128xi1>, vector<512x128xf32>
    %eq3A_246 = arith.cmpf oeq, %slice3A_25, %min3A_53 : vector<512x128xf32>
    %jit3A_247 = arith.constant 0x7F800000 : f32
    %broadcast_in_dim3A_248 = vector.broadcast %jit3A_247 : f32 to vector<512x128xf32>
    %select_n3A_249 = arith.select %eq3A_246, %broadcast_in_dim3A_248, %slice3A_25 : vector<512x128xi1>, vector<512x128xf32>
    %eq3A_250 = arith.cmpf oeq, %slice3A_26, %min3A_53 : vector<512x128xf32>
    %jit3A_251 = arith.constant 0x7F800000 : f32
    %broadcast_in_dim3A_252 = vector.broadcast %jit3A_251 : f32 to vector<512x128xf32>
    %select_n3A_253 = arith.select %eq3A_250, %broadcast_in_dim3A_252, %slice3A_26 : vector<512x128xi1>, vector<512x128xf32>
    %eq3A_254 = arith.cmpf oeq, %slice3A_27, %min3A_53 : vector<512x128xf32>
    %jit3A_255 = arith.constant 0x7F800000 : f32
    %broadcast_in_dim3A_256 = vector.broadcast %jit3A_255 : f32 to vector<512x128xf32>
    %select_n3A_257 = arith.select %eq3A_254, %broadcast_in_dim3A_256, %slice3A_27 : vector<512x128xi1>, vector<512x128xf32>
    %eq3A_258 = arith.cmpf oeq, %slice3A_28, %min3A_53 : vector<512x128xf32>
    %jit3A_259 = arith.constant 0x7F800000 : f32
    %broadcast_in_dim3A_260 = vector.broadcast %jit3A_259 : f32 to vector<512x128xf32>
    %select_n3A_261 = arith.select %eq3A_258, %broadcast_in_dim3A_260, %slice3A_28 : vector<512x128xi1>, vector<512x128xf32>
    %eq3A_262 = arith.cmpf oeq, %slice3A_29, %min3A_53 : vector<512x128xf32>
    %jit3A_263 = arith.constant 0x7F800000 : f32
    %broadcast_in_dim3A_264 = vector.broadcast %jit3A_263 : f32 to vector<512x128xf32>
    %select_n3A_265 = arith.select %eq3A_262, %broadcast_in_dim3A_264, %slice3A_29 : vector<512x128xi1>, vector<512x128xf32>
    %eq3A_266 = arith.cmpf oeq, %slice3A_30, %min3A_53 : vector<512x128xf32>
    %jit3A_267 = arith.constant 0x7F800000 : f32
    %broadcast_in_dim3A_268 = vector.broadcast %jit3A_267 : f32 to vector<512x128xf32>
    %select_n3A_269 = arith.select %eq3A_266, %broadcast_in_dim3A_268, %slice3A_30 : vector<512x128xi1>, vector<512x128xf32>
    %eq3A_270 = arith.cmpf oeq, %slice3A_31, %min3A_53 : vector<512x128xf32>
    %jit3A_271 = arith.constant 0x7F800000 : f32
    %broadcast_in_dim3A_272 = vector.broadcast %jit3A_271 : f32 to vector<512x128xf32>
    %select_n3A_273 = arith.select %eq3A_270, %broadcast_in_dim3A_272, %slice3A_31 : vector<512x128xi1>, vector<512x128xf32>
    %eq3A_274 = arith.cmpf oeq, %slice3A_32, %min3A_53 : vector<512x128xf32>
    %jit3A_275 = arith.constant 0x7F800000 : f32
    %broadcast_in_dim3A_276 = vector.broadcast %jit3A_275 : f32 to vector<512x128xf32>
    %select_n3A_277 = arith.select %eq3A_274, %broadcast_in_dim3A_276, %slice3A_32 : vector<512x128xi1>, vector<512x128xf32>
    %eq3A_278 = arith.cmpf oeq, %slice3A_33, %min3A_53 : vector<512x128xf32>
    %jit3A_279 = arith.constant 0x7F800000 : f32
    %broadcast_in_dim3A_280 = vector.broadcast %jit3A_279 : f32 to vector<512x128xf32>
    %select_n3A_281 = arith.select %eq3A_278, %broadcast_in_dim3A_280, %slice3A_33 : vector<512x128xi1>, vector<512x128xf32>
    %eq3A_282 = arith.cmpf oeq, %slice3A_34, %min3A_53 : vector<512x128xf32>
    %jit3A_283 = arith.constant 0x7F800000 : f32
    %broadcast_in_dim3A_284 = vector.broadcast %jit3A_283 : f32 to vector<512x128xf32>
    %select_n3A_285 = arith.select %eq3A_282, %broadcast_in_dim3A_284, %slice3A_34 : vector<512x128xi1>, vector<512x128xf32>
    %eq3A_286 = arith.cmpf oeq, %slice3A_35, %min3A_53 : vector<512x128xf32>
    %jit3A_287 = arith.constant 0x7F800000 : f32
    %broadcast_in_dim3A_288 = vector.broadcast %jit3A_287 : f32 to vector<512x128xf32>
    %select_n3A_289 = arith.select %eq3A_286, %broadcast_in_dim3A_288, %slice3A_35 : vector<512x128xi1>, vector<512x128xf32>
    %min3A_290 = arith.minimumf %select_n3A_213, %select_n3A_217 : vector<512x128xf32>
    %min3A_291 = arith.minimumf %select_n3A_221, %select_n3A_225 : vector<512x128xf32>
    %min3A_292 = arith.minimumf %select_n3A_229, %select_n3A_233 : vector<512x128xf32>
    %min3A_293 = arith.minimumf %select_n3A_237, %select_n3A_241 : vector<512x128xf32>
    %min3A_294 = arith.minimumf %select_n3A_245, %select_n3A_249 : vector<512x128xf32>
    %min3A_295 = arith.minimumf %select_n3A_253, %select_n3A_257 : vector<512x128xf32>
    %min3A_296 = arith.minimumf %select_n3A_261, %select_n3A_265 : vector<512x128xf32>
    %min3A_297 = arith.minimumf %select_n3A_269, %select_n3A_273 : vector<512x128xf32>
    %min3A_298 = arith.minimumf %select_n3A_277, %select_n3A_281 : vector<512x128xf32>
    %min3A_299 = arith.minimumf %select_n3A_285, %select_n3A_289 : vector<512x128xf32>
    %min3A_300 = arith.minimumf %min3A_290, %min3A_291 : vector<512x128xf32>
    %min3A_301 = arith.minimumf %min3A_292, %min3A_293 : vector<512x128xf32>
    %min3A_302 = arith.minimumf %min3A_294, %min3A_295 : vector<512x128xf32>
    %min3A_303 = arith.minimumf %min3A_296, %min3A_297 : vector<512x128xf32>
    %min3A_304 = arith.minimumf %min3A_298, %min3A_299 : vector<512x128xf32>
    %min3A_305 = arith.minimumf %min3A_300, %min3A_301 : vector<512x128xf32>
    %min3A_306 = arith.minimumf %min3A_302, %min3A_303 : vector<512x128xf32>
    %min3A_307 = arith.minimumf %min3A_305, %min3A_306 : vector<512x128xf32>
    %min3A_308 = arith.minimumf %min3A_307, %min3A_304 : vector<512x128xf32>
    %eq3A_309 = arith.cmpf oeq, %select_n3A_213, %min3A_308 : vector<512x128xf32>
    %add3A_310 = arith.constant 0 : i32
    %add3A_311 = vector.broadcast %add3A_310 : i32 to vector<512x128xi32>
    %add3A_312 = arith.addi %iota3A, %add3A_311 : vector<512x128xi32>
    %jit3A_313 = arith.constant 1073741824 : i32
    %broadcast_in_dim3A_314 = vector.broadcast %jit3A_313 : i32 to vector<512x128xi32>
    %select_n3A_315 = arith.select %eq3A_309, %add3A_312, %broadcast_in_dim3A_314 : vector<512x128xi1>, vector<512x128xi32>
    %eq3A_316 = arith.cmpf oeq, %select_n3A_217, %min3A_308 : vector<512x128xf32>
    %add3A_317 = arith.constant 128 : i32
    %add3A_318 = vector.broadcast %add3A_317 : i32 to vector<512x128xi32>
    %add3A_319 = arith.addi %iota3A, %add3A_318 : vector<512x128xi32>
    %jit3A_320 = arith.constant 1073741824 : i32
    %broadcast_in_dim3A_321 = vector.broadcast %jit3A_320 : i32 to vector<512x128xi32>
    %select_n3A_322 = arith.select %eq3A_316, %add3A_319, %broadcast_in_dim3A_321 : vector<512x128xi1>, vector<512x128xi32>
    %eq3A_323 = arith.cmpf oeq, %select_n3A_221, %min3A_308 : vector<512x128xf32>
    %add3A_324 = arith.constant 256 : i32
    %add3A_325 = vector.broadcast %add3A_324 : i32 to vector<512x128xi32>
    %add3A_326 = arith.addi %iota3A, %add3A_325 : vector<512x128xi32>
    %jit3A_327 = arith.constant 1073741824 : i32
    %broadcast_in_dim3A_328 = vector.broadcast %jit3A_327 : i32 to vector<512x128xi32>
    %select_n3A_329 = arith.select %eq3A_323, %add3A_326, %broadcast_in_dim3A_328 : vector<512x128xi1>, vector<512x128xi32>
    %eq3A_330 = arith.cmpf oeq, %select_n3A_225, %min3A_308 : vector<512x128xf32>
    %add3A_331 = arith.constant 384 : i32
    %add3A_332 = vector.broadcast %add3A_331 : i32 to vector<512x128xi32>
    %add3A_333 = arith.addi %iota3A, %add3A_332 : vector<512x128xi32>
    %jit3A_334 = arith.constant 1073741824 : i32
    %broadcast_in_dim3A_335 = vector.broadcast %jit3A_334 : i32 to vector<512x128xi32>
    %select_n3A_336 = arith.select %eq3A_330, %add3A_333, %broadcast_in_dim3A_335 : vector<512x128xi1>, vector<512x128xi32>
    %eq3A_337 = arith.cmpf oeq, %select_n3A_229, %min3A_308 : vector<512x128xf32>
    %add3A_338 = arith.constant 512 : i32
    %add3A_339 = vector.broadcast %add3A_338 : i32 to vector<512x128xi32>
    %add3A_340 = arith.addi %iota3A, %add3A_339 : vector<512x128xi32>
    %jit3A_341 = arith.constant 1073741824 : i32
    %broadcast_in_dim3A_342 = vector.broadcast %jit3A_341 : i32 to vector<512x128xi32>
    %select_n3A_343 = arith.select %eq3A_337, %add3A_340, %broadcast_in_dim3A_342 : vector<512x128xi1>, vector<512x128xi32>
    %eq3A_344 = arith.cmpf oeq, %select_n3A_233, %min3A_308 : vector<512x128xf32>
    %add3A_345 = arith.constant 640 : i32
    %add3A_346 = vector.broadcast %add3A_345 : i32 to vector<512x128xi32>
    %add3A_347 = arith.addi %iota3A, %add3A_346 : vector<512x128xi32>
    %jit3A_348 = arith.constant 1073741824 : i32
    %broadcast_in_dim3A_349 = vector.broadcast %jit3A_348 : i32 to vector<512x128xi32>
    %select_n3A_350 = arith.select %eq3A_344, %add3A_347, %broadcast_in_dim3A_349 : vector<512x128xi1>, vector<512x128xi32>
    %eq3A_351 = arith.cmpf oeq, %select_n3A_237, %min3A_308 : vector<512x128xf32>
    %add3A_352 = arith.constant 768 : i32
    %add3A_353 = vector.broadcast %add3A_352 : i32 to vector<512x128xi32>
    %add3A_354 = arith.addi %iota3A, %add3A_353 : vector<512x128xi32>
    %jit3A_355 = arith.constant 1073741824 : i32
    %broadcast_in_dim3A_356 = vector.broadcast %jit3A_355 : i32 to vector<512x128xi32>
    %select_n3A_357 = arith.select %eq3A_351, %add3A_354, %broadcast_in_dim3A_356 : vector<512x128xi1>, vector<512x128xi32>
    %eq3A_358 = arith.cmpf oeq, %select_n3A_241, %min3A_308 : vector<512x128xf32>
    %add3A_359 = arith.constant 896 : i32
    %add3A_360 = vector.broadcast %add3A_359 : i32 to vector<512x128xi32>
    %add3A_361 = arith.addi %iota3A, %add3A_360 : vector<512x128xi32>
    %jit3A_362 = arith.constant 1073741824 : i32
    %broadcast_in_dim3A_363 = vector.broadcast %jit3A_362 : i32 to vector<512x128xi32>
    %select_n3A_364 = arith.select %eq3A_358, %add3A_361, %broadcast_in_dim3A_363 : vector<512x128xi1>, vector<512x128xi32>
    %eq3A_365 = arith.cmpf oeq, %select_n3A_245, %min3A_308 : vector<512x128xf32>
    %add3A_366 = arith.constant 1024 : i32
    %add3A_367 = vector.broadcast %add3A_366 : i32 to vector<512x128xi32>
    %add3A_368 = arith.addi %iota3A, %add3A_367 : vector<512x128xi32>
    %jit3A_369 = arith.constant 1073741824 : i32
    %broadcast_in_dim3A_370 = vector.broadcast %jit3A_369 : i32 to vector<512x128xi32>
    %select_n3A_371 = arith.select %eq3A_365, %add3A_368, %broadcast_in_dim3A_370 : vector<512x128xi1>, vector<512x128xi32>
    %eq3A_372 = arith.cmpf oeq, %select_n3A_249, %min3A_308 : vector<512x128xf32>
    %add3A_373 = arith.constant 1152 : i32
    %add3A_374 = vector.broadcast %add3A_373 : i32 to vector<512x128xi32>
    %add3A_375 = arith.addi %iota3A, %add3A_374 : vector<512x128xi32>
    %jit3A_376 = arith.constant 1073741824 : i32
    %broadcast_in_dim3A_377 = vector.broadcast %jit3A_376 : i32 to vector<512x128xi32>
    %select_n3A_378 = arith.select %eq3A_372, %add3A_375, %broadcast_in_dim3A_377 : vector<512x128xi1>, vector<512x128xi32>
    %eq3A_379 = arith.cmpf oeq, %select_n3A_253, %min3A_308 : vector<512x128xf32>
    %add3A_380 = arith.constant 1280 : i32
    %add3A_381 = vector.broadcast %add3A_380 : i32 to vector<512x128xi32>
    %add3A_382 = arith.addi %iota3A, %add3A_381 : vector<512x128xi32>
    %jit3A_383 = arith.constant 1073741824 : i32
    %broadcast_in_dim3A_384 = vector.broadcast %jit3A_383 : i32 to vector<512x128xi32>
    %select_n3A_385 = arith.select %eq3A_379, %add3A_382, %broadcast_in_dim3A_384 : vector<512x128xi1>, vector<512x128xi32>
    %eq3A_386 = arith.cmpf oeq, %select_n3A_257, %min3A_308 : vector<512x128xf32>
    %add3A_387 = arith.constant 1408 : i32
    %add3A_388 = vector.broadcast %add3A_387 : i32 to vector<512x128xi32>
    %add3A_389 = arith.addi %iota3A, %add3A_388 : vector<512x128xi32>
    %jit3A_390 = arith.constant 1073741824 : i32
    %broadcast_in_dim3A_391 = vector.broadcast %jit3A_390 : i32 to vector<512x128xi32>
    %select_n3A_392 = arith.select %eq3A_386, %add3A_389, %broadcast_in_dim3A_391 : vector<512x128xi1>, vector<512x128xi32>
    %eq3A_393 = arith.cmpf oeq, %select_n3A_261, %min3A_308 : vector<512x128xf32>
    %add3A_394 = arith.constant 1536 : i32
    %add3A_395 = vector.broadcast %add3A_394 : i32 to vector<512x128xi32>
    %add3A_396 = arith.addi %iota3A, %add3A_395 : vector<512x128xi32>
    %jit3A_397 = arith.constant 1073741824 : i32
    %broadcast_in_dim3A_398 = vector.broadcast %jit3A_397 : i32 to vector<512x128xi32>
    %select_n3A_399 = arith.select %eq3A_393, %add3A_396, %broadcast_in_dim3A_398 : vector<512x128xi1>, vector<512x128xi32>
    %eq3A_400 = arith.cmpf oeq, %select_n3A_265, %min3A_308 : vector<512x128xf32>
    %add3A_401 = arith.constant 1664 : i32
    %add3A_402 = vector.broadcast %add3A_401 : i32 to vector<512x128xi32>
    %add3A_403 = arith.addi %iota3A, %add3A_402 : vector<512x128xi32>
    %jit3A_404 = arith.constant 1073741824 : i32
    %broadcast_in_dim3A_405 = vector.broadcast %jit3A_404 : i32 to vector<512x128xi32>
    %select_n3A_406 = arith.select %eq3A_400, %add3A_403, %broadcast_in_dim3A_405 : vector<512x128xi1>, vector<512x128xi32>
    %eq3A_407 = arith.cmpf oeq, %select_n3A_269, %min3A_308 : vector<512x128xf32>
    %add3A_408 = arith.constant 1792 : i32
    %add3A_409 = vector.broadcast %add3A_408 : i32 to vector<512x128xi32>
    %add3A_410 = arith.addi %iota3A, %add3A_409 : vector<512x128xi32>
    %jit3A_411 = arith.constant 1073741824 : i32
    %broadcast_in_dim3A_412 = vector.broadcast %jit3A_411 : i32 to vector<512x128xi32>
    %select_n3A_413 = arith.select %eq3A_407, %add3A_410, %broadcast_in_dim3A_412 : vector<512x128xi1>, vector<512x128xi32>
    %eq3A_414 = arith.cmpf oeq, %select_n3A_273, %min3A_308 : vector<512x128xf32>
    %add3A_415 = arith.constant 1920 : i32
    %add3A_416 = vector.broadcast %add3A_415 : i32 to vector<512x128xi32>
    %add3A_417 = arith.addi %iota3A, %add3A_416 : vector<512x128xi32>
    %jit3A_418 = arith.constant 1073741824 : i32
    %broadcast_in_dim3A_419 = vector.broadcast %jit3A_418 : i32 to vector<512x128xi32>
    %select_n3A_420 = arith.select %eq3A_414, %add3A_417, %broadcast_in_dim3A_419 : vector<512x128xi1>, vector<512x128xi32>
    %eq3A_421 = arith.cmpf oeq, %select_n3A_277, %min3A_308 : vector<512x128xf32>
    %add3A_422 = arith.constant 2048 : i32
    %add3A_423 = vector.broadcast %add3A_422 : i32 to vector<512x128xi32>
    %add3A_424 = arith.addi %iota3A, %add3A_423 : vector<512x128xi32>
    %jit3A_425 = arith.constant 1073741824 : i32
    %broadcast_in_dim3A_426 = vector.broadcast %jit3A_425 : i32 to vector<512x128xi32>
    %select_n3A_427 = arith.select %eq3A_421, %add3A_424, %broadcast_in_dim3A_426 : vector<512x128xi1>, vector<512x128xi32>
    %eq3A_428 = arith.cmpf oeq, %select_n3A_281, %min3A_308 : vector<512x128xf32>
    %add3A_429 = arith.constant 2176 : i32
    %add3A_430 = vector.broadcast %add3A_429 : i32 to vector<512x128xi32>
    %add3A_431 = arith.addi %iota3A, %add3A_430 : vector<512x128xi32>
    %jit3A_432 = arith.constant 1073741824 : i32
    %broadcast_in_dim3A_433 = vector.broadcast %jit3A_432 : i32 to vector<512x128xi32>
    %select_n3A_434 = arith.select %eq3A_428, %add3A_431, %broadcast_in_dim3A_433 : vector<512x128xi1>, vector<512x128xi32>
    %eq3A_435 = arith.cmpf oeq, %select_n3A_285, %min3A_308 : vector<512x128xf32>
    %add3A_436 = arith.constant 2304 : i32
    %add3A_437 = vector.broadcast %add3A_436 : i32 to vector<512x128xi32>
    %add3A_438 = arith.addi %iota3A, %add3A_437 : vector<512x128xi32>
    %jit3A_439 = arith.constant 1073741824 : i32
    %broadcast_in_dim3A_440 = vector.broadcast %jit3A_439 : i32 to vector<512x128xi32>
    %select_n3A_441 = arith.select %eq3A_435, %add3A_438, %broadcast_in_dim3A_440 : vector<512x128xi1>, vector<512x128xi32>
    %eq3A_442 = arith.cmpf oeq, %select_n3A_289, %min3A_308 : vector<512x128xf32>
    %add3A_443 = arith.constant 2432 : i32
    %add3A_444 = vector.broadcast %add3A_443 : i32 to vector<512x128xi32>
    %add3A_445 = arith.addi %iota3A, %add3A_444 : vector<512x128xi32>
    %jit3A_446 = arith.constant 1073741824 : i32
    %broadcast_in_dim3A_447 = vector.broadcast %jit3A_446 : i32 to vector<512x128xi32>
    %select_n3A_448 = arith.select %eq3A_442, %add3A_445, %broadcast_in_dim3A_447 : vector<512x128xi1>, vector<512x128xi32>
    %min3A_449 = arith.minsi %select_n3A_315, %select_n3A_322 : vector<512x128xi32>
    %min3A_450 = arith.minsi %select_n3A_329, %select_n3A_336 : vector<512x128xi32>
    %min3A_451 = arith.minsi %select_n3A_343, %select_n3A_350 : vector<512x128xi32>
    %min3A_452 = arith.minsi %select_n3A_357, %select_n3A_364 : vector<512x128xi32>
    %min3A_453 = arith.minsi %select_n3A_371, %select_n3A_378 : vector<512x128xi32>
    %min3A_454 = arith.minsi %select_n3A_385, %select_n3A_392 : vector<512x128xi32>
    %min3A_455 = arith.minsi %select_n3A_399, %select_n3A_406 : vector<512x128xi32>
    %min3A_456 = arith.minsi %select_n3A_413, %select_n3A_420 : vector<512x128xi32>
    %min3A_457 = arith.minsi %select_n3A_427, %select_n3A_434 : vector<512x128xi32>
    %min3A_458 = arith.minsi %select_n3A_441, %select_n3A_448 : vector<512x128xi32>
    %min3A_459 = arith.minsi %min3A_449, %min3A_450 : vector<512x128xi32>
    %min3A_460 = arith.minsi %min3A_451, %min3A_452 : vector<512x128xi32>
    %min3A_461 = arith.minsi %min3A_453, %min3A_454 : vector<512x128xi32>
    %min3A_462 = arith.minsi %min3A_455, %min3A_456 : vector<512x128xi32>
    %min3A_463 = arith.minsi %min3A_457, %min3A_458 : vector<512x128xi32>
    %min3A_464 = arith.minsi %min3A_459, %min3A_460 : vector<512x128xi32>
    %min3A_465 = arith.minsi %min3A_461, %min3A_462 : vector<512x128xi32>
    %min3A_466 = arith.minsi %min3A_464, %min3A_465 : vector<512x128xi32>
    %min3A_467 = arith.minsi %min3A_466, %min3A_463 : vector<512x128xi32>
    %eq3A_468 = arith.cmpf oeq, %select_n3A_213, %min3A_308 : vector<512x128xf32>
    %jit3A_469 = arith.constant 0x7F800000 : f32
    %broadcast_in_dim3A_470 = vector.broadcast %jit3A_469 : f32 to vector<512x128xf32>
    %select_n3A_471 = arith.select %eq3A_468, %broadcast_in_dim3A_470, %select_n3A_213 : vector<512x128xi1>, vector<512x128xf32>
    %eq3A_472 = arith.cmpf oeq, %select_n3A_217, %min3A_308 : vector<512x128xf32>
    %jit3A_473 = arith.constant 0x7F800000 : f32
    %broadcast_in_dim3A_474 = vector.broadcast %jit3A_473 : f32 to vector<512x128xf32>
    %select_n3A_475 = arith.select %eq3A_472, %broadcast_in_dim3A_474, %select_n3A_217 : vector<512x128xi1>, vector<512x128xf32>
    %eq3A_476 = arith.cmpf oeq, %select_n3A_221, %min3A_308 : vector<512x128xf32>
    %jit3A_477 = arith.constant 0x7F800000 : f32
    %broadcast_in_dim3A_478 = vector.broadcast %jit3A_477 : f32 to vector<512x128xf32>
    %select_n3A_479 = arith.select %eq3A_476, %broadcast_in_dim3A_478, %select_n3A_221 : vector<512x128xi1>, vector<512x128xf32>
    %eq3A_480 = arith.cmpf oeq, %select_n3A_225, %min3A_308 : vector<512x128xf32>
    %jit3A_481 = arith.constant 0x7F800000 : f32
    %broadcast_in_dim3A_482 = vector.broadcast %jit3A_481 : f32 to vector<512x128xf32>
    %select_n3A_483 = arith.select %eq3A_480, %broadcast_in_dim3A_482, %select_n3A_225 : vector<512x128xi1>, vector<512x128xf32>
    %eq3A_484 = arith.cmpf oeq, %select_n3A_229, %min3A_308 : vector<512x128xf32>
    %jit3A_485 = arith.constant 0x7F800000 : f32
    %broadcast_in_dim3A_486 = vector.broadcast %jit3A_485 : f32 to vector<512x128xf32>
    %select_n3A_487 = arith.select %eq3A_484, %broadcast_in_dim3A_486, %select_n3A_229 : vector<512x128xi1>, vector<512x128xf32>
    %eq3A_488 = arith.cmpf oeq, %select_n3A_233, %min3A_308 : vector<512x128xf32>
    %jit3A_489 = arith.constant 0x7F800000 : f32
    %broadcast_in_dim3A_490 = vector.broadcast %jit3A_489 : f32 to vector<512x128xf32>
    %select_n3A_491 = arith.select %eq3A_488, %broadcast_in_dim3A_490, %select_n3A_233 : vector<512x128xi1>, vector<512x128xf32>
    %eq3A_492 = arith.cmpf oeq, %select_n3A_237, %min3A_308 : vector<512x128xf32>
    %jit3A_493 = arith.constant 0x7F800000 : f32
    %broadcast_in_dim3A_494 = vector.broadcast %jit3A_493 : f32 to vector<512x128xf32>
    %select_n3A_495 = arith.select %eq3A_492, %broadcast_in_dim3A_494, %select_n3A_237 : vector<512x128xi1>, vector<512x128xf32>
    %eq3A_496 = arith.cmpf oeq, %select_n3A_241, %min3A_308 : vector<512x128xf32>
    %jit3A_497 = arith.constant 0x7F800000 : f32
    %broadcast_in_dim3A_498 = vector.broadcast %jit3A_497 : f32 to vector<512x128xf32>
    %select_n3A_499 = arith.select %eq3A_496, %broadcast_in_dim3A_498, %select_n3A_241 : vector<512x128xi1>, vector<512x128xf32>
    %eq3A_500 = arith.cmpf oeq, %select_n3A_245, %min3A_308 : vector<512x128xf32>
    %jit3A_501 = arith.constant 0x7F800000 : f32
    %broadcast_in_dim3A_502 = vector.broadcast %jit3A_501 : f32 to vector<512x128xf32>
    %select_n3A_503 = arith.select %eq3A_500, %broadcast_in_dim3A_502, %select_n3A_245 : vector<512x128xi1>, vector<512x128xf32>
    %eq3A_504 = arith.cmpf oeq, %select_n3A_249, %min3A_308 : vector<512x128xf32>
    %jit3A_505 = arith.constant 0x7F800000 : f32
    %broadcast_in_dim3A_506 = vector.broadcast %jit3A_505 : f32 to vector<512x128xf32>
    %select_n3A_507 = arith.select %eq3A_504, %broadcast_in_dim3A_506, %select_n3A_249 : vector<512x128xi1>, vector<512x128xf32>
    %eq3A_508 = arith.cmpf oeq, %select_n3A_253, %min3A_308 : vector<512x128xf32>
    %jit3A_509 = arith.constant 0x7F800000 : f32
    %broadcast_in_dim3A_510 = vector.broadcast %jit3A_509 : f32 to vector<512x128xf32>
    %select_n3A_511 = arith.select %eq3A_508, %broadcast_in_dim3A_510, %select_n3A_253 : vector<512x128xi1>, vector<512x128xf32>
    %eq3A_512 = arith.cmpf oeq, %select_n3A_257, %min3A_308 : vector<512x128xf32>
    %jit3A_513 = arith.constant 0x7F800000 : f32
    %broadcast_in_dim3A_514 = vector.broadcast %jit3A_513 : f32 to vector<512x128xf32>
    %select_n3A_515 = arith.select %eq3A_512, %broadcast_in_dim3A_514, %select_n3A_257 : vector<512x128xi1>, vector<512x128xf32>
    %eq3A_516 = arith.cmpf oeq, %select_n3A_261, %min3A_308 : vector<512x128xf32>
    %jit3A_517 = arith.constant 0x7F800000 : f32
    %broadcast_in_dim3A_518 = vector.broadcast %jit3A_517 : f32 to vector<512x128xf32>
    %select_n3A_519 = arith.select %eq3A_516, %broadcast_in_dim3A_518, %select_n3A_261 : vector<512x128xi1>, vector<512x128xf32>
    %eq3A_520 = arith.cmpf oeq, %select_n3A_265, %min3A_308 : vector<512x128xf32>
    %jit3A_521 = arith.constant 0x7F800000 : f32
    %broadcast_in_dim3A_522 = vector.broadcast %jit3A_521 : f32 to vector<512x128xf32>
    %select_n3A_523 = arith.select %eq3A_520, %broadcast_in_dim3A_522, %select_n3A_265 : vector<512x128xi1>, vector<512x128xf32>
    %eq3A_524 = arith.cmpf oeq, %select_n3A_269, %min3A_308 : vector<512x128xf32>
    %jit3A_525 = arith.constant 0x7F800000 : f32
    %broadcast_in_dim3A_526 = vector.broadcast %jit3A_525 : f32 to vector<512x128xf32>
    %select_n3A_527 = arith.select %eq3A_524, %broadcast_in_dim3A_526, %select_n3A_269 : vector<512x128xi1>, vector<512x128xf32>
    %eq3A_528 = arith.cmpf oeq, %select_n3A_273, %min3A_308 : vector<512x128xf32>
    %jit3A_529 = arith.constant 0x7F800000 : f32
    %broadcast_in_dim3A_530 = vector.broadcast %jit3A_529 : f32 to vector<512x128xf32>
    %select_n3A_531 = arith.select %eq3A_528, %broadcast_in_dim3A_530, %select_n3A_273 : vector<512x128xi1>, vector<512x128xf32>
    %eq3A_532 = arith.cmpf oeq, %select_n3A_277, %min3A_308 : vector<512x128xf32>
    %jit3A_533 = arith.constant 0x7F800000 : f32
    %broadcast_in_dim3A_534 = vector.broadcast %jit3A_533 : f32 to vector<512x128xf32>
    %select_n3A_535 = arith.select %eq3A_532, %broadcast_in_dim3A_534, %select_n3A_277 : vector<512x128xi1>, vector<512x128xf32>
    %eq3A_536 = arith.cmpf oeq, %select_n3A_281, %min3A_308 : vector<512x128xf32>
    %jit3A_537 = arith.constant 0x7F800000 : f32
    %broadcast_in_dim3A_538 = vector.broadcast %jit3A_537 : f32 to vector<512x128xf32>
    %select_n3A_539 = arith.select %eq3A_536, %broadcast_in_dim3A_538, %select_n3A_281 : vector<512x128xi1>, vector<512x128xf32>
    %eq3A_540 = arith.cmpf oeq, %select_n3A_285, %min3A_308 : vector<512x128xf32>
    %jit3A_541 = arith.constant 0x7F800000 : f32
    %broadcast_in_dim3A_542 = vector.broadcast %jit3A_541 : f32 to vector<512x128xf32>
    %select_n3A_543 = arith.select %eq3A_540, %broadcast_in_dim3A_542, %select_n3A_285 : vector<512x128xi1>, vector<512x128xf32>
    %eq3A_544 = arith.cmpf oeq, %select_n3A_289, %min3A_308 : vector<512x128xf32>
    %jit3A_545 = arith.constant 0x7F800000 : f32
    %broadcast_in_dim3A_546 = vector.broadcast %jit3A_545 : f32 to vector<512x128xf32>
    %select_n3A_547 = arith.select %eq3A_544, %broadcast_in_dim3A_546, %select_n3A_289 : vector<512x128xi1>, vector<512x128xf32>
    %min3A_548 = arith.minimumf %select_n3A_471, %select_n3A_475 : vector<512x128xf32>
    %min3A_549 = arith.minimumf %select_n3A_479, %select_n3A_483 : vector<512x128xf32>
    %min3A_550 = arith.minimumf %select_n3A_487, %select_n3A_491 : vector<512x128xf32>
    %min3A_551 = arith.minimumf %select_n3A_495, %select_n3A_499 : vector<512x128xf32>
    %min3A_552 = arith.minimumf %select_n3A_503, %select_n3A_507 : vector<512x128xf32>
    %min3A_553 = arith.minimumf %select_n3A_511, %select_n3A_515 : vector<512x128xf32>
    %min3A_554 = arith.minimumf %select_n3A_519, %select_n3A_523 : vector<512x128xf32>
    %min3A_555 = arith.minimumf %select_n3A_527, %select_n3A_531 : vector<512x128xf32>
    %min3A_556 = arith.minimumf %select_n3A_535, %select_n3A_539 : vector<512x128xf32>
    %min3A_557 = arith.minimumf %select_n3A_543, %select_n3A_547 : vector<512x128xf32>
    %min3A_558 = arith.minimumf %min3A_548, %min3A_549 : vector<512x128xf32>
    %min3A_559 = arith.minimumf %min3A_550, %min3A_551 : vector<512x128xf32>
    %min3A_560 = arith.minimumf %min3A_552, %min3A_553 : vector<512x128xf32>
    %min3A_561 = arith.minimumf %min3A_554, %min3A_555 : vector<512x128xf32>
    %min3A_562 = arith.minimumf %min3A_556, %min3A_557 : vector<512x128xf32>
    %min3A_563 = arith.minimumf %min3A_558, %min3A_559 : vector<512x128xf32>
    %min3A_564 = arith.minimumf %min3A_560, %min3A_561 : vector<512x128xf32>
    %min3A_565 = arith.minimumf %min3A_563, %min3A_564 : vector<512x128xf32>
    %min3A_566 = arith.minimumf %min3A_565, %min3A_562 : vector<512x128xf32>
    %eq3A_567 = arith.cmpf oeq, %select_n3A_471, %min3A_566 : vector<512x128xf32>
    %add3A_568 = arith.constant 0 : i32
    %add3A_569 = vector.broadcast %add3A_568 : i32 to vector<512x128xi32>
    %add3A_570 = arith.addi %iota3A, %add3A_569 : vector<512x128xi32>
    %jit3A_571 = arith.constant 1073741824 : i32
    %broadcast_in_dim3A_572 = vector.broadcast %jit3A_571 : i32 to vector<512x128xi32>
    %select_n3A_573 = arith.select %eq3A_567, %add3A_570, %broadcast_in_dim3A_572 : vector<512x128xi1>, vector<512x128xi32>
    %eq3A_574 = arith.cmpf oeq, %select_n3A_475, %min3A_566 : vector<512x128xf32>
    %add3A_575 = arith.constant 128 : i32
    %add3A_576 = vector.broadcast %add3A_575 : i32 to vector<512x128xi32>
    %add3A_577 = arith.addi %iota3A, %add3A_576 : vector<512x128xi32>
    %jit3A_578 = arith.constant 1073741824 : i32
    %broadcast_in_dim3A_579 = vector.broadcast %jit3A_578 : i32 to vector<512x128xi32>
    %select_n3A_580 = arith.select %eq3A_574, %add3A_577, %broadcast_in_dim3A_579 : vector<512x128xi1>, vector<512x128xi32>
    %eq3A_581 = arith.cmpf oeq, %select_n3A_479, %min3A_566 : vector<512x128xf32>
    %add3A_582 = arith.constant 256 : i32
    %add3A_583 = vector.broadcast %add3A_582 : i32 to vector<512x128xi32>
    %add3A_584 = arith.addi %iota3A, %add3A_583 : vector<512x128xi32>
    %jit3A_585 = arith.constant 1073741824 : i32
    %broadcast_in_dim3A_586 = vector.broadcast %jit3A_585 : i32 to vector<512x128xi32>
    %select_n3A_587 = arith.select %eq3A_581, %add3A_584, %broadcast_in_dim3A_586 : vector<512x128xi1>, vector<512x128xi32>
    %eq3A_588 = arith.cmpf oeq, %select_n3A_483, %min3A_566 : vector<512x128xf32>
    %add3A_589 = arith.constant 384 : i32
    %add3A_590 = vector.broadcast %add3A_589 : i32 to vector<512x128xi32>
    %add3A_591 = arith.addi %iota3A, %add3A_590 : vector<512x128xi32>
    %jit3A_592 = arith.constant 1073741824 : i32
    %broadcast_in_dim3A_593 = vector.broadcast %jit3A_592 : i32 to vector<512x128xi32>
    %select_n3A_594 = arith.select %eq3A_588, %add3A_591, %broadcast_in_dim3A_593 : vector<512x128xi1>, vector<512x128xi32>
    %eq3A_595 = arith.cmpf oeq, %select_n3A_487, %min3A_566 : vector<512x128xf32>
    %add3A_596 = arith.constant 512 : i32
    %add3A_597 = vector.broadcast %add3A_596 : i32 to vector<512x128xi32>
    %add3A_598 = arith.addi %iota3A, %add3A_597 : vector<512x128xi32>
    %jit3A_599 = arith.constant 1073741824 : i32
    %broadcast_in_dim3A_600 = vector.broadcast %jit3A_599 : i32 to vector<512x128xi32>
    %select_n3A_601 = arith.select %eq3A_595, %add3A_598, %broadcast_in_dim3A_600 : vector<512x128xi1>, vector<512x128xi32>
    %eq3A_602 = arith.cmpf oeq, %select_n3A_491, %min3A_566 : vector<512x128xf32>
    %add3A_603 = arith.constant 640 : i32
    %add3A_604 = vector.broadcast %add3A_603 : i32 to vector<512x128xi32>
    %add3A_605 = arith.addi %iota3A, %add3A_604 : vector<512x128xi32>
    %jit3A_606 = arith.constant 1073741824 : i32
    %broadcast_in_dim3A_607 = vector.broadcast %jit3A_606 : i32 to vector<512x128xi32>
    %select_n3A_608 = arith.select %eq3A_602, %add3A_605, %broadcast_in_dim3A_607 : vector<512x128xi1>, vector<512x128xi32>
    %eq3A_609 = arith.cmpf oeq, %select_n3A_495, %min3A_566 : vector<512x128xf32>
    %add3A_610 = arith.constant 768 : i32
    %add3A_611 = vector.broadcast %add3A_610 : i32 to vector<512x128xi32>
    %add3A_612 = arith.addi %iota3A, %add3A_611 : vector<512x128xi32>
    %jit3A_613 = arith.constant 1073741824 : i32
    %broadcast_in_dim3A_614 = vector.broadcast %jit3A_613 : i32 to vector<512x128xi32>
    %select_n3A_615 = arith.select %eq3A_609, %add3A_612, %broadcast_in_dim3A_614 : vector<512x128xi1>, vector<512x128xi32>
    %eq3A_616 = arith.cmpf oeq, %select_n3A_499, %min3A_566 : vector<512x128xf32>
    %add3A_617 = arith.constant 896 : i32
    %add3A_618 = vector.broadcast %add3A_617 : i32 to vector<512x128xi32>
    %add3A_619 = arith.addi %iota3A, %add3A_618 : vector<512x128xi32>
    %jit3A_620 = arith.constant 1073741824 : i32
    %broadcast_in_dim3A_621 = vector.broadcast %jit3A_620 : i32 to vector<512x128xi32>
    %select_n3A_622 = arith.select %eq3A_616, %add3A_619, %broadcast_in_dim3A_621 : vector<512x128xi1>, vector<512x128xi32>
    %eq3A_623 = arith.cmpf oeq, %select_n3A_503, %min3A_566 : vector<512x128xf32>
    %add3A_624 = arith.constant 1024 : i32
    %add3A_625 = vector.broadcast %add3A_624 : i32 to vector<512x128xi32>
    %add3A_626 = arith.addi %iota3A, %add3A_625 : vector<512x128xi32>
    %jit3A_627 = arith.constant 1073741824 : i32
    %broadcast_in_dim3A_628 = vector.broadcast %jit3A_627 : i32 to vector<512x128xi32>
    %select_n3A_629 = arith.select %eq3A_623, %add3A_626, %broadcast_in_dim3A_628 : vector<512x128xi1>, vector<512x128xi32>
    %eq3A_630 = arith.cmpf oeq, %select_n3A_507, %min3A_566 : vector<512x128xf32>
    %add3A_631 = arith.constant 1152 : i32
    %add3A_632 = vector.broadcast %add3A_631 : i32 to vector<512x128xi32>
    %add3A_633 = arith.addi %iota3A, %add3A_632 : vector<512x128xi32>
    %jit3A_634 = arith.constant 1073741824 : i32
    %broadcast_in_dim3A_635 = vector.broadcast %jit3A_634 : i32 to vector<512x128xi32>
    %select_n3A_636 = arith.select %eq3A_630, %add3A_633, %broadcast_in_dim3A_635 : vector<512x128xi1>, vector<512x128xi32>
    %eq3A_637 = arith.cmpf oeq, %select_n3A_511, %min3A_566 : vector<512x128xf32>
    %add3A_638 = arith.constant 1280 : i32
    %add3A_639 = vector.broadcast %add3A_638 : i32 to vector<512x128xi32>
    %add3A_640 = arith.addi %iota3A, %add3A_639 : vector<512x128xi32>
    %jit3A_641 = arith.constant 1073741824 : i32
    %broadcast_in_dim3A_642 = vector.broadcast %jit3A_641 : i32 to vector<512x128xi32>
    %select_n3A_643 = arith.select %eq3A_637, %add3A_640, %broadcast_in_dim3A_642 : vector<512x128xi1>, vector<512x128xi32>
    %eq3A_644 = arith.cmpf oeq, %select_n3A_515, %min3A_566 : vector<512x128xf32>
    %add3A_645 = arith.constant 1408 : i32
    %add3A_646 = vector.broadcast %add3A_645 : i32 to vector<512x128xi32>
    %add3A_647 = arith.addi %iota3A, %add3A_646 : vector<512x128xi32>
    %jit3A_648 = arith.constant 1073741824 : i32
    %broadcast_in_dim3A_649 = vector.broadcast %jit3A_648 : i32 to vector<512x128xi32>
    %select_n3A_650 = arith.select %eq3A_644, %add3A_647, %broadcast_in_dim3A_649 : vector<512x128xi1>, vector<512x128xi32>
    %eq3A_651 = arith.cmpf oeq, %select_n3A_519, %min3A_566 : vector<512x128xf32>
    %add3A_652 = arith.constant 1536 : i32
    %add3A_653 = vector.broadcast %add3A_652 : i32 to vector<512x128xi32>
    %add3A_654 = arith.addi %iota3A, %add3A_653 : vector<512x128xi32>
    %jit3A_655 = arith.constant 1073741824 : i32
    %broadcast_in_dim3A_656 = vector.broadcast %jit3A_655 : i32 to vector<512x128xi32>
    %select_n3A_657 = arith.select %eq3A_651, %add3A_654, %broadcast_in_dim3A_656 : vector<512x128xi1>, vector<512x128xi32>
    %eq3A_658 = arith.cmpf oeq, %select_n3A_523, %min3A_566 : vector<512x128xf32>
    %add3A_659 = arith.constant 1664 : i32
    %add3A_660 = vector.broadcast %add3A_659 : i32 to vector<512x128xi32>
    %add3A_661 = arith.addi %iota3A, %add3A_660 : vector<512x128xi32>
    %jit3A_662 = arith.constant 1073741824 : i32
    %broadcast_in_dim3A_663 = vector.broadcast %jit3A_662 : i32 to vector<512x128xi32>
    %select_n3A_664 = arith.select %eq3A_658, %add3A_661, %broadcast_in_dim3A_663 : vector<512x128xi1>, vector<512x128xi32>
    %eq3A_665 = arith.cmpf oeq, %select_n3A_527, %min3A_566 : vector<512x128xf32>
    %add3A_666 = arith.constant 1792 : i32
    %add3A_667 = vector.broadcast %add3A_666 : i32 to vector<512x128xi32>
    %add3A_668 = arith.addi %iota3A, %add3A_667 : vector<512x128xi32>
    %jit3A_669 = arith.constant 1073741824 : i32
    %broadcast_in_dim3A_670 = vector.broadcast %jit3A_669 : i32 to vector<512x128xi32>
    %select_n3A_671 = arith.select %eq3A_665, %add3A_668, %broadcast_in_dim3A_670 : vector<512x128xi1>, vector<512x128xi32>
    %eq3A_672 = arith.cmpf oeq, %select_n3A_531, %min3A_566 : vector<512x128xf32>
    %add3A_673 = arith.constant 1920 : i32
    %add3A_674 = vector.broadcast %add3A_673 : i32 to vector<512x128xi32>
    %add3A_675 = arith.addi %iota3A, %add3A_674 : vector<512x128xi32>
    %jit3A_676 = arith.constant 1073741824 : i32
    %broadcast_in_dim3A_677 = vector.broadcast %jit3A_676 : i32 to vector<512x128xi32>
    %select_n3A_678 = arith.select %eq3A_672, %add3A_675, %broadcast_in_dim3A_677 : vector<512x128xi1>, vector<512x128xi32>
    %eq3A_679 = arith.cmpf oeq, %select_n3A_535, %min3A_566 : vector<512x128xf32>
    %add3A_680 = arith.constant 2048 : i32
    %add3A_681 = vector.broadcast %add3A_680 : i32 to vector<512x128xi32>
    %add3A_682 = arith.addi %iota3A, %add3A_681 : vector<512x128xi32>
    %jit3A_683 = arith.constant 1073741824 : i32
    %broadcast_in_dim3A_684 = vector.broadcast %jit3A_683 : i32 to vector<512x128xi32>
    %select_n3A_685 = arith.select %eq3A_679, %add3A_682, %broadcast_in_dim3A_684 : vector<512x128xi1>, vector<512x128xi32>
    %eq3A_686 = arith.cmpf oeq, %select_n3A_539, %min3A_566 : vector<512x128xf32>
    %add3A_687 = arith.constant 2176 : i32
    %add3A_688 = vector.broadcast %add3A_687 : i32 to vector<512x128xi32>
    %add3A_689 = arith.addi %iota3A, %add3A_688 : vector<512x128xi32>
    %jit3A_690 = arith.constant 1073741824 : i32
    %broadcast_in_dim3A_691 = vector.broadcast %jit3A_690 : i32 to vector<512x128xi32>
    %select_n3A_692 = arith.select %eq3A_686, %add3A_689, %broadcast_in_dim3A_691 : vector<512x128xi1>, vector<512x128xi32>
    %eq3A_693 = arith.cmpf oeq, %select_n3A_543, %min3A_566 : vector<512x128xf32>
    %add3A_694 = arith.constant 2304 : i32
    %add3A_695 = vector.broadcast %add3A_694 : i32 to vector<512x128xi32>
    %add3A_696 = arith.addi %iota3A, %add3A_695 : vector<512x128xi32>
    %jit3A_697 = arith.constant 1073741824 : i32
    %broadcast_in_dim3A_698 = vector.broadcast %jit3A_697 : i32 to vector<512x128xi32>
    %select_n3A_699 = arith.select %eq3A_693, %add3A_696, %broadcast_in_dim3A_698 : vector<512x128xi1>, vector<512x128xi32>
    %eq3A_700 = arith.cmpf oeq, %select_n3A_547, %min3A_566 : vector<512x128xf32>
    %add3A_701 = arith.constant 2432 : i32
    %add3A_702 = vector.broadcast %add3A_701 : i32 to vector<512x128xi32>
    %add3A_703 = arith.addi %iota3A, %add3A_702 : vector<512x128xi32>
    %jit3A_704 = arith.constant 1073741824 : i32
    %broadcast_in_dim3A_705 = vector.broadcast %jit3A_704 : i32 to vector<512x128xi32>
    %select_n3A_706 = arith.select %eq3A_700, %add3A_703, %broadcast_in_dim3A_705 : vector<512x128xi1>, vector<512x128xi32>
    %min3A_707 = arith.minsi %select_n3A_573, %select_n3A_580 : vector<512x128xi32>
    %min3A_708 = arith.minsi %select_n3A_587, %select_n3A_594 : vector<512x128xi32>
    %min3A_709 = arith.minsi %select_n3A_601, %select_n3A_608 : vector<512x128xi32>
    %min3A_710 = arith.minsi %select_n3A_615, %select_n3A_622 : vector<512x128xi32>
    %min3A_711 = arith.minsi %select_n3A_629, %select_n3A_636 : vector<512x128xi32>
    %min3A_712 = arith.minsi %select_n3A_643, %select_n3A_650 : vector<512x128xi32>
    %min3A_713 = arith.minsi %select_n3A_657, %select_n3A_664 : vector<512x128xi32>
    %min3A_714 = arith.minsi %select_n3A_671, %select_n3A_678 : vector<512x128xi32>
    %min3A_715 = arith.minsi %select_n3A_685, %select_n3A_692 : vector<512x128xi32>
    %min3A_716 = arith.minsi %select_n3A_699, %select_n3A_706 : vector<512x128xi32>
    %min3A_717 = arith.minsi %min3A_707, %min3A_708 : vector<512x128xi32>
    %min3A_718 = arith.minsi %min3A_709, %min3A_710 : vector<512x128xi32>
    %min3A_719 = arith.minsi %min3A_711, %min3A_712 : vector<512x128xi32>
    %min3A_720 = arith.minsi %min3A_713, %min3A_714 : vector<512x128xi32>
    %min3A_721 = arith.minsi %min3A_715, %min3A_716 : vector<512x128xi32>
    %min3A_722 = arith.minsi %min3A_717, %min3A_718 : vector<512x128xi32>
    %min3A_723 = arith.minsi %min3A_719, %min3A_720 : vector<512x128xi32>
    %min3A_724 = arith.minsi %min3A_722, %min3A_723 : vector<512x128xi32>
    %min3A_725 = arith.minsi %min3A_724, %min3A_721 : vector<512x128xi32>
    %eq3A_726 = arith.cmpf oeq, %select_n3A_471, %min3A_566 : vector<512x128xf32>
    %jit3A_727 = arith.constant 0x7F800000 : f32
    %broadcast_in_dim3A_728 = vector.broadcast %jit3A_727 : f32 to vector<512x128xf32>
    %select_n3A_729 = arith.select %eq3A_726, %broadcast_in_dim3A_728, %select_n3A_471 : vector<512x128xi1>, vector<512x128xf32>
    %eq3A_730 = arith.cmpf oeq, %select_n3A_475, %min3A_566 : vector<512x128xf32>
    %jit3A_731 = arith.constant 0x7F800000 : f32
    %broadcast_in_dim3A_732 = vector.broadcast %jit3A_731 : f32 to vector<512x128xf32>
    %select_n3A_733 = arith.select %eq3A_730, %broadcast_in_dim3A_732, %select_n3A_475 : vector<512x128xi1>, vector<512x128xf32>
    %eq3A_734 = arith.cmpf oeq, %select_n3A_479, %min3A_566 : vector<512x128xf32>
    %jit3A_735 = arith.constant 0x7F800000 : f32
    %broadcast_in_dim3A_736 = vector.broadcast %jit3A_735 : f32 to vector<512x128xf32>
    %select_n3A_737 = arith.select %eq3A_734, %broadcast_in_dim3A_736, %select_n3A_479 : vector<512x128xi1>, vector<512x128xf32>
    %eq3A_738 = arith.cmpf oeq, %select_n3A_483, %min3A_566 : vector<512x128xf32>
    %jit3A_739 = arith.constant 0x7F800000 : f32
    %broadcast_in_dim3A_740 = vector.broadcast %jit3A_739 : f32 to vector<512x128xf32>
    %select_n3A_741 = arith.select %eq3A_738, %broadcast_in_dim3A_740, %select_n3A_483 : vector<512x128xi1>, vector<512x128xf32>
    %eq3A_742 = arith.cmpf oeq, %select_n3A_487, %min3A_566 : vector<512x128xf32>
    %jit3A_743 = arith.constant 0x7F800000 : f32
    %broadcast_in_dim3A_744 = vector.broadcast %jit3A_743 : f32 to vector<512x128xf32>
    %select_n3A_745 = arith.select %eq3A_742, %broadcast_in_dim3A_744, %select_n3A_487 : vector<512x128xi1>, vector<512x128xf32>
    %eq3A_746 = arith.cmpf oeq, %select_n3A_491, %min3A_566 : vector<512x128xf32>
    %jit3A_747 = arith.constant 0x7F800000 : f32
    %broadcast_in_dim3A_748 = vector.broadcast %jit3A_747 : f32 to vector<512x128xf32>
    %select_n3A_749 = arith.select %eq3A_746, %broadcast_in_dim3A_748, %select_n3A_491 : vector<512x128xi1>, vector<512x128xf32>
    %eq3A_750 = arith.cmpf oeq, %select_n3A_495, %min3A_566 : vector<512x128xf32>
    %jit3A_751 = arith.constant 0x7F800000 : f32
    %broadcast_in_dim3A_752 = vector.broadcast %jit3A_751 : f32 to vector<512x128xf32>
    %select_n3A_753 = arith.select %eq3A_750, %broadcast_in_dim3A_752, %select_n3A_495 : vector<512x128xi1>, vector<512x128xf32>
    %eq3A_754 = arith.cmpf oeq, %select_n3A_499, %min3A_566 : vector<512x128xf32>
    %jit3A_755 = arith.constant 0x7F800000 : f32
    %broadcast_in_dim3A_756 = vector.broadcast %jit3A_755 : f32 to vector<512x128xf32>
    %select_n3A_757 = arith.select %eq3A_754, %broadcast_in_dim3A_756, %select_n3A_499 : vector<512x128xi1>, vector<512x128xf32>
    %eq3A_758 = arith.cmpf oeq, %select_n3A_503, %min3A_566 : vector<512x128xf32>
    %jit3A_759 = arith.constant 0x7F800000 : f32
    %broadcast_in_dim3A_760 = vector.broadcast %jit3A_759 : f32 to vector<512x128xf32>
    %select_n3A_761 = arith.select %eq3A_758, %broadcast_in_dim3A_760, %select_n3A_503 : vector<512x128xi1>, vector<512x128xf32>
    %eq3A_762 = arith.cmpf oeq, %select_n3A_507, %min3A_566 : vector<512x128xf32>
    %jit3A_763 = arith.constant 0x7F800000 : f32
    %broadcast_in_dim3A_764 = vector.broadcast %jit3A_763 : f32 to vector<512x128xf32>
    %select_n3A_765 = arith.select %eq3A_762, %broadcast_in_dim3A_764, %select_n3A_507 : vector<512x128xi1>, vector<512x128xf32>
    %eq3A_766 = arith.cmpf oeq, %select_n3A_511, %min3A_566 : vector<512x128xf32>
    %jit3A_767 = arith.constant 0x7F800000 : f32
    %broadcast_in_dim3A_768 = vector.broadcast %jit3A_767 : f32 to vector<512x128xf32>
    %select_n3A_769 = arith.select %eq3A_766, %broadcast_in_dim3A_768, %select_n3A_511 : vector<512x128xi1>, vector<512x128xf32>
    %eq3A_770 = arith.cmpf oeq, %select_n3A_515, %min3A_566 : vector<512x128xf32>
    %jit3A_771 = arith.constant 0x7F800000 : f32
    %broadcast_in_dim3A_772 = vector.broadcast %jit3A_771 : f32 to vector<512x128xf32>
    %select_n3A_773 = arith.select %eq3A_770, %broadcast_in_dim3A_772, %select_n3A_515 : vector<512x128xi1>, vector<512x128xf32>
    %eq3A_774 = arith.cmpf oeq, %select_n3A_519, %min3A_566 : vector<512x128xf32>
    %jit3A_775 = arith.constant 0x7F800000 : f32
    %broadcast_in_dim3A_776 = vector.broadcast %jit3A_775 : f32 to vector<512x128xf32>
    %select_n3A_777 = arith.select %eq3A_774, %broadcast_in_dim3A_776, %select_n3A_519 : vector<512x128xi1>, vector<512x128xf32>
    %eq3A_778 = arith.cmpf oeq, %select_n3A_523, %min3A_566 : vector<512x128xf32>
    %jit3A_779 = arith.constant 0x7F800000 : f32
    %broadcast_in_dim3A_780 = vector.broadcast %jit3A_779 : f32 to vector<512x128xf32>
    %select_n3A_781 = arith.select %eq3A_778, %broadcast_in_dim3A_780, %select_n3A_523 : vector<512x128xi1>, vector<512x128xf32>
    %eq3A_782 = arith.cmpf oeq, %select_n3A_527, %min3A_566 : vector<512x128xf32>
    %jit3A_783 = arith.constant 0x7F800000 : f32
    %broadcast_in_dim3A_784 = vector.broadcast %jit3A_783 : f32 to vector<512x128xf32>
    %select_n3A_785 = arith.select %eq3A_782, %broadcast_in_dim3A_784, %select_n3A_527 : vector<512x128xi1>, vector<512x128xf32>
    %eq3A_786 = arith.cmpf oeq, %select_n3A_531, %min3A_566 : vector<512x128xf32>
    %jit3A_787 = arith.constant 0x7F800000 : f32
    %broadcast_in_dim3A_788 = vector.broadcast %jit3A_787 : f32 to vector<512x128xf32>
    %select_n3A_789 = arith.select %eq3A_786, %broadcast_in_dim3A_788, %select_n3A_531 : vector<512x128xi1>, vector<512x128xf32>
    %eq3A_790 = arith.cmpf oeq, %select_n3A_535, %min3A_566 : vector<512x128xf32>
    %jit3A_791 = arith.constant 0x7F800000 : f32
    %broadcast_in_dim3A_792 = vector.broadcast %jit3A_791 : f32 to vector<512x128xf32>
    %select_n3A_793 = arith.select %eq3A_790, %broadcast_in_dim3A_792, %select_n3A_535 : vector<512x128xi1>, vector<512x128xf32>
    %eq3A_794 = arith.cmpf oeq, %select_n3A_539, %min3A_566 : vector<512x128xf32>
    %jit3A_795 = arith.constant 0x7F800000 : f32
    %broadcast_in_dim3A_796 = vector.broadcast %jit3A_795 : f32 to vector<512x128xf32>
    %select_n3A_797 = arith.select %eq3A_794, %broadcast_in_dim3A_796, %select_n3A_539 : vector<512x128xi1>, vector<512x128xf32>
    %eq3A_798 = arith.cmpf oeq, %select_n3A_543, %min3A_566 : vector<512x128xf32>
    %jit3A_799 = arith.constant 0x7F800000 : f32
    %broadcast_in_dim3A_800 = vector.broadcast %jit3A_799 : f32 to vector<512x128xf32>
    %select_n3A_801 = arith.select %eq3A_798, %broadcast_in_dim3A_800, %select_n3A_543 : vector<512x128xi1>, vector<512x128xf32>
    %eq3A_802 = arith.cmpf oeq, %select_n3A_547, %min3A_566 : vector<512x128xf32>
    %jit3A_803 = arith.constant 0x7F800000 : f32
    %broadcast_in_dim3A_804 = vector.broadcast %jit3A_803 : f32 to vector<512x128xf32>
    %select_n3A_805 = arith.select %eq3A_802, %broadcast_in_dim3A_804, %select_n3A_547 : vector<512x128xi1>, vector<512x128xf32>
    %min3A_806 = arith.minimumf %select_n3A_729, %select_n3A_733 : vector<512x128xf32>
    %min3A_807 = arith.minimumf %select_n3A_737, %select_n3A_741 : vector<512x128xf32>
    %min3A_808 = arith.minimumf %select_n3A_745, %select_n3A_749 : vector<512x128xf32>
    %min3A_809 = arith.minimumf %select_n3A_753, %select_n3A_757 : vector<512x128xf32>
    %min3A_810 = arith.minimumf %select_n3A_761, %select_n3A_765 : vector<512x128xf32>
    %min3A_811 = arith.minimumf %select_n3A_769, %select_n3A_773 : vector<512x128xf32>
    %min3A_812 = arith.minimumf %select_n3A_777, %select_n3A_781 : vector<512x128xf32>
    %min3A_813 = arith.minimumf %select_n3A_785, %select_n3A_789 : vector<512x128xf32>
    %min3A_814 = arith.minimumf %select_n3A_793, %select_n3A_797 : vector<512x128xf32>
    %min3A_815 = arith.minimumf %select_n3A_801, %select_n3A_805 : vector<512x128xf32>
    %min3A_816 = arith.minimumf %min3A_806, %min3A_807 : vector<512x128xf32>
    %min3A_817 = arith.minimumf %min3A_808, %min3A_809 : vector<512x128xf32>
    %min3A_818 = arith.minimumf %min3A_810, %min3A_811 : vector<512x128xf32>
    %min3A_819 = arith.minimumf %min3A_812, %min3A_813 : vector<512x128xf32>
    %min3A_820 = arith.minimumf %min3A_814, %min3A_815 : vector<512x128xf32>
    %min3A_821 = arith.minimumf %min3A_816, %min3A_817 : vector<512x128xf32>
    %min3A_822 = arith.minimumf %min3A_818, %min3A_819 : vector<512x128xf32>
    %min3A_823 = arith.minimumf %min3A_821, %min3A_822 : vector<512x128xf32>
    %min3A_824 = arith.minimumf %min3A_823, %min3A_820 : vector<512x128xf32>
    %eq3A_825 = arith.cmpf oeq, %select_n3A_729, %min3A_824 : vector<512x128xf32>
    %add3A_826 = arith.constant 0 : i32
    %add3A_827 = vector.broadcast %add3A_826 : i32 to vector<512x128xi32>
    %add3A_828 = arith.addi %iota3A, %add3A_827 : vector<512x128xi32>
    %jit3A_829 = arith.constant 1073741824 : i32
    %broadcast_in_dim3A_830 = vector.broadcast %jit3A_829 : i32 to vector<512x128xi32>
    %select_n3A_831 = arith.select %eq3A_825, %add3A_828, %broadcast_in_dim3A_830 : vector<512x128xi1>, vector<512x128xi32>
    %eq3A_832 = arith.cmpf oeq, %select_n3A_733, %min3A_824 : vector<512x128xf32>
    %add3A_833 = arith.constant 128 : i32
    %add3A_834 = vector.broadcast %add3A_833 : i32 to vector<512x128xi32>
    %add3A_835 = arith.addi %iota3A, %add3A_834 : vector<512x128xi32>
    %jit3A_836 = arith.constant 1073741824 : i32
    %broadcast_in_dim3A_837 = vector.broadcast %jit3A_836 : i32 to vector<512x128xi32>
    %select_n3A_838 = arith.select %eq3A_832, %add3A_835, %broadcast_in_dim3A_837 : vector<512x128xi1>, vector<512x128xi32>
    %eq3A_839 = arith.cmpf oeq, %select_n3A_737, %min3A_824 : vector<512x128xf32>
    %add3A_840 = arith.constant 256 : i32
    %add3A_841 = vector.broadcast %add3A_840 : i32 to vector<512x128xi32>
    %add3A_842 = arith.addi %iota3A, %add3A_841 : vector<512x128xi32>
    %jit3A_843 = arith.constant 1073741824 : i32
    %broadcast_in_dim3A_844 = vector.broadcast %jit3A_843 : i32 to vector<512x128xi32>
    %select_n3A_845 = arith.select %eq3A_839, %add3A_842, %broadcast_in_dim3A_844 : vector<512x128xi1>, vector<512x128xi32>
    %eq3A_846 = arith.cmpf oeq, %select_n3A_741, %min3A_824 : vector<512x128xf32>
    %add3A_847 = arith.constant 384 : i32
    %add3A_848 = vector.broadcast %add3A_847 : i32 to vector<512x128xi32>
    %add3A_849 = arith.addi %iota3A, %add3A_848 : vector<512x128xi32>
    %jit3A_850 = arith.constant 1073741824 : i32
    %broadcast_in_dim3A_851 = vector.broadcast %jit3A_850 : i32 to vector<512x128xi32>
    %select_n3A_852 = arith.select %eq3A_846, %add3A_849, %broadcast_in_dim3A_851 : vector<512x128xi1>, vector<512x128xi32>
    %eq3A_853 = arith.cmpf oeq, %select_n3A_745, %min3A_824 : vector<512x128xf32>
    %add3A_854 = arith.constant 512 : i32
    %add3A_855 = vector.broadcast %add3A_854 : i32 to vector<512x128xi32>
    %add3A_856 = arith.addi %iota3A, %add3A_855 : vector<512x128xi32>
    %jit3A_857 = arith.constant 1073741824 : i32
    %broadcast_in_dim3A_858 = vector.broadcast %jit3A_857 : i32 to vector<512x128xi32>
    %select_n3A_859 = arith.select %eq3A_853, %add3A_856, %broadcast_in_dim3A_858 : vector<512x128xi1>, vector<512x128xi32>
    %eq3A_860 = arith.cmpf oeq, %select_n3A_749, %min3A_824 : vector<512x128xf32>
    %add3A_861 = arith.constant 640 : i32
    %add3A_862 = vector.broadcast %add3A_861 : i32 to vector<512x128xi32>
    %add3A_863 = arith.addi %iota3A, %add3A_862 : vector<512x128xi32>
    %jit3A_864 = arith.constant 1073741824 : i32
    %broadcast_in_dim3A_865 = vector.broadcast %jit3A_864 : i32 to vector<512x128xi32>
    %select_n3A_866 = arith.select %eq3A_860, %add3A_863, %broadcast_in_dim3A_865 : vector<512x128xi1>, vector<512x128xi32>
    %eq3A_867 = arith.cmpf oeq, %select_n3A_753, %min3A_824 : vector<512x128xf32>
    %add3A_868 = arith.constant 768 : i32
    %add3A_869 = vector.broadcast %add3A_868 : i32 to vector<512x128xi32>
    %add3A_870 = arith.addi %iota3A, %add3A_869 : vector<512x128xi32>
    %jit3A_871 = arith.constant 1073741824 : i32
    %broadcast_in_dim3A_872 = vector.broadcast %jit3A_871 : i32 to vector<512x128xi32>
    %select_n3A_873 = arith.select %eq3A_867, %add3A_870, %broadcast_in_dim3A_872 : vector<512x128xi1>, vector<512x128xi32>
    %eq3A_874 = arith.cmpf oeq, %select_n3A_757, %min3A_824 : vector<512x128xf32>
    %add3A_875 = arith.constant 896 : i32
    %add3A_876 = vector.broadcast %add3A_875 : i32 to vector<512x128xi32>
    %add3A_877 = arith.addi %iota3A, %add3A_876 : vector<512x128xi32>
    %jit3A_878 = arith.constant 1073741824 : i32
    %broadcast_in_dim3A_879 = vector.broadcast %jit3A_878 : i32 to vector<512x128xi32>
    %select_n3A_880 = arith.select %eq3A_874, %add3A_877, %broadcast_in_dim3A_879 : vector<512x128xi1>, vector<512x128xi32>
    %eq3A_881 = arith.cmpf oeq, %select_n3A_761, %min3A_824 : vector<512x128xf32>
    %add3A_882 = arith.constant 1024 : i32
    %add3A_883 = vector.broadcast %add3A_882 : i32 to vector<512x128xi32>
    %add3A_884 = arith.addi %iota3A, %add3A_883 : vector<512x128xi32>
    %jit3A_885 = arith.constant 1073741824 : i32
    %broadcast_in_dim3A_886 = vector.broadcast %jit3A_885 : i32 to vector<512x128xi32>
    %select_n3A_887 = arith.select %eq3A_881, %add3A_884, %broadcast_in_dim3A_886 : vector<512x128xi1>, vector<512x128xi32>
    %eq3A_888 = arith.cmpf oeq, %select_n3A_765, %min3A_824 : vector<512x128xf32>
    %add3A_889 = arith.constant 1152 : i32
    %add3A_890 = vector.broadcast %add3A_889 : i32 to vector<512x128xi32>
    %add3A_891 = arith.addi %iota3A, %add3A_890 : vector<512x128xi32>
    %jit3A_892 = arith.constant 1073741824 : i32
    %broadcast_in_dim3A_893 = vector.broadcast %jit3A_892 : i32 to vector<512x128xi32>
    %select_n3A_894 = arith.select %eq3A_888, %add3A_891, %broadcast_in_dim3A_893 : vector<512x128xi1>, vector<512x128xi32>
    %eq3A_895 = arith.cmpf oeq, %select_n3A_769, %min3A_824 : vector<512x128xf32>
    %add3A_896 = arith.constant 1280 : i32
    %add3A_897 = vector.broadcast %add3A_896 : i32 to vector<512x128xi32>
    %add3A_898 = arith.addi %iota3A, %add3A_897 : vector<512x128xi32>
    %jit3A_899 = arith.constant 1073741824 : i32
    %broadcast_in_dim3A_900 = vector.broadcast %jit3A_899 : i32 to vector<512x128xi32>
    %select_n3A_901 = arith.select %eq3A_895, %add3A_898, %broadcast_in_dim3A_900 : vector<512x128xi1>, vector<512x128xi32>
    %eq3A_902 = arith.cmpf oeq, %select_n3A_773, %min3A_824 : vector<512x128xf32>
    %add3A_903 = arith.constant 1408 : i32
    %add3A_904 = vector.broadcast %add3A_903 : i32 to vector<512x128xi32>
    %add3A_905 = arith.addi %iota3A, %add3A_904 : vector<512x128xi32>
    %jit3A_906 = arith.constant 1073741824 : i32
    %broadcast_in_dim3A_907 = vector.broadcast %jit3A_906 : i32 to vector<512x128xi32>
    %select_n3A_908 = arith.select %eq3A_902, %add3A_905, %broadcast_in_dim3A_907 : vector<512x128xi1>, vector<512x128xi32>
    %eq3A_909 = arith.cmpf oeq, %select_n3A_777, %min3A_824 : vector<512x128xf32>
    %add3A_910 = arith.constant 1536 : i32
    %add3A_911 = vector.broadcast %add3A_910 : i32 to vector<512x128xi32>
    %add3A_912 = arith.addi %iota3A, %add3A_911 : vector<512x128xi32>
    %jit3A_913 = arith.constant 1073741824 : i32
    %broadcast_in_dim3A_914 = vector.broadcast %jit3A_913 : i32 to vector<512x128xi32>
    %select_n3A_915 = arith.select %eq3A_909, %add3A_912, %broadcast_in_dim3A_914 : vector<512x128xi1>, vector<512x128xi32>
    %eq3A_916 = arith.cmpf oeq, %select_n3A_781, %min3A_824 : vector<512x128xf32>
    %add3A_917 = arith.constant 1664 : i32
    %add3A_918 = vector.broadcast %add3A_917 : i32 to vector<512x128xi32>
    %add3A_919 = arith.addi %iota3A, %add3A_918 : vector<512x128xi32>
    %jit3A_920 = arith.constant 1073741824 : i32
    %broadcast_in_dim3A_921 = vector.broadcast %jit3A_920 : i32 to vector<512x128xi32>
    %select_n3A_922 = arith.select %eq3A_916, %add3A_919, %broadcast_in_dim3A_921 : vector<512x128xi1>, vector<512x128xi32>
    %eq3A_923 = arith.cmpf oeq, %select_n3A_785, %min3A_824 : vector<512x128xf32>
    %add3A_924 = arith.constant 1792 : i32
    %add3A_925 = vector.broadcast %add3A_924 : i32 to vector<512x128xi32>
    %add3A_926 = arith.addi %iota3A, %add3A_925 : vector<512x128xi32>
    %jit3A_927 = arith.constant 1073741824 : i32
    %broadcast_in_dim3A_928 = vector.broadcast %jit3A_927 : i32 to vector<512x128xi32>
    %select_n3A_929 = arith.select %eq3A_923, %add3A_926, %broadcast_in_dim3A_928 : vector<512x128xi1>, vector<512x128xi32>
    %eq3A_930 = arith.cmpf oeq, %select_n3A_789, %min3A_824 : vector<512x128xf32>
    %add3A_931 = arith.constant 1920 : i32
    %add3A_932 = vector.broadcast %add3A_931 : i32 to vector<512x128xi32>
    %add3A_933 = arith.addi %iota3A, %add3A_932 : vector<512x128xi32>
    %jit3A_934 = arith.constant 1073741824 : i32
    %broadcast_in_dim3A_935 = vector.broadcast %jit3A_934 : i32 to vector<512x128xi32>
    %select_n3A_936 = arith.select %eq3A_930, %add3A_933, %broadcast_in_dim3A_935 : vector<512x128xi1>, vector<512x128xi32>
    %eq3A_937 = arith.cmpf oeq, %select_n3A_793, %min3A_824 : vector<512x128xf32>
    %add3A_938 = arith.constant 2048 : i32
    %add3A_939 = vector.broadcast %add3A_938 : i32 to vector<512x128xi32>
    %add3A_940 = arith.addi %iota3A, %add3A_939 : vector<512x128xi32>
    %jit3A_941 = arith.constant 1073741824 : i32
    %broadcast_in_dim3A_942 = vector.broadcast %jit3A_941 : i32 to vector<512x128xi32>
    %select_n3A_943 = arith.select %eq3A_937, %add3A_940, %broadcast_in_dim3A_942 : vector<512x128xi1>, vector<512x128xi32>
    %eq3A_944 = arith.cmpf oeq, %select_n3A_797, %min3A_824 : vector<512x128xf32>
    %add3A_945 = arith.constant 2176 : i32
    %add3A_946 = vector.broadcast %add3A_945 : i32 to vector<512x128xi32>
    %add3A_947 = arith.addi %iota3A, %add3A_946 : vector<512x128xi32>
    %jit3A_948 = arith.constant 1073741824 : i32
    %broadcast_in_dim3A_949 = vector.broadcast %jit3A_948 : i32 to vector<512x128xi32>
    %select_n3A_950 = arith.select %eq3A_944, %add3A_947, %broadcast_in_dim3A_949 : vector<512x128xi1>, vector<512x128xi32>
    %eq3A_951 = arith.cmpf oeq, %select_n3A_801, %min3A_824 : vector<512x128xf32>
    %add3A_952 = arith.constant 2304 : i32
    %add3A_953 = vector.broadcast %add3A_952 : i32 to vector<512x128xi32>
    %add3A_954 = arith.addi %iota3A, %add3A_953 : vector<512x128xi32>
    %jit3A_955 = arith.constant 1073741824 : i32
    %broadcast_in_dim3A_956 = vector.broadcast %jit3A_955 : i32 to vector<512x128xi32>
    %select_n3A_957 = arith.select %eq3A_951, %add3A_954, %broadcast_in_dim3A_956 : vector<512x128xi1>, vector<512x128xi32>
    %eq3A_958 = arith.cmpf oeq, %select_n3A_805, %min3A_824 : vector<512x128xf32>
    %add3A_959 = arith.constant 2432 : i32
    %add3A_960 = vector.broadcast %add3A_959 : i32 to vector<512x128xi32>
    %add3A_961 = arith.addi %iota3A, %add3A_960 : vector<512x128xi32>
    %jit3A_962 = arith.constant 1073741824 : i32
    %broadcast_in_dim3A_963 = vector.broadcast %jit3A_962 : i32 to vector<512x128xi32>
    %select_n3A_964 = arith.select %eq3A_958, %add3A_961, %broadcast_in_dim3A_963 : vector<512x128xi1>, vector<512x128xi32>
    %min3A_965 = arith.minsi %select_n3A_831, %select_n3A_838 : vector<512x128xi32>
    %min3A_966 = arith.minsi %select_n3A_845, %select_n3A_852 : vector<512x128xi32>
    %min3A_967 = arith.minsi %select_n3A_859, %select_n3A_866 : vector<512x128xi32>
    %min3A_968 = arith.minsi %select_n3A_873, %select_n3A_880 : vector<512x128xi32>
    %min3A_969 = arith.minsi %select_n3A_887, %select_n3A_894 : vector<512x128xi32>
    %min3A_970 = arith.minsi %select_n3A_901, %select_n3A_908 : vector<512x128xi32>
    %min3A_971 = arith.minsi %select_n3A_915, %select_n3A_922 : vector<512x128xi32>
    %min3A_972 = arith.minsi %select_n3A_929, %select_n3A_936 : vector<512x128xi32>
    %min3A_973 = arith.minsi %select_n3A_943, %select_n3A_950 : vector<512x128xi32>
    %min3A_974 = arith.minsi %select_n3A_957, %select_n3A_964 : vector<512x128xi32>
    %min3A_975 = arith.minsi %min3A_965, %min3A_966 : vector<512x128xi32>
    %min3A_976 = arith.minsi %min3A_967, %min3A_968 : vector<512x128xi32>
    %min3A_977 = arith.minsi %min3A_969, %min3A_970 : vector<512x128xi32>
    %min3A_978 = arith.minsi %min3A_971, %min3A_972 : vector<512x128xi32>
    %min3A_979 = arith.minsi %min3A_973, %min3A_974 : vector<512x128xi32>
    %min3A_980 = arith.minsi %min3A_975, %min3A_976 : vector<512x128xi32>
    %min3A_981 = arith.minsi %min3A_977, %min3A_978 : vector<512x128xi32>
    %min3A_982 = arith.minsi %min3A_980, %min3A_981 : vector<512x128xi32>
    %min3A_983 = arith.minsi %min3A_982, %min3A_979 : vector<512x128xi32>
    %eq3A_984 = arith.cmpf oeq, %select_n3A_729, %min3A_824 : vector<512x128xf32>
    %jit3A_985 = arith.constant 0x7F800000 : f32
    %broadcast_in_dim3A_986 = vector.broadcast %jit3A_985 : f32 to vector<512x128xf32>
    %select_n3A_987 = arith.select %eq3A_984, %broadcast_in_dim3A_986, %select_n3A_729 : vector<512x128xi1>, vector<512x128xf32>
    %eq3A_988 = arith.cmpf oeq, %select_n3A_733, %min3A_824 : vector<512x128xf32>
    %jit3A_989 = arith.constant 0x7F800000 : f32
    %broadcast_in_dim3A_990 = vector.broadcast %jit3A_989 : f32 to vector<512x128xf32>
    %select_n3A_991 = arith.select %eq3A_988, %broadcast_in_dim3A_990, %select_n3A_733 : vector<512x128xi1>, vector<512x128xf32>
    %eq3A_992 = arith.cmpf oeq, %select_n3A_737, %min3A_824 : vector<512x128xf32>
    %jit3A_993 = arith.constant 0x7F800000 : f32
    %broadcast_in_dim3A_994 = vector.broadcast %jit3A_993 : f32 to vector<512x128xf32>
    %select_n3A_995 = arith.select %eq3A_992, %broadcast_in_dim3A_994, %select_n3A_737 : vector<512x128xi1>, vector<512x128xf32>
    %eq3A_996 = arith.cmpf oeq, %select_n3A_741, %min3A_824 : vector<512x128xf32>
    %jit3A_997 = arith.constant 0x7F800000 : f32
    %broadcast_in_dim3A_998 = vector.broadcast %jit3A_997 : f32 to vector<512x128xf32>
    %select_n3A_999 = arith.select %eq3A_996, %broadcast_in_dim3A_998, %select_n3A_741 : vector<512x128xi1>, vector<512x128xf32>
    %eq3A_1000 = arith.cmpf oeq, %select_n3A_745, %min3A_824 : vector<512x128xf32>
    %jit3A_1001 = arith.constant 0x7F800000 : f32
    %broadcast_in_dim3A_1002 = vector.broadcast %jit3A_1001 : f32 to vector<512x128xf32>
    %select_n3A_1003 = arith.select %eq3A_1000, %broadcast_in_dim3A_1002, %select_n3A_745 : vector<512x128xi1>, vector<512x128xf32>
    %eq3A_1004 = arith.cmpf oeq, %select_n3A_749, %min3A_824 : vector<512x128xf32>
    %jit3A_1005 = arith.constant 0x7F800000 : f32
    %broadcast_in_dim3A_1006 = vector.broadcast %jit3A_1005 : f32 to vector<512x128xf32>
    %select_n3A_1007 = arith.select %eq3A_1004, %broadcast_in_dim3A_1006, %select_n3A_749 : vector<512x128xi1>, vector<512x128xf32>
    %eq3A_1008 = arith.cmpf oeq, %select_n3A_753, %min3A_824 : vector<512x128xf32>
    %jit3A_1009 = arith.constant 0x7F800000 : f32
    %broadcast_in_dim3A_1010 = vector.broadcast %jit3A_1009 : f32 to vector<512x128xf32>
    %select_n3A_1011 = arith.select %eq3A_1008, %broadcast_in_dim3A_1010, %select_n3A_753 : vector<512x128xi1>, vector<512x128xf32>
    %eq3A_1012 = arith.cmpf oeq, %select_n3A_757, %min3A_824 : vector<512x128xf32>
    %jit3A_1013 = arith.constant 0x7F800000 : f32
    %broadcast_in_dim3A_1014 = vector.broadcast %jit3A_1013 : f32 to vector<512x128xf32>
    %select_n3A_1015 = arith.select %eq3A_1012, %broadcast_in_dim3A_1014, %select_n3A_757 : vector<512x128xi1>, vector<512x128xf32>
    %eq3A_1016 = arith.cmpf oeq, %select_n3A_761, %min3A_824 : vector<512x128xf32>
    %jit3A_1017 = arith.constant 0x7F800000 : f32
    %broadcast_in_dim3A_1018 = vector.broadcast %jit3A_1017 : f32 to vector<512x128xf32>
    %select_n3A_1019 = arith.select %eq3A_1016, %broadcast_in_dim3A_1018, %select_n3A_761 : vector<512x128xi1>, vector<512x128xf32>
    %eq3A_1020 = arith.cmpf oeq, %select_n3A_765, %min3A_824 : vector<512x128xf32>
    %jit3A_1021 = arith.constant 0x7F800000 : f32
    %broadcast_in_dim3A_1022 = vector.broadcast %jit3A_1021 : f32 to vector<512x128xf32>
    %select_n3A_1023 = arith.select %eq3A_1020, %broadcast_in_dim3A_1022, %select_n3A_765 : vector<512x128xi1>, vector<512x128xf32>
    %eq3A_1024 = arith.cmpf oeq, %select_n3A_769, %min3A_824 : vector<512x128xf32>
    %jit3A_1025 = arith.constant 0x7F800000 : f32
    %broadcast_in_dim3A_1026 = vector.broadcast %jit3A_1025 : f32 to vector<512x128xf32>
    %select_n3A_1027 = arith.select %eq3A_1024, %broadcast_in_dim3A_1026, %select_n3A_769 : vector<512x128xi1>, vector<512x128xf32>
    %eq3A_1028 = arith.cmpf oeq, %select_n3A_773, %min3A_824 : vector<512x128xf32>
    %jit3A_1029 = arith.constant 0x7F800000 : f32
    %broadcast_in_dim3A_1030 = vector.broadcast %jit3A_1029 : f32 to vector<512x128xf32>
    %select_n3A_1031 = arith.select %eq3A_1028, %broadcast_in_dim3A_1030, %select_n3A_773 : vector<512x128xi1>, vector<512x128xf32>
    %eq3A_1032 = arith.cmpf oeq, %select_n3A_777, %min3A_824 : vector<512x128xf32>
    %jit3A_1033 = arith.constant 0x7F800000 : f32
    %broadcast_in_dim3A_1034 = vector.broadcast %jit3A_1033 : f32 to vector<512x128xf32>
    %select_n3A_1035 = arith.select %eq3A_1032, %broadcast_in_dim3A_1034, %select_n3A_777 : vector<512x128xi1>, vector<512x128xf32>
    %eq3A_1036 = arith.cmpf oeq, %select_n3A_781, %min3A_824 : vector<512x128xf32>
    %jit3A_1037 = arith.constant 0x7F800000 : f32
    %broadcast_in_dim3A_1038 = vector.broadcast %jit3A_1037 : f32 to vector<512x128xf32>
    %select_n3A_1039 = arith.select %eq3A_1036, %broadcast_in_dim3A_1038, %select_n3A_781 : vector<512x128xi1>, vector<512x128xf32>
    %eq3A_1040 = arith.cmpf oeq, %select_n3A_785, %min3A_824 : vector<512x128xf32>
    %jit3A_1041 = arith.constant 0x7F800000 : f32
    %broadcast_in_dim3A_1042 = vector.broadcast %jit3A_1041 : f32 to vector<512x128xf32>
    %select_n3A_1043 = arith.select %eq3A_1040, %broadcast_in_dim3A_1042, %select_n3A_785 : vector<512x128xi1>, vector<512x128xf32>
    %eq3A_1044 = arith.cmpf oeq, %select_n3A_789, %min3A_824 : vector<512x128xf32>
    %jit3A_1045 = arith.constant 0x7F800000 : f32
    %broadcast_in_dim3A_1046 = vector.broadcast %jit3A_1045 : f32 to vector<512x128xf32>
    %select_n3A_1047 = arith.select %eq3A_1044, %broadcast_in_dim3A_1046, %select_n3A_789 : vector<512x128xi1>, vector<512x128xf32>
    %eq3A_1048 = arith.cmpf oeq, %select_n3A_793, %min3A_824 : vector<512x128xf32>
    %jit3A_1049 = arith.constant 0x7F800000 : f32
    %broadcast_in_dim3A_1050 = vector.broadcast %jit3A_1049 : f32 to vector<512x128xf32>
    %select_n3A_1051 = arith.select %eq3A_1048, %broadcast_in_dim3A_1050, %select_n3A_793 : vector<512x128xi1>, vector<512x128xf32>
    %eq3A_1052 = arith.cmpf oeq, %select_n3A_797, %min3A_824 : vector<512x128xf32>
    %jit3A_1053 = arith.constant 0x7F800000 : f32
    %broadcast_in_dim3A_1054 = vector.broadcast %jit3A_1053 : f32 to vector<512x128xf32>
    %select_n3A_1055 = arith.select %eq3A_1052, %broadcast_in_dim3A_1054, %select_n3A_797 : vector<512x128xi1>, vector<512x128xf32>
    %eq3A_1056 = arith.cmpf oeq, %select_n3A_801, %min3A_824 : vector<512x128xf32>
    %jit3A_1057 = arith.constant 0x7F800000 : f32
    %broadcast_in_dim3A_1058 = vector.broadcast %jit3A_1057 : f32 to vector<512x128xf32>
    %select_n3A_1059 = arith.select %eq3A_1056, %broadcast_in_dim3A_1058, %select_n3A_801 : vector<512x128xi1>, vector<512x128xf32>
    %eq3A_1060 = arith.cmpf oeq, %select_n3A_805, %min3A_824 : vector<512x128xf32>
    %jit3A_1061 = arith.constant 0x7F800000 : f32
    %broadcast_in_dim3A_1062 = vector.broadcast %jit3A_1061 : f32 to vector<512x128xf32>
    %select_n3A_1063 = arith.select %eq3A_1060, %broadcast_in_dim3A_1062, %select_n3A_805 : vector<512x128xi1>, vector<512x128xf32>
    %min3A_1064 = arith.minimumf %select_n3A_987, %select_n3A_991 : vector<512x128xf32>
    %min3A_1065 = arith.minimumf %select_n3A_995, %select_n3A_999 : vector<512x128xf32>
    %min3A_1066 = arith.minimumf %select_n3A_1003, %select_n3A_1007 : vector<512x128xf32>
    %min3A_1067 = arith.minimumf %select_n3A_1011, %select_n3A_1015 : vector<512x128xf32>
    %min3A_1068 = arith.minimumf %select_n3A_1019, %select_n3A_1023 : vector<512x128xf32>
    %min3A_1069 = arith.minimumf %select_n3A_1027, %select_n3A_1031 : vector<512x128xf32>
    %min3A_1070 = arith.minimumf %select_n3A_1035, %select_n3A_1039 : vector<512x128xf32>
    %min3A_1071 = arith.minimumf %select_n3A_1043, %select_n3A_1047 : vector<512x128xf32>
    %min3A_1072 = arith.minimumf %select_n3A_1051, %select_n3A_1055 : vector<512x128xf32>
    %min3A_1073 = arith.minimumf %select_n3A_1059, %select_n3A_1063 : vector<512x128xf32>
    %min3A_1074 = arith.minimumf %min3A_1064, %min3A_1065 : vector<512x128xf32>
    %min3A_1075 = arith.minimumf %min3A_1066, %min3A_1067 : vector<512x128xf32>
    %min3A_1076 = arith.minimumf %min3A_1068, %min3A_1069 : vector<512x128xf32>
    %min3A_1077 = arith.minimumf %min3A_1070, %min3A_1071 : vector<512x128xf32>
    %min3A_1078 = arith.minimumf %min3A_1072, %min3A_1073 : vector<512x128xf32>
    %min3A_1079 = arith.minimumf %min3A_1074, %min3A_1075 : vector<512x128xf32>
    %min3A_1080 = arith.minimumf %min3A_1076, %min3A_1077 : vector<512x128xf32>
    %min3A_1081 = arith.minimumf %min3A_1079, %min3A_1080 : vector<512x128xf32>
    %min3A_1082 = arith.minimumf %min3A_1081, %min3A_1078 : vector<512x128xf32>
    %eq3A_1083 = arith.cmpf oeq, %select_n3A_987, %min3A_1082 : vector<512x128xf32>
    %add3A_1084 = arith.constant 0 : i32
    %add3A_1085 = vector.broadcast %add3A_1084 : i32 to vector<512x128xi32>
    %add3A_1086 = arith.addi %iota3A, %add3A_1085 : vector<512x128xi32>
    %jit3A_1087 = arith.constant 1073741824 : i32
    %broadcast_in_dim3A_1088 = vector.broadcast %jit3A_1087 : i32 to vector<512x128xi32>
    %select_n3A_1089 = arith.select %eq3A_1083, %add3A_1086, %broadcast_in_dim3A_1088 : vector<512x128xi1>, vector<512x128xi32>
    %eq3A_1090 = arith.cmpf oeq, %select_n3A_991, %min3A_1082 : vector<512x128xf32>
    %add3A_1091 = arith.constant 128 : i32
    %add3A_1092 = vector.broadcast %add3A_1091 : i32 to vector<512x128xi32>
    %add3A_1093 = arith.addi %iota3A, %add3A_1092 : vector<512x128xi32>
    %jit3A_1094 = arith.constant 1073741824 : i32
    %broadcast_in_dim3A_1095 = vector.broadcast %jit3A_1094 : i32 to vector<512x128xi32>
    %select_n3A_1096 = arith.select %eq3A_1090, %add3A_1093, %broadcast_in_dim3A_1095 : vector<512x128xi1>, vector<512x128xi32>
    %eq3A_1097 = arith.cmpf oeq, %select_n3A_995, %min3A_1082 : vector<512x128xf32>
    %add3A_1098 = arith.constant 256 : i32
    %add3A_1099 = vector.broadcast %add3A_1098 : i32 to vector<512x128xi32>
    %add3A_1100 = arith.addi %iota3A, %add3A_1099 : vector<512x128xi32>
    %jit3A_1101 = arith.constant 1073741824 : i32
    %broadcast_in_dim3A_1102 = vector.broadcast %jit3A_1101 : i32 to vector<512x128xi32>
    %select_n3A_1103 = arith.select %eq3A_1097, %add3A_1100, %broadcast_in_dim3A_1102 : vector<512x128xi1>, vector<512x128xi32>
    %eq3A_1104 = arith.cmpf oeq, %select_n3A_999, %min3A_1082 : vector<512x128xf32>
    %add3A_1105 = arith.constant 384 : i32
    %add3A_1106 = vector.broadcast %add3A_1105 : i32 to vector<512x128xi32>
    %add3A_1107 = arith.addi %iota3A, %add3A_1106 : vector<512x128xi32>
    %jit3A_1108 = arith.constant 1073741824 : i32
    %broadcast_in_dim3A_1109 = vector.broadcast %jit3A_1108 : i32 to vector<512x128xi32>
    %select_n3A_1110 = arith.select %eq3A_1104, %add3A_1107, %broadcast_in_dim3A_1109 : vector<512x128xi1>, vector<512x128xi32>
    %eq3A_1111 = arith.cmpf oeq, %select_n3A_1003, %min3A_1082 : vector<512x128xf32>
    %add3A_1112 = arith.constant 512 : i32
    %add3A_1113 = vector.broadcast %add3A_1112 : i32 to vector<512x128xi32>
    %add3A_1114 = arith.addi %iota3A, %add3A_1113 : vector<512x128xi32>
    %jit3A_1115 = arith.constant 1073741824 : i32
    %broadcast_in_dim3A_1116 = vector.broadcast %jit3A_1115 : i32 to vector<512x128xi32>
    %select_n3A_1117 = arith.select %eq3A_1111, %add3A_1114, %broadcast_in_dim3A_1116 : vector<512x128xi1>, vector<512x128xi32>
    %eq3A_1118 = arith.cmpf oeq, %select_n3A_1007, %min3A_1082 : vector<512x128xf32>
    %add3A_1119 = arith.constant 640 : i32
    %add3A_1120 = vector.broadcast %add3A_1119 : i32 to vector<512x128xi32>
    %add3A_1121 = arith.addi %iota3A, %add3A_1120 : vector<512x128xi32>
    %jit3A_1122 = arith.constant 1073741824 : i32
    %broadcast_in_dim3A_1123 = vector.broadcast %jit3A_1122 : i32 to vector<512x128xi32>
    %select_n3A_1124 = arith.select %eq3A_1118, %add3A_1121, %broadcast_in_dim3A_1123 : vector<512x128xi1>, vector<512x128xi32>
    %eq3A_1125 = arith.cmpf oeq, %select_n3A_1011, %min3A_1082 : vector<512x128xf32>
    %add3A_1126 = arith.constant 768 : i32
    %add3A_1127 = vector.broadcast %add3A_1126 : i32 to vector<512x128xi32>
    %add3A_1128 = arith.addi %iota3A, %add3A_1127 : vector<512x128xi32>
    %jit3A_1129 = arith.constant 1073741824 : i32
    %broadcast_in_dim3A_1130 = vector.broadcast %jit3A_1129 : i32 to vector<512x128xi32>
    %select_n3A_1131 = arith.select %eq3A_1125, %add3A_1128, %broadcast_in_dim3A_1130 : vector<512x128xi1>, vector<512x128xi32>
    %eq3A_1132 = arith.cmpf oeq, %select_n3A_1015, %min3A_1082 : vector<512x128xf32>
    %add3A_1133 = arith.constant 896 : i32
    %add3A_1134 = vector.broadcast %add3A_1133 : i32 to vector<512x128xi32>
    %add3A_1135 = arith.addi %iota3A, %add3A_1134 : vector<512x128xi32>
    %jit3A_1136 = arith.constant 1073741824 : i32
    %broadcast_in_dim3A_1137 = vector.broadcast %jit3A_1136 : i32 to vector<512x128xi32>
    %select_n3A_1138 = arith.select %eq3A_1132, %add3A_1135, %broadcast_in_dim3A_1137 : vector<512x128xi1>, vector<512x128xi32>
    %eq3A_1139 = arith.cmpf oeq, %select_n3A_1019, %min3A_1082 : vector<512x128xf32>
    %add3A_1140 = arith.constant 1024 : i32
    %add3A_1141 = vector.broadcast %add3A_1140 : i32 to vector<512x128xi32>
    %add3A_1142 = arith.addi %iota3A, %add3A_1141 : vector<512x128xi32>
    %jit3A_1143 = arith.constant 1073741824 : i32
    %broadcast_in_dim3A_1144 = vector.broadcast %jit3A_1143 : i32 to vector<512x128xi32>
    %select_n3A_1145 = arith.select %eq3A_1139, %add3A_1142, %broadcast_in_dim3A_1144 : vector<512x128xi1>, vector<512x128xi32>
    %eq3A_1146 = arith.cmpf oeq, %select_n3A_1023, %min3A_1082 : vector<512x128xf32>
    %add3A_1147 = arith.constant 1152 : i32
    %add3A_1148 = vector.broadcast %add3A_1147 : i32 to vector<512x128xi32>
    %add3A_1149 = arith.addi %iota3A, %add3A_1148 : vector<512x128xi32>
    %jit3A_1150 = arith.constant 1073741824 : i32
    %broadcast_in_dim3A_1151 = vector.broadcast %jit3A_1150 : i32 to vector<512x128xi32>
    %select_n3A_1152 = arith.select %eq3A_1146, %add3A_1149, %broadcast_in_dim3A_1151 : vector<512x128xi1>, vector<512x128xi32>
    %eq3A_1153 = arith.cmpf oeq, %select_n3A_1027, %min3A_1082 : vector<512x128xf32>
    %add3A_1154 = arith.constant 1280 : i32
    %add3A_1155 = vector.broadcast %add3A_1154 : i32 to vector<512x128xi32>
    %add3A_1156 = arith.addi %iota3A, %add3A_1155 : vector<512x128xi32>
    %jit3A_1157 = arith.constant 1073741824 : i32
    %broadcast_in_dim3A_1158 = vector.broadcast %jit3A_1157 : i32 to vector<512x128xi32>
    %select_n3A_1159 = arith.select %eq3A_1153, %add3A_1156, %broadcast_in_dim3A_1158 : vector<512x128xi1>, vector<512x128xi32>
    %eq3A_1160 = arith.cmpf oeq, %select_n3A_1031, %min3A_1082 : vector<512x128xf32>
    %add3A_1161 = arith.constant 1408 : i32
    %add3A_1162 = vector.broadcast %add3A_1161 : i32 to vector<512x128xi32>
    %add3A_1163 = arith.addi %iota3A, %add3A_1162 : vector<512x128xi32>
    %jit3A_1164 = arith.constant 1073741824 : i32
    %broadcast_in_dim3A_1165 = vector.broadcast %jit3A_1164 : i32 to vector<512x128xi32>
    %select_n3A_1166 = arith.select %eq3A_1160, %add3A_1163, %broadcast_in_dim3A_1165 : vector<512x128xi1>, vector<512x128xi32>
    %eq3A_1167 = arith.cmpf oeq, %select_n3A_1035, %min3A_1082 : vector<512x128xf32>
    %add3A_1168 = arith.constant 1536 : i32
    %add3A_1169 = vector.broadcast %add3A_1168 : i32 to vector<512x128xi32>
    %add3A_1170 = arith.addi %iota3A, %add3A_1169 : vector<512x128xi32>
    %jit3A_1171 = arith.constant 1073741824 : i32
    %broadcast_in_dim3A_1172 = vector.broadcast %jit3A_1171 : i32 to vector<512x128xi32>
    %select_n3A_1173 = arith.select %eq3A_1167, %add3A_1170, %broadcast_in_dim3A_1172 : vector<512x128xi1>, vector<512x128xi32>
    %eq3A_1174 = arith.cmpf oeq, %select_n3A_1039, %min3A_1082 : vector<512x128xf32>
    %add3A_1175 = arith.constant 1664 : i32
    %add3A_1176 = vector.broadcast %add3A_1175 : i32 to vector<512x128xi32>
    %add3A_1177 = arith.addi %iota3A, %add3A_1176 : vector<512x128xi32>
    %jit3A_1178 = arith.constant 1073741824 : i32
    %broadcast_in_dim3A_1179 = vector.broadcast %jit3A_1178 : i32 to vector<512x128xi32>
    %select_n3A_1180 = arith.select %eq3A_1174, %add3A_1177, %broadcast_in_dim3A_1179 : vector<512x128xi1>, vector<512x128xi32>
    %eq3A_1181 = arith.cmpf oeq, %select_n3A_1043, %min3A_1082 : vector<512x128xf32>
    %add3A_1182 = arith.constant 1792 : i32
    %add3A_1183 = vector.broadcast %add3A_1182 : i32 to vector<512x128xi32>
    %add3A_1184 = arith.addi %iota3A, %add3A_1183 : vector<512x128xi32>
    %jit3A_1185 = arith.constant 1073741824 : i32
    %broadcast_in_dim3A_1186 = vector.broadcast %jit3A_1185 : i32 to vector<512x128xi32>
    %select_n3A_1187 = arith.select %eq3A_1181, %add3A_1184, %broadcast_in_dim3A_1186 : vector<512x128xi1>, vector<512x128xi32>
    %eq3A_1188 = arith.cmpf oeq, %select_n3A_1047, %min3A_1082 : vector<512x128xf32>
    %add3A_1189 = arith.constant 1920 : i32
    %add3A_1190 = vector.broadcast %add3A_1189 : i32 to vector<512x128xi32>
    %add3A_1191 = arith.addi %iota3A, %add3A_1190 : vector<512x128xi32>
    %jit3A_1192 = arith.constant 1073741824 : i32
    %broadcast_in_dim3A_1193 = vector.broadcast %jit3A_1192 : i32 to vector<512x128xi32>
    %select_n3A_1194 = arith.select %eq3A_1188, %add3A_1191, %broadcast_in_dim3A_1193 : vector<512x128xi1>, vector<512x128xi32>
    %eq3A_1195 = arith.cmpf oeq, %select_n3A_1051, %min3A_1082 : vector<512x128xf32>
    %add3A_1196 = arith.constant 2048 : i32
    %add3A_1197 = vector.broadcast %add3A_1196 : i32 to vector<512x128xi32>
    %add3A_1198 = arith.addi %iota3A, %add3A_1197 : vector<512x128xi32>
    %jit3A_1199 = arith.constant 1073741824 : i32
    %broadcast_in_dim3A_1200 = vector.broadcast %jit3A_1199 : i32 to vector<512x128xi32>
    %select_n3A_1201 = arith.select %eq3A_1195, %add3A_1198, %broadcast_in_dim3A_1200 : vector<512x128xi1>, vector<512x128xi32>
    %eq3A_1202 = arith.cmpf oeq, %select_n3A_1055, %min3A_1082 : vector<512x128xf32>
    %add3A_1203 = arith.constant 2176 : i32
    %add3A_1204 = vector.broadcast %add3A_1203 : i32 to vector<512x128xi32>
    %add3A_1205 = arith.addi %iota3A, %add3A_1204 : vector<512x128xi32>
    %jit3A_1206 = arith.constant 1073741824 : i32
    %broadcast_in_dim3A_1207 = vector.broadcast %jit3A_1206 : i32 to vector<512x128xi32>
    %select_n3A_1208 = arith.select %eq3A_1202, %add3A_1205, %broadcast_in_dim3A_1207 : vector<512x128xi1>, vector<512x128xi32>
    %eq3A_1209 = arith.cmpf oeq, %select_n3A_1059, %min3A_1082 : vector<512x128xf32>
    %add3A_1210 = arith.constant 2304 : i32
    %add3A_1211 = vector.broadcast %add3A_1210 : i32 to vector<512x128xi32>
    %add3A_1212 = arith.addi %iota3A, %add3A_1211 : vector<512x128xi32>
    %jit3A_1213 = arith.constant 1073741824 : i32
    %broadcast_in_dim3A_1214 = vector.broadcast %jit3A_1213 : i32 to vector<512x128xi32>
    %select_n3A_1215 = arith.select %eq3A_1209, %add3A_1212, %broadcast_in_dim3A_1214 : vector<512x128xi1>, vector<512x128xi32>
    %eq3A_1216 = arith.cmpf oeq, %select_n3A_1063, %min3A_1082 : vector<512x128xf32>
    %add3A_1217 = arith.constant 2432 : i32
    %add3A_1218 = vector.broadcast %add3A_1217 : i32 to vector<512x128xi32>
    %add3A_1219 = arith.addi %iota3A, %add3A_1218 : vector<512x128xi32>
    %jit3A_1220 = arith.constant 1073741824 : i32
    %broadcast_in_dim3A_1221 = vector.broadcast %jit3A_1220 : i32 to vector<512x128xi32>
    %select_n3A_1222 = arith.select %eq3A_1216, %add3A_1219, %broadcast_in_dim3A_1221 : vector<512x128xi1>, vector<512x128xi32>
    %min3A_1223 = arith.minsi %select_n3A_1089, %select_n3A_1096 : vector<512x128xi32>
    %min3A_1224 = arith.minsi %select_n3A_1103, %select_n3A_1110 : vector<512x128xi32>
    %min3A_1225 = arith.minsi %select_n3A_1117, %select_n3A_1124 : vector<512x128xi32>
    %min3A_1226 = arith.minsi %select_n3A_1131, %select_n3A_1138 : vector<512x128xi32>
    %min3A_1227 = arith.minsi %select_n3A_1145, %select_n3A_1152 : vector<512x128xi32>
    %min3A_1228 = arith.minsi %select_n3A_1159, %select_n3A_1166 : vector<512x128xi32>
    %min3A_1229 = arith.minsi %select_n3A_1173, %select_n3A_1180 : vector<512x128xi32>
    %min3A_1230 = arith.minsi %select_n3A_1187, %select_n3A_1194 : vector<512x128xi32>
    %min3A_1231 = arith.minsi %select_n3A_1201, %select_n3A_1208 : vector<512x128xi32>
    %min3A_1232 = arith.minsi %select_n3A_1215, %select_n3A_1222 : vector<512x128xi32>
    %min3A_1233 = arith.minsi %min3A_1223, %min3A_1224 : vector<512x128xi32>
    %min3A_1234 = arith.minsi %min3A_1225, %min3A_1226 : vector<512x128xi32>
    %min3A_1235 = arith.minsi %min3A_1227, %min3A_1228 : vector<512x128xi32>
    %min3A_1236 = arith.minsi %min3A_1229, %min3A_1230 : vector<512x128xi32>
    %min3A_1237 = arith.minsi %min3A_1231, %min3A_1232 : vector<512x128xi32>
    %min3A_1238 = arith.minsi %min3A_1233, %min3A_1234 : vector<512x128xi32>
    %min3A_1239 = arith.minsi %min3A_1235, %min3A_1236 : vector<512x128xi32>
    %min3A_1240 = arith.minsi %min3A_1238, %min3A_1239 : vector<512x128xi32>
    %min3A_1241 = arith.minsi %min3A_1240, %min3A_1237 : vector<512x128xi32>
    %concatenate3A = tpu.concatenate %min3A_53, %min3A_308, %min3A_566, %min3A_824, %min3A_1082 in 1 : vector<512x128xf32>, vector<512x128xf32>, vector<512x128xf32>, vector<512x128xf32>, vector<512x128xf32> -> vector<512x640xf32>
    %concatenate3A_1242 = tpu.concatenate %min3A_209, %min3A_467, %min3A_725, %min3A_983, %min3A_1241 in 1 : vector<512x128xi32>, vector<512x128xi32>, vector<512x128xi32>, vector<512x128xi32>, vector<512x128xi32> -> vector<512x640xi32>
    %iota3A_1243 = tpu.iota {dimensions = array<i32: 1>} : vector<512x16xi32>
    %broadcast_in_dim3A_1244 = arith.constant 0 : i32
    %broadcast_in_dim3A_1245 = vector.broadcast %broadcast_in_dim3A_1244 : i32 to vector<512x16xi32>
    %scan3A = arith.constant 0 : i32
    %scan3A_1246 = arith.constant 16 : i32
    %scan3A_1247 = arith.addi %scan3A, %scan3A_1246 : i32
    %scan3A_1248 = arith.constant 1 : i32
    %scan3A_1249:2 = scf.for %scan3A_1253 = %scan3A to %scan3A_1247 step %scan3A_1248 iter_args(%scan3A_1254 = %concatenate3A, %scan3A_1255 = %broadcast_in_dim3A_1245) -> (vector<512x640xf32>, vector<512x16xi32>)  : i32 {
      %reduce_min3A = arith.constant dense<0x7F800000> : vector<512xf32>
      %reduce_min3A_1256 = vector.multi_reduction <minimumf>, %scan3A_1254, %reduce_min3A [1] : vector<512x640xf32> to vector<512xf32>
      %broadcast_in_dim3A_1257 = vector.shape_cast %reduce_min3A_1256 : vector<512xf32> to vector<512x1xf32>
      %eq3A_1258 = vector.broadcast %broadcast_in_dim3A_1257 : vector<512x1xf32> to vector<512x640xf32>
      %eq3A_1259 = arith.cmpf oeq, %scan3A_1254, %eq3A_1258 : vector<512x640xf32>
      %jit3A_1260 = arith.constant 1073741824 : i32
      %broadcast_in_dim3A_1261 = vector.broadcast %jit3A_1260 : i32 to vector<512x640xi32>
      %select_n3A_1262 = arith.select %eq3A_1259, %concatenate3A_1242, %broadcast_in_dim3A_1261 : vector<512x640xi1>, vector<512x640xi32>
      %reduce_min3A_1263 = arith.constant dense<2147483647> : vector<512xi32>
      %reduce_min3A_1264 = vector.multi_reduction <minsi>, %select_n3A_1262, %reduce_min3A_1263 [1] : vector<512x640xi32> to vector<512xi32>
      %broadcast_in_dim3A_1265 = vector.shape_cast %reduce_min3A_1264 : vector<512xi32> to vector<512x1xi32>
      %eq3A_1266 = vector.broadcast %scan3A_1253 : i32 to vector<512x16xi32>
      %eq3A_1267 = arith.cmpi eq, %iota3A_1243, %eq3A_1266 : vector<512x16xi32>
      %broadcast_in_dim3A_1268 = vector.shape_cast %broadcast_in_dim3A_1265 : vector<512x1xi32> to vector<512x1xi32>
      %broadcast_in_dim3A_1269 = vector.broadcast %broadcast_in_dim3A_1268 : vector<512x1xi32> to vector<512x16xi32>
      %select_n3A_1270 = arith.select %eq3A_1267, %broadcast_in_dim3A_1269, %scan3A_1255 : vector<512x16xi1>, vector<512x16xi32>
      %eq3A_1271 = vector.broadcast %broadcast_in_dim3A_1265 : vector<512x1xi32> to vector<512x640xi32>
      %eq3A_1272 = arith.cmpi eq, %concatenate3A_1242, %eq3A_1271 : vector<512x640xi32>
      %and3A = arith.andi %eq3A_1259, %eq3A_1272 : vector<512x640xi1>
      %jit3A_1273 = arith.constant 0x7F800000 : f32
      %broadcast_in_dim3A_1274 = vector.broadcast %jit3A_1273 : f32 to vector<512x640xf32>
      %select_n3A_1275 = arith.select %and3A, %broadcast_in_dim3A_1274, %scan3A_1254 : vector<512x640xi1>, vector<512x640xf32>
      scf.yield %select_n3A_1275, %select_n3A_1270 : vector<512x640xf32>, vector<512x16xi32>
    }
    %scan3A_1250 = arith.constant 16 : i32
    %swap3A = arith.constant 0 : index
    %swap3A_1251 = arith.constant 0 : index
    %swap3A_1252 = vector.load %arg3[%swap3A, %swap3A_1251] : memref<512x16xi32, #tpu.memory_space<vmem>>, vector<512x16xi32>
    tpu.vector_store %arg3[%swap3A, %swap3A_1251], %scan3A_1249#1 {strides = array<i32>} : memref<512x16xi32, #tpu.memory_space<vmem>>, vector<512x16xi32>,
    return
  }
  func.func @transform_0(%arg0: i32) -> (i32, i32) {
    %c0_i32 = arith.constant 0 : i32
    %c0_i32_0 = arith.constant 0 : i32
    return %arg0, %c0_i32 : i32, i32
  }
  func.func @transform_1(%arg0: i32) -> (i32, i32) {
    %c0_i32 = arith.constant 0 : i32
    %c0_i32_0 = arith.constant 0 : i32
    %c0_i32_1 = arith.constant 0 : i32
    return %c0_i32, %c0_i32_0 : i32, i32
  }
  func.func @transform_2(%arg0: i32) -> (i32, i32) {
    %c0_i32 = arith.constant 0 : i32
    %c0_i32_0 = arith.constant 0 : i32
    return %arg0, %c0_i32 : i32, i32
  }
}

module attributes {stable_mosaic.version = 14 : i64} {
  func.func @_sa_mlp_body(%arg0: i32, %arg1: memref<16x400x256xf32, #tpu.memory_space<vmem>>, %arg2: memref<400x3xf32, #tpu.memory_space<vmem>>, %arg3: memref<3x128xf32, #tpu.memory_space<vmem>>, %arg4: memref<1x128xf32, #tpu.memory_space<vmem>>, %arg5: memref<128x128xf32, #tpu.memory_space<vmem>>, %arg6: memref<1x128xf32, #tpu.memory_space<vmem>>, %arg7: memref<400x128xf32, #tpu.memory_space<vmem>>, %arg8: memref<400x128xf32, #tpu.memory_space<vmem>>) attributes {dimension_semantics = [#tpu.dimension_semantics<arbitrary>], iteration_bounds = array<i64: 25>, scalar_prefetch = 0 : i64, scratch_operands = 0 : i64, tpu.core_type = #tpu.core_type<tc>, window_params = [{transform_indices = @transform_0, window_bounds = array<i64: 16, 400, 256>}, {transform_indices = @transform_1, window_bounds = array<i64: 400, 3>}, {pipeline_mode = #tpu.pipeline_mode<synchronous>, transform_indices = @transform_2, window_bounds = array<i64: 3, 128>}, {pipeline_mode = #tpu.pipeline_mode<synchronous>, transform_indices = @transform_3, window_bounds = array<i64: 1, 128>}, {pipeline_mode = #tpu.pipeline_mode<synchronous>, transform_indices = @transform_4, window_bounds = array<i64: 128, 128>}, {pipeline_mode = #tpu.pipeline_mode<synchronous>, transform_indices = @transform_5, window_bounds = array<i64: 1, 128>}, {transform_indices = @transform_6, window_bounds = array<i64: 400, 128>}, {transform_indices = @transform_7, window_bounds = array<i64: 400, 128>}]} {
    %get3A = arith.constant 0 : index
    %get3A_0 = arith.constant 0 : index
    %get3A_1 = vector.load %arg2[%get3A, %get3A_0] : memref<400x3xf32, #tpu.memory_space<vmem>>, vector<400x3xf32>
    %get3A_2 = arith.constant 0 : index
    %get3A_3 = arith.constant 0 : index
    %get3A_4 = vector.load %arg3[%get3A_2, %get3A_3] : memref<3x128xf32, #tpu.memory_space<vmem>>, vector<3x128xf32>
    %get3A_5 = arith.constant 0 : index
    %get3A_6 = arith.constant 0 : index
    %get3A_7 = vector.load %arg4[%get3A_5, %get3A_6] : memref<1x128xf32, #tpu.memory_space<vmem>>, vector<1x128xf32>
    %get3A_8 = arith.constant 0 : index
    %get3A_9 = arith.constant 0 : index
    %get3A_10 = vector.load %arg5[%get3A_8, %get3A_9] : memref<128x128xf32, #tpu.memory_space<vmem>>, vector<128x128xf32>
    %get3A_11 = arith.constant 0 : index
    %get3A_12 = arith.constant 0 : index
    %get3A_13 = vector.load %arg6[%get3A_11, %get3A_12] : memref<1x128xf32, #tpu.memory_space<vmem>>, vector<1x128xf32>
    %broadcast_in_dim3A = arith.constant 0xFF800000 : f32
    %broadcast_in_dim3A_14 = vector.broadcast %broadcast_in_dim3A : f32 to vector<400x128xf32>
    %get3A_15 = arith.constant 0 : index
    %get3A_16 = arith.constant 0 : index
    %get3A_17 = arith.constant 0 : index
    %get3A_18 = vector.load %arg1[%get3A_15, %get3A_16, %get3A_17] : memref<16x400x256xf32, #tpu.memory_space<vmem>>, vector<1x400x256xf32>
    %get3A_19 = vector.shape_cast %get3A_18 : vector<1x400x256xf32> to vector<400x256xf32>
    %slice3A = vector.extract_strided_slice %get3A_19 {offsets = [0, 0], sizes = [400, 128], strides = [1, 1]} : vector<400x256xf32> to vector<400x128xf32>
    %slice3A_20 = vector.extract_strided_slice %get3A_19 {offsets = [0, 128], sizes = [400, 3], strides = [1, 1]} : vector<400x256xf32> to vector<400x3xf32>
    %sub3A = arith.subf %slice3A_20, %get3A_1 : vector<400x3xf32>
    %convert_element_type3A = arith.truncf %sub3A : vector<400x3xf32> to vector<400x3xbf16>
    %convert_element_type3A_21 = arith.truncf %get3A_4 : vector<3x128xf32> to vector<3x128xbf16>
    %dot_general3A = arith.constant dense<0.000000e+00> : vector<400x128xf32>
    %dot_general3A_22 = tpu.matmul %convert_element_type3A, %convert_element_type3A_21, %dot_general3A {dimension_numbers = #tpu.dot_dimension_numbers<[1], [0], [0], [1], [0, 0, 1, 1], [], []>, transpose_lhs_hint = false} : vector<400x3xbf16>, vector<3x128xbf16>, vector<400x128xf32> -> vector<400x128xf32>
    %add3A = arith.addf %slice3A, %dot_general3A_22 : vector<400x128xf32>
    %add3A_23 = vector.broadcast %get3A_7 : vector<1x128xf32> to vector<400x128xf32>
    %add3A_24 = arith.addf %add3A, %add3A_23 : vector<400x128xf32>
    %max3A = arith.constant 0.000000e+00 : f32
    %max3A_25 = vector.broadcast %max3A : f32 to vector<400x128xf32>
    %max3A_26 = arith.maximumf %add3A_24, %max3A_25 : vector<400x128xf32>
    %convert_element_type3A_27 = arith.truncf %max3A_26 : vector<400x128xf32> to vector<400x128xbf16>
    %convert_element_type3A_28 = arith.truncf %get3A_10 : vector<128x128xf32> to vector<128x128xbf16>
    %dot_general3A_29 = arith.constant dense<0.000000e+00> : vector<400x128xf32>
    %dot_general3A_30 = tpu.matmul %convert_element_type3A_27, %convert_element_type3A_28, %dot_general3A_29 {dimension_numbers = #tpu.dot_dimension_numbers<[1], [0], [0], [1], [0, 0, 1, 1], [], []>, transpose_lhs_hint = false} : vector<400x128xbf16>, vector<128x128xbf16>, vector<400x128xf32> -> vector<400x128xf32>
    %add3A_31 = vector.broadcast %get3A_13 : vector<1x128xf32> to vector<400x128xf32>
    %add3A_32 = arith.addf %dot_general3A_30, %add3A_31 : vector<400x128xf32>
    %max3A_33 = arith.constant 0.000000e+00 : f32
    %max3A_34 = vector.broadcast %max3A_33 : f32 to vector<400x128xf32>
    %max3A_35 = arith.maximumf %add3A_32, %max3A_34 : vector<400x128xf32>
    %max3A_36 = arith.maximumf %broadcast_in_dim3A_14, %max3A_35 : vector<400x128xf32>
    %get3A_37 = arith.constant 1 : index
    %get3A_38 = arith.constant 0 : index
    %get3A_39 = arith.constant 0 : index
    %get3A_40 = vector.load %arg1[%get3A_37, %get3A_38, %get3A_39] : memref<16x400x256xf32, #tpu.memory_space<vmem>>, vector<1x400x256xf32>
    %get3A_41 = vector.shape_cast %get3A_40 : vector<1x400x256xf32> to vector<400x256xf32>
    %slice3A_42 = vector.extract_strided_slice %get3A_41 {offsets = [0, 0], sizes = [400, 128], strides = [1, 1]} : vector<400x256xf32> to vector<400x128xf32>
    %slice3A_43 = vector.extract_strided_slice %get3A_41 {offsets = [0, 128], sizes = [400, 3], strides = [1, 1]} : vector<400x256xf32> to vector<400x3xf32>
    %sub3A_44 = arith.subf %slice3A_43, %get3A_1 : vector<400x3xf32>
    %convert_element_type3A_45 = arith.truncf %sub3A_44 : vector<400x3xf32> to vector<400x3xbf16>
    %convert_element_type3A_46 = arith.truncf %get3A_4 : vector<3x128xf32> to vector<3x128xbf16>
    %dot_general3A_47 = arith.constant dense<0.000000e+00> : vector<400x128xf32>
    %dot_general3A_48 = tpu.matmul %convert_element_type3A_45, %convert_element_type3A_46, %dot_general3A_47 {dimension_numbers = #tpu.dot_dimension_numbers<[1], [0], [0], [1], [0, 0, 1, 1], [], []>, transpose_lhs_hint = false} : vector<400x3xbf16>, vector<3x128xbf16>, vector<400x128xf32> -> vector<400x128xf32>
    %add3A_49 = arith.addf %slice3A_42, %dot_general3A_48 : vector<400x128xf32>
    %add3A_50 = vector.broadcast %get3A_7 : vector<1x128xf32> to vector<400x128xf32>
    %add3A_51 = arith.addf %add3A_49, %add3A_50 : vector<400x128xf32>
    %max3A_52 = arith.constant 0.000000e+00 : f32
    %max3A_53 = vector.broadcast %max3A_52 : f32 to vector<400x128xf32>
    %max3A_54 = arith.maximumf %add3A_51, %max3A_53 : vector<400x128xf32>
    %convert_element_type3A_55 = arith.truncf %max3A_54 : vector<400x128xf32> to vector<400x128xbf16>
    %convert_element_type3A_56 = arith.truncf %get3A_10 : vector<128x128xf32> to vector<128x128xbf16>
    %dot_general3A_57 = arith.constant dense<0.000000e+00> : vector<400x128xf32>
    %dot_general3A_58 = tpu.matmul %convert_element_type3A_55, %convert_element_type3A_56, %dot_general3A_57 {dimension_numbers = #tpu.dot_dimension_numbers<[1], [0], [0], [1], [0, 0, 1, 1], [], []>, transpose_lhs_hint = false} : vector<400x128xbf16>, vector<128x128xbf16>, vector<400x128xf32> -> vector<400x128xf32>
    %add3A_59 = vector.broadcast %get3A_13 : vector<1x128xf32> to vector<400x128xf32>
    %add3A_60 = arith.addf %dot_general3A_58, %add3A_59 : vector<400x128xf32>
    %max3A_61 = arith.constant 0.000000e+00 : f32
    %max3A_62 = vector.broadcast %max3A_61 : f32 to vector<400x128xf32>
    %max3A_63 = arith.maximumf %add3A_60, %max3A_62 : vector<400x128xf32>
    %max3A_64 = arith.maximumf %max3A_36, %max3A_63 : vector<400x128xf32>
    %get3A_65 = arith.constant 2 : index
    %get3A_66 = arith.constant 0 : index
    %get3A_67 = arith.constant 0 : index
    %get3A_68 = vector.load %arg1[%get3A_65, %get3A_66, %get3A_67] : memref<16x400x256xf32, #tpu.memory_space<vmem>>, vector<1x400x256xf32>
    %get3A_69 = vector.shape_cast %get3A_68 : vector<1x400x256xf32> to vector<400x256xf32>
    %slice3A_70 = vector.extract_strided_slice %get3A_69 {offsets = [0, 0], sizes = [400, 128], strides = [1, 1]} : vector<400x256xf32> to vector<400x128xf32>
    %slice3A_71 = vector.extract_strided_slice %get3A_69 {offsets = [0, 128], sizes = [400, 3], strides = [1, 1]} : vector<400x256xf32> to vector<400x3xf32>
    %sub3A_72 = arith.subf %slice3A_71, %get3A_1 : vector<400x3xf32>
    %convert_element_type3A_73 = arith.truncf %sub3A_72 : vector<400x3xf32> to vector<400x3xbf16>
    %convert_element_type3A_74 = arith.truncf %get3A_4 : vector<3x128xf32> to vector<3x128xbf16>
    %dot_general3A_75 = arith.constant dense<0.000000e+00> : vector<400x128xf32>
    %dot_general3A_76 = tpu.matmul %convert_element_type3A_73, %convert_element_type3A_74, %dot_general3A_75 {dimension_numbers = #tpu.dot_dimension_numbers<[1], [0], [0], [1], [0, 0, 1, 1], [], []>, transpose_lhs_hint = false} : vector<400x3xbf16>, vector<3x128xbf16>, vector<400x128xf32> -> vector<400x128xf32>
    %add3A_77 = arith.addf %slice3A_70, %dot_general3A_76 : vector<400x128xf32>
    %add3A_78 = vector.broadcast %get3A_7 : vector<1x128xf32> to vector<400x128xf32>
    %add3A_79 = arith.addf %add3A_77, %add3A_78 : vector<400x128xf32>
    %max3A_80 = arith.constant 0.000000e+00 : f32
    %max3A_81 = vector.broadcast %max3A_80 : f32 to vector<400x128xf32>
    %max3A_82 = arith.maximumf %add3A_79, %max3A_81 : vector<400x128xf32>
    %convert_element_type3A_83 = arith.truncf %max3A_82 : vector<400x128xf32> to vector<400x128xbf16>
    %convert_element_type3A_84 = arith.truncf %get3A_10 : vector<128x128xf32> to vector<128x128xbf16>
    %dot_general3A_85 = arith.constant dense<0.000000e+00> : vector<400x128xf32>
    %dot_general3A_86 = tpu.matmul %convert_element_type3A_83, %convert_element_type3A_84, %dot_general3A_85 {dimension_numbers = #tpu.dot_dimension_numbers<[1], [0], [0], [1], [0, 0, 1, 1], [], []>, transpose_lhs_hint = false} : vector<400x128xbf16>, vector<128x128xbf16>, vector<400x128xf32> -> vector<400x128xf32>
    %add3A_87 = vector.broadcast %get3A_13 : vector<1x128xf32> to vector<400x128xf32>
    %add3A_88 = arith.addf %dot_general3A_86, %add3A_87 : vector<400x128xf32>
    %max3A_89 = arith.constant 0.000000e+00 : f32
    %max3A_90 = vector.broadcast %max3A_89 : f32 to vector<400x128xf32>
    %max3A_91 = arith.maximumf %add3A_88, %max3A_90 : vector<400x128xf32>
    %max3A_92 = arith.maximumf %max3A_64, %max3A_91 : vector<400x128xf32>
    %get3A_93 = arith.constant 3 : index
    %get3A_94 = arith.constant 0 : index
    %get3A_95 = arith.constant 0 : index
    %get3A_96 = vector.load %arg1[%get3A_93, %get3A_94, %get3A_95] : memref<16x400x256xf32, #tpu.memory_space<vmem>>, vector<1x400x256xf32>
    %get3A_97 = vector.shape_cast %get3A_96 : vector<1x400x256xf32> to vector<400x256xf32>
    %slice3A_98 = vector.extract_strided_slice %get3A_97 {offsets = [0, 0], sizes = [400, 128], strides = [1, 1]} : vector<400x256xf32> to vector<400x128xf32>
    %slice3A_99 = vector.extract_strided_slice %get3A_97 {offsets = [0, 128], sizes = [400, 3], strides = [1, 1]} : vector<400x256xf32> to vector<400x3xf32>
    %sub3A_100 = arith.subf %slice3A_99, %get3A_1 : vector<400x3xf32>
    %convert_element_type3A_101 = arith.truncf %sub3A_100 : vector<400x3xf32> to vector<400x3xbf16>
    %convert_element_type3A_102 = arith.truncf %get3A_4 : vector<3x128xf32> to vector<3x128xbf16>
    %dot_general3A_103 = arith.constant dense<0.000000e+00> : vector<400x128xf32>
    %dot_general3A_104 = tpu.matmul %convert_element_type3A_101, %convert_element_type3A_102, %dot_general3A_103 {dimension_numbers = #tpu.dot_dimension_numbers<[1], [0], [0], [1], [0, 0, 1, 1], [], []>, transpose_lhs_hint = false} : vector<400x3xbf16>, vector<3x128xbf16>, vector<400x128xf32> -> vector<400x128xf32>
    %add3A_105 = arith.addf %slice3A_98, %dot_general3A_104 : vector<400x128xf32>
    %add3A_106 = vector.broadcast %get3A_7 : vector<1x128xf32> to vector<400x128xf32>
    %add3A_107 = arith.addf %add3A_105, %add3A_106 : vector<400x128xf32>
    %max3A_108 = arith.constant 0.000000e+00 : f32
    %max3A_109 = vector.broadcast %max3A_108 : f32 to vector<400x128xf32>
    %max3A_110 = arith.maximumf %add3A_107, %max3A_109 : vector<400x128xf32>
    %convert_element_type3A_111 = arith.truncf %max3A_110 : vector<400x128xf32> to vector<400x128xbf16>
    %convert_element_type3A_112 = arith.truncf %get3A_10 : vector<128x128xf32> to vector<128x128xbf16>
    %dot_general3A_113 = arith.constant dense<0.000000e+00> : vector<400x128xf32>
    %dot_general3A_114 = tpu.matmul %convert_element_type3A_111, %convert_element_type3A_112, %dot_general3A_113 {dimension_numbers = #tpu.dot_dimension_numbers<[1], [0], [0], [1], [0, 0, 1, 1], [], []>, transpose_lhs_hint = false} : vector<400x128xbf16>, vector<128x128xbf16>, vector<400x128xf32> -> vector<400x128xf32>
    %add3A_115 = vector.broadcast %get3A_13 : vector<1x128xf32> to vector<400x128xf32>
    %add3A_116 = arith.addf %dot_general3A_114, %add3A_115 : vector<400x128xf32>
    %max3A_117 = arith.constant 0.000000e+00 : f32
    %max3A_118 = vector.broadcast %max3A_117 : f32 to vector<400x128xf32>
    %max3A_119 = arith.maximumf %add3A_116, %max3A_118 : vector<400x128xf32>
    %max3A_120 = arith.maximumf %max3A_92, %max3A_119 : vector<400x128xf32>
    %get3A_121 = arith.constant 4 : index
    %get3A_122 = arith.constant 0 : index
    %get3A_123 = arith.constant 0 : index
    %get3A_124 = vector.load %arg1[%get3A_121, %get3A_122, %get3A_123] : memref<16x400x256xf32, #tpu.memory_space<vmem>>, vector<1x400x256xf32>
    %get3A_125 = vector.shape_cast %get3A_124 : vector<1x400x256xf32> to vector<400x256xf32>
    %slice3A_126 = vector.extract_strided_slice %get3A_125 {offsets = [0, 0], sizes = [400, 128], strides = [1, 1]} : vector<400x256xf32> to vector<400x128xf32>
    %slice3A_127 = vector.extract_strided_slice %get3A_125 {offsets = [0, 128], sizes = [400, 3], strides = [1, 1]} : vector<400x256xf32> to vector<400x3xf32>
    %sub3A_128 = arith.subf %slice3A_127, %get3A_1 : vector<400x3xf32>
    %convert_element_type3A_129 = arith.truncf %sub3A_128 : vector<400x3xf32> to vector<400x3xbf16>
    %convert_element_type3A_130 = arith.truncf %get3A_4 : vector<3x128xf32> to vector<3x128xbf16>
    %dot_general3A_131 = arith.constant dense<0.000000e+00> : vector<400x128xf32>
    %dot_general3A_132 = tpu.matmul %convert_element_type3A_129, %convert_element_type3A_130, %dot_general3A_131 {dimension_numbers = #tpu.dot_dimension_numbers<[1], [0], [0], [1], [0, 0, 1, 1], [], []>, transpose_lhs_hint = false} : vector<400x3xbf16>, vector<3x128xbf16>, vector<400x128xf32> -> vector<400x128xf32>
    %add3A_133 = arith.addf %slice3A_126, %dot_general3A_132 : vector<400x128xf32>
    %add3A_134 = vector.broadcast %get3A_7 : vector<1x128xf32> to vector<400x128xf32>
    %add3A_135 = arith.addf %add3A_133, %add3A_134 : vector<400x128xf32>
    %max3A_136 = arith.constant 0.000000e+00 : f32
    %max3A_137 = vector.broadcast %max3A_136 : f32 to vector<400x128xf32>
    %max3A_138 = arith.maximumf %add3A_135, %max3A_137 : vector<400x128xf32>
    %convert_element_type3A_139 = arith.truncf %max3A_138 : vector<400x128xf32> to vector<400x128xbf16>
    %convert_element_type3A_140 = arith.truncf %get3A_10 : vector<128x128xf32> to vector<128x128xbf16>
    %dot_general3A_141 = arith.constant dense<0.000000e+00> : vector<400x128xf32>
    %dot_general3A_142 = tpu.matmul %convert_element_type3A_139, %convert_element_type3A_140, %dot_general3A_141 {dimension_numbers = #tpu.dot_dimension_numbers<[1], [0], [0], [1], [0, 0, 1, 1], [], []>, transpose_lhs_hint = false} : vector<400x128xbf16>, vector<128x128xbf16>, vector<400x128xf32> -> vector<400x128xf32>
    %add3A_143 = vector.broadcast %get3A_13 : vector<1x128xf32> to vector<400x128xf32>
    %add3A_144 = arith.addf %dot_general3A_142, %add3A_143 : vector<400x128xf32>
    %max3A_145 = arith.constant 0.000000e+00 : f32
    %max3A_146 = vector.broadcast %max3A_145 : f32 to vector<400x128xf32>
    %max3A_147 = arith.maximumf %add3A_144, %max3A_146 : vector<400x128xf32>
    %max3A_148 = arith.maximumf %max3A_120, %max3A_147 : vector<400x128xf32>
    %get3A_149 = arith.constant 5 : index
    %get3A_150 = arith.constant 0 : index
    %get3A_151 = arith.constant 0 : index
    %get3A_152 = vector.load %arg1[%get3A_149, %get3A_150, %get3A_151] : memref<16x400x256xf32, #tpu.memory_space<vmem>>, vector<1x400x256xf32>
    %get3A_153 = vector.shape_cast %get3A_152 : vector<1x400x256xf32> to vector<400x256xf32>
    %slice3A_154 = vector.extract_strided_slice %get3A_153 {offsets = [0, 0], sizes = [400, 128], strides = [1, 1]} : vector<400x256xf32> to vector<400x128xf32>
    %slice3A_155 = vector.extract_strided_slice %get3A_153 {offsets = [0, 128], sizes = [400, 3], strides = [1, 1]} : vector<400x256xf32> to vector<400x3xf32>
    %sub3A_156 = arith.subf %slice3A_155, %get3A_1 : vector<400x3xf32>
    %convert_element_type3A_157 = arith.truncf %sub3A_156 : vector<400x3xf32> to vector<400x3xbf16>
    %convert_element_type3A_158 = arith.truncf %get3A_4 : vector<3x128xf32> to vector<3x128xbf16>
    %dot_general3A_159 = arith.constant dense<0.000000e+00> : vector<400x128xf32>
    %dot_general3A_160 = tpu.matmul %convert_element_type3A_157, %convert_element_type3A_158, %dot_general3A_159 {dimension_numbers = #tpu.dot_dimension_numbers<[1], [0], [0], [1], [0, 0, 1, 1], [], []>, transpose_lhs_hint = false} : vector<400x3xbf16>, vector<3x128xbf16>, vector<400x128xf32> -> vector<400x128xf32>
    %add3A_161 = arith.addf %slice3A_154, %dot_general3A_160 : vector<400x128xf32>
    %add3A_162 = vector.broadcast %get3A_7 : vector<1x128xf32> to vector<400x128xf32>
    %add3A_163 = arith.addf %add3A_161, %add3A_162 : vector<400x128xf32>
    %max3A_164 = arith.constant 0.000000e+00 : f32
    %max3A_165 = vector.broadcast %max3A_164 : f32 to vector<400x128xf32>
    %max3A_166 = arith.maximumf %add3A_163, %max3A_165 : vector<400x128xf32>
    %convert_element_type3A_167 = arith.truncf %max3A_166 : vector<400x128xf32> to vector<400x128xbf16>
    %convert_element_type3A_168 = arith.truncf %get3A_10 : vector<128x128xf32> to vector<128x128xbf16>
    %dot_general3A_169 = arith.constant dense<0.000000e+00> : vector<400x128xf32>
    %dot_general3A_170 = tpu.matmul %convert_element_type3A_167, %convert_element_type3A_168, %dot_general3A_169 {dimension_numbers = #tpu.dot_dimension_numbers<[1], [0], [0], [1], [0, 0, 1, 1], [], []>, transpose_lhs_hint = false} : vector<400x128xbf16>, vector<128x128xbf16>, vector<400x128xf32> -> vector<400x128xf32>
    %add3A_171 = vector.broadcast %get3A_13 : vector<1x128xf32> to vector<400x128xf32>
    %add3A_172 = arith.addf %dot_general3A_170, %add3A_171 : vector<400x128xf32>
    %max3A_173 = arith.constant 0.000000e+00 : f32
    %max3A_174 = vector.broadcast %max3A_173 : f32 to vector<400x128xf32>
    %max3A_175 = arith.maximumf %add3A_172, %max3A_174 : vector<400x128xf32>
    %max3A_176 = arith.maximumf %max3A_148, %max3A_175 : vector<400x128xf32>
    %get3A_177 = arith.constant 6 : index
    %get3A_178 = arith.constant 0 : index
    %get3A_179 = arith.constant 0 : index
    %get3A_180 = vector.load %arg1[%get3A_177, %get3A_178, %get3A_179] : memref<16x400x256xf32, #tpu.memory_space<vmem>>, vector<1x400x256xf32>
    %get3A_181 = vector.shape_cast %get3A_180 : vector<1x400x256xf32> to vector<400x256xf32>
    %slice3A_182 = vector.extract_strided_slice %get3A_181 {offsets = [0, 0], sizes = [400, 128], strides = [1, 1]} : vector<400x256xf32> to vector<400x128xf32>
    %slice3A_183 = vector.extract_strided_slice %get3A_181 {offsets = [0, 128], sizes = [400, 3], strides = [1, 1]} : vector<400x256xf32> to vector<400x3xf32>
    %sub3A_184 = arith.subf %slice3A_183, %get3A_1 : vector<400x3xf32>
    %convert_element_type3A_185 = arith.truncf %sub3A_184 : vector<400x3xf32> to vector<400x3xbf16>
    %convert_element_type3A_186 = arith.truncf %get3A_4 : vector<3x128xf32> to vector<3x128xbf16>
    %dot_general3A_187 = arith.constant dense<0.000000e+00> : vector<400x128xf32>
    %dot_general3A_188 = tpu.matmul %convert_element_type3A_185, %convert_element_type3A_186, %dot_general3A_187 {dimension_numbers = #tpu.dot_dimension_numbers<[1], [0], [0], [1], [0, 0, 1, 1], [], []>, transpose_lhs_hint = false} : vector<400x3xbf16>, vector<3x128xbf16>, vector<400x128xf32> -> vector<400x128xf32>
    %add3A_189 = arith.addf %slice3A_182, %dot_general3A_188 : vector<400x128xf32>
    %add3A_190 = vector.broadcast %get3A_7 : vector<1x128xf32> to vector<400x128xf32>
    %add3A_191 = arith.addf %add3A_189, %add3A_190 : vector<400x128xf32>
    %max3A_192 = arith.constant 0.000000e+00 : f32
    %max3A_193 = vector.broadcast %max3A_192 : f32 to vector<400x128xf32>
    %max3A_194 = arith.maximumf %add3A_191, %max3A_193 : vector<400x128xf32>
    %convert_element_type3A_195 = arith.truncf %max3A_194 : vector<400x128xf32> to vector<400x128xbf16>
    %convert_element_type3A_196 = arith.truncf %get3A_10 : vector<128x128xf32> to vector<128x128xbf16>
    %dot_general3A_197 = arith.constant dense<0.000000e+00> : vector<400x128xf32>
    %dot_general3A_198 = tpu.matmul %convert_element_type3A_195, %convert_element_type3A_196, %dot_general3A_197 {dimension_numbers = #tpu.dot_dimension_numbers<[1], [0], [0], [1], [0, 0, 1, 1], [], []>, transpose_lhs_hint = false} : vector<400x128xbf16>, vector<128x128xbf16>, vector<400x128xf32> -> vector<400x128xf32>
    %add3A_199 = vector.broadcast %get3A_13 : vector<1x128xf32> to vector<400x128xf32>
    %add3A_200 = arith.addf %dot_general3A_198, %add3A_199 : vector<400x128xf32>
    %max3A_201 = arith.constant 0.000000e+00 : f32
    %max3A_202 = vector.broadcast %max3A_201 : f32 to vector<400x128xf32>
    %max3A_203 = arith.maximumf %add3A_200, %max3A_202 : vector<400x128xf32>
    %max3A_204 = arith.maximumf %max3A_176, %max3A_203 : vector<400x128xf32>
    %get3A_205 = arith.constant 7 : index
    %get3A_206 = arith.constant 0 : index
    %get3A_207 = arith.constant 0 : index
    %get3A_208 = vector.load %arg1[%get3A_205, %get3A_206, %get3A_207] : memref<16x400x256xf32, #tpu.memory_space<vmem>>, vector<1x400x256xf32>
    %get3A_209 = vector.shape_cast %get3A_208 : vector<1x400x256xf32> to vector<400x256xf32>
    %slice3A_210 = vector.extract_strided_slice %get3A_209 {offsets = [0, 0], sizes = [400, 128], strides = [1, 1]} : vector<400x256xf32> to vector<400x128xf32>
    %slice3A_211 = vector.extract_strided_slice %get3A_209 {offsets = [0, 128], sizes = [400, 3], strides = [1, 1]} : vector<400x256xf32> to vector<400x3xf32>
    %sub3A_212 = arith.subf %slice3A_211, %get3A_1 : vector<400x3xf32>
    %convert_element_type3A_213 = arith.truncf %sub3A_212 : vector<400x3xf32> to vector<400x3xbf16>
    %convert_element_type3A_214 = arith.truncf %get3A_4 : vector<3x128xf32> to vector<3x128xbf16>
    %dot_general3A_215 = arith.constant dense<0.000000e+00> : vector<400x128xf32>
    %dot_general3A_216 = tpu.matmul %convert_element_type3A_213, %convert_element_type3A_214, %dot_general3A_215 {dimension_numbers = #tpu.dot_dimension_numbers<[1], [0], [0], [1], [0, 0, 1, 1], [], []>, transpose_lhs_hint = false} : vector<400x3xbf16>, vector<3x128xbf16>, vector<400x128xf32> -> vector<400x128xf32>
    %add3A_217 = arith.addf %slice3A_210, %dot_general3A_216 : vector<400x128xf32>
    %add3A_218 = vector.broadcast %get3A_7 : vector<1x128xf32> to vector<400x128xf32>
    %add3A_219 = arith.addf %add3A_217, %add3A_218 : vector<400x128xf32>
    %max3A_220 = arith.constant 0.000000e+00 : f32
    %max3A_221 = vector.broadcast %max3A_220 : f32 to vector<400x128xf32>
    %max3A_222 = arith.maximumf %add3A_219, %max3A_221 : vector<400x128xf32>
    %convert_element_type3A_223 = arith.truncf %max3A_222 : vector<400x128xf32> to vector<400x128xbf16>
    %convert_element_type3A_224 = arith.truncf %get3A_10 : vector<128x128xf32> to vector<128x128xbf16>
    %dot_general3A_225 = arith.constant dense<0.000000e+00> : vector<400x128xf32>
    %dot_general3A_226 = tpu.matmul %convert_element_type3A_223, %convert_element_type3A_224, %dot_general3A_225 {dimension_numbers = #tpu.dot_dimension_numbers<[1], [0], [0], [1], [0, 0, 1, 1], [], []>, transpose_lhs_hint = false} : vector<400x128xbf16>, vector<128x128xbf16>, vector<400x128xf32> -> vector<400x128xf32>
    %add3A_227 = vector.broadcast %get3A_13 : vector<1x128xf32> to vector<400x128xf32>
    %add3A_228 = arith.addf %dot_general3A_226, %add3A_227 : vector<400x128xf32>
    %max3A_229 = arith.constant 0.000000e+00 : f32
    %max3A_230 = vector.broadcast %max3A_229 : f32 to vector<400x128xf32>
    %max3A_231 = arith.maximumf %add3A_228, %max3A_230 : vector<400x128xf32>
    %max3A_232 = arith.maximumf %max3A_204, %max3A_231 : vector<400x128xf32>
    %get3A_233 = arith.constant 8 : index
    %get3A_234 = arith.constant 0 : index
    %get3A_235 = arith.constant 0 : index
    %get3A_236 = vector.load %arg1[%get3A_233, %get3A_234, %get3A_235] : memref<16x400x256xf32, #tpu.memory_space<vmem>>, vector<1x400x256xf32>
    %get3A_237 = vector.shape_cast %get3A_236 : vector<1x400x256xf32> to vector<400x256xf32>
    %slice3A_238 = vector.extract_strided_slice %get3A_237 {offsets = [0, 0], sizes = [400, 128], strides = [1, 1]} : vector<400x256xf32> to vector<400x128xf32>
    %slice3A_239 = vector.extract_strided_slice %get3A_237 {offsets = [0, 128], sizes = [400, 3], strides = [1, 1]} : vector<400x256xf32> to vector<400x3xf32>
    %sub3A_240 = arith.subf %slice3A_239, %get3A_1 : vector<400x3xf32>
    %convert_element_type3A_241 = arith.truncf %sub3A_240 : vector<400x3xf32> to vector<400x3xbf16>
    %convert_element_type3A_242 = arith.truncf %get3A_4 : vector<3x128xf32> to vector<3x128xbf16>
    %dot_general3A_243 = arith.constant dense<0.000000e+00> : vector<400x128xf32>
    %dot_general3A_244 = tpu.matmul %convert_element_type3A_241, %convert_element_type3A_242, %dot_general3A_243 {dimension_numbers = #tpu.dot_dimension_numbers<[1], [0], [0], [1], [0, 0, 1, 1], [], []>, transpose_lhs_hint = false} : vector<400x3xbf16>, vector<3x128xbf16>, vector<400x128xf32> -> vector<400x128xf32>
    %add3A_245 = arith.addf %slice3A_238, %dot_general3A_244 : vector<400x128xf32>
    %add3A_246 = vector.broadcast %get3A_7 : vector<1x128xf32> to vector<400x128xf32>
    %add3A_247 = arith.addf %add3A_245, %add3A_246 : vector<400x128xf32>
    %max3A_248 = arith.constant 0.000000e+00 : f32
    %max3A_249 = vector.broadcast %max3A_248 : f32 to vector<400x128xf32>
    %max3A_250 = arith.maximumf %add3A_247, %max3A_249 : vector<400x128xf32>
    %convert_element_type3A_251 = arith.truncf %max3A_250 : vector<400x128xf32> to vector<400x128xbf16>
    %convert_element_type3A_252 = arith.truncf %get3A_10 : vector<128x128xf32> to vector<128x128xbf16>
    %dot_general3A_253 = arith.constant dense<0.000000e+00> : vector<400x128xf32>
    %dot_general3A_254 = tpu.matmul %convert_element_type3A_251, %convert_element_type3A_252, %dot_general3A_253 {dimension_numbers = #tpu.dot_dimension_numbers<[1], [0], [0], [1], [0, 0, 1, 1], [], []>, transpose_lhs_hint = false} : vector<400x128xbf16>, vector<128x128xbf16>, vector<400x128xf32> -> vector<400x128xf32>
    %add3A_255 = vector.broadcast %get3A_13 : vector<1x128xf32> to vector<400x128xf32>
    %add3A_256 = arith.addf %dot_general3A_254, %add3A_255 : vector<400x128xf32>
    %max3A_257 = arith.constant 0.000000e+00 : f32
    %max3A_258 = vector.broadcast %max3A_257 : f32 to vector<400x128xf32>
    %max3A_259 = arith.maximumf %add3A_256, %max3A_258 : vector<400x128xf32>
    %max3A_260 = arith.maximumf %max3A_232, %max3A_259 : vector<400x128xf32>
    %get3A_261 = arith.constant 9 : index
    %get3A_262 = arith.constant 0 : index
    %get3A_263 = arith.constant 0 : index
    %get3A_264 = vector.load %arg1[%get3A_261, %get3A_262, %get3A_263] : memref<16x400x256xf32, #tpu.memory_space<vmem>>, vector<1x400x256xf32>
    %get3A_265 = vector.shape_cast %get3A_264 : vector<1x400x256xf32> to vector<400x256xf32>
    %slice3A_266 = vector.extract_strided_slice %get3A_265 {offsets = [0, 0], sizes = [400, 128], strides = [1, 1]} : vector<400x256xf32> to vector<400x128xf32>
    %slice3A_267 = vector.extract_strided_slice %get3A_265 {offsets = [0, 128], sizes = [400, 3], strides = [1, 1]} : vector<400x256xf32> to vector<400x3xf32>
    %sub3A_268 = arith.subf %slice3A_267, %get3A_1 : vector<400x3xf32>
    %convert_element_type3A_269 = arith.truncf %sub3A_268 : vector<400x3xf32> to vector<400x3xbf16>
    %convert_element_type3A_270 = arith.truncf %get3A_4 : vector<3x128xf32> to vector<3x128xbf16>
    %dot_general3A_271 = arith.constant dense<0.000000e+00> : vector<400x128xf32>
    %dot_general3A_272 = tpu.matmul %convert_element_type3A_269, %convert_element_type3A_270, %dot_general3A_271 {dimension_numbers = #tpu.dot_dimension_numbers<[1], [0], [0], [1], [0, 0, 1, 1], [], []>, transpose_lhs_hint = false} : vector<400x3xbf16>, vector<3x128xbf16>, vector<400x128xf32> -> vector<400x128xf32>
    %add3A_273 = arith.addf %slice3A_266, %dot_general3A_272 : vector<400x128xf32>
    %add3A_274 = vector.broadcast %get3A_7 : vector<1x128xf32> to vector<400x128xf32>
    %add3A_275 = arith.addf %add3A_273, %add3A_274 : vector<400x128xf32>
    %max3A_276 = arith.constant 0.000000e+00 : f32
    %max3A_277 = vector.broadcast %max3A_276 : f32 to vector<400x128xf32>
    %max3A_278 = arith.maximumf %add3A_275, %max3A_277 : vector<400x128xf32>
    %convert_element_type3A_279 = arith.truncf %max3A_278 : vector<400x128xf32> to vector<400x128xbf16>
    %convert_element_type3A_280 = arith.truncf %get3A_10 : vector<128x128xf32> to vector<128x128xbf16>
    %dot_general3A_281 = arith.constant dense<0.000000e+00> : vector<400x128xf32>
    %dot_general3A_282 = tpu.matmul %convert_element_type3A_279, %convert_element_type3A_280, %dot_general3A_281 {dimension_numbers = #tpu.dot_dimension_numbers<[1], [0], [0], [1], [0, 0, 1, 1], [], []>, transpose_lhs_hint = false} : vector<400x128xbf16>, vector<128x128xbf16>, vector<400x128xf32> -> vector<400x128xf32>
    %add3A_283 = vector.broadcast %get3A_13 : vector<1x128xf32> to vector<400x128xf32>
    %add3A_284 = arith.addf %dot_general3A_282, %add3A_283 : vector<400x128xf32>
    %max3A_285 = arith.constant 0.000000e+00 : f32
    %max3A_286 = vector.broadcast %max3A_285 : f32 to vector<400x128xf32>
    %max3A_287 = arith.maximumf %add3A_284, %max3A_286 : vector<400x128xf32>
    %max3A_288 = arith.maximumf %max3A_260, %max3A_287 : vector<400x128xf32>
    %get3A_289 = arith.constant 10 : index
    %get3A_290 = arith.constant 0 : index
    %get3A_291 = arith.constant 0 : index
    %get3A_292 = vector.load %arg1[%get3A_289, %get3A_290, %get3A_291] : memref<16x400x256xf32, #tpu.memory_space<vmem>>, vector<1x400x256xf32>
    %get3A_293 = vector.shape_cast %get3A_292 : vector<1x400x256xf32> to vector<400x256xf32>
    %slice3A_294 = vector.extract_strided_slice %get3A_293 {offsets = [0, 0], sizes = [400, 128], strides = [1, 1]} : vector<400x256xf32> to vector<400x128xf32>
    %slice3A_295 = vector.extract_strided_slice %get3A_293 {offsets = [0, 128], sizes = [400, 3], strides = [1, 1]} : vector<400x256xf32> to vector<400x3xf32>
    %sub3A_296 = arith.subf %slice3A_295, %get3A_1 : vector<400x3xf32>
    %convert_element_type3A_297 = arith.truncf %sub3A_296 : vector<400x3xf32> to vector<400x3xbf16>
    %convert_element_type3A_298 = arith.truncf %get3A_4 : vector<3x128xf32> to vector<3x128xbf16>
    %dot_general3A_299 = arith.constant dense<0.000000e+00> : vector<400x128xf32>
    %dot_general3A_300 = tpu.matmul %convert_element_type3A_297, %convert_element_type3A_298, %dot_general3A_299 {dimension_numbers = #tpu.dot_dimension_numbers<[1], [0], [0], [1], [0, 0, 1, 1], [], []>, transpose_lhs_hint = false} : vector<400x3xbf16>, vector<3x128xbf16>, vector<400x128xf32> -> vector<400x128xf32>
    %add3A_301 = arith.addf %slice3A_294, %dot_general3A_300 : vector<400x128xf32>
    %add3A_302 = vector.broadcast %get3A_7 : vector<1x128xf32> to vector<400x128xf32>
    %add3A_303 = arith.addf %add3A_301, %add3A_302 : vector<400x128xf32>
    %max3A_304 = arith.constant 0.000000e+00 : f32
    %max3A_305 = vector.broadcast %max3A_304 : f32 to vector<400x128xf32>
    %max3A_306 = arith.maximumf %add3A_303, %max3A_305 : vector<400x128xf32>
    %convert_element_type3A_307 = arith.truncf %max3A_306 : vector<400x128xf32> to vector<400x128xbf16>
    %convert_element_type3A_308 = arith.truncf %get3A_10 : vector<128x128xf32> to vector<128x128xbf16>
    %dot_general3A_309 = arith.constant dense<0.000000e+00> : vector<400x128xf32>
    %dot_general3A_310 = tpu.matmul %convert_element_type3A_307, %convert_element_type3A_308, %dot_general3A_309 {dimension_numbers = #tpu.dot_dimension_numbers<[1], [0], [0], [1], [0, 0, 1, 1], [], []>, transpose_lhs_hint = false} : vector<400x128xbf16>, vector<128x128xbf16>, vector<400x128xf32> -> vector<400x128xf32>
    %add3A_311 = vector.broadcast %get3A_13 : vector<1x128xf32> to vector<400x128xf32>
    %add3A_312 = arith.addf %dot_general3A_310, %add3A_311 : vector<400x128xf32>
    %max3A_313 = arith.constant 0.000000e+00 : f32
    %max3A_314 = vector.broadcast %max3A_313 : f32 to vector<400x128xf32>
    %max3A_315 = arith.maximumf %add3A_312, %max3A_314 : vector<400x128xf32>
    %max3A_316 = arith.maximumf %max3A_288, %max3A_315 : vector<400x128xf32>
    %get3A_317 = arith.constant 11 : index
    %get3A_318 = arith.constant 0 : index
    %get3A_319 = arith.constant 0 : index
    %get3A_320 = vector.load %arg1[%get3A_317, %get3A_318, %get3A_319] : memref<16x400x256xf32, #tpu.memory_space<vmem>>, vector<1x400x256xf32>
    %get3A_321 = vector.shape_cast %get3A_320 : vector<1x400x256xf32> to vector<400x256xf32>
    %slice3A_322 = vector.extract_strided_slice %get3A_321 {offsets = [0, 0], sizes = [400, 128], strides = [1, 1]} : vector<400x256xf32> to vector<400x128xf32>
    %slice3A_323 = vector.extract_strided_slice %get3A_321 {offsets = [0, 128], sizes = [400, 3], strides = [1, 1]} : vector<400x256xf32> to vector<400x3xf32>
    %sub3A_324 = arith.subf %slice3A_323, %get3A_1 : vector<400x3xf32>
    %convert_element_type3A_325 = arith.truncf %sub3A_324 : vector<400x3xf32> to vector<400x3xbf16>
    %convert_element_type3A_326 = arith.truncf %get3A_4 : vector<3x128xf32> to vector<3x128xbf16>
    %dot_general3A_327 = arith.constant dense<0.000000e+00> : vector<400x128xf32>
    %dot_general3A_328 = tpu.matmul %convert_element_type3A_325, %convert_element_type3A_326, %dot_general3A_327 {dimension_numbers = #tpu.dot_dimension_numbers<[1], [0], [0], [1], [0, 0, 1, 1], [], []>, transpose_lhs_hint = false} : vector<400x3xbf16>, vector<3x128xbf16>, vector<400x128xf32> -> vector<400x128xf32>
    %add3A_329 = arith.addf %slice3A_322, %dot_general3A_328 : vector<400x128xf32>
    %add3A_330 = vector.broadcast %get3A_7 : vector<1x128xf32> to vector<400x128xf32>
    %add3A_331 = arith.addf %add3A_329, %add3A_330 : vector<400x128xf32>
    %max3A_332 = arith.constant 0.000000e+00 : f32
    %max3A_333 = vector.broadcast %max3A_332 : f32 to vector<400x128xf32>
    %max3A_334 = arith.maximumf %add3A_331, %max3A_333 : vector<400x128xf32>
    %convert_element_type3A_335 = arith.truncf %max3A_334 : vector<400x128xf32> to vector<400x128xbf16>
    %convert_element_type3A_336 = arith.truncf %get3A_10 : vector<128x128xf32> to vector<128x128xbf16>
    %dot_general3A_337 = arith.constant dense<0.000000e+00> : vector<400x128xf32>
    %dot_general3A_338 = tpu.matmul %convert_element_type3A_335, %convert_element_type3A_336, %dot_general3A_337 {dimension_numbers = #tpu.dot_dimension_numbers<[1], [0], [0], [1], [0, 0, 1, 1], [], []>, transpose_lhs_hint = false} : vector<400x128xbf16>, vector<128x128xbf16>, vector<400x128xf32> -> vector<400x128xf32>
    %add3A_339 = vector.broadcast %get3A_13 : vector<1x128xf32> to vector<400x128xf32>
    %add3A_340 = arith.addf %dot_general3A_338, %add3A_339 : vector<400x128xf32>
    %max3A_341 = arith.constant 0.000000e+00 : f32
    %max3A_342 = vector.broadcast %max3A_341 : f32 to vector<400x128xf32>
    %max3A_343 = arith.maximumf %add3A_340, %max3A_342 : vector<400x128xf32>
    %max3A_344 = arith.maximumf %max3A_316, %max3A_343 : vector<400x128xf32>
    %get3A_345 = arith.constant 12 : index
    %get3A_346 = arith.constant 0 : index
    %get3A_347 = arith.constant 0 : index
    %get3A_348 = vector.load %arg1[%get3A_345, %get3A_346, %get3A_347] : memref<16x400x256xf32, #tpu.memory_space<vmem>>, vector<1x400x256xf32>
    %get3A_349 = vector.shape_cast %get3A_348 : vector<1x400x256xf32> to vector<400x256xf32>
    %slice3A_350 = vector.extract_strided_slice %get3A_349 {offsets = [0, 0], sizes = [400, 128], strides = [1, 1]} : vector<400x256xf32> to vector<400x128xf32>
    %slice3A_351 = vector.extract_strided_slice %get3A_349 {offsets = [0, 128], sizes = [400, 3], strides = [1, 1]} : vector<400x256xf32> to vector<400x3xf32>
    %sub3A_352 = arith.subf %slice3A_351, %get3A_1 : vector<400x3xf32>
    %convert_element_type3A_353 = arith.truncf %sub3A_352 : vector<400x3xf32> to vector<400x3xbf16>
    %convert_element_type3A_354 = arith.truncf %get3A_4 : vector<3x128xf32> to vector<3x128xbf16>
    %dot_general3A_355 = arith.constant dense<0.000000e+00> : vector<400x128xf32>
    %dot_general3A_356 = tpu.matmul %convert_element_type3A_353, %convert_element_type3A_354, %dot_general3A_355 {dimension_numbers = #tpu.dot_dimension_numbers<[1], [0], [0], [1], [0, 0, 1, 1], [], []>, transpose_lhs_hint = false} : vector<400x3xbf16>, vector<3x128xbf16>, vector<400x128xf32> -> vector<400x128xf32>
    %add3A_357 = arith.addf %slice3A_350, %dot_general3A_356 : vector<400x128xf32>
    %add3A_358 = vector.broadcast %get3A_7 : vector<1x128xf32> to vector<400x128xf32>
    %add3A_359 = arith.addf %add3A_357, %add3A_358 : vector<400x128xf32>
    %max3A_360 = arith.constant 0.000000e+00 : f32
    %max3A_361 = vector.broadcast %max3A_360 : f32 to vector<400x128xf32>
    %max3A_362 = arith.maximumf %add3A_359, %max3A_361 : vector<400x128xf32>
    %convert_element_type3A_363 = arith.truncf %max3A_362 : vector<400x128xf32> to vector<400x128xbf16>
    %convert_element_type3A_364 = arith.truncf %get3A_10 : vector<128x128xf32> to vector<128x128xbf16>
    %dot_general3A_365 = arith.constant dense<0.000000e+00> : vector<400x128xf32>
    %dot_general3A_366 = tpu.matmul %convert_element_type3A_363, %convert_element_type3A_364, %dot_general3A_365 {dimension_numbers = #tpu.dot_dimension_numbers<[1], [0], [0], [1], [0, 0, 1, 1], [], []>, transpose_lhs_hint = false} : vector<400x128xbf16>, vector<128x128xbf16>, vector<400x128xf32> -> vector<400x128xf32>
    %add3A_367 = vector.broadcast %get3A_13 : vector<1x128xf32> to vector<400x128xf32>
    %add3A_368 = arith.addf %dot_general3A_366, %add3A_367 : vector<400x128xf32>
    %max3A_369 = arith.constant 0.000000e+00 : f32
    %max3A_370 = vector.broadcast %max3A_369 : f32 to vector<400x128xf32>
    %max3A_371 = arith.maximumf %add3A_368, %max3A_370 : vector<400x128xf32>
    %max3A_372 = arith.maximumf %max3A_344, %max3A_371 : vector<400x128xf32>
    %get3A_373 = arith.constant 13 : index
    %get3A_374 = arith.constant 0 : index
    %get3A_375 = arith.constant 0 : index
    %get3A_376 = vector.load %arg1[%get3A_373, %get3A_374, %get3A_375] : memref<16x400x256xf32, #tpu.memory_space<vmem>>, vector<1x400x256xf32>
    %get3A_377 = vector.shape_cast %get3A_376 : vector<1x400x256xf32> to vector<400x256xf32>
    %slice3A_378 = vector.extract_strided_slice %get3A_377 {offsets = [0, 0], sizes = [400, 128], strides = [1, 1]} : vector<400x256xf32> to vector<400x128xf32>
    %slice3A_379 = vector.extract_strided_slice %get3A_377 {offsets = [0, 128], sizes = [400, 3], strides = [1, 1]} : vector<400x256xf32> to vector<400x3xf32>
    %sub3A_380 = arith.subf %slice3A_379, %get3A_1 : vector<400x3xf32>
    %convert_element_type3A_381 = arith.truncf %sub3A_380 : vector<400x3xf32> to vector<400x3xbf16>
    %convert_element_type3A_382 = arith.truncf %get3A_4 : vector<3x128xf32> to vector<3x128xbf16>
    %dot_general3A_383 = arith.constant dense<0.000000e+00> : vector<400x128xf32>
    %dot_general3A_384 = tpu.matmul %convert_element_type3A_381, %convert_element_type3A_382, %dot_general3A_383 {dimension_numbers = #tpu.dot_dimension_numbers<[1], [0], [0], [1], [0, 0, 1, 1], [], []>, transpose_lhs_hint = false} : vector<400x3xbf16>, vector<3x128xbf16>, vector<400x128xf32> -> vector<400x128xf32>
    %add3A_385 = arith.addf %slice3A_378, %dot_general3A_384 : vector<400x128xf32>
    %add3A_386 = vector.broadcast %get3A_7 : vector<1x128xf32> to vector<400x128xf32>
    %add3A_387 = arith.addf %add3A_385, %add3A_386 : vector<400x128xf32>
    %max3A_388 = arith.constant 0.000000e+00 : f32
    %max3A_389 = vector.broadcast %max3A_388 : f32 to vector<400x128xf32>
    %max3A_390 = arith.maximumf %add3A_387, %max3A_389 : vector<400x128xf32>
    %convert_element_type3A_391 = arith.truncf %max3A_390 : vector<400x128xf32> to vector<400x128xbf16>
    %convert_element_type3A_392 = arith.truncf %get3A_10 : vector<128x128xf32> to vector<128x128xbf16>
    %dot_general3A_393 = arith.constant dense<0.000000e+00> : vector<400x128xf32>
    %dot_general3A_394 = tpu.matmul %convert_element_type3A_391, %convert_element_type3A_392, %dot_general3A_393 {dimension_numbers = #tpu.dot_dimension_numbers<[1], [0], [0], [1], [0, 0, 1, 1], [], []>, transpose_lhs_hint = false} : vector<400x128xbf16>, vector<128x128xbf16>, vector<400x128xf32> -> vector<400x128xf32>
    %add3A_395 = vector.broadcast %get3A_13 : vector<1x128xf32> to vector<400x128xf32>
    %add3A_396 = arith.addf %dot_general3A_394, %add3A_395 : vector<400x128xf32>
    %max3A_397 = arith.constant 0.000000e+00 : f32
    %max3A_398 = vector.broadcast %max3A_397 : f32 to vector<400x128xf32>
    %max3A_399 = arith.maximumf %add3A_396, %max3A_398 : vector<400x128xf32>
    %max3A_400 = arith.maximumf %max3A_372, %max3A_399 : vector<400x128xf32>
    %get3A_401 = arith.constant 14 : index
    %get3A_402 = arith.constant 0 : index
    %get3A_403 = arith.constant 0 : index
    %get3A_404 = vector.load %arg1[%get3A_401, %get3A_402, %get3A_403] : memref<16x400x256xf32, #tpu.memory_space<vmem>>, vector<1x400x256xf32>
    %get3A_405 = vector.shape_cast %get3A_404 : vector<1x400x256xf32> to vector<400x256xf32>
    %slice3A_406 = vector.extract_strided_slice %get3A_405 {offsets = [0, 0], sizes = [400, 128], strides = [1, 1]} : vector<400x256xf32> to vector<400x128xf32>
    %slice3A_407 = vector.extract_strided_slice %get3A_405 {offsets = [0, 128], sizes = [400, 3], strides = [1, 1]} : vector<400x256xf32> to vector<400x3xf32>
    %sub3A_408 = arith.subf %slice3A_407, %get3A_1 : vector<400x3xf32>
    %convert_element_type3A_409 = arith.truncf %sub3A_408 : vector<400x3xf32> to vector<400x3xbf16>
    %convert_element_type3A_410 = arith.truncf %get3A_4 : vector<3x128xf32> to vector<3x128xbf16>
    %dot_general3A_411 = arith.constant dense<0.000000e+00> : vector<400x128xf32>
    %dot_general3A_412 = tpu.matmul %convert_element_type3A_409, %convert_element_type3A_410, %dot_general3A_411 {dimension_numbers = #tpu.dot_dimension_numbers<[1], [0], [0], [1], [0, 0, 1, 1], [], []>, transpose_lhs_hint = false} : vector<400x3xbf16>, vector<3x128xbf16>, vector<400x128xf32> -> vector<400x128xf32>
    %add3A_413 = arith.addf %slice3A_406, %dot_general3A_412 : vector<400x128xf32>
    %add3A_414 = vector.broadcast %get3A_7 : vector<1x128xf32> to vector<400x128xf32>
    %add3A_415 = arith.addf %add3A_413, %add3A_414 : vector<400x128xf32>
    %max3A_416 = arith.constant 0.000000e+00 : f32
    %max3A_417 = vector.broadcast %max3A_416 : f32 to vector<400x128xf32>
    %max3A_418 = arith.maximumf %add3A_415, %max3A_417 : vector<400x128xf32>
    %convert_element_type3A_419 = arith.truncf %max3A_418 : vector<400x128xf32> to vector<400x128xbf16>
    %convert_element_type3A_420 = arith.truncf %get3A_10 : vector<128x128xf32> to vector<128x128xbf16>
    %dot_general3A_421 = arith.constant dense<0.000000e+00> : vector<400x128xf32>
    %dot_general3A_422 = tpu.matmul %convert_element_type3A_419, %convert_element_type3A_420, %dot_general3A_421 {dimension_numbers = #tpu.dot_dimension_numbers<[1], [0], [0], [1], [0, 0, 1, 1], [], []>, transpose_lhs_hint = false} : vector<400x128xbf16>, vector<128x128xbf16>, vector<400x128xf32> -> vector<400x128xf32>
    %add3A_423 = vector.broadcast %get3A_13 : vector<1x128xf32> to vector<400x128xf32>
    %add3A_424 = arith.addf %dot_general3A_422, %add3A_423 : vector<400x128xf32>
    %max3A_425 = arith.constant 0.000000e+00 : f32
    %max3A_426 = vector.broadcast %max3A_425 : f32 to vector<400x128xf32>
    %max3A_427 = arith.maximumf %add3A_424, %max3A_426 : vector<400x128xf32>
    %max3A_428 = arith.maximumf %max3A_400, %max3A_427 : vector<400x128xf32>
    %get3A_429 = arith.constant 15 : index
    %get3A_430 = arith.constant 0 : index
    %get3A_431 = arith.constant 0 : index
    %get3A_432 = vector.load %arg1[%get3A_429, %get3A_430, %get3A_431] : memref<16x400x256xf32, #tpu.memory_space<vmem>>, vector<1x400x256xf32>
    %get3A_433 = vector.shape_cast %get3A_432 : vector<1x400x256xf32> to vector<400x256xf32>
    %slice3A_434 = vector.extract_strided_slice %get3A_433 {offsets = [0, 0], sizes = [400, 128], strides = [1, 1]} : vector<400x256xf32> to vector<400x128xf32>
    %slice3A_435 = vector.extract_strided_slice %get3A_433 {offsets = [0, 128], sizes = [400, 3], strides = [1, 1]} : vector<400x256xf32> to vector<400x3xf32>
    %sub3A_436 = arith.subf %slice3A_435, %get3A_1 : vector<400x3xf32>
    %convert_element_type3A_437 = arith.truncf %sub3A_436 : vector<400x3xf32> to vector<400x3xbf16>
    %convert_element_type3A_438 = arith.truncf %get3A_4 : vector<3x128xf32> to vector<3x128xbf16>
    %dot_general3A_439 = arith.constant dense<0.000000e+00> : vector<400x128xf32>
    %dot_general3A_440 = tpu.matmul %convert_element_type3A_437, %convert_element_type3A_438, %dot_general3A_439 {dimension_numbers = #tpu.dot_dimension_numbers<[1], [0], [0], [1], [0, 0, 1, 1], [], []>, transpose_lhs_hint = false} : vector<400x3xbf16>, vector<3x128xbf16>, vector<400x128xf32> -> vector<400x128xf32>
    %add3A_441 = arith.addf %slice3A_434, %dot_general3A_440 : vector<400x128xf32>
    %add3A_442 = vector.broadcast %get3A_7 : vector<1x128xf32> to vector<400x128xf32>
    %add3A_443 = arith.addf %add3A_441, %add3A_442 : vector<400x128xf32>
    %max3A_444 = arith.constant 0.000000e+00 : f32
    %max3A_445 = vector.broadcast %max3A_444 : f32 to vector<400x128xf32>
    %max3A_446 = arith.maximumf %add3A_443, %max3A_445 : vector<400x128xf32>
    %convert_element_type3A_447 = arith.truncf %max3A_446 : vector<400x128xf32> to vector<400x128xbf16>
    %convert_element_type3A_448 = arith.truncf %get3A_10 : vector<128x128xf32> to vector<128x128xbf16>
    %dot_general3A_449 = arith.constant dense<0.000000e+00> : vector<400x128xf32>
    %dot_general3A_450 = tpu.matmul %convert_element_type3A_447, %convert_element_type3A_448, %dot_general3A_449 {dimension_numbers = #tpu.dot_dimension_numbers<[1], [0], [0], [1], [0, 0, 1, 1], [], []>, transpose_lhs_hint = false} : vector<400x128xbf16>, vector<128x128xbf16>, vector<400x128xf32> -> vector<400x128xf32>
    %add3A_451 = vector.broadcast %get3A_13 : vector<1x128xf32> to vector<400x128xf32>
    %add3A_452 = arith.addf %dot_general3A_450, %add3A_451 : vector<400x128xf32>
    %max3A_453 = arith.constant 0.000000e+00 : f32
    %max3A_454 = vector.broadcast %max3A_453 : f32 to vector<400x128xf32>
    %max3A_455 = arith.maximumf %add3A_452, %max3A_454 : vector<400x128xf32>
    %max3A_456 = arith.maximumf %max3A_428, %max3A_455 : vector<400x128xf32>
    %get3A_457 = arith.constant 0 : index
    %get3A_458 = arith.constant 0 : index
    %get3A_459 = vector.load %arg7[%get3A_457, %get3A_458] : memref<400x128xf32, #tpu.memory_space<vmem>>, vector<400x128xf32>
    %add3A_460 = arith.addf %max3A_456, %get3A_459 : vector<400x128xf32>
    %max3A_461 = arith.constant 0.000000e+00 : f32
    %max3A_462 = vector.broadcast %max3A_461 : f32 to vector<400x128xf32>
    %max3A_463 = arith.maximumf %add3A_460, %max3A_462 : vector<400x128xf32>
    %swap3A = arith.constant 0 : index
    %swap3A_464 = arith.constant 0 : index
    %swap3A_465 = vector.load %arg8[%swap3A, %swap3A_464] : memref<400x128xf32, #tpu.memory_space<vmem>>, vector<400x128xf32>
    tpu.vector_store %arg8[%swap3A, %swap3A_464], %max3A_463 {strides = array<i32>} : memref<400x128xf32, #tpu.memory_space<vmem>>, vector<400x128xf32>,
    return
  }
  func.func @transform_0(%arg0: i32) -> (i32, i32, i32) {
    %c0_i32 = arith.constant 0 : i32
    %c0_i32_0 = arith.constant 0 : i32
    %c0_i32_1 = arith.constant 0 : i32
    return %c0_i32, %arg0, %c0_i32_0 : i32, i32, i32
  }
  func.func @transform_1(%arg0: i32) -> (i32, i32) {
    %c0_i32 = arith.constant 0 : i32
    %c0_i32_0 = arith.constant 0 : i32
    return %arg0, %c0_i32 : i32, i32
  }
  func.func @transform_2(%arg0: i32) -> (i32, i32) {
    %c0_i32 = arith.constant 0 : i32
    %c0_i32_0 = arith.constant 0 : i32
    %c0_i32_1 = arith.constant 0 : i32
    return %c0_i32, %c0_i32_0 : i32, i32
  }
  func.func @transform_3(%arg0: i32) -> (i32, i32) {
    %c0_i32 = arith.constant 0 : i32
    %c0_i32_0 = arith.constant 0 : i32
    %c0_i32_1 = arith.constant 0 : i32
    return %c0_i32, %c0_i32_0 : i32, i32
  }
  func.func @transform_4(%arg0: i32) -> (i32, i32) {
    %c0_i32 = arith.constant 0 : i32
    %c0_i32_0 = arith.constant 0 : i32
    %c0_i32_1 = arith.constant 0 : i32
    return %c0_i32, %c0_i32_0 : i32, i32
  }
  func.func @transform_5(%arg0: i32) -> (i32, i32) {
    %c0_i32 = arith.constant 0 : i32
    %c0_i32_0 = arith.constant 0 : i32
    %c0_i32_1 = arith.constant 0 : i32
    return %c0_i32, %c0_i32_0 : i32, i32
  }
  func.func @transform_6(%arg0: i32) -> (i32, i32) {
    %c0_i32 = arith.constant 0 : i32
    %c0_i32_0 = arith.constant 0 : i32
    return %arg0, %c0_i32 : i32, i32
  }
  func.func @transform_7(%arg0: i32) -> (i32, i32) {
    %c0_i32 = arith.constant 0 : i32
    %c0_i32_0 = arith.constant 0 : i32
    return %arg0, %c0_i32 : i32, i32
  }
}

module attributes {stable_mosaic.version = 14 : i64} {
  func.func @_prep_body(%arg0: memref<2500x128xf32, #tpu.memory_space<vmem>>, %arg1: memref<128x256xf32, #tpu.memory_space<vmem>>, %arg2: memref<128x256xf32, #tpu.memory_space<vmem>>, %arg3: memref<2500x256xf32, #tpu.memory_space<vmem>>, %arg4: memref<2500x256xf32, #tpu.memory_space<vmem>>) attributes {dimension_semantics = [], scalar_prefetch = 0 : i64, scratch_operands = 0 : i64, tpu.core_type = #tpu.core_type<tc>} {
    %get3A = arith.constant 0 : index
    %get3A_0 = arith.constant 0 : index
    %get3A_1 = vector.load %arg0[%get3A, %get3A_0] : memref<2500x128xf32, #tpu.memory_space<vmem>>, vector<2500x128xf32>
    %get3A_2 = arith.constant 0 : index
    %get3A_3 = arith.constant 0 : index
    %get3A_4 = vector.load %arg1[%get3A_2, %get3A_3] : memref<128x256xf32, #tpu.memory_space<vmem>>, vector<128x256xf32>
    %convert_element_type3A = arith.truncf %get3A_1 : vector<2500x128xf32> to vector<2500x128xbf16>
    %convert_element_type3A_5 = arith.truncf %get3A_4 : vector<128x256xf32> to vector<128x256xbf16>
    %dot_general3A = arith.constant dense<0.000000e+00> : vector<2500x256xf32>
    %dot_general3A_6 = tpu.matmul %convert_element_type3A, %convert_element_type3A_5, %dot_general3A {dimension_numbers = #tpu.dot_dimension_numbers<[1], [0], [0], [1], [0, 0, 1, 1], [], []>, transpose_lhs_hint = false} : vector<2500x128xbf16>, vector<128x256xbf16>, vector<2500x256xf32> -> vector<2500x256xf32>
    %swap3A = arith.constant 0 : index
    %swap3A_7 = arith.constant 0 : index
    %swap3A_8 = vector.load %arg3[%swap3A, %swap3A_7] : memref<2500x256xf32, #tpu.memory_space<vmem>>, vector<2500x256xf32>
    tpu.vector_store %arg3[%swap3A, %swap3A_7], %dot_general3A_6 {strides = array<i32>} : memref<2500x256xf32, #tpu.memory_space<vmem>>, vector<2500x256xf32>,
    %get3A_9 = arith.constant 0 : index
    %get3A_10 = arith.constant 0 : index
    %get3A_11 = vector.load %arg2[%get3A_9, %get3A_10] : memref<128x256xf32, #tpu.memory_space<vmem>>, vector<128x256xf32>
    %convert_element_type3A_12 = arith.truncf %get3A_1 : vector<2500x128xf32> to vector<2500x128xbf16>
    %convert_element_type3A_13 = arith.truncf %get3A_11 : vector<128x256xf32> to vector<128x256xbf16>
    %dot_general3A_14 = arith.constant dense<0.000000e+00> : vector<2500x256xf32>
    %dot_general3A_15 = tpu.matmul %convert_element_type3A_12, %convert_element_type3A_13, %dot_general3A_14 {dimension_numbers = #tpu.dot_dimension_numbers<[1], [0], [0], [1], [0, 0, 1, 1], [], []>, transpose_lhs_hint = false} : vector<2500x128xbf16>, vector<128x256xbf16>, vector<2500x256xf32> -> vector<2500x256xf32>
    %swap3A_16 = arith.constant 0 : index
    %swap3A_17 = arith.constant 0 : index
    %swap3A_18 = vector.load %arg4[%swap3A_16, %swap3A_17] : memref<2500x256xf32, #tpu.memory_space<vmem>>, vector<2500x256xf32>
    tpu.vector_store %arg4[%swap3A_16, %swap3A_17], %dot_general3A_15 {strides = array<i32>} : memref<2500x256xf32, #tpu.memory_space<vmem>>, vector<2500x256xf32>,
    return
  }
}

module attributes {stable_mosaic.version = 14 : i64} {
  func.func @_sa_mlp_body(%arg0: i32, %arg1: memref<16x512x384xf32, #tpu.memory_space<vmem>>, %arg2: memref<512x3xf32, #tpu.memory_space<vmem>>, %arg3: memref<3x256xf32, #tpu.memory_space<vmem>>, %arg4: memref<1x256xf32, #tpu.memory_space<vmem>>, %arg5: memref<256x256xf32, #tpu.memory_space<vmem>>, %arg6: memref<1x256xf32, #tpu.memory_space<vmem>>, %arg7: memref<512x256xf32, #tpu.memory_space<vmem>>, %arg8: memref<512x256xf32, #tpu.memory_space<vmem>>) attributes {dimension_semantics = [#tpu.dimension_semantics<arbitrary>], iteration_bounds = array<i64: 5>, scalar_prefetch = 0 : i64, scratch_operands = 0 : i64, tpu.core_type = #tpu.core_type<tc>, window_params = [{transform_indices = @transform_0, window_bounds = array<i64: 16, 512, 384>}, {transform_indices = @transform_1, window_bounds = array<i64: 512, 3>}, {pipeline_mode = #tpu.pipeline_mode<synchronous>, transform_indices = @transform_2, window_bounds = array<i64: 3, 256>}, {pipeline_mode = #tpu.pipeline_mode<synchronous>, transform_indices = @transform_3, window_bounds = array<i64: 1, 256>}, {pipeline_mode = #tpu.pipeline_mode<synchronous>, transform_indices = @transform_4, window_bounds = array<i64: 256, 256>}, {pipeline_mode = #tpu.pipeline_mode<synchronous>, transform_indices = @transform_5, window_bounds = array<i64: 1, 256>}, {transform_indices = @transform_6, window_bounds = array<i64: 512, 256>}, {transform_indices = @transform_7, window_bounds = array<i64: 512, 256>}]} {
    %get3A = arith.constant 0 : index
    %get3A_0 = arith.constant 0 : index
    %get3A_1 = vector.load %arg2[%get3A, %get3A_0] : memref<512x3xf32, #tpu.memory_space<vmem>>, vector<512x3xf32>
    %get3A_2 = arith.constant 0 : index
    %get3A_3 = arith.constant 0 : index
    %get3A_4 = vector.load %arg3[%get3A_2, %get3A_3] : memref<3x256xf32, #tpu.memory_space<vmem>>, vector<3x256xf32>
    %get3A_5 = arith.constant 0 : index
    %get3A_6 = arith.constant 0 : index
    %get3A_7 = vector.load %arg4[%get3A_5, %get3A_6] : memref<1x256xf32, #tpu.memory_space<vmem>>, vector<1x256xf32>
    %get3A_8 = arith.constant 0 : index
    %get3A_9 = arith.constant 0 : index
    %get3A_10 = vector.load %arg5[%get3A_8, %get3A_9] : memref<256x256xf32, #tpu.memory_space<vmem>>, vector<256x256xf32>
    %get3A_11 = arith.constant 0 : index
    %get3A_12 = arith.constant 0 : index
    %get3A_13 = vector.load %arg6[%get3A_11, %get3A_12] : memref<1x256xf32, #tpu.memory_space<vmem>>, vector<1x256xf32>
    %broadcast_in_dim3A = arith.constant 0xFF800000 : f32
    %broadcast_in_dim3A_14 = vector.broadcast %broadcast_in_dim3A : f32 to vector<512x256xf32>
    %get3A_15 = arith.constant 0 : index
    %get3A_16 = arith.constant 0 : index
    %get3A_17 = arith.constant 0 : index
    %get3A_18 = vector.load %arg1[%get3A_15, %get3A_16, %get3A_17] : memref<16x512x384xf32, #tpu.memory_space<vmem>>, vector<1x512x384xf32>
    %get3A_19 = vector.shape_cast %get3A_18 : vector<1x512x384xf32> to vector<512x384xf32>
    %slice3A = vector.extract_strided_slice %get3A_19 {offsets = [0, 0], sizes = [512, 256], strides = [1, 1]} : vector<512x384xf32> to vector<512x256xf32>
    %slice3A_20 = vector.extract_strided_slice %get3A_19 {offsets = [0, 256], sizes = [512, 3], strides = [1, 1]} : vector<512x384xf32> to vector<512x3xf32>
    %sub3A = arith.subf %slice3A_20, %get3A_1 : vector<512x3xf32>
    %convert_element_type3A = arith.truncf %sub3A : vector<512x3xf32> to vector<512x3xbf16>
    %convert_element_type3A_21 = arith.truncf %get3A_4 : vector<3x256xf32> to vector<3x256xbf16>
    %dot_general3A = arith.constant dense<0.000000e+00> : vector<512x256xf32>
    %dot_general3A_22 = tpu.matmul %convert_element_type3A, %convert_element_type3A_21, %dot_general3A {dimension_numbers = #tpu.dot_dimension_numbers<[1], [0], [0], [1], [0, 0, 1, 1], [], []>, transpose_lhs_hint = false} : vector<512x3xbf16>, vector<3x256xbf16>, vector<512x256xf32> -> vector<512x256xf32>
    %add3A = arith.addf %slice3A, %dot_general3A_22 : vector<512x256xf32>
    %add3A_23 = vector.broadcast %get3A_7 : vector<1x256xf32> to vector<512x256xf32>
    %add3A_24 = arith.addf %add3A, %add3A_23 : vector<512x256xf32>
    %max3A = arith.constant 0.000000e+00 : f32
    %max3A_25 = vector.broadcast %max3A : f32 to vector<512x256xf32>
    %max3A_26 = arith.maximumf %add3A_24, %max3A_25 : vector<512x256xf32>
    %convert_element_type3A_27 = arith.truncf %max3A_26 : vector<512x256xf32> to vector<512x256xbf16>
    %convert_element_type3A_28 = arith.truncf %get3A_10 : vector<256x256xf32> to vector<256x256xbf16>
    %dot_general3A_29 = arith.constant dense<0.000000e+00> : vector<512x256xf32>
    %dot_general3A_30 = tpu.matmul %convert_element_type3A_27, %convert_element_type3A_28, %dot_general3A_29 {dimension_numbers = #tpu.dot_dimension_numbers<[1], [0], [0], [1], [0, 0, 1, 1], [], []>, transpose_lhs_hint = false} : vector<512x256xbf16>, vector<256x256xbf16>, vector<512x256xf32> -> vector<512x256xf32>
    %add3A_31 = vector.broadcast %get3A_13 : vector<1x256xf32> to vector<512x256xf32>
    %add3A_32 = arith.addf %dot_general3A_30, %add3A_31 : vector<512x256xf32>
    %max3A_33 = arith.constant 0.000000e+00 : f32
    %max3A_34 = vector.broadcast %max3A_33 : f32 to vector<512x256xf32>
    %max3A_35 = arith.maximumf %add3A_32, %max3A_34 : vector<512x256xf32>
    %max3A_36 = arith.maximumf %broadcast_in_dim3A_14, %max3A_35 : vector<512x256xf32>
    %get3A_37 = arith.constant 1 : index
    %get3A_38 = arith.constant 0 : index
    %get3A_39 = arith.constant 0 : index
    %get3A_40 = vector.load %arg1[%get3A_37, %get3A_38, %get3A_39] : memref<16x512x384xf32, #tpu.memory_space<vmem>>, vector<1x512x384xf32>
    %get3A_41 = vector.shape_cast %get3A_40 : vector<1x512x384xf32> to vector<512x384xf32>
    %slice3A_42 = vector.extract_strided_slice %get3A_41 {offsets = [0, 0], sizes = [512, 256], strides = [1, 1]} : vector<512x384xf32> to vector<512x256xf32>
    %slice3A_43 = vector.extract_strided_slice %get3A_41 {offsets = [0, 256], sizes = [512, 3], strides = [1, 1]} : vector<512x384xf32> to vector<512x3xf32>
    %sub3A_44 = arith.subf %slice3A_43, %get3A_1 : vector<512x3xf32>
    %convert_element_type3A_45 = arith.truncf %sub3A_44 : vector<512x3xf32> to vector<512x3xbf16>
    %convert_element_type3A_46 = arith.truncf %get3A_4 : vector<3x256xf32> to vector<3x256xbf16>
    %dot_general3A_47 = arith.constant dense<0.000000e+00> : vector<512x256xf32>
    %dot_general3A_48 = tpu.matmul %convert_element_type3A_45, %convert_element_type3A_46, %dot_general3A_47 {dimension_numbers = #tpu.dot_dimension_numbers<[1], [0], [0], [1], [0, 0, 1, 1], [], []>, transpose_lhs_hint = false} : vector<512x3xbf16>, vector<3x256xbf16>, vector<512x256xf32> -> vector<512x256xf32>
    %add3A_49 = arith.addf %slice3A_42, %dot_general3A_48 : vector<512x256xf32>
    %add3A_50 = vector.broadcast %get3A_7 : vector<1x256xf32> to vector<512x256xf32>
    %add3A_51 = arith.addf %add3A_49, %add3A_50 : vector<512x256xf32>
    %max3A_52 = arith.constant 0.000000e+00 : f32
    %max3A_53 = vector.broadcast %max3A_52 : f32 to vector<512x256xf32>
    %max3A_54 = arith.maximumf %add3A_51, %max3A_53 : vector<512x256xf32>
    %convert_element_type3A_55 = arith.truncf %max3A_54 : vector<512x256xf32> to vector<512x256xbf16>
    %convert_element_type3A_56 = arith.truncf %get3A_10 : vector<256x256xf32> to vector<256x256xbf16>
    %dot_general3A_57 = arith.constant dense<0.000000e+00> : vector<512x256xf32>
    %dot_general3A_58 = tpu.matmul %convert_element_type3A_55, %convert_element_type3A_56, %dot_general3A_57 {dimension_numbers = #tpu.dot_dimension_numbers<[1], [0], [0], [1], [0, 0, 1, 1], [], []>, transpose_lhs_hint = false} : vector<512x256xbf16>, vector<256x256xbf16>, vector<512x256xf32> -> vector<512x256xf32>
    %add3A_59 = vector.broadcast %get3A_13 : vector<1x256xf32> to vector<512x256xf32>
    %add3A_60 = arith.addf %dot_general3A_58, %add3A_59 : vector<512x256xf32>
    %max3A_61 = arith.constant 0.000000e+00 : f32
    %max3A_62 = vector.broadcast %max3A_61 : f32 to vector<512x256xf32>
    %max3A_63 = arith.maximumf %add3A_60, %max3A_62 : vector<512x256xf32>
    %max3A_64 = arith.maximumf %max3A_36, %max3A_63 : vector<512x256xf32>
    %get3A_65 = arith.constant 2 : index
    %get3A_66 = arith.constant 0 : index
    %get3A_67 = arith.constant 0 : index
    %get3A_68 = vector.load %arg1[%get3A_65, %get3A_66, %get3A_67] : memref<16x512x384xf32, #tpu.memory_space<vmem>>, vector<1x512x384xf32>
    %get3A_69 = vector.shape_cast %get3A_68 : vector<1x512x384xf32> to vector<512x384xf32>
    %slice3A_70 = vector.extract_strided_slice %get3A_69 {offsets = [0, 0], sizes = [512, 256], strides = [1, 1]} : vector<512x384xf32> to vector<512x256xf32>
    %slice3A_71 = vector.extract_strided_slice %get3A_69 {offsets = [0, 256], sizes = [512, 3], strides = [1, 1]} : vector<512x384xf32> to vector<512x3xf32>
    %sub3A_72 = arith.subf %slice3A_71, %get3A_1 : vector<512x3xf32>
    %convert_element_type3A_73 = arith.truncf %sub3A_72 : vector<512x3xf32> to vector<512x3xbf16>
    %convert_element_type3A_74 = arith.truncf %get3A_4 : vector<3x256xf32> to vector<3x256xbf16>
    %dot_general3A_75 = arith.constant dense<0.000000e+00> : vector<512x256xf32>
    %dot_general3A_76 = tpu.matmul %convert_element_type3A_73, %convert_element_type3A_74, %dot_general3A_75 {dimension_numbers = #tpu.dot_dimension_numbers<[1], [0], [0], [1], [0, 0, 1, 1], [], []>, transpose_lhs_hint = false} : vector<512x3xbf16>, vector<3x256xbf16>, vector<512x256xf32> -> vector<512x256xf32>
    %add3A_77 = arith.addf %slice3A_70, %dot_general3A_76 : vector<512x256xf32>
    %add3A_78 = vector.broadcast %get3A_7 : vector<1x256xf32> to vector<512x256xf32>
    %add3A_79 = arith.addf %add3A_77, %add3A_78 : vector<512x256xf32>
    %max3A_80 = arith.constant 0.000000e+00 : f32
    %max3A_81 = vector.broadcast %max3A_80 : f32 to vector<512x256xf32>
    %max3A_82 = arith.maximumf %add3A_79, %max3A_81 : vector<512x256xf32>
    %convert_element_type3A_83 = arith.truncf %max3A_82 : vector<512x256xf32> to vector<512x256xbf16>
    %convert_element_type3A_84 = arith.truncf %get3A_10 : vector<256x256xf32> to vector<256x256xbf16>
    %dot_general3A_85 = arith.constant dense<0.000000e+00> : vector<512x256xf32>
    %dot_general3A_86 = tpu.matmul %convert_element_type3A_83, %convert_element_type3A_84, %dot_general3A_85 {dimension_numbers = #tpu.dot_dimension_numbers<[1], [0], [0], [1], [0, 0, 1, 1], [], []>, transpose_lhs_hint = false} : vector<512x256xbf16>, vector<256x256xbf16>, vector<512x256xf32> -> vector<512x256xf32>
    %add3A_87 = vector.broadcast %get3A_13 : vector<1x256xf32> to vector<512x256xf32>
    %add3A_88 = arith.addf %dot_general3A_86, %add3A_87 : vector<512x256xf32>
    %max3A_89 = arith.constant 0.000000e+00 : f32
    %max3A_90 = vector.broadcast %max3A_89 : f32 to vector<512x256xf32>
    %max3A_91 = arith.maximumf %add3A_88, %max3A_90 : vector<512x256xf32>
    %max3A_92 = arith.maximumf %max3A_64, %max3A_91 : vector<512x256xf32>
    %get3A_93 = arith.constant 3 : index
    %get3A_94 = arith.constant 0 : index
    %get3A_95 = arith.constant 0 : index
    %get3A_96 = vector.load %arg1[%get3A_93, %get3A_94, %get3A_95] : memref<16x512x384xf32, #tpu.memory_space<vmem>>, vector<1x512x384xf32>
    %get3A_97 = vector.shape_cast %get3A_96 : vector<1x512x384xf32> to vector<512x384xf32>
    %slice3A_98 = vector.extract_strided_slice %get3A_97 {offsets = [0, 0], sizes = [512, 256], strides = [1, 1]} : vector<512x384xf32> to vector<512x256xf32>
    %slice3A_99 = vector.extract_strided_slice %get3A_97 {offsets = [0, 256], sizes = [512, 3], strides = [1, 1]} : vector<512x384xf32> to vector<512x3xf32>
    %sub3A_100 = arith.subf %slice3A_99, %get3A_1 : vector<512x3xf32>
    %convert_element_type3A_101 = arith.truncf %sub3A_100 : vector<512x3xf32> to vector<512x3xbf16>
    %convert_element_type3A_102 = arith.truncf %get3A_4 : vector<3x256xf32> to vector<3x256xbf16>
    %dot_general3A_103 = arith.constant dense<0.000000e+00> : vector<512x256xf32>
    %dot_general3A_104 = tpu.matmul %convert_element_type3A_101, %convert_element_type3A_102, %dot_general3A_103 {dimension_numbers = #tpu.dot_dimension_numbers<[1], [0], [0], [1], [0, 0, 1, 1], [], []>, transpose_lhs_hint = false} : vector<512x3xbf16>, vector<3x256xbf16>, vector<512x256xf32> -> vector<512x256xf32>
    %add3A_105 = arith.addf %slice3A_98, %dot_general3A_104 : vector<512x256xf32>
    %add3A_106 = vector.broadcast %get3A_7 : vector<1x256xf32> to vector<512x256xf32>
    %add3A_107 = arith.addf %add3A_105, %add3A_106 : vector<512x256xf32>
    %max3A_108 = arith.constant 0.000000e+00 : f32
    %max3A_109 = vector.broadcast %max3A_108 : f32 to vector<512x256xf32>
    %max3A_110 = arith.maximumf %add3A_107, %max3A_109 : vector<512x256xf32>
    %convert_element_type3A_111 = arith.truncf %max3A_110 : vector<512x256xf32> to vector<512x256xbf16>
    %convert_element_type3A_112 = arith.truncf %get3A_10 : vector<256x256xf32> to vector<256x256xbf16>
    %dot_general3A_113 = arith.constant dense<0.000000e+00> : vector<512x256xf32>
    %dot_general3A_114 = tpu.matmul %convert_element_type3A_111, %convert_element_type3A_112, %dot_general3A_113 {dimension_numbers = #tpu.dot_dimension_numbers<[1], [0], [0], [1], [0, 0, 1, 1], [], []>, transpose_lhs_hint = false} : vector<512x256xbf16>, vector<256x256xbf16>, vector<512x256xf32> -> vector<512x256xf32>
    %add3A_115 = vector.broadcast %get3A_13 : vector<1x256xf32> to vector<512x256xf32>
    %add3A_116 = arith.addf %dot_general3A_114, %add3A_115 : vector<512x256xf32>
    %max3A_117 = arith.constant 0.000000e+00 : f32
    %max3A_118 = vector.broadcast %max3A_117 : f32 to vector<512x256xf32>
    %max3A_119 = arith.maximumf %add3A_116, %max3A_118 : vector<512x256xf32>
    %max3A_120 = arith.maximumf %max3A_92, %max3A_119 : vector<512x256xf32>
    %get3A_121 = arith.constant 4 : index
    %get3A_122 = arith.constant 0 : index
    %get3A_123 = arith.constant 0 : index
    %get3A_124 = vector.load %arg1[%get3A_121, %get3A_122, %get3A_123] : memref<16x512x384xf32, #tpu.memory_space<vmem>>, vector<1x512x384xf32>
    %get3A_125 = vector.shape_cast %get3A_124 : vector<1x512x384xf32> to vector<512x384xf32>
    %slice3A_126 = vector.extract_strided_slice %get3A_125 {offsets = [0, 0], sizes = [512, 256], strides = [1, 1]} : vector<512x384xf32> to vector<512x256xf32>
    %slice3A_127 = vector.extract_strided_slice %get3A_125 {offsets = [0, 256], sizes = [512, 3], strides = [1, 1]} : vector<512x384xf32> to vector<512x3xf32>
    %sub3A_128 = arith.subf %slice3A_127, %get3A_1 : vector<512x3xf32>
    %convert_element_type3A_129 = arith.truncf %sub3A_128 : vector<512x3xf32> to vector<512x3xbf16>
    %convert_element_type3A_130 = arith.truncf %get3A_4 : vector<3x256xf32> to vector<3x256xbf16>
    %dot_general3A_131 = arith.constant dense<0.000000e+00> : vector<512x256xf32>
    %dot_general3A_132 = tpu.matmul %convert_element_type3A_129, %convert_element_type3A_130, %dot_general3A_131 {dimension_numbers = #tpu.dot_dimension_numbers<[1], [0], [0], [1], [0, 0, 1, 1], [], []>, transpose_lhs_hint = false} : vector<512x3xbf16>, vector<3x256xbf16>, vector<512x256xf32> -> vector<512x256xf32>
    %add3A_133 = arith.addf %slice3A_126, %dot_general3A_132 : vector<512x256xf32>
    %add3A_134 = vector.broadcast %get3A_7 : vector<1x256xf32> to vector<512x256xf32>
    %add3A_135 = arith.addf %add3A_133, %add3A_134 : vector<512x256xf32>
    %max3A_136 = arith.constant 0.000000e+00 : f32
    %max3A_137 = vector.broadcast %max3A_136 : f32 to vector<512x256xf32>
    %max3A_138 = arith.maximumf %add3A_135, %max3A_137 : vector<512x256xf32>
    %convert_element_type3A_139 = arith.truncf %max3A_138 : vector<512x256xf32> to vector<512x256xbf16>
    %convert_element_type3A_140 = arith.truncf %get3A_10 : vector<256x256xf32> to vector<256x256xbf16>
    %dot_general3A_141 = arith.constant dense<0.000000e+00> : vector<512x256xf32>
    %dot_general3A_142 = tpu.matmul %convert_element_type3A_139, %convert_element_type3A_140, %dot_general3A_141 {dimension_numbers = #tpu.dot_dimension_numbers<[1], [0], [0], [1], [0, 0, 1, 1], [], []>, transpose_lhs_hint = false} : vector<512x256xbf16>, vector<256x256xbf16>, vector<512x256xf32> -> vector<512x256xf32>
    %add3A_143 = vector.broadcast %get3A_13 : vector<1x256xf32> to vector<512x256xf32>
    %add3A_144 = arith.addf %dot_general3A_142, %add3A_143 : vector<512x256xf32>
    %max3A_145 = arith.constant 0.000000e+00 : f32
    %max3A_146 = vector.broadcast %max3A_145 : f32 to vector<512x256xf32>
    %max3A_147 = arith.maximumf %add3A_144, %max3A_146 : vector<512x256xf32>
    %max3A_148 = arith.maximumf %max3A_120, %max3A_147 : vector<512x256xf32>
    %get3A_149 = arith.constant 5 : index
    %get3A_150 = arith.constant 0 : index
    %get3A_151 = arith.constant 0 : index
    %get3A_152 = vector.load %arg1[%get3A_149, %get3A_150, %get3A_151] : memref<16x512x384xf32, #tpu.memory_space<vmem>>, vector<1x512x384xf32>
    %get3A_153 = vector.shape_cast %get3A_152 : vector<1x512x384xf32> to vector<512x384xf32>
    %slice3A_154 = vector.extract_strided_slice %get3A_153 {offsets = [0, 0], sizes = [512, 256], strides = [1, 1]} : vector<512x384xf32> to vector<512x256xf32>
    %slice3A_155 = vector.extract_strided_slice %get3A_153 {offsets = [0, 256], sizes = [512, 3], strides = [1, 1]} : vector<512x384xf32> to vector<512x3xf32>
    %sub3A_156 = arith.subf %slice3A_155, %get3A_1 : vector<512x3xf32>
    %convert_element_type3A_157 = arith.truncf %sub3A_156 : vector<512x3xf32> to vector<512x3xbf16>
    %convert_element_type3A_158 = arith.truncf %get3A_4 : vector<3x256xf32> to vector<3x256xbf16>
    %dot_general3A_159 = arith.constant dense<0.000000e+00> : vector<512x256xf32>
    %dot_general3A_160 = tpu.matmul %convert_element_type3A_157, %convert_element_type3A_158, %dot_general3A_159 {dimension_numbers = #tpu.dot_dimension_numbers<[1], [0], [0], [1], [0, 0, 1, 1], [], []>, transpose_lhs_hint = false} : vector<512x3xbf16>, vector<3x256xbf16>, vector<512x256xf32> -> vector<512x256xf32>
    %add3A_161 = arith.addf %slice3A_154, %dot_general3A_160 : vector<512x256xf32>
    %add3A_162 = vector.broadcast %get3A_7 : vector<1x256xf32> to vector<512x256xf32>
    %add3A_163 = arith.addf %add3A_161, %add3A_162 : vector<512x256xf32>
    %max3A_164 = arith.constant 0.000000e+00 : f32
    %max3A_165 = vector.broadcast %max3A_164 : f32 to vector<512x256xf32>
    %max3A_166 = arith.maximumf %add3A_163, %max3A_165 : vector<512x256xf32>
    %convert_element_type3A_167 = arith.truncf %max3A_166 : vector<512x256xf32> to vector<512x256xbf16>
    %convert_element_type3A_168 = arith.truncf %get3A_10 : vector<256x256xf32> to vector<256x256xbf16>
    %dot_general3A_169 = arith.constant dense<0.000000e+00> : vector<512x256xf32>
    %dot_general3A_170 = tpu.matmul %convert_element_type3A_167, %convert_element_type3A_168, %dot_general3A_169 {dimension_numbers = #tpu.dot_dimension_numbers<[1], [0], [0], [1], [0, 0, 1, 1], [], []>, transpose_lhs_hint = false} : vector<512x256xbf16>, vector<256x256xbf16>, vector<512x256xf32> -> vector<512x256xf32>
    %add3A_171 = vector.broadcast %get3A_13 : vector<1x256xf32> to vector<512x256xf32>
    %add3A_172 = arith.addf %dot_general3A_170, %add3A_171 : vector<512x256xf32>
    %max3A_173 = arith.constant 0.000000e+00 : f32
    %max3A_174 = vector.broadcast %max3A_173 : f32 to vector<512x256xf32>
    %max3A_175 = arith.maximumf %add3A_172, %max3A_174 : vector<512x256xf32>
    %max3A_176 = arith.maximumf %max3A_148, %max3A_175 : vector<512x256xf32>
    %get3A_177 = arith.constant 6 : index
    %get3A_178 = arith.constant 0 : index
    %get3A_179 = arith.constant 0 : index
    %get3A_180 = vector.load %arg1[%get3A_177, %get3A_178, %get3A_179] : memref<16x512x384xf32, #tpu.memory_space<vmem>>, vector<1x512x384xf32>
    %get3A_181 = vector.shape_cast %get3A_180 : vector<1x512x384xf32> to vector<512x384xf32>
    %slice3A_182 = vector.extract_strided_slice %get3A_181 {offsets = [0, 0], sizes = [512, 256], strides = [1, 1]} : vector<512x384xf32> to vector<512x256xf32>
    %slice3A_183 = vector.extract_strided_slice %get3A_181 {offsets = [0, 256], sizes = [512, 3], strides = [1, 1]} : vector<512x384xf32> to vector<512x3xf32>
    %sub3A_184 = arith.subf %slice3A_183, %get3A_1 : vector<512x3xf32>
    %convert_element_type3A_185 = arith.truncf %sub3A_184 : vector<512x3xf32> to vector<512x3xbf16>
    %convert_element_type3A_186 = arith.truncf %get3A_4 : vector<3x256xf32> to vector<3x256xbf16>
    %dot_general3A_187 = arith.constant dense<0.000000e+00> : vector<512x256xf32>
    %dot_general3A_188 = tpu.matmul %convert_element_type3A_185, %convert_element_type3A_186, %dot_general3A_187 {dimension_numbers = #tpu.dot_dimension_numbers<[1], [0], [0], [1], [0, 0, 1, 1], [], []>, transpose_lhs_hint = false} : vector<512x3xbf16>, vector<3x256xbf16>, vector<512x256xf32> -> vector<512x256xf32>
    %add3A_189 = arith.addf %slice3A_182, %dot_general3A_188 : vector<512x256xf32>
    %add3A_190 = vector.broadcast %get3A_7 : vector<1x256xf32> to vector<512x256xf32>
    %add3A_191 = arith.addf %add3A_189, %add3A_190 : vector<512x256xf32>
    %max3A_192 = arith.constant 0.000000e+00 : f32
    %max3A_193 = vector.broadcast %max3A_192 : f32 to vector<512x256xf32>
    %max3A_194 = arith.maximumf %add3A_191, %max3A_193 : vector<512x256xf32>
    %convert_element_type3A_195 = arith.truncf %max3A_194 : vector<512x256xf32> to vector<512x256xbf16>
    %convert_element_type3A_196 = arith.truncf %get3A_10 : vector<256x256xf32> to vector<256x256xbf16>
    %dot_general3A_197 = arith.constant dense<0.000000e+00> : vector<512x256xf32>
    %dot_general3A_198 = tpu.matmul %convert_element_type3A_195, %convert_element_type3A_196, %dot_general3A_197 {dimension_numbers = #tpu.dot_dimension_numbers<[1], [0], [0], [1], [0, 0, 1, 1], [], []>, transpose_lhs_hint = false} : vector<512x256xbf16>, vector<256x256xbf16>, vector<512x256xf32> -> vector<512x256xf32>
    %add3A_199 = vector.broadcast %get3A_13 : vector<1x256xf32> to vector<512x256xf32>
    %add3A_200 = arith.addf %dot_general3A_198, %add3A_199 : vector<512x256xf32>
    %max3A_201 = arith.constant 0.000000e+00 : f32
    %max3A_202 = vector.broadcast %max3A_201 : f32 to vector<512x256xf32>
    %max3A_203 = arith.maximumf %add3A_200, %max3A_202 : vector<512x256xf32>
    %max3A_204 = arith.maximumf %max3A_176, %max3A_203 : vector<512x256xf32>
    %get3A_205 = arith.constant 7 : index
    %get3A_206 = arith.constant 0 : index
    %get3A_207 = arith.constant 0 : index
    %get3A_208 = vector.load %arg1[%get3A_205, %get3A_206, %get3A_207] : memref<16x512x384xf32, #tpu.memory_space<vmem>>, vector<1x512x384xf32>
    %get3A_209 = vector.shape_cast %get3A_208 : vector<1x512x384xf32> to vector<512x384xf32>
    %slice3A_210 = vector.extract_strided_slice %get3A_209 {offsets = [0, 0], sizes = [512, 256], strides = [1, 1]} : vector<512x384xf32> to vector<512x256xf32>
    %slice3A_211 = vector.extract_strided_slice %get3A_209 {offsets = [0, 256], sizes = [512, 3], strides = [1, 1]} : vector<512x384xf32> to vector<512x3xf32>
    %sub3A_212 = arith.subf %slice3A_211, %get3A_1 : vector<512x3xf32>
    %convert_element_type3A_213 = arith.truncf %sub3A_212 : vector<512x3xf32> to vector<512x3xbf16>
    %convert_element_type3A_214 = arith.truncf %get3A_4 : vector<3x256xf32> to vector<3x256xbf16>
    %dot_general3A_215 = arith.constant dense<0.000000e+00> : vector<512x256xf32>
    %dot_general3A_216 = tpu.matmul %convert_element_type3A_213, %convert_element_type3A_214, %dot_general3A_215 {dimension_numbers = #tpu.dot_dimension_numbers<[1], [0], [0], [1], [0, 0, 1, 1], [], []>, transpose_lhs_hint = false} : vector<512x3xbf16>, vector<3x256xbf16>, vector<512x256xf32> -> vector<512x256xf32>
    %add3A_217 = arith.addf %slice3A_210, %dot_general3A_216 : vector<512x256xf32>
    %add3A_218 = vector.broadcast %get3A_7 : vector<1x256xf32> to vector<512x256xf32>
    %add3A_219 = arith.addf %add3A_217, %add3A_218 : vector<512x256xf32>
    %max3A_220 = arith.constant 0.000000e+00 : f32
    %max3A_221 = vector.broadcast %max3A_220 : f32 to vector<512x256xf32>
    %max3A_222 = arith.maximumf %add3A_219, %max3A_221 : vector<512x256xf32>
    %convert_element_type3A_223 = arith.truncf %max3A_222 : vector<512x256xf32> to vector<512x256xbf16>
    %convert_element_type3A_224 = arith.truncf %get3A_10 : vector<256x256xf32> to vector<256x256xbf16>
    %dot_general3A_225 = arith.constant dense<0.000000e+00> : vector<512x256xf32>
    %dot_general3A_226 = tpu.matmul %convert_element_type3A_223, %convert_element_type3A_224, %dot_general3A_225 {dimension_numbers = #tpu.dot_dimension_numbers<[1], [0], [0], [1], [0, 0, 1, 1], [], []>, transpose_lhs_hint = false} : vector<512x256xbf16>, vector<256x256xbf16>, vector<512x256xf32> -> vector<512x256xf32>
    %add3A_227 = vector.broadcast %get3A_13 : vector<1x256xf32> to vector<512x256xf32>
    %add3A_228 = arith.addf %dot_general3A_226, %add3A_227 : vector<512x256xf32>
    %max3A_229 = arith.constant 0.000000e+00 : f32
    %max3A_230 = vector.broadcast %max3A_229 : f32 to vector<512x256xf32>
    %max3A_231 = arith.maximumf %add3A_228, %max3A_230 : vector<512x256xf32>
    %max3A_232 = arith.maximumf %max3A_204, %max3A_231 : vector<512x256xf32>
    %get3A_233 = arith.constant 8 : index
    %get3A_234 = arith.constant 0 : index
    %get3A_235 = arith.constant 0 : index
    %get3A_236 = vector.load %arg1[%get3A_233, %get3A_234, %get3A_235] : memref<16x512x384xf32, #tpu.memory_space<vmem>>, vector<1x512x384xf32>
    %get3A_237 = vector.shape_cast %get3A_236 : vector<1x512x384xf32> to vector<512x384xf32>
    %slice3A_238 = vector.extract_strided_slice %get3A_237 {offsets = [0, 0], sizes = [512, 256], strides = [1, 1]} : vector<512x384xf32> to vector<512x256xf32>
    %slice3A_239 = vector.extract_strided_slice %get3A_237 {offsets = [0, 256], sizes = [512, 3], strides = [1, 1]} : vector<512x384xf32> to vector<512x3xf32>
    %sub3A_240 = arith.subf %slice3A_239, %get3A_1 : vector<512x3xf32>
    %convert_element_type3A_241 = arith.truncf %sub3A_240 : vector<512x3xf32> to vector<512x3xbf16>
    %convert_element_type3A_242 = arith.truncf %get3A_4 : vector<3x256xf32> to vector<3x256xbf16>
    %dot_general3A_243 = arith.constant dense<0.000000e+00> : vector<512x256xf32>
    %dot_general3A_244 = tpu.matmul %convert_element_type3A_241, %convert_element_type3A_242, %dot_general3A_243 {dimension_numbers = #tpu.dot_dimension_numbers<[1], [0], [0], [1], [0, 0, 1, 1], [], []>, transpose_lhs_hint = false} : vector<512x3xbf16>, vector<3x256xbf16>, vector<512x256xf32> -> vector<512x256xf32>
    %add3A_245 = arith.addf %slice3A_238, %dot_general3A_244 : vector<512x256xf32>
    %add3A_246 = vector.broadcast %get3A_7 : vector<1x256xf32> to vector<512x256xf32>
    %add3A_247 = arith.addf %add3A_245, %add3A_246 : vector<512x256xf32>
    %max3A_248 = arith.constant 0.000000e+00 : f32
    %max3A_249 = vector.broadcast %max3A_248 : f32 to vector<512x256xf32>
    %max3A_250 = arith.maximumf %add3A_247, %max3A_249 : vector<512x256xf32>
    %convert_element_type3A_251 = arith.truncf %max3A_250 : vector<512x256xf32> to vector<512x256xbf16>
    %convert_element_type3A_252 = arith.truncf %get3A_10 : vector<256x256xf32> to vector<256x256xbf16>
    %dot_general3A_253 = arith.constant dense<0.000000e+00> : vector<512x256xf32>
    %dot_general3A_254 = tpu.matmul %convert_element_type3A_251, %convert_element_type3A_252, %dot_general3A_253 {dimension_numbers = #tpu.dot_dimension_numbers<[1], [0], [0], [1], [0, 0, 1, 1], [], []>, transpose_lhs_hint = false} : vector<512x256xbf16>, vector<256x256xbf16>, vector<512x256xf32> -> vector<512x256xf32>
    %add3A_255 = vector.broadcast %get3A_13 : vector<1x256xf32> to vector<512x256xf32>
    %add3A_256 = arith.addf %dot_general3A_254, %add3A_255 : vector<512x256xf32>
    %max3A_257 = arith.constant 0.000000e+00 : f32
    %max3A_258 = vector.broadcast %max3A_257 : f32 to vector<512x256xf32>
    %max3A_259 = arith.maximumf %add3A_256, %max3A_258 : vector<512x256xf32>
    %max3A_260 = arith.maximumf %max3A_232, %max3A_259 : vector<512x256xf32>
    %get3A_261 = arith.constant 9 : index
    %get3A_262 = arith.constant 0 : index
    %get3A_263 = arith.constant 0 : index
    %get3A_264 = vector.load %arg1[%get3A_261, %get3A_262, %get3A_263] : memref<16x512x384xf32, #tpu.memory_space<vmem>>, vector<1x512x384xf32>
    %get3A_265 = vector.shape_cast %get3A_264 : vector<1x512x384xf32> to vector<512x384xf32>
    %slice3A_266 = vector.extract_strided_slice %get3A_265 {offsets = [0, 0], sizes = [512, 256], strides = [1, 1]} : vector<512x384xf32> to vector<512x256xf32>
    %slice3A_267 = vector.extract_strided_slice %get3A_265 {offsets = [0, 256], sizes = [512, 3], strides = [1, 1]} : vector<512x384xf32> to vector<512x3xf32>
    %sub3A_268 = arith.subf %slice3A_267, %get3A_1 : vector<512x3xf32>
    %convert_element_type3A_269 = arith.truncf %sub3A_268 : vector<512x3xf32> to vector<512x3xbf16>
    %convert_element_type3A_270 = arith.truncf %get3A_4 : vector<3x256xf32> to vector<3x256xbf16>
    %dot_general3A_271 = arith.constant dense<0.000000e+00> : vector<512x256xf32>
    %dot_general3A_272 = tpu.matmul %convert_element_type3A_269, %convert_element_type3A_270, %dot_general3A_271 {dimension_numbers = #tpu.dot_dimension_numbers<[1], [0], [0], [1], [0, 0, 1, 1], [], []>, transpose_lhs_hint = false} : vector<512x3xbf16>, vector<3x256xbf16>, vector<512x256xf32> -> vector<512x256xf32>
    %add3A_273 = arith.addf %slice3A_266, %dot_general3A_272 : vector<512x256xf32>
    %add3A_274 = vector.broadcast %get3A_7 : vector<1x256xf32> to vector<512x256xf32>
    %add3A_275 = arith.addf %add3A_273, %add3A_274 : vector<512x256xf32>
    %max3A_276 = arith.constant 0.000000e+00 : f32
    %max3A_277 = vector.broadcast %max3A_276 : f32 to vector<512x256xf32>
    %max3A_278 = arith.maximumf %add3A_275, %max3A_277 : vector<512x256xf32>
    %convert_element_type3A_279 = arith.truncf %max3A_278 : vector<512x256xf32> to vector<512x256xbf16>
    %convert_element_type3A_280 = arith.truncf %get3A_10 : vector<256x256xf32> to vector<256x256xbf16>
    %dot_general3A_281 = arith.constant dense<0.000000e+00> : vector<512x256xf32>
    %dot_general3A_282 = tpu.matmul %convert_element_type3A_279, %convert_element_type3A_280, %dot_general3A_281 {dimension_numbers = #tpu.dot_dimension_numbers<[1], [0], [0], [1], [0, 0, 1, 1], [], []>, transpose_lhs_hint = false} : vector<512x256xbf16>, vector<256x256xbf16>, vector<512x256xf32> -> vector<512x256xf32>
    %add3A_283 = vector.broadcast %get3A_13 : vector<1x256xf32> to vector<512x256xf32>
    %add3A_284 = arith.addf %dot_general3A_282, %add3A_283 : vector<512x256xf32>
    %max3A_285 = arith.constant 0.000000e+00 : f32
    %max3A_286 = vector.broadcast %max3A_285 : f32 to vector<512x256xf32>
    %max3A_287 = arith.maximumf %add3A_284, %max3A_286 : vector<512x256xf32>
    %max3A_288 = arith.maximumf %max3A_260, %max3A_287 : vector<512x256xf32>
    %get3A_289 = arith.constant 10 : index
    %get3A_290 = arith.constant 0 : index
    %get3A_291 = arith.constant 0 : index
    %get3A_292 = vector.load %arg1[%get3A_289, %get3A_290, %get3A_291] : memref<16x512x384xf32, #tpu.memory_space<vmem>>, vector<1x512x384xf32>
    %get3A_293 = vector.shape_cast %get3A_292 : vector<1x512x384xf32> to vector<512x384xf32>
    %slice3A_294 = vector.extract_strided_slice %get3A_293 {offsets = [0, 0], sizes = [512, 256], strides = [1, 1]} : vector<512x384xf32> to vector<512x256xf32>
    %slice3A_295 = vector.extract_strided_slice %get3A_293 {offsets = [0, 256], sizes = [512, 3], strides = [1, 1]} : vector<512x384xf32> to vector<512x3xf32>
    %sub3A_296 = arith.subf %slice3A_295, %get3A_1 : vector<512x3xf32>
    %convert_element_type3A_297 = arith.truncf %sub3A_296 : vector<512x3xf32> to vector<512x3xbf16>
    %convert_element_type3A_298 = arith.truncf %get3A_4 : vector<3x256xf32> to vector<3x256xbf16>
    %dot_general3A_299 = arith.constant dense<0.000000e+00> : vector<512x256xf32>
    %dot_general3A_300 = tpu.matmul %convert_element_type3A_297, %convert_element_type3A_298, %dot_general3A_299 {dimension_numbers = #tpu.dot_dimension_numbers<[1], [0], [0], [1], [0, 0, 1, 1], [], []>, transpose_lhs_hint = false} : vector<512x3xbf16>, vector<3x256xbf16>, vector<512x256xf32> -> vector<512x256xf32>
    %add3A_301 = arith.addf %slice3A_294, %dot_general3A_300 : vector<512x256xf32>
    %add3A_302 = vector.broadcast %get3A_7 : vector<1x256xf32> to vector<512x256xf32>
    %add3A_303 = arith.addf %add3A_301, %add3A_302 : vector<512x256xf32>
    %max3A_304 = arith.constant 0.000000e+00 : f32
    %max3A_305 = vector.broadcast %max3A_304 : f32 to vector<512x256xf32>
    %max3A_306 = arith.maximumf %add3A_303, %max3A_305 : vector<512x256xf32>
    %convert_element_type3A_307 = arith.truncf %max3A_306 : vector<512x256xf32> to vector<512x256xbf16>
    %convert_element_type3A_308 = arith.truncf %get3A_10 : vector<256x256xf32> to vector<256x256xbf16>
    %dot_general3A_309 = arith.constant dense<0.000000e+00> : vector<512x256xf32>
    %dot_general3A_310 = tpu.matmul %convert_element_type3A_307, %convert_element_type3A_308, %dot_general3A_309 {dimension_numbers = #tpu.dot_dimension_numbers<[1], [0], [0], [1], [0, 0, 1, 1], [], []>, transpose_lhs_hint = false} : vector<512x256xbf16>, vector<256x256xbf16>, vector<512x256xf32> -> vector<512x256xf32>
    %add3A_311 = vector.broadcast %get3A_13 : vector<1x256xf32> to vector<512x256xf32>
    %add3A_312 = arith.addf %dot_general3A_310, %add3A_311 : vector<512x256xf32>
    %max3A_313 = arith.constant 0.000000e+00 : f32
    %max3A_314 = vector.broadcast %max3A_313 : f32 to vector<512x256xf32>
    %max3A_315 = arith.maximumf %add3A_312, %max3A_314 : vector<512x256xf32>
    %max3A_316 = arith.maximumf %max3A_288, %max3A_315 : vector<512x256xf32>
    %get3A_317 = arith.constant 11 : index
    %get3A_318 = arith.constant 0 : index
    %get3A_319 = arith.constant 0 : index
    %get3A_320 = vector.load %arg1[%get3A_317, %get3A_318, %get3A_319] : memref<16x512x384xf32, #tpu.memory_space<vmem>>, vector<1x512x384xf32>
    %get3A_321 = vector.shape_cast %get3A_320 : vector<1x512x384xf32> to vector<512x384xf32>
    %slice3A_322 = vector.extract_strided_slice %get3A_321 {offsets = [0, 0], sizes = [512, 256], strides = [1, 1]} : vector<512x384xf32> to vector<512x256xf32>
    %slice3A_323 = vector.extract_strided_slice %get3A_321 {offsets = [0, 256], sizes = [512, 3], strides = [1, 1]} : vector<512x384xf32> to vector<512x3xf32>
    %sub3A_324 = arith.subf %slice3A_323, %get3A_1 : vector<512x3xf32>
    %convert_element_type3A_325 = arith.truncf %sub3A_324 : vector<512x3xf32> to vector<512x3xbf16>
    %convert_element_type3A_326 = arith.truncf %get3A_4 : vector<3x256xf32> to vector<3x256xbf16>
    %dot_general3A_327 = arith.constant dense<0.000000e+00> : vector<512x256xf32>
    %dot_general3A_328 = tpu.matmul %convert_element_type3A_325, %convert_element_type3A_326, %dot_general3A_327 {dimension_numbers = #tpu.dot_dimension_numbers<[1], [0], [0], [1], [0, 0, 1, 1], [], []>, transpose_lhs_hint = false} : vector<512x3xbf16>, vector<3x256xbf16>, vector<512x256xf32> -> vector<512x256xf32>
    %add3A_329 = arith.addf %slice3A_322, %dot_general3A_328 : vector<512x256xf32>
    %add3A_330 = vector.broadcast %get3A_7 : vector<1x256xf32> to vector<512x256xf32>
    %add3A_331 = arith.addf %add3A_329, %add3A_330 : vector<512x256xf32>
    %max3A_332 = arith.constant 0.000000e+00 : f32
    %max3A_333 = vector.broadcast %max3A_332 : f32 to vector<512x256xf32>
    %max3A_334 = arith.maximumf %add3A_331, %max3A_333 : vector<512x256xf32>
    %convert_element_type3A_335 = arith.truncf %max3A_334 : vector<512x256xf32> to vector<512x256xbf16>
    %convert_element_type3A_336 = arith.truncf %get3A_10 : vector<256x256xf32> to vector<256x256xbf16>
    %dot_general3A_337 = arith.constant dense<0.000000e+00> : vector<512x256xf32>
    %dot_general3A_338 = tpu.matmul %convert_element_type3A_335, %convert_element_type3A_336, %dot_general3A_337 {dimension_numbers = #tpu.dot_dimension_numbers<[1], [0], [0], [1], [0, 0, 1, 1], [], []>, transpose_lhs_hint = false} : vector<512x256xbf16>, vector<256x256xbf16>, vector<512x256xf32> -> vector<512x256xf32>
    %add3A_339 = vector.broadcast %get3A_13 : vector<1x256xf32> to vector<512x256xf32>
    %add3A_340 = arith.addf %dot_general3A_338, %add3A_339 : vector<512x256xf32>
    %max3A_341 = arith.constant 0.000000e+00 : f32
    %max3A_342 = vector.broadcast %max3A_341 : f32 to vector<512x256xf32>
    %max3A_343 = arith.maximumf %add3A_340, %max3A_342 : vector<512x256xf32>
    %max3A_344 = arith.maximumf %max3A_316, %max3A_343 : vector<512x256xf32>
    %get3A_345 = arith.constant 12 : index
    %get3A_346 = arith.constant 0 : index
    %get3A_347 = arith.constant 0 : index
    %get3A_348 = vector.load %arg1[%get3A_345, %get3A_346, %get3A_347] : memref<16x512x384xf32, #tpu.memory_space<vmem>>, vector<1x512x384xf32>
    %get3A_349 = vector.shape_cast %get3A_348 : vector<1x512x384xf32> to vector<512x384xf32>
    %slice3A_350 = vector.extract_strided_slice %get3A_349 {offsets = [0, 0], sizes = [512, 256], strides = [1, 1]} : vector<512x384xf32> to vector<512x256xf32>
    %slice3A_351 = vector.extract_strided_slice %get3A_349 {offsets = [0, 256], sizes = [512, 3], strides = [1, 1]} : vector<512x384xf32> to vector<512x3xf32>
    %sub3A_352 = arith.subf %slice3A_351, %get3A_1 : vector<512x3xf32>
    %convert_element_type3A_353 = arith.truncf %sub3A_352 : vector<512x3xf32> to vector<512x3xbf16>
    %convert_element_type3A_354 = arith.truncf %get3A_4 : vector<3x256xf32> to vector<3x256xbf16>
    %dot_general3A_355 = arith.constant dense<0.000000e+00> : vector<512x256xf32>
    %dot_general3A_356 = tpu.matmul %convert_element_type3A_353, %convert_element_type3A_354, %dot_general3A_355 {dimension_numbers = #tpu.dot_dimension_numbers<[1], [0], [0], [1], [0, 0, 1, 1], [], []>, transpose_lhs_hint = false} : vector<512x3xbf16>, vector<3x256xbf16>, vector<512x256xf32> -> vector<512x256xf32>
    %add3A_357 = arith.addf %slice3A_350, %dot_general3A_356 : vector<512x256xf32>
    %add3A_358 = vector.broadcast %get3A_7 : vector<1x256xf32> to vector<512x256xf32>
    %add3A_359 = arith.addf %add3A_357, %add3A_358 : vector<512x256xf32>
    %max3A_360 = arith.constant 0.000000e+00 : f32
    %max3A_361 = vector.broadcast %max3A_360 : f32 to vector<512x256xf32>
    %max3A_362 = arith.maximumf %add3A_359, %max3A_361 : vector<512x256xf32>
    %convert_element_type3A_363 = arith.truncf %max3A_362 : vector<512x256xf32> to vector<512x256xbf16>
    %convert_element_type3A_364 = arith.truncf %get3A_10 : vector<256x256xf32> to vector<256x256xbf16>
    %dot_general3A_365 = arith.constant dense<0.000000e+00> : vector<512x256xf32>
    %dot_general3A_366 = tpu.matmul %convert_element_type3A_363, %convert_element_type3A_364, %dot_general3A_365 {dimension_numbers = #tpu.dot_dimension_numbers<[1], [0], [0], [1], [0, 0, 1, 1], [], []>, transpose_lhs_hint = false} : vector<512x256xbf16>, vector<256x256xbf16>, vector<512x256xf32> -> vector<512x256xf32>
    %add3A_367 = vector.broadcast %get3A_13 : vector<1x256xf32> to vector<512x256xf32>
    %add3A_368 = arith.addf %dot_general3A_366, %add3A_367 : vector<512x256xf32>
    %max3A_369 = arith.constant 0.000000e+00 : f32
    %max3A_370 = vector.broadcast %max3A_369 : f32 to vector<512x256xf32>
    %max3A_371 = arith.maximumf %add3A_368, %max3A_370 : vector<512x256xf32>
    %max3A_372 = arith.maximumf %max3A_344, %max3A_371 : vector<512x256xf32>
    %get3A_373 = arith.constant 13 : index
    %get3A_374 = arith.constant 0 : index
    %get3A_375 = arith.constant 0 : index
    %get3A_376 = vector.load %arg1[%get3A_373, %get3A_374, %get3A_375] : memref<16x512x384xf32, #tpu.memory_space<vmem>>, vector<1x512x384xf32>
    %get3A_377 = vector.shape_cast %get3A_376 : vector<1x512x384xf32> to vector<512x384xf32>
    %slice3A_378 = vector.extract_strided_slice %get3A_377 {offsets = [0, 0], sizes = [512, 256], strides = [1, 1]} : vector<512x384xf32> to vector<512x256xf32>
    %slice3A_379 = vector.extract_strided_slice %get3A_377 {offsets = [0, 256], sizes = [512, 3], strides = [1, 1]} : vector<512x384xf32> to vector<512x3xf32>
    %sub3A_380 = arith.subf %slice3A_379, %get3A_1 : vector<512x3xf32>
    %convert_element_type3A_381 = arith.truncf %sub3A_380 : vector<512x3xf32> to vector<512x3xbf16>
    %convert_element_type3A_382 = arith.truncf %get3A_4 : vector<3x256xf32> to vector<3x256xbf16>
    %dot_general3A_383 = arith.constant dense<0.000000e+00> : vector<512x256xf32>
    %dot_general3A_384 = tpu.matmul %convert_element_type3A_381, %convert_element_type3A_382, %dot_general3A_383 {dimension_numbers = #tpu.dot_dimension_numbers<[1], [0], [0], [1], [0, 0, 1, 1], [], []>, transpose_lhs_hint = false} : vector<512x3xbf16>, vector<3x256xbf16>, vector<512x256xf32> -> vector<512x256xf32>
    %add3A_385 = arith.addf %slice3A_378, %dot_general3A_384 : vector<512x256xf32>
    %add3A_386 = vector.broadcast %get3A_7 : vector<1x256xf32> to vector<512x256xf32>
    %add3A_387 = arith.addf %add3A_385, %add3A_386 : vector<512x256xf32>
    %max3A_388 = arith.constant 0.000000e+00 : f32
    %max3A_389 = vector.broadcast %max3A_388 : f32 to vector<512x256xf32>
    %max3A_390 = arith.maximumf %add3A_387, %max3A_389 : vector<512x256xf32>
    %convert_element_type3A_391 = arith.truncf %max3A_390 : vector<512x256xf32> to vector<512x256xbf16>
    %convert_element_type3A_392 = arith.truncf %get3A_10 : vector<256x256xf32> to vector<256x256xbf16>
    %dot_general3A_393 = arith.constant dense<0.000000e+00> : vector<512x256xf32>
    %dot_general3A_394 = tpu.matmul %convert_element_type3A_391, %convert_element_type3A_392, %dot_general3A_393 {dimension_numbers = #tpu.dot_dimension_numbers<[1], [0], [0], [1], [0, 0, 1, 1], [], []>, transpose_lhs_hint = false} : vector<512x256xbf16>, vector<256x256xbf16>, vector<512x256xf32> -> vector<512x256xf32>
    %add3A_395 = vector.broadcast %get3A_13 : vector<1x256xf32> to vector<512x256xf32>
    %add3A_396 = arith.addf %dot_general3A_394, %add3A_395 : vector<512x256xf32>
    %max3A_397 = arith.constant 0.000000e+00 : f32
    %max3A_398 = vector.broadcast %max3A_397 : f32 to vector<512x256xf32>
    %max3A_399 = arith.maximumf %add3A_396, %max3A_398 : vector<512x256xf32>
    %max3A_400 = arith.maximumf %max3A_372, %max3A_399 : vector<512x256xf32>
    %get3A_401 = arith.constant 14 : index
    %get3A_402 = arith.constant 0 : index
    %get3A_403 = arith.constant 0 : index
    %get3A_404 = vector.load %arg1[%get3A_401, %get3A_402, %get3A_403] : memref<16x512x384xf32, #tpu.memory_space<vmem>>, vector<1x512x384xf32>
    %get3A_405 = vector.shape_cast %get3A_404 : vector<1x512x384xf32> to vector<512x384xf32>
    %slice3A_406 = vector.extract_strided_slice %get3A_405 {offsets = [0, 0], sizes = [512, 256], strides = [1, 1]} : vector<512x384xf32> to vector<512x256xf32>
    %slice3A_407 = vector.extract_strided_slice %get3A_405 {offsets = [0, 256], sizes = [512, 3], strides = [1, 1]} : vector<512x384xf32> to vector<512x3xf32>
    %sub3A_408 = arith.subf %slice3A_407, %get3A_1 : vector<512x3xf32>
    %convert_element_type3A_409 = arith.truncf %sub3A_408 : vector<512x3xf32> to vector<512x3xbf16>
    %convert_element_type3A_410 = arith.truncf %get3A_4 : vector<3x256xf32> to vector<3x256xbf16>
    %dot_general3A_411 = arith.constant dense<0.000000e+00> : vector<512x256xf32>
    %dot_general3A_412 = tpu.matmul %convert_element_type3A_409, %convert_element_type3A_410, %dot_general3A_411 {dimension_numbers = #tpu.dot_dimension_numbers<[1], [0], [0], [1], [0, 0, 1, 1], [], []>, transpose_lhs_hint = false} : vector<512x3xbf16>, vector<3x256xbf16>, vector<512x256xf32> -> vector<512x256xf32>
    %add3A_413 = arith.addf %slice3A_406, %dot_general3A_412 : vector<512x256xf32>
    %add3A_414 = vector.broadcast %get3A_7 : vector<1x256xf32> to vector<512x256xf32>
    %add3A_415 = arith.addf %add3A_413, %add3A_414 : vector<512x256xf32>
    %max3A_416 = arith.constant 0.000000e+00 : f32
    %max3A_417 = vector.broadcast %max3A_416 : f32 to vector<512x256xf32>
    %max3A_418 = arith.maximumf %add3A_415, %max3A_417 : vector<512x256xf32>
    %convert_element_type3A_419 = arith.truncf %max3A_418 : vector<512x256xf32> to vector<512x256xbf16>
    %convert_element_type3A_420 = arith.truncf %get3A_10 : vector<256x256xf32> to vector<256x256xbf16>
    %dot_general3A_421 = arith.constant dense<0.000000e+00> : vector<512x256xf32>
    %dot_general3A_422 = tpu.matmul %convert_element_type3A_419, %convert_element_type3A_420, %dot_general3A_421 {dimension_numbers = #tpu.dot_dimension_numbers<[1], [0], [0], [1], [0, 0, 1, 1], [], []>, transpose_lhs_hint = false} : vector<512x256xbf16>, vector<256x256xbf16>, vector<512x256xf32> -> vector<512x256xf32>
    %add3A_423 = vector.broadcast %get3A_13 : vector<1x256xf32> to vector<512x256xf32>
    %add3A_424 = arith.addf %dot_general3A_422, %add3A_423 : vector<512x256xf32>
    %max3A_425 = arith.constant 0.000000e+00 : f32
    %max3A_426 = vector.broadcast %max3A_425 : f32 to vector<512x256xf32>
    %max3A_427 = arith.maximumf %add3A_424, %max3A_426 : vector<512x256xf32>
    %max3A_428 = arith.maximumf %max3A_400, %max3A_427 : vector<512x256xf32>
    %get3A_429 = arith.constant 15 : index
    %get3A_430 = arith.constant 0 : index
    %get3A_431 = arith.constant 0 : index
    %get3A_432 = vector.load %arg1[%get3A_429, %get3A_430, %get3A_431] : memref<16x512x384xf32, #tpu.memory_space<vmem>>, vector<1x512x384xf32>
    %get3A_433 = vector.shape_cast %get3A_432 : vector<1x512x384xf32> to vector<512x384xf32>
    %slice3A_434 = vector.extract_strided_slice %get3A_433 {offsets = [0, 0], sizes = [512, 256], strides = [1, 1]} : vector<512x384xf32> to vector<512x256xf32>
    %slice3A_435 = vector.extract_strided_slice %get3A_433 {offsets = [0, 256], sizes = [512, 3], strides = [1, 1]} : vector<512x384xf32> to vector<512x3xf32>
    %sub3A_436 = arith.subf %slice3A_435, %get3A_1 : vector<512x3xf32>
    %convert_element_type3A_437 = arith.truncf %sub3A_436 : vector<512x3xf32> to vector<512x3xbf16>
    %convert_element_type3A_438 = arith.truncf %get3A_4 : vector<3x256xf32> to vector<3x256xbf16>
    %dot_general3A_439 = arith.constant dense<0.000000e+00> : vector<512x256xf32>
    %dot_general3A_440 = tpu.matmul %convert_element_type3A_437, %convert_element_type3A_438, %dot_general3A_439 {dimension_numbers = #tpu.dot_dimension_numbers<[1], [0], [0], [1], [0, 0, 1, 1], [], []>, transpose_lhs_hint = false} : vector<512x3xbf16>, vector<3x256xbf16>, vector<512x256xf32> -> vector<512x256xf32>
    %add3A_441 = arith.addf %slice3A_434, %dot_general3A_440 : vector<512x256xf32>
    %add3A_442 = vector.broadcast %get3A_7 : vector<1x256xf32> to vector<512x256xf32>
    %add3A_443 = arith.addf %add3A_441, %add3A_442 : vector<512x256xf32>
    %max3A_444 = arith.constant 0.000000e+00 : f32
    %max3A_445 = vector.broadcast %max3A_444 : f32 to vector<512x256xf32>
    %max3A_446 = arith.maximumf %add3A_443, %max3A_445 : vector<512x256xf32>
    %convert_element_type3A_447 = arith.truncf %max3A_446 : vector<512x256xf32> to vector<512x256xbf16>
    %convert_element_type3A_448 = arith.truncf %get3A_10 : vector<256x256xf32> to vector<256x256xbf16>
    %dot_general3A_449 = arith.constant dense<0.000000e+00> : vector<512x256xf32>
    %dot_general3A_450 = tpu.matmul %convert_element_type3A_447, %convert_element_type3A_448, %dot_general3A_449 {dimension_numbers = #tpu.dot_dimension_numbers<[1], [0], [0], [1], [0, 0, 1, 1], [], []>, transpose_lhs_hint = false} : vector<512x256xbf16>, vector<256x256xbf16>, vector<512x256xf32> -> vector<512x256xf32>
    %add3A_451 = vector.broadcast %get3A_13 : vector<1x256xf32> to vector<512x256xf32>
    %add3A_452 = arith.addf %dot_general3A_450, %add3A_451 : vector<512x256xf32>
    %max3A_453 = arith.constant 0.000000e+00 : f32
    %max3A_454 = vector.broadcast %max3A_453 : f32 to vector<512x256xf32>
    %max3A_455 = arith.maximumf %add3A_452, %max3A_454 : vector<512x256xf32>
    %max3A_456 = arith.maximumf %max3A_428, %max3A_455 : vector<512x256xf32>
    %get3A_457 = arith.constant 0 : index
    %get3A_458 = arith.constant 0 : index
    %get3A_459 = vector.load %arg7[%get3A_457, %get3A_458] : memref<512x256xf32, #tpu.memory_space<vmem>>, vector<512x256xf32>
    %add3A_460 = arith.addf %max3A_456, %get3A_459 : vector<512x256xf32>
    %max3A_461 = arith.constant 0.000000e+00 : f32
    %max3A_462 = vector.broadcast %max3A_461 : f32 to vector<512x256xf32>
    %max3A_463 = arith.maximumf %add3A_460, %max3A_462 : vector<512x256xf32>
    %swap3A = arith.constant 0 : index
    %swap3A_464 = arith.constant 0 : index
    %swap3A_465 = vector.load %arg8[%swap3A, %swap3A_464] : memref<512x256xf32, #tpu.memory_space<vmem>>, vector<512x256xf32>
    tpu.vector_store %arg8[%swap3A, %swap3A_464], %max3A_463 {strides = array<i32>} : memref<512x256xf32, #tpu.memory_space<vmem>>, vector<512x256xf32>,
    return
  }
  func.func @transform_0(%arg0: i32) -> (i32, i32, i32) {
    %c0_i32 = arith.constant 0 : i32
    %c0_i32_0 = arith.constant 0 : i32
    %c0_i32_1 = arith.constant 0 : i32
    return %c0_i32, %arg0, %c0_i32_0 : i32, i32, i32
  }
  func.func @transform_1(%arg0: i32) -> (i32, i32) {
    %c0_i32 = arith.constant 0 : i32
    %c0_i32_0 = arith.constant 0 : i32
    return %arg0, %c0_i32 : i32, i32
  }
  func.func @transform_2(%arg0: i32) -> (i32, i32) {
    %c0_i32 = arith.constant 0 : i32
    %c0_i32_0 = arith.constant 0 : i32
    %c0_i32_1 = arith.constant 0 : i32
    return %c0_i32, %c0_i32_0 : i32, i32
  }
  func.func @transform_3(%arg0: i32) -> (i32, i32) {
    %c0_i32 = arith.constant 0 : i32
    %c0_i32_0 = arith.constant 0 : i32
    %c0_i32_1 = arith.constant 0 : i32
    return %c0_i32, %c0_i32_0 : i32, i32
  }
  func.func @transform_4(%arg0: i32) -> (i32, i32) {
    %c0_i32 = arith.constant 0 : i32
    %c0_i32_0 = arith.constant 0 : i32
    %c0_i32_1 = arith.constant 0 : i32
    return %c0_i32, %c0_i32_0 : i32, i32
  }
  func.func @transform_5(%arg0: i32) -> (i32, i32) {
    %c0_i32 = arith.constant 0 : i32
    %c0_i32_0 = arith.constant 0 : i32
    %c0_i32_1 = arith.constant 0 : i32
    return %c0_i32, %c0_i32_0 : i32, i32
  }
  func.func @transform_6(%arg0: i32) -> (i32, i32) {
    %c0_i32 = arith.constant 0 : i32
    %c0_i32_0 = arith.constant 0 : i32
    return %arg0, %c0_i32 : i32, i32
  }
  func.func @transform_7(%arg0: i32) -> (i32, i32) {
    %c0_i32 = arith.constant 0 : i32
    %c0_i32_0 = arith.constant 0 : i32
    return %arg0, %c0_i32 : i32, i32
  }
}

module attributes {stable_mosaic.version = 14 : i64} {
  func.func @_prep_body(%arg0: memref<625x256xf32, #tpu.memory_space<vmem>>, %arg1: memref<256x256xf32, #tpu.memory_space<vmem>>, %arg2: memref<256x256xf32, #tpu.memory_space<vmem>>, %arg3: memref<625x256xf32, #tpu.memory_space<vmem>>, %arg4: memref<625x256xf32, #tpu.memory_space<vmem>>) attributes {dimension_semantics = [], scalar_prefetch = 0 : i64, scratch_operands = 0 : i64, tpu.core_type = #tpu.core_type<tc>} {
    %get3A = arith.constant 0 : index
    %get3A_0 = arith.constant 0 : index
    %get3A_1 = vector.load %arg0[%get3A, %get3A_0] : memref<625x256xf32, #tpu.memory_space<vmem>>, vector<625x256xf32>
    %get3A_2 = arith.constant 0 : index
    %get3A_3 = arith.constant 0 : index
    %get3A_4 = vector.load %arg1[%get3A_2, %get3A_3] : memref<256x256xf32, #tpu.memory_space<vmem>>, vector<256x256xf32>
    %convert_element_type3A = arith.truncf %get3A_1 : vector<625x256xf32> to vector<625x256xbf16>
    %convert_element_type3A_5 = arith.truncf %get3A_4 : vector<256x256xf32> to vector<256x256xbf16>
    %dot_general3A = arith.constant dense<0.000000e+00> : vector<625x256xf32>
    %dot_general3A_6 = tpu.matmul %convert_element_type3A, %convert_element_type3A_5, %dot_general3A {dimension_numbers = #tpu.dot_dimension_numbers<[1], [0], [0], [1], [0, 0, 1, 1], [], []>, transpose_lhs_hint = false} : vector<625x256xbf16>, vector<256x256xbf16>, vector<625x256xf32> -> vector<625x256xf32>
    %swap3A = arith.constant 0 : index
    %swap3A_7 = arith.constant 0 : index
    %swap3A_8 = vector.load %arg3[%swap3A, %swap3A_7] : memref<625x256xf32, #tpu.memory_space<vmem>>, vector<625x256xf32>
    tpu.vector_store %arg3[%swap3A, %swap3A_7], %dot_general3A_6 {strides = array<i32>} : memref<625x256xf32, #tpu.memory_space<vmem>>, vector<625x256xf32>,
    %get3A_9 = arith.constant 0 : index
    %get3A_10 = arith.constant 0 : index
    %get3A_11 = vector.load %arg2[%get3A_9, %get3A_10] : memref<256x256xf32, #tpu.memory_space<vmem>>, vector<256x256xf32>
    %convert_element_type3A_12 = arith.truncf %get3A_1 : vector<625x256xf32> to vector<625x256xbf16>
    %convert_element_type3A_13 = arith.truncf %get3A_11 : vector<256x256xf32> to vector<256x256xbf16>
    %dot_general3A_14 = arith.constant dense<0.000000e+00> : vector<625x256xf32>
    %dot_general3A_15 = tpu.matmul %convert_element_type3A_12, %convert_element_type3A_13, %dot_general3A_14 {dimension_numbers = #tpu.dot_dimension_numbers<[1], [0], [0], [1], [0, 0, 1, 1], [], []>, transpose_lhs_hint = false} : vector<625x256xbf16>, vector<256x256xbf16>, vector<625x256xf32> -> vector<625x256xf32>
    %swap3A_16 = arith.constant 0 : index
    %swap3A_17 = arith.constant 0 : index
    %swap3A_18 = vector.load %arg4[%swap3A_16, %swap3A_17] : memref<625x256xf32, #tpu.memory_space<vmem>>, vector<625x256xf32>
    tpu.vector_store %arg4[%swap3A_16, %swap3A_17], %dot_general3A_15 {strides = array<i32>} : memref<625x256xf32, #tpu.memory_space<vmem>>, vector<625x256xf32>,
    return
  }
}

module attributes {stable_mosaic.version = 14 : i64} {
  func.func @_sa_body(%arg0: i32, %arg1: memref<640x3xf32, #tpu.memory_space<vmem>>, %arg2: memref<3x625xf32, #tpu.memory_space<vmem>>, %arg3: memref<625x259xf32, #tpu.memory_space<vmem>>, %arg4: memref<3x256xf32, #tpu.memory_space<vmem>>, %arg5: memref<1x256xf32, #tpu.memory_space<vmem>>, %arg6: memref<256x256xf32, #tpu.memory_space<vmem>>, %arg7: memref<1x256xf32, #tpu.memory_space<vmem>>, %arg8: memref<640x256xf32, #tpu.memory_space<vmem>>, %arg9: memref<640x256xf32, #tpu.memory_space<vmem>>) attributes {dimension_semantics = [#tpu.dimension_semantics<arbitrary>], iteration_bounds = array<i64: 1>, scalar_prefetch = 0 : i64, scratch_operands = 0 : i64, tpu.core_type = #tpu.core_type<tc>, window_params = [{transform_indices = @transform_0, window_bounds = array<i64: 640, 3>}, {pipeline_mode = #tpu.pipeline_mode<synchronous>, transform_indices = @transform_1, window_bounds = array<i64: 3, 625>}, {pipeline_mode = #tpu.pipeline_mode<synchronous>, transform_indices = @transform_2, window_bounds = array<i64: 625, 259>}, {pipeline_mode = #tpu.pipeline_mode<synchronous>, transform_indices = @transform_3, window_bounds = array<i64: 3, 256>}, {pipeline_mode = #tpu.pipeline_mode<synchronous>, transform_indices = @transform_4, window_bounds = array<i64: 1, 256>}, {pipeline_mode = #tpu.pipeline_mode<synchronous>, transform_indices = @transform_5, window_bounds = array<i64: 256, 256>}, {pipeline_mode = #tpu.pipeline_mode<synchronous>, transform_indices = @transform_6, window_bounds = array<i64: 1, 256>}, {transform_indices = @transform_7, window_bounds = array<i64: 640, 256>}, {transform_indices = @transform_8, window_bounds = array<i64: 640, 256>}]} {
    %get3A = arith.constant 0 : index
    %get3A_0 = arith.constant 0 : index
    %get3A_1 = vector.load %arg1[%get3A, %get3A_0] : memref<640x3xf32, #tpu.memory_space<vmem>>, vector<640x3xf32>
    %get3A_2 = arith.constant 0 : index
    %get3A_3 = arith.constant 0 : index
    %get3A_4 = vector.load %arg2[%get3A_2, %get3A_3] : memref<3x625xf32, #tpu.memory_space<vmem>>, vector<3x625xf32>
    %mul3A = arith.mulf %get3A_1, %get3A_1 : vector<640x3xf32>
    %reduce_sum3A = arith.constant dense<0.000000e+00> : vector<640xf32>
    %reduce_sum3A_5 = vector.multi_reduction <add>, %mul3A, %reduce_sum3A [1] : vector<640x3xf32> to vector<640xf32>
    %broadcast_in_dim3A = vector.shape_cast %reduce_sum3A_5 : vector<640xf32> to vector<640x1xf32>
    %mul3A_6 = arith.mulf %get3A_4, %get3A_4 : vector<3x625xf32>
    %reduce_sum3A_7 = arith.constant dense<0.000000e+00> : vector<625xf32>
    %reduce_sum3A_8 = vector.multi_reduction <add>, %mul3A_6, %reduce_sum3A_7 [0] : vector<3x625xf32> to vector<625xf32>
    %broadcast_in_dim3A_9 = vector.shape_cast %reduce_sum3A_8 : vector<625xf32> to vector<1x625xf32>
    %convert_element_type3A = arith.truncf %get3A_1 : vector<640x3xf32> to vector<640x3xbf16>
    %convert_element_type3A_10 = arith.truncf %get3A_4 : vector<3x625xf32> to vector<3x625xbf16>
    %dot_general3A = arith.constant dense<0.000000e+00> : vector<640x625xf32>
    %dot_general3A_11 = tpu.matmul %convert_element_type3A, %convert_element_type3A_10, %dot_general3A {dimension_numbers = #tpu.dot_dimension_numbers<[1], [0], [0], [1], [0, 0, 1, 1], [], []>, transpose_lhs_hint = false} : vector<640x3xbf16>, vector<3x625xbf16>, vector<640x625xf32> -> vector<640x625xf32>
    %add3A = vector.broadcast %broadcast_in_dim3A : vector<640x1xf32> to vector<640x625xf32>
    %add3A_12 = vector.broadcast %broadcast_in_dim3A_9 : vector<1x625xf32> to vector<640x625xf32>
    %add3A_13 = arith.addf %add3A, %add3A_12 : vector<640x625xf32>
    %mul3A_14 = arith.constant 2.000000e+00 : f32
    %mul3A_15 = vector.broadcast %mul3A_14 : f32 to vector<640x625xf32>
    %mul3A_16 = arith.mulf %mul3A_15, %dot_general3A_11 : vector<640x625xf32>
    %sub3A = arith.subf %add3A_13, %mul3A_16 : vector<640x625xf32>
    %iota3A = tpu.iota {dimensions = array<i32: 1>} : vector<640x625xi32>
    %get3A_17 = arith.constant 0 : index
    %get3A_18 = arith.constant 0 : index
    %get3A_19 = vector.load %arg3[%get3A_17, %get3A_18] : memref<625x259xf32, #tpu.memory_space<vmem>>, vector<625x259xf32>
    %convert_element_type3A_20 = arith.truncf %get3A_19 : vector<625x259xf32> to vector<625x259xbf16>
    %convert_element_type3A_21 = arith.extf %convert_element_type3A_20 : vector<625x259xbf16> to vector<625x259xf32>
    %sub3A_22 = arith.subf %get3A_19, %convert_element_type3A_21 : vector<625x259xf32>
    %convert_element_type3A_23 = arith.truncf %sub3A_22 : vector<625x259xf32> to vector<625x259xbf16>
    %get3A_24 = arith.constant 0 : index
    %get3A_25 = arith.constant 0 : index
    %get3A_26 = vector.load %arg4[%get3A_24, %get3A_25] : memref<3x256xf32, #tpu.memory_space<vmem>>, vector<3x256xf32>
    %get3A_27 = arith.constant 0 : index
    %get3A_28 = arith.constant 0 : index
    %get3A_29 = vector.load %arg5[%get3A_27, %get3A_28] : memref<1x256xf32, #tpu.memory_space<vmem>>, vector<1x256xf32>
    %get3A_30 = arith.constant 0 : index
    %get3A_31 = arith.constant 0 : index
    %get3A_32 = vector.load %arg6[%get3A_30, %get3A_31] : memref<256x256xf32, #tpu.memory_space<vmem>>, vector<256x256xf32>
    %get3A_33 = arith.constant 0 : index
    %get3A_34 = arith.constant 0 : index
    %get3A_35 = vector.load %arg7[%get3A_33, %get3A_34] : memref<1x256xf32, #tpu.memory_space<vmem>>, vector<1x256xf32>
    %broadcast_in_dim3A_36 = arith.constant 0xFF800000 : f32
    %broadcast_in_dim3A_37 = vector.broadcast %broadcast_in_dim3A_36 : f32 to vector<640x256xf32>
    %scan3A = arith.constant 0 : i32
    %scan3A_38 = arith.constant 16 : i32
    %scan3A_39 = arith.addi %scan3A, %scan3A_38 : i32
    %scan3A_40 = arith.constant 1 : i32
    %scan3A_41:2 = scf.for %scan3A_50 = %scan3A to %scan3A_39 step %scan3A_40 iter_args(%scan3A_51 = %sub3A, %scan3A_52 = %broadcast_in_dim3A_37) -> (vector<640x625xf32>, vector<640x256xf32>)  : i32 {
      %reduce_min3A = arith.constant dense<0x7F800000> : vector<640xf32>
      %reduce_min3A_53 = vector.multi_reduction <minimumf>, %scan3A_51, %reduce_min3A [1] : vector<640x625xf32> to vector<640xf32>
      %broadcast_in_dim3A_54 = vector.shape_cast %reduce_min3A_53 : vector<640xf32> to vector<640x1xf32>
      %eq3A = vector.broadcast %broadcast_in_dim3A_54 : vector<640x1xf32> to vector<640x625xf32>
      %eq3A_55 = arith.cmpf oeq, %scan3A_51, %eq3A : vector<640x625xf32>
      %jit3A = arith.constant 1073741824 : i32
      %broadcast_in_dim3A_56 = vector.broadcast %jit3A : i32 to vector<640x625xi32>
      %select_n3A = arith.select %eq3A_55, %iota3A, %broadcast_in_dim3A_56 : vector<640x625xi1>, vector<640x625xi32>
      %reduce_min3A_57 = arith.constant dense<2147483647> : vector<640xi32>
      %reduce_min3A_58 = vector.multi_reduction <minsi>, %select_n3A, %reduce_min3A_57 [1] : vector<640x625xi32> to vector<640xi32>
      %broadcast_in_dim3A_59 = vector.shape_cast %reduce_min3A_58 : vector<640xi32> to vector<640x1xi32>
      %eq3A_60 = vector.broadcast %broadcast_in_dim3A_59 : vector<640x1xi32> to vector<640x625xi32>
      %eq3A_61 = arith.cmpi eq, %iota3A, %eq3A_60 : vector<640x625xi32>
      %jit3A_62 = arith.constant 0x7F800000 : f32
      %broadcast_in_dim3A_63 = vector.broadcast %jit3A_62 : f32 to vector<640x625xf32>
      %select_n3A_64 = arith.select %eq3A_61, %broadcast_in_dim3A_63, %scan3A_51 : vector<640x625xi1>, vector<640x625xf32>
      %convert_element_type3A_65 = arith.extui %eq3A_61 : vector<640x625xi1> to vector<640x625xi32>
      %convert_element_type3A_66 = arith.sitofp %convert_element_type3A_65 : vector<640x625xi32> to vector<640x625xf32>
      %convert_element_type3A_67 = arith.truncf %convert_element_type3A_66 : vector<640x625xf32> to vector<640x625xbf16>
      %dot_general3A_68 = arith.constant dense<0.000000e+00> : vector<640x259xf32>
      %dot_general3A_69 = tpu.matmul %convert_element_type3A_67, %convert_element_type3A_20, %dot_general3A_68 {dimension_numbers = #tpu.dot_dimension_numbers<[1], [0], [0], [1], [0, 0, 1, 1], [], []>, transpose_lhs_hint = false} : vector<640x625xbf16>, vector<625x259xbf16>, vector<640x259xf32> -> vector<640x259xf32>
      %dot_general3A_70 = arith.constant dense<0.000000e+00> : vector<640x259xf32>
      %dot_general3A_71 = tpu.matmul %convert_element_type3A_67, %convert_element_type3A_23, %dot_general3A_70 {dimension_numbers = #tpu.dot_dimension_numbers<[1], [0], [0], [1], [0, 0, 1, 1], [], []>, transpose_lhs_hint = false} : vector<640x625xbf16>, vector<625x259xbf16>, vector<640x259xf32> -> vector<640x259xf32>
      %add3A_72 = arith.addf %dot_general3A_69, %dot_general3A_71 : vector<640x259xf32>
      %slice3A = vector.extract_strided_slice %add3A_72 {offsets = [0, 0], sizes = [640, 256], strides = [1, 1]} : vector<640x259xf32> to vector<640x256xf32>
      %slice3A_73 = vector.extract_strided_slice %add3A_72 {offsets = [0, 256], sizes = [640, 3], strides = [1, 1]} : vector<640x259xf32> to vector<640x3xf32>
      %sub3A_74 = arith.subf %slice3A_73, %get3A_1 : vector<640x3xf32>
      %convert_element_type3A_75 = arith.truncf %sub3A_74 : vector<640x3xf32> to vector<640x3xbf16>
      %convert_element_type3A_76 = arith.truncf %get3A_26 : vector<3x256xf32> to vector<3x256xbf16>
      %dot_general3A_77 = arith.constant dense<0.000000e+00> : vector<640x256xf32>
      %dot_general3A_78 = tpu.matmul %convert_element_type3A_75, %convert_element_type3A_76, %dot_general3A_77 {dimension_numbers = #tpu.dot_dimension_numbers<[1], [0], [0], [1], [0, 0, 1, 1], [], []>, transpose_lhs_hint = false} : vector<640x3xbf16>, vector<3x256xbf16>, vector<640x256xf32> -> vector<640x256xf32>
      %add3A_79 = arith.addf %slice3A, %dot_general3A_78 : vector<640x256xf32>
      %add3A_80 = vector.broadcast %get3A_29 : vector<1x256xf32> to vector<640x256xf32>
      %add3A_81 = arith.addf %add3A_79, %add3A_80 : vector<640x256xf32>
      %max3A_82 = arith.constant 0.000000e+00 : f32
      %max3A_83 = vector.broadcast %max3A_82 : f32 to vector<640x256xf32>
      %max3A_84 = arith.maximumf %add3A_81, %max3A_83 : vector<640x256xf32>
      %convert_element_type3A_85 = arith.truncf %max3A_84 : vector<640x256xf32> to vector<640x256xbf16>
      %convert_element_type3A_86 = arith.truncf %get3A_32 : vector<256x256xf32> to vector<256x256xbf16>
      %dot_general3A_87 = arith.constant dense<0.000000e+00> : vector<640x256xf32>
      %dot_general3A_88 = tpu.matmul %convert_element_type3A_85, %convert_element_type3A_86, %dot_general3A_87 {dimension_numbers = #tpu.dot_dimension_numbers<[1], [0], [0], [1], [0, 0, 1, 1], [], []>, transpose_lhs_hint = false} : vector<640x256xbf16>, vector<256x256xbf16>, vector<640x256xf32> -> vector<640x256xf32>
      %add3A_89 = vector.broadcast %get3A_35 : vector<1x256xf32> to vector<640x256xf32>
      %add3A_90 = arith.addf %dot_general3A_88, %add3A_89 : vector<640x256xf32>
      %max3A_91 = arith.constant 0.000000e+00 : f32
      %max3A_92 = vector.broadcast %max3A_91 : f32 to vector<640x256xf32>
      %max3A_93 = arith.maximumf %add3A_90, %max3A_92 : vector<640x256xf32>
      %max3A_94 = arith.maximumf %scan3A_52, %max3A_93 : vector<640x256xf32>
      scf.yield %select_n3A_64, %max3A_94 : vector<640x625xf32>, vector<640x256xf32>
    }
    %get3A_42 = arith.constant 0 : index
    %get3A_43 = arith.constant 0 : index
    %get3A_44 = vector.load %arg8[%get3A_42, %get3A_43] : memref<640x256xf32, #tpu.memory_space<vmem>>, vector<640x256xf32>
    %add3A_45 = arith.addf %scan3A_41#1, %get3A_44 : vector<640x256xf32>
    %max3A = arith.constant 0.000000e+00 : f32
    %max3A_46 = vector.broadcast %max3A : f32 to vector<640x256xf32>
    %max3A_47 = arith.maximumf %add3A_45, %max3A_46 : vector<640x256xf32>
    %swap3A = arith.constant 0 : index
    %swap3A_48 = arith.constant 0 : index
    %swap3A_49 = vector.load %arg9[%swap3A, %swap3A_48] : memref<640x256xf32, #tpu.memory_space<vmem>>, vector<640x256xf32>
    tpu.vector_store %arg9[%swap3A, %swap3A_48], %max3A_47 {strides = array<i32>} : memref<640x256xf32, #tpu.memory_space<vmem>>, vector<640x256xf32>,
    return
  }
  func.func @transform_0(%arg0: i32) -> (i32, i32) {
    %c0_i32 = arith.constant 0 : i32
    %c0_i32_0 = arith.constant 0 : i32
    return %arg0, %c0_i32 : i32, i32
  }
  func.func @transform_1(%arg0: i32) -> (i32, i32) {
    %c0_i32 = arith.constant 0 : i32
    %c0_i32_0 = arith.constant 0 : i32
    %c0_i32_1 = arith.constant 0 : i32
    return %c0_i32, %c0_i32_0 : i32, i32
  }
  func.func @transform_2(%arg0: i32) -> (i32, i32) {
    %c0_i32 = arith.constant 0 : i32
    %c0_i32_0 = arith.constant 0 : i32
    %c0_i32_1 = arith.constant 0 : i32
    return %c0_i32, %c0_i32_0 : i32, i32
  }
  func.func @transform_3(%arg0: i32) -> (i32, i32) {
    %c0_i32 = arith.constant 0 : i32
    %c0_i32_0 = arith.constant 0 : i32
    %c0_i32_1 = arith.constant 0 : i32
    return %c0_i32, %c0_i32_0 : i32, i32
  }
  func.func @transform_4(%arg0: i32) -> (i32, i32) {
    %c0_i32 = arith.constant 0 : i32
    %c0_i32_0 = arith.constant 0 : i32
    %c0_i32_1 = arith.constant 0 : i32
    return %c0_i32, %c0_i32_0 : i32, i32
  }
  func.func @transform_5(%arg0: i32) -> (i32, i32) {
    %c0_i32 = arith.constant 0 : i32
    %c0_i32_0 = arith.constant 0 : i32
    %c0_i32_1 = arith.constant 0 : i32
    return %c0_i32, %c0_i32_0 : i32, i32
  }
  func.func @transform_6(%arg0: i32) -> (i32, i32) {
    %c0_i32 = arith.constant 0 : i32
    %c0_i32_0 = arith.constant 0 : i32
    %c0_i32_1 = arith.constant 0 : i32
    return %c0_i32, %c0_i32_0 : i32, i32
  }
  func.func @transform_7(%arg0: i32) -> (i32, i32) {
    %c0_i32 = arith.constant 0 : i32
    %c0_i32_0 = arith.constant 0 : i32
    return %arg0, %c0_i32 : i32, i32
  }
  func.func @transform_8(%arg0: i32) -> (i32, i32) {
    %c0_i32 = arith.constant 0 : i32
    %c0_i32_0 = arith.constant 0 : i32
    return %arg0, %c0_i32 : i32, i32
  }
}

module attributes {stable_mosaic.version = 14 : i64} {
  func.func @_interp_fp_body(%arg0: i32, %arg1: memref<512x3xf32, #tpu.memory_space<vmem>>, %arg2: memref<3x625xf32, #tpu.memory_space<vmem>>, %arg3: memref<625x256xf32, #tpu.memory_space<vmem>>, %arg4: memref<512x256xf32, #tpu.memory_space<vmem>>, %arg5: memref<256x256xf32, #tpu.memory_space<vmem>>, %arg6: memref<256x256xf32, #tpu.memory_space<vmem>>, %arg7: memref<1x256xf32, #tpu.memory_space<vmem>>, %arg8: memref<512x256xf32, #tpu.memory_space<vmem>>) attributes {dimension_semantics = [#tpu.dimension_semantics<arbitrary>], iteration_bounds = array<i64: 5>, scalar_prefetch = 0 : i64, scratch_operands = 0 : i64, tpu.core_type = #tpu.core_type<tc>, window_params = [{transform_indices = @transform_0, window_bounds = array<i64: 512, 3>}, {pipeline_mode = #tpu.pipeline_mode<synchronous>, transform_indices = @transform_1, window_bounds = array<i64: 3, 625>}, {pipeline_mode = #tpu.pipeline_mode<synchronous>, transform_indices = @transform_2, window_bounds = array<i64: 625, 256>}, {transform_indices = @transform_3, window_bounds = array<i64: 512, 256>}, {pipeline_mode = #tpu.pipeline_mode<synchronous>, transform_indices = @transform_4, window_bounds = array<i64: 256, 256>}, {pipeline_mode = #tpu.pipeline_mode<synchronous>, transform_indices = @transform_5, window_bounds = array<i64: 256, 256>}, {pipeline_mode = #tpu.pipeline_mode<synchronous>, transform_indices = @transform_6, window_bounds = array<i64: 1, 256>}, {transform_indices = @transform_7, window_bounds = array<i64: 512, 256>}]} {
    %get3A = arith.constant 0 : index
    %get3A_0 = arith.constant 0 : index
    %get3A_1 = vector.load %arg1[%get3A, %get3A_0] : memref<512x3xf32, #tpu.memory_space<vmem>>, vector<512x3xf32>
    %get3A_2 = arith.constant 0 : index
    %get3A_3 = arith.constant 0 : index
    %get3A_4 = vector.load %arg2[%get3A_2, %get3A_3] : memref<3x625xf32, #tpu.memory_space<vmem>>, vector<3x625xf32>
    %mul3A = arith.mulf %get3A_1, %get3A_1 : vector<512x3xf32>
    %reduce_sum3A = arith.constant dense<0.000000e+00> : vector<512xf32>
    %reduce_sum3A_5 = vector.multi_reduction <add>, %mul3A, %reduce_sum3A [1] : vector<512x3xf32> to vector<512xf32>
    %broadcast_in_dim3A = vector.shape_cast %reduce_sum3A_5 : vector<512xf32> to vector<512x1xf32>
    %mul3A_6 = arith.mulf %get3A_4, %get3A_4 : vector<3x625xf32>
    %reduce_sum3A_7 = arith.constant dense<0.000000e+00> : vector<625xf32>
    %reduce_sum3A_8 = vector.multi_reduction <add>, %mul3A_6, %reduce_sum3A_7 [0] : vector<3x625xf32> to vector<625xf32>
    %broadcast_in_dim3A_9 = vector.shape_cast %reduce_sum3A_8 : vector<625xf32> to vector<1x625xf32>
    %convert_element_type3A = arith.truncf %get3A_1 : vector<512x3xf32> to vector<512x3xbf16>
    %convert_element_type3A_10 = arith.truncf %get3A_4 : vector<3x625xf32> to vector<3x625xbf16>
    %dot_general3A = arith.constant dense<0.000000e+00> : vector<512x625xf32>
    %dot_general3A_11 = tpu.matmul %convert_element_type3A, %convert_element_type3A_10, %dot_general3A {dimension_numbers = #tpu.dot_dimension_numbers<[1], [0], [0], [1], [0, 0, 1, 1], [], []>, transpose_lhs_hint = false} : vector<512x3xbf16>, vector<3x625xbf16>, vector<512x625xf32> -> vector<512x625xf32>
    %add3A = vector.broadcast %broadcast_in_dim3A : vector<512x1xf32> to vector<512x625xf32>
    %add3A_12 = vector.broadcast %broadcast_in_dim3A_9 : vector<1x625xf32> to vector<512x625xf32>
    %add3A_13 = arith.addf %add3A, %add3A_12 : vector<512x625xf32>
    %mul3A_14 = arith.constant 2.000000e+00 : f32
    %mul3A_15 = vector.broadcast %mul3A_14 : f32 to vector<512x625xf32>
    %mul3A_16 = arith.mulf %mul3A_15, %dot_general3A_11 : vector<512x625xf32>
    %sub3A = arith.subf %add3A_13, %mul3A_16 : vector<512x625xf32>
    %iota3A = tpu.iota {dimensions = array<i32: 1>} : vector<512x625xi32>
    %get3A_17 = arith.constant 0 : index
    %get3A_18 = arith.constant 0 : index
    %get3A_19 = vector.load %arg3[%get3A_17, %get3A_18] : memref<625x256xf32, #tpu.memory_space<vmem>>, vector<625x256xf32>
    %convert_element_type3A_20 = arith.truncf %get3A_19 : vector<625x256xf32> to vector<625x256xbf16>
    %convert_element_type3A_21 = arith.extf %convert_element_type3A_20 : vector<625x256xbf16> to vector<625x256xf32>
    %sub3A_22 = arith.subf %get3A_19, %convert_element_type3A_21 : vector<625x256xf32>
    %convert_element_type3A_23 = arith.truncf %sub3A_22 : vector<625x256xf32> to vector<625x256xbf16>
    %reduce_min3A = arith.constant dense<0x7F800000> : vector<512xf32>
    %reduce_min3A_24 = vector.multi_reduction <minimumf>, %sub3A, %reduce_min3A [1] : vector<512x625xf32> to vector<512xf32>
    %broadcast_in_dim3A_25 = vector.shape_cast %reduce_min3A_24 : vector<512xf32> to vector<512x1xf32>
    %eq3A = vector.broadcast %broadcast_in_dim3A_25 : vector<512x1xf32> to vector<512x625xf32>
    %eq3A_26 = arith.cmpf oeq, %sub3A, %eq3A : vector<512x625xf32>
    %jit3A = arith.constant 1073741824 : i32
    %broadcast_in_dim3A_27 = vector.broadcast %jit3A : i32 to vector<512x625xi32>
    %select_n3A = arith.select %eq3A_26, %iota3A, %broadcast_in_dim3A_27 : vector<512x625xi1>, vector<512x625xi32>
    %reduce_min3A_28 = arith.constant dense<2147483647> : vector<512xi32>
    %reduce_min3A_29 = vector.multi_reduction <minsi>, %select_n3A, %reduce_min3A_28 [1] : vector<512x625xi32> to vector<512xi32>
    %broadcast_in_dim3A_30 = vector.shape_cast %reduce_min3A_29 : vector<512xi32> to vector<512x1xi32>
    %eq3A_31 = vector.broadcast %broadcast_in_dim3A_30 : vector<512x1xi32> to vector<512x625xi32>
    %eq3A_32 = arith.cmpi eq, %iota3A, %eq3A_31 : vector<512x625xi32>
    %jit3A_33 = arith.constant 0x7F800000 : f32
    %broadcast_in_dim3A_34 = vector.broadcast %jit3A_33 : f32 to vector<512x625xf32>
    %select_n3A_35 = arith.select %eq3A_32, %broadcast_in_dim3A_34, %sub3A : vector<512x625xi1>, vector<512x625xf32>
    %max3A = arith.constant 0.000000e+00 : f32
    %max3A_36 = vector.broadcast %max3A : f32 to vector<512x1xf32>
    %max3A_37 = arith.maximumf %broadcast_in_dim3A_25, %max3A_36 : vector<512x1xf32>
    %add3A_38 = arith.constant 9.99999993E-9 : f32
    %add3A_39 = vector.broadcast %add3A_38 : f32 to vector<512x1xf32>
    %add3A_40 = arith.addf %max3A_37, %add3A_39 : vector<512x1xf32>
    %div3A = arith.constant 1.000000e+00 : f32
    %div3A_41 = vector.broadcast %div3A : f32 to vector<512x1xf32>
    %div3A_42 = arith.divf %div3A_41, %add3A_40 : vector<512x1xf32>
    %convert_element_type3A_43 = arith.extui %eq3A_32 : vector<512x625xi1> to vector<512x625xi32>
    %convert_element_type3A_44 = arith.sitofp %convert_element_type3A_43 : vector<512x625xi32> to vector<512x625xf32>
    %convert_element_type3A_45 = arith.truncf %convert_element_type3A_44 : vector<512x625xf32> to vector<512x625xbf16>
    %dot_general3A_46 = arith.constant dense<0.000000e+00> : vector<512x256xf32>
    %dot_general3A_47 = tpu.matmul %convert_element_type3A_45, %convert_element_type3A_20, %dot_general3A_46 {dimension_numbers = #tpu.dot_dimension_numbers<[1], [0], [0], [1], [0, 0, 1, 1], [], []>, transpose_lhs_hint = false} : vector<512x625xbf16>, vector<625x256xbf16>, vector<512x256xf32> -> vector<512x256xf32>
    %dot_general3A_48 = arith.constant dense<0.000000e+00> : vector<512x256xf32>
    %dot_general3A_49 = tpu.matmul %convert_element_type3A_45, %convert_element_type3A_23, %dot_general3A_48 {dimension_numbers = #tpu.dot_dimension_numbers<[1], [0], [0], [1], [0, 0, 1, 1], [], []>, transpose_lhs_hint = false} : vector<512x625xbf16>, vector<625x256xbf16>, vector<512x256xf32> -> vector<512x256xf32>
    %add3A_50 = arith.addf %dot_general3A_47, %dot_general3A_49 : vector<512x256xf32>
    %reduce_min3A_51 = arith.constant dense<0x7F800000> : vector<512xf32>
    %reduce_min3A_52 = vector.multi_reduction <minimumf>, %select_n3A_35, %reduce_min3A_51 [1] : vector<512x625xf32> to vector<512xf32>
    %broadcast_in_dim3A_53 = vector.shape_cast %reduce_min3A_52 : vector<512xf32> to vector<512x1xf32>
    %eq3A_54 = vector.broadcast %broadcast_in_dim3A_53 : vector<512x1xf32> to vector<512x625xf32>
    %eq3A_55 = arith.cmpf oeq, %select_n3A_35, %eq3A_54 : vector<512x625xf32>
    %jit3A_56 = arith.constant 1073741824 : i32
    %broadcast_in_dim3A_57 = vector.broadcast %jit3A_56 : i32 to vector<512x625xi32>
    %select_n3A_58 = arith.select %eq3A_55, %iota3A, %broadcast_in_dim3A_57 : vector<512x625xi1>, vector<512x625xi32>
    %reduce_min3A_59 = arith.constant dense<2147483647> : vector<512xi32>
    %reduce_min3A_60 = vector.multi_reduction <minsi>, %select_n3A_58, %reduce_min3A_59 [1] : vector<512x625xi32> to vector<512xi32>
    %broadcast_in_dim3A_61 = vector.shape_cast %reduce_min3A_60 : vector<512xi32> to vector<512x1xi32>
    %eq3A_62 = vector.broadcast %broadcast_in_dim3A_61 : vector<512x1xi32> to vector<512x625xi32>
    %eq3A_63 = arith.cmpi eq, %iota3A, %eq3A_62 : vector<512x625xi32>
    %jit3A_64 = arith.constant 0x7F800000 : f32
    %broadcast_in_dim3A_65 = vector.broadcast %jit3A_64 : f32 to vector<512x625xf32>
    %select_n3A_66 = arith.select %eq3A_63, %broadcast_in_dim3A_65, %select_n3A_35 : vector<512x625xi1>, vector<512x625xf32>
    %max3A_67 = arith.constant 0.000000e+00 : f32
    %max3A_68 = vector.broadcast %max3A_67 : f32 to vector<512x1xf32>
    %max3A_69 = arith.maximumf %broadcast_in_dim3A_53, %max3A_68 : vector<512x1xf32>
    %add3A_70 = arith.constant 9.99999993E-9 : f32
    %add3A_71 = vector.broadcast %add3A_70 : f32 to vector<512x1xf32>
    %add3A_72 = arith.addf %max3A_69, %add3A_71 : vector<512x1xf32>
    %div3A_73 = arith.constant 1.000000e+00 : f32
    %div3A_74 = vector.broadcast %div3A_73 : f32 to vector<512x1xf32>
    %div3A_75 = arith.divf %div3A_74, %add3A_72 : vector<512x1xf32>
    %convert_element_type3A_76 = arith.extui %eq3A_63 : vector<512x625xi1> to vector<512x625xi32>
    %convert_element_type3A_77 = arith.sitofp %convert_element_type3A_76 : vector<512x625xi32> to vector<512x625xf32>
    %convert_element_type3A_78 = arith.truncf %convert_element_type3A_77 : vector<512x625xf32> to vector<512x625xbf16>
    %dot_general3A_79 = arith.constant dense<0.000000e+00> : vector<512x256xf32>
    %dot_general3A_80 = tpu.matmul %convert_element_type3A_78, %convert_element_type3A_20, %dot_general3A_79 {dimension_numbers = #tpu.dot_dimension_numbers<[1], [0], [0], [1], [0, 0, 1, 1], [], []>, transpose_lhs_hint = false} : vector<512x625xbf16>, vector<625x256xbf16>, vector<512x256xf32> -> vector<512x256xf32>
    %dot_general3A_81 = arith.constant dense<0.000000e+00> : vector<512x256xf32>
    %dot_general3A_82 = tpu.matmul %convert_element_type3A_78, %convert_element_type3A_23, %dot_general3A_81 {dimension_numbers = #tpu.dot_dimension_numbers<[1], [0], [0], [1], [0, 0, 1, 1], [], []>, transpose_lhs_hint = false} : vector<512x625xbf16>, vector<625x256xbf16>, vector<512x256xf32> -> vector<512x256xf32>
    %add3A_83 = arith.addf %dot_general3A_80, %dot_general3A_82 : vector<512x256xf32>
    %reduce_min3A_84 = arith.constant dense<0x7F800000> : vector<512xf32>
    %reduce_min3A_85 = vector.multi_reduction <minimumf>, %select_n3A_66, %reduce_min3A_84 [1] : vector<512x625xf32> to vector<512xf32>
    %broadcast_in_dim3A_86 = vector.shape_cast %reduce_min3A_85 : vector<512xf32> to vector<512x1xf32>
    %eq3A_87 = vector.broadcast %broadcast_in_dim3A_86 : vector<512x1xf32> to vector<512x625xf32>
    %eq3A_88 = arith.cmpf oeq, %select_n3A_66, %eq3A_87 : vector<512x625xf32>
    %jit3A_89 = arith.constant 1073741824 : i32
    %broadcast_in_dim3A_90 = vector.broadcast %jit3A_89 : i32 to vector<512x625xi32>
    %select_n3A_91 = arith.select %eq3A_88, %iota3A, %broadcast_in_dim3A_90 : vector<512x625xi1>, vector<512x625xi32>
    %reduce_min3A_92 = arith.constant dense<2147483647> : vector<512xi32>
    %reduce_min3A_93 = vector.multi_reduction <minsi>, %select_n3A_91, %reduce_min3A_92 [1] : vector<512x625xi32> to vector<512xi32>
    %broadcast_in_dim3A_94 = vector.shape_cast %reduce_min3A_93 : vector<512xi32> to vector<512x1xi32>
    %eq3A_95 = vector.broadcast %broadcast_in_dim3A_94 : vector<512x1xi32> to vector<512x625xi32>
    %eq3A_96 = arith.cmpi eq, %iota3A, %eq3A_95 : vector<512x625xi32>
    %max3A_97 = arith.constant 0.000000e+00 : f32
    %max3A_98 = vector.broadcast %max3A_97 : f32 to vector<512x1xf32>
    %max3A_99 = arith.maximumf %broadcast_in_dim3A_86, %max3A_98 : vector<512x1xf32>
    %add3A_100 = arith.constant 9.99999993E-9 : f32
    %add3A_101 = vector.broadcast %add3A_100 : f32 to vector<512x1xf32>
    %add3A_102 = arith.addf %max3A_99, %add3A_101 : vector<512x1xf32>
    %div3A_103 = arith.constant 1.000000e+00 : f32
    %div3A_104 = vector.broadcast %div3A_103 : f32 to vector<512x1xf32>
    %div3A_105 = arith.divf %div3A_104, %add3A_102 : vector<512x1xf32>
    %convert_element_type3A_106 = arith.extui %eq3A_96 : vector<512x625xi1> to vector<512x625xi32>
    %convert_element_type3A_107 = arith.sitofp %convert_element_type3A_106 : vector<512x625xi32> to vector<512x625xf32>
    %convert_element_type3A_108 = arith.truncf %convert_element_type3A_107 : vector<512x625xf32> to vector<512x625xbf16>
    %dot_general3A_109 = arith.constant dense<0.000000e+00> : vector<512x256xf32>
    %dot_general3A_110 = tpu.matmul %convert_element_type3A_108, %convert_element_type3A_20, %dot_general3A_109 {dimension_numbers = #tpu.dot_dimension_numbers<[1], [0], [0], [1], [0, 0, 1, 1], [], []>, transpose_lhs_hint = false} : vector<512x625xbf16>, vector<625x256xbf16>, vector<512x256xf32> -> vector<512x256xf32>
    %dot_general3A_111 = arith.constant dense<0.000000e+00> : vector<512x256xf32>
    %dot_general3A_112 = tpu.matmul %convert_element_type3A_108, %convert_element_type3A_23, %dot_general3A_111 {dimension_numbers = #tpu.dot_dimension_numbers<[1], [0], [0], [1], [0, 0, 1, 1], [], []>, transpose_lhs_hint = false} : vector<512x625xbf16>, vector<625x256xbf16>, vector<512x256xf32> -> vector<512x256xf32>
    %add3A_113 = arith.addf %dot_general3A_110, %dot_general3A_112 : vector<512x256xf32>
    %add3A_114 = arith.addf %div3A_42, %div3A_75 : vector<512x1xf32>
    %add3A_115 = arith.addf %add3A_114, %div3A_105 : vector<512x1xf32>
    %div3A_116 = arith.divf %div3A_42, %add3A_115 : vector<512x1xf32>
    %mul3A_117 = vector.broadcast %div3A_116 : vector<512x1xf32> to vector<512x256xf32>
    %mul3A_118 = arith.mulf %mul3A_117, %add3A_50 : vector<512x256xf32>
    %div3A_119 = arith.divf %div3A_75, %add3A_115 : vector<512x1xf32>
    %mul3A_120 = vector.broadcast %div3A_119 : vector<512x1xf32> to vector<512x256xf32>
    %mul3A_121 = arith.mulf %mul3A_120, %add3A_83 : vector<512x256xf32>
    %add3A_122 = arith.addf %mul3A_118, %mul3A_121 : vector<512x256xf32>
    %div3A_123 = arith.divf %div3A_105, %add3A_115 : vector<512x1xf32>
    %mul3A_124 = vector.broadcast %div3A_123 : vector<512x1xf32> to vector<512x256xf32>
    %mul3A_125 = arith.mulf %mul3A_124, %add3A_113 : vector<512x256xf32>
    %add3A_126 = arith.addf %add3A_122, %mul3A_125 : vector<512x256xf32>
    %get3A_127 = arith.constant 0 : index
    %get3A_128 = arith.constant 0 : index
    %get3A_129 = vector.load %arg5[%get3A_127, %get3A_128] : memref<256x256xf32, #tpu.memory_space<vmem>>, vector<256x256xf32>
    %convert_element_type3A_130 = arith.truncf %add3A_126 : vector<512x256xf32> to vector<512x256xbf16>
    %convert_element_type3A_131 = arith.truncf %get3A_129 : vector<256x256xf32> to vector<256x256xbf16>
    %dot_general3A_132 = arith.constant dense<0.000000e+00> : vector<512x256xf32>
    %dot_general3A_133 = tpu.matmul %convert_element_type3A_130, %convert_element_type3A_131, %dot_general3A_132 {dimension_numbers = #tpu.dot_dimension_numbers<[1], [0], [0], [1], [0, 0, 1, 1], [], []>, transpose_lhs_hint = false} : vector<512x256xbf16>, vector<256x256xbf16>, vector<512x256xf32> -> vector<512x256xf32>
    %get3A_134 = arith.constant 0 : index
    %get3A_135 = arith.constant 0 : index
    %get3A_136 = vector.load %arg4[%get3A_134, %get3A_135] : memref<512x256xf32, #tpu.memory_space<vmem>>, vector<512x256xf32>
    %get3A_137 = arith.constant 0 : index
    %get3A_138 = arith.constant 0 : index
    %get3A_139 = vector.load %arg6[%get3A_137, %get3A_138] : memref<256x256xf32, #tpu.memory_space<vmem>>, vector<256x256xf32>
    %convert_element_type3A_140 = arith.truncf %get3A_136 : vector<512x256xf32> to vector<512x256xbf16>
    %convert_element_type3A_141 = arith.truncf %get3A_139 : vector<256x256xf32> to vector<256x256xbf16>
    %dot_general3A_142 = arith.constant dense<0.000000e+00> : vector<512x256xf32>
    %dot_general3A_143 = tpu.matmul %convert_element_type3A_140, %convert_element_type3A_141, %dot_general3A_142 {dimension_numbers = #tpu.dot_dimension_numbers<[1], [0], [0], [1], [0, 0, 1, 1], [], []>, transpose_lhs_hint = false} : vector<512x256xbf16>, vector<256x256xbf16>, vector<512x256xf32> -> vector<512x256xf32>
    %add3A_144 = arith.addf %dot_general3A_133, %dot_general3A_143 : vector<512x256xf32>
    %get3A_145 = arith.constant 0 : index
    %get3A_146 = arith.constant 0 : index
    %get3A_147 = vector.load %arg7[%get3A_145, %get3A_146] : memref<1x256xf32, #tpu.memory_space<vmem>>, vector<1x256xf32>
    %add3A_148 = vector.broadcast %get3A_147 : vector<1x256xf32> to vector<512x256xf32>
    %add3A_149 = arith.addf %add3A_144, %add3A_148 : vector<512x256xf32>
    %max3A_150 = arith.constant 0.000000e+00 : f32
    %max3A_151 = vector.broadcast %max3A_150 : f32 to vector<512x256xf32>
    %max3A_152 = arith.maximumf %add3A_149, %max3A_151 : vector<512x256xf32>
    %swap3A = arith.constant 0 : index
    %swap3A_153 = arith.constant 0 : index
    %swap3A_154 = vector.load %arg8[%swap3A, %swap3A_153] : memref<512x256xf32, #tpu.memory_space<vmem>>, vector<512x256xf32>
    tpu.vector_store %arg8[%swap3A, %swap3A_153], %max3A_152 {strides = array<i32>} : memref<512x256xf32, #tpu.memory_space<vmem>>, vector<512x256xf32>,
    return
  }
  func.func @transform_0(%arg0: i32) -> (i32, i32) {
    %c0_i32 = arith.constant 0 : i32
    %c0_i32_0 = arith.constant 0 : i32
    return %arg0, %c0_i32 : i32, i32
  }
  func.func @transform_1(%arg0: i32) -> (i32, i32) {
    %c0_i32 = arith.constant 0 : i32
    %c0_i32_0 = arith.constant 0 : i32
    %c0_i32_1 = arith.constant 0 : i32
    return %c0_i32, %c0_i32_0 : i32, i32
  }
  func.func @transform_2(%arg0: i32) -> (i32, i32) {
    %c0_i32 = arith.constant 0 : i32
    %c0_i32_0 = arith.constant 0 : i32
    %c0_i32_1 = arith.constant 0 : i32
    return %c0_i32, %c0_i32_0 : i32, i32
  }
  func.func @transform_3(%arg0: i32) -> (i32, i32) {
    %c0_i32 = arith.constant 0 : i32
    %c0_i32_0 = arith.constant 0 : i32
    return %arg0, %c0_i32 : i32, i32
  }
  func.func @transform_4(%arg0: i32) -> (i32, i32) {
    %c0_i32 = arith.constant 0 : i32
    %c0_i32_0 = arith.constant 0 : i32
    %c0_i32_1 = arith.constant 0 : i32
    return %c0_i32, %c0_i32_0 : i32, i32
  }
  func.func @transform_5(%arg0: i32) -> (i32, i32) {
    %c0_i32 = arith.constant 0 : i32
    %c0_i32_0 = arith.constant 0 : i32
    %c0_i32_1 = arith.constant 0 : i32
    return %c0_i32, %c0_i32_0 : i32, i32
  }
  func.func @transform_6(%arg0: i32) -> (i32, i32) {
    %c0_i32 = arith.constant 0 : i32
    %c0_i32_0 = arith.constant 0 : i32
    %c0_i32_1 = arith.constant 0 : i32
    return %c0_i32, %c0_i32_0 : i32, i32
  }
  func.func @transform_7(%arg0: i32) -> (i32, i32) {
    %c0_i32 = arith.constant 0 : i32
    %c0_i32_0 = arith.constant 0 : i32
    return %arg0, %c0_i32 : i32, i32
  }
}

module attributes {stable_mosaic.version = 14 : i64} {
  func.func @_interp_fp_body(%arg0: i32, %arg1: memref<400x3xf32, #tpu.memory_space<vmem>>, %arg2: memref<3x2500xf32, #tpu.memory_space<vmem>>, %arg3: memref<2500x256xf32, #tpu.memory_space<vmem>>, %arg4: memref<400x128xf32, #tpu.memory_space<vmem>>, %arg5: memref<256x128xf32, #tpu.memory_space<vmem>>, %arg6: memref<128x128xf32, #tpu.memory_space<vmem>>, %arg7: memref<1x128xf32, #tpu.memory_space<vmem>>, %arg8: memref<400x128xf32, #tpu.memory_space<vmem>>) attributes {dimension_semantics = [#tpu.dimension_semantics<arbitrary>], iteration_bounds = array<i64: 25>, scalar_prefetch = 0 : i64, scratch_operands = 0 : i64, tpu.core_type = #tpu.core_type<tc>, window_params = [{transform_indices = @transform_0, window_bounds = array<i64: 400, 3>}, {pipeline_mode = #tpu.pipeline_mode<synchronous>, transform_indices = @transform_1, window_bounds = array<i64: 3, 2500>}, {pipeline_mode = #tpu.pipeline_mode<synchronous>, transform_indices = @transform_2, window_bounds = array<i64: 2500, 256>}, {transform_indices = @transform_3, window_bounds = array<i64: 400, 128>}, {pipeline_mode = #tpu.pipeline_mode<synchronous>, transform_indices = @transform_4, window_bounds = array<i64: 256, 128>}, {pipeline_mode = #tpu.pipeline_mode<synchronous>, transform_indices = @transform_5, window_bounds = array<i64: 128, 128>}, {pipeline_mode = #tpu.pipeline_mode<synchronous>, transform_indices = @transform_6, window_bounds = array<i64: 1, 128>}, {transform_indices = @transform_7, window_bounds = array<i64: 400, 128>}]} {
    %get3A = arith.constant 0 : index
    %get3A_0 = arith.constant 0 : index
    %get3A_1 = vector.load %arg1[%get3A, %get3A_0] : memref<400x3xf32, #tpu.memory_space<vmem>>, vector<400x3xf32>
    %get3A_2 = arith.constant 0 : index
    %get3A_3 = arith.constant 0 : index
    %get3A_4 = vector.load %arg2[%get3A_2, %get3A_3] : memref<3x2500xf32, #tpu.memory_space<vmem>>, vector<3x2500xf32>
    %mul3A = arith.mulf %get3A_1, %get3A_1 : vector<400x3xf32>
    %reduce_sum3A = arith.constant dense<0.000000e+00> : vector<400xf32>
    %reduce_sum3A_5 = vector.multi_reduction <add>, %mul3A, %reduce_sum3A [1] : vector<400x3xf32> to vector<400xf32>
    %broadcast_in_dim3A = vector.shape_cast %reduce_sum3A_5 : vector<400xf32> to vector<400x1xf32>
    %mul3A_6 = arith.mulf %get3A_4, %get3A_4 : vector<3x2500xf32>
    %reduce_sum3A_7 = arith.constant dense<0.000000e+00> : vector<2500xf32>
    %reduce_sum3A_8 = vector.multi_reduction <add>, %mul3A_6, %reduce_sum3A_7 [0] : vector<3x2500xf32> to vector<2500xf32>
    %broadcast_in_dim3A_9 = vector.shape_cast %reduce_sum3A_8 : vector<2500xf32> to vector<1x2500xf32>
    %convert_element_type3A = arith.truncf %get3A_1 : vector<400x3xf32> to vector<400x3xbf16>
    %convert_element_type3A_10 = arith.truncf %get3A_4 : vector<3x2500xf32> to vector<3x2500xbf16>
    %dot_general3A = arith.constant dense<0.000000e+00> : vector<400x2500xf32>
    %dot_general3A_11 = tpu.matmul %convert_element_type3A, %convert_element_type3A_10, %dot_general3A {dimension_numbers = #tpu.dot_dimension_numbers<[1], [0], [0], [1], [0, 0, 1, 1], [], []>, transpose_lhs_hint = false} : vector<400x3xbf16>, vector<3x2500xbf16>, vector<400x2500xf32> -> vector<400x2500xf32>
    %add3A = vector.broadcast %broadcast_in_dim3A : vector<400x1xf32> to vector<400x2500xf32>
    %add3A_12 = vector.broadcast %broadcast_in_dim3A_9 : vector<1x2500xf32> to vector<400x2500xf32>
    %add3A_13 = arith.addf %add3A, %add3A_12 : vector<400x2500xf32>
    %mul3A_14 = arith.constant 2.000000e+00 : f32
    %mul3A_15 = vector.broadcast %mul3A_14 : f32 to vector<400x2500xf32>
    %mul3A_16 = arith.mulf %mul3A_15, %dot_general3A_11 : vector<400x2500xf32>
    %sub3A = arith.subf %add3A_13, %mul3A_16 : vector<400x2500xf32>
    %iota3A = tpu.iota {dimensions = array<i32: 1>} : vector<400x2500xi32>
    %get3A_17 = arith.constant 0 : index
    %get3A_18 = arith.constant 0 : index
    %get3A_19 = vector.load %arg3[%get3A_17, %get3A_18] : memref<2500x256xf32, #tpu.memory_space<vmem>>, vector<2500x256xf32>
    %convert_element_type3A_20 = arith.truncf %get3A_19 : vector<2500x256xf32> to vector<2500x256xbf16>
    %convert_element_type3A_21 = arith.extf %convert_element_type3A_20 : vector<2500x256xbf16> to vector<2500x256xf32>
    %sub3A_22 = arith.subf %get3A_19, %convert_element_type3A_21 : vector<2500x256xf32>
    %convert_element_type3A_23 = arith.truncf %sub3A_22 : vector<2500x256xf32> to vector<2500x256xbf16>
    %reduce_min3A = arith.constant dense<0x7F800000> : vector<400xf32>
    %reduce_min3A_24 = vector.multi_reduction <minimumf>, %sub3A, %reduce_min3A [1] : vector<400x2500xf32> to vector<400xf32>
    %broadcast_in_dim3A_25 = vector.shape_cast %reduce_min3A_24 : vector<400xf32> to vector<400x1xf32>
    %eq3A = vector.broadcast %broadcast_in_dim3A_25 : vector<400x1xf32> to vector<400x2500xf32>
    %eq3A_26 = arith.cmpf oeq, %sub3A, %eq3A : vector<400x2500xf32>
    %jit3A = arith.constant 1073741824 : i32
    %broadcast_in_dim3A_27 = vector.broadcast %jit3A : i32 to vector<400x2500xi32>
    %select_n3A = arith.select %eq3A_26, %iota3A, %broadcast_in_dim3A_27 : vector<400x2500xi1>, vector<400x2500xi32>
    %reduce_min3A_28 = arith.constant dense<2147483647> : vector<400xi32>
    %reduce_min3A_29 = vector.multi_reduction <minsi>, %select_n3A, %reduce_min3A_28 [1] : vector<400x2500xi32> to vector<400xi32>
    %broadcast_in_dim3A_30 = vector.shape_cast %reduce_min3A_29 : vector<400xi32> to vector<400x1xi32>
    %eq3A_31 = vector.broadcast %broadcast_in_dim3A_30 : vector<400x1xi32> to vector<400x2500xi32>
    %eq3A_32 = arith.cmpi eq, %iota3A, %eq3A_31 : vector<400x2500xi32>
    %jit3A_33 = arith.constant 0x7F800000 : f32
    %broadcast_in_dim3A_34 = vector.broadcast %jit3A_33 : f32 to vector<400x2500xf32>
    %select_n3A_35 = arith.select %eq3A_32, %broadcast_in_dim3A_34, %sub3A : vector<400x2500xi1>, vector<400x2500xf32>
    %max3A = arith.constant 0.000000e+00 : f32
    %max3A_36 = vector.broadcast %max3A : f32 to vector<400x1xf32>
    %max3A_37 = arith.maximumf %broadcast_in_dim3A_25, %max3A_36 : vector<400x1xf32>
    %add3A_38 = arith.constant 9.99999993E-9 : f32
    %add3A_39 = vector.broadcast %add3A_38 : f32 to vector<400x1xf32>
    %add3A_40 = arith.addf %max3A_37, %add3A_39 : vector<400x1xf32>
    %div3A = arith.constant 1.000000e+00 : f32
    %div3A_41 = vector.broadcast %div3A : f32 to vector<400x1xf32>
    %div3A_42 = arith.divf %div3A_41, %add3A_40 : vector<400x1xf32>
    %convert_element_type3A_43 = arith.extui %eq3A_32 : vector<400x2500xi1> to vector<400x2500xi32>
    %convert_element_type3A_44 = arith.sitofp %convert_element_type3A_43 : vector<400x2500xi32> to vector<400x2500xf32>
    %convert_element_type3A_45 = arith.truncf %convert_element_type3A_44 : vector<400x2500xf32> to vector<400x2500xbf16>
    %dot_general3A_46 = arith.constant dense<0.000000e+00> : vector<400x256xf32>
    %dot_general3A_47 = tpu.matmul %convert_element_type3A_45, %convert_element_type3A_20, %dot_general3A_46 {dimension_numbers = #tpu.dot_dimension_numbers<[1], [0], [0], [1], [0, 0, 1, 1], [], []>, transpose_lhs_hint = false} : vector<400x2500xbf16>, vector<2500x256xbf16>, vector<400x256xf32> -> vector<400x256xf32>
    %dot_general3A_48 = arith.constant dense<0.000000e+00> : vector<400x256xf32>
    %dot_general3A_49 = tpu.matmul %convert_element_type3A_45, %convert_element_type3A_23, %dot_general3A_48 {dimension_numbers = #tpu.dot_dimension_numbers<[1], [0], [0], [1], [0, 0, 1, 1], [], []>, transpose_lhs_hint = false} : vector<400x2500xbf16>, vector<2500x256xbf16>, vector<400x256xf32> -> vector<400x256xf32>
    %add3A_50 = arith.addf %dot_general3A_47, %dot_general3A_49 : vector<400x256xf32>
    %reduce_min3A_51 = arith.constant dense<0x7F800000> : vector<400xf32>
    %reduce_min3A_52 = vector.multi_reduction <minimumf>, %select_n3A_35, %reduce_min3A_51 [1] : vector<400x2500xf32> to vector<400xf32>
    %broadcast_in_dim3A_53 = vector.shape_cast %reduce_min3A_52 : vector<400xf32> to vector<400x1xf32>
    %eq3A_54 = vector.broadcast %broadcast_in_dim3A_53 : vector<400x1xf32> to vector<400x2500xf32>
    %eq3A_55 = arith.cmpf oeq, %select_n3A_35, %eq3A_54 : vector<400x2500xf32>
    %jit3A_56 = arith.constant 1073741824 : i32
    %broadcast_in_dim3A_57 = vector.broadcast %jit3A_56 : i32 to vector<400x2500xi32>
    %select_n3A_58 = arith.select %eq3A_55, %iota3A, %broadcast_in_dim3A_57 : vector<400x2500xi1>, vector<400x2500xi32>
    %reduce_min3A_59 = arith.constant dense<2147483647> : vector<400xi32>
    %reduce_min3A_60 = vector.multi_reduction <minsi>, %select_n3A_58, %reduce_min3A_59 [1] : vector<400x2500xi32> to vector<400xi32>
    %broadcast_in_dim3A_61 = vector.shape_cast %reduce_min3A_60 : vector<400xi32> to vector<400x1xi32>
    %eq3A_62 = vector.broadcast %broadcast_in_dim3A_61 : vector<400x1xi32> to vector<400x2500xi32>
    %eq3A_63 = arith.cmpi eq, %iota3A, %eq3A_62 : vector<400x2500xi32>
    %jit3A_64 = arith.constant 0x7F800000 : f32
    %broadcast_in_dim3A_65 = vector.broadcast %jit3A_64 : f32 to vector<400x2500xf32>
    %select_n3A_66 = arith.select %eq3A_63, %broadcast_in_dim3A_65, %select_n3A_35 : vector<400x2500xi1>, vector<400x2500xf32>
    %max3A_67 = arith.constant 0.000000e+00 : f32
    %max3A_68 = vector.broadcast %max3A_67 : f32 to vector<400x1xf32>
    %max3A_69 = arith.maximumf %broadcast_in_dim3A_53, %max3A_68 : vector<400x1xf32>
    %add3A_70 = arith.constant 9.99999993E-9 : f32
    %add3A_71 = vector.broadcast %add3A_70 : f32 to vector<400x1xf32>
    %add3A_72 = arith.addf %max3A_69, %add3A_71 : vector<400x1xf32>
    %div3A_73 = arith.constant 1.000000e+00 : f32
    %div3A_74 = vector.broadcast %div3A_73 : f32 to vector<400x1xf32>
    %div3A_75 = arith.divf %div3A_74, %add3A_72 : vector<400x1xf32>
    %convert_element_type3A_76 = arith.extui %eq3A_63 : vector<400x2500xi1> to vector<400x2500xi32>
    %convert_element_type3A_77 = arith.sitofp %convert_element_type3A_76 : vector<400x2500xi32> to vector<400x2500xf32>
    %convert_element_type3A_78 = arith.truncf %convert_element_type3A_77 : vector<400x2500xf32> to vector<400x2500xbf16>
    %dot_general3A_79 = arith.constant dense<0.000000e+00> : vector<400x256xf32>
    %dot_general3A_80 = tpu.matmul %convert_element_type3A_78, %convert_element_type3A_20, %dot_general3A_79 {dimension_numbers = #tpu.dot_dimension_numbers<[1], [0], [0], [1], [0, 0, 1, 1], [], []>, transpose_lhs_hint = false} : vector<400x2500xbf16>, vector<2500x256xbf16>, vector<400x256xf32> -> vector<400x256xf32>
    %dot_general3A_81 = arith.constant dense<0.000000e+00> : vector<400x256xf32>
    %dot_general3A_82 = tpu.matmul %convert_element_type3A_78, %convert_element_type3A_23, %dot_general3A_81 {dimension_numbers = #tpu.dot_dimension_numbers<[1], [0], [0], [1], [0, 0, 1, 1], [], []>, transpose_lhs_hint = false} : vector<400x2500xbf16>, vector<2500x256xbf16>, vector<400x256xf32> -> vector<400x256xf32>
    %add3A_83 = arith.addf %dot_general3A_80, %dot_general3A_82 : vector<400x256xf32>
    %reduce_min3A_84 = arith.constant dense<0x7F800000> : vector<400xf32>
    %reduce_min3A_85 = vector.multi_reduction <minimumf>, %select_n3A_66, %reduce_min3A_84 [1] : vector<400x2500xf32> to vector<400xf32>
    %broadcast_in_dim3A_86 = vector.shape_cast %reduce_min3A_85 : vector<400xf32> to vector<400x1xf32>
    %eq3A_87 = vector.broadcast %broadcast_in_dim3A_86 : vector<400x1xf32> to vector<400x2500xf32>
    %eq3A_88 = arith.cmpf oeq, %select_n3A_66, %eq3A_87 : vector<400x2500xf32>
    %jit3A_89 = arith.constant 1073741824 : i32
    %broadcast_in_dim3A_90 = vector.broadcast %jit3A_89 : i32 to vector<400x2500xi32>
    %select_n3A_91 = arith.select %eq3A_88, %iota3A, %broadcast_in_dim3A_90 : vector<400x2500xi1>, vector<400x2500xi32>
    %reduce_min3A_92 = arith.constant dense<2147483647> : vector<400xi32>
    %reduce_min3A_93 = vector.multi_reduction <minsi>, %select_n3A_91, %reduce_min3A_92 [1] : vector<400x2500xi32> to vector<400xi32>
    %broadcast_in_dim3A_94 = vector.shape_cast %reduce_min3A_93 : vector<400xi32> to vector<400x1xi32>
    %eq3A_95 = vector.broadcast %broadcast_in_dim3A_94 : vector<400x1xi32> to vector<400x2500xi32>
    %eq3A_96 = arith.cmpi eq, %iota3A, %eq3A_95 : vector<400x2500xi32>
    %max3A_97 = arith.constant 0.000000e+00 : f32
    %max3A_98 = vector.broadcast %max3A_97 : f32 to vector<400x1xf32>
    %max3A_99 = arith.maximumf %broadcast_in_dim3A_86, %max3A_98 : vector<400x1xf32>
    %add3A_100 = arith.constant 9.99999993E-9 : f32
    %add3A_101 = vector.broadcast %add3A_100 : f32 to vector<400x1xf32>
    %add3A_102 = arith.addf %max3A_99, %add3A_101 : vector<400x1xf32>
    %div3A_103 = arith.constant 1.000000e+00 : f32
    %div3A_104 = vector.broadcast %div3A_103 : f32 to vector<400x1xf32>
    %div3A_105 = arith.divf %div3A_104, %add3A_102 : vector<400x1xf32>
    %convert_element_type3A_106 = arith.extui %eq3A_96 : vector<400x2500xi1> to vector<400x2500xi32>
    %convert_element_type3A_107 = arith.sitofp %convert_element_type3A_106 : vector<400x2500xi32> to vector<400x2500xf32>
    %convert_element_type3A_108 = arith.truncf %convert_element_type3A_107 : vector<400x2500xf32> to vector<400x2500xbf16>
    %dot_general3A_109 = arith.constant dense<0.000000e+00> : vector<400x256xf32>
    %dot_general3A_110 = tpu.matmul %convert_element_type3A_108, %convert_element_type3A_20, %dot_general3A_109 {dimension_numbers = #tpu.dot_dimension_numbers<[1], [0], [0], [1], [0, 0, 1, 1], [], []>, transpose_lhs_hint = false} : vector<400x2500xbf16>, vector<2500x256xbf16>, vector<400x256xf32> -> vector<400x256xf32>
    %dot_general3A_111 = arith.constant dense<0.000000e+00> : vector<400x256xf32>
    %dot_general3A_112 = tpu.matmul %convert_element_type3A_108, %convert_element_type3A_23, %dot_general3A_111 {dimension_numbers = #tpu.dot_dimension_numbers<[1], [0], [0], [1], [0, 0, 1, 1], [], []>, transpose_lhs_hint = false} : vector<400x2500xbf16>, vector<2500x256xbf16>, vector<400x256xf32> -> vector<400x256xf32>
    %add3A_113 = arith.addf %dot_general3A_110, %dot_general3A_112 : vector<400x256xf32>
    %add3A_114 = arith.addf %div3A_42, %div3A_75 : vector<400x1xf32>
    %add3A_115 = arith.addf %add3A_114, %div3A_105 : vector<400x1xf32>
    %div3A_116 = arith.divf %div3A_42, %add3A_115 : vector<400x1xf32>
    %mul3A_117 = vector.broadcast %div3A_116 : vector<400x1xf32> to vector<400x256xf32>
    %mul3A_118 = arith.mulf %mul3A_117, %add3A_50 : vector<400x256xf32>
    %div3A_119 = arith.divf %div3A_75, %add3A_115 : vector<400x1xf32>
    %mul3A_120 = vector.broadcast %div3A_119 : vector<400x1xf32> to vector<400x256xf32>
    %mul3A_121 = arith.mulf %mul3A_120, %add3A_83 : vector<400x256xf32>
    %add3A_122 = arith.addf %mul3A_118, %mul3A_121 : vector<400x256xf32>
    %div3A_123 = arith.divf %div3A_105, %add3A_115 : vector<400x1xf32>
    %mul3A_124 = vector.broadcast %div3A_123 : vector<400x1xf32> to vector<400x256xf32>
    %mul3A_125 = arith.mulf %mul3A_124, %add3A_113 : vector<400x256xf32>
    %add3A_126 = arith.addf %add3A_122, %mul3A_125 : vector<400x256xf32>
    %get3A_127 = arith.constant 0 : index
    %get3A_128 = arith.constant 0 : index
    %get3A_129 = vector.load %arg5[%get3A_127, %get3A_128] : memref<256x128xf32, #tpu.memory_space<vmem>>, vector<256x128xf32>
    %convert_element_type3A_130 = arith.truncf %add3A_126 : vector<400x256xf32> to vector<400x256xbf16>
    %convert_element_type3A_131 = arith.truncf %get3A_129 : vector<256x128xf32> to vector<256x128xbf16>
    %dot_general3A_132 = arith.constant dense<0.000000e+00> : vector<400x128xf32>
    %dot_general3A_133 = tpu.matmul %convert_element_type3A_130, %convert_element_type3A_131, %dot_general3A_132 {dimension_numbers = #tpu.dot_dimension_numbers<[1], [0], [0], [1], [0, 0, 1, 1], [], []>, transpose_lhs_hint = false} : vector<400x256xbf16>, vector<256x128xbf16>, vector<400x128xf32> -> vector<400x128xf32>
    %get3A_134 = arith.constant 0 : index
    %get3A_135 = arith.constant 0 : index
    %get3A_136 = vector.load %arg4[%get3A_134, %get3A_135] : memref<400x128xf32, #tpu.memory_space<vmem>>, vector<400x128xf32>
    %get3A_137 = arith.constant 0 : index
    %get3A_138 = arith.constant 0 : index
    %get3A_139 = vector.load %arg6[%get3A_137, %get3A_138] : memref<128x128xf32, #tpu.memory_space<vmem>>, vector<128x128xf32>
    %convert_element_type3A_140 = arith.truncf %get3A_136 : vector<400x128xf32> to vector<400x128xbf16>
    %convert_element_type3A_141 = arith.truncf %get3A_139 : vector<128x128xf32> to vector<128x128xbf16>
    %dot_general3A_142 = arith.constant dense<0.000000e+00> : vector<400x128xf32>
    %dot_general3A_143 = tpu.matmul %convert_element_type3A_140, %convert_element_type3A_141, %dot_general3A_142 {dimension_numbers = #tpu.dot_dimension_numbers<[1], [0], [0], [1], [0, 0, 1, 1], [], []>, transpose_lhs_hint = false} : vector<400x128xbf16>, vector<128x128xbf16>, vector<400x128xf32> -> vector<400x128xf32>
    %add3A_144 = arith.addf %dot_general3A_133, %dot_general3A_143 : vector<400x128xf32>
    %get3A_145 = arith.constant 0 : index
    %get3A_146 = arith.constant 0 : index
    %get3A_147 = vector.load %arg7[%get3A_145, %get3A_146] : memref<1x128xf32, #tpu.memory_space<vmem>>, vector<1x128xf32>
    %add3A_148 = vector.broadcast %get3A_147 : vector<1x128xf32> to vector<400x128xf32>
    %add3A_149 = arith.addf %add3A_144, %add3A_148 : vector<400x128xf32>
    %max3A_150 = arith.constant 0.000000e+00 : f32
    %max3A_151 = vector.broadcast %max3A_150 : f32 to vector<400x128xf32>
    %max3A_152 = arith.maximumf %add3A_149, %max3A_151 : vector<400x128xf32>
    %swap3A = arith.constant 0 : index
    %swap3A_153 = arith.constant 0 : index
    %swap3A_154 = vector.load %arg8[%swap3A, %swap3A_153] : memref<400x128xf32, #tpu.memory_space<vmem>>, vector<400x128xf32>
    tpu.vector_store %arg8[%swap3A, %swap3A_153], %max3A_152 {strides = array<i32>} : memref<400x128xf32, #tpu.memory_space<vmem>>, vector<400x128xf32>,
    return
  }
  func.func @transform_0(%arg0: i32) -> (i32, i32) {
    %c0_i32 = arith.constant 0 : i32
    %c0_i32_0 = arith.constant 0 : i32
    return %arg0, %c0_i32 : i32, i32
  }
  func.func @transform_1(%arg0: i32) -> (i32, i32) {
    %c0_i32 = arith.constant 0 : i32
    %c0_i32_0 = arith.constant 0 : i32
    %c0_i32_1 = arith.constant 0 : i32
    return %c0_i32, %c0_i32_0 : i32, i32
  }
  func.func @transform_2(%arg0: i32) -> (i32, i32) {
    %c0_i32 = arith.constant 0 : i32
    %c0_i32_0 = arith.constant 0 : i32
    %c0_i32_1 = arith.constant 0 : i32
    return %c0_i32, %c0_i32_0 : i32, i32
  }
  func.func @transform_3(%arg0: i32) -> (i32, i32) {
    %c0_i32 = arith.constant 0 : i32
    %c0_i32_0 = arith.constant 0 : i32
    return %arg0, %c0_i32 : i32, i32
  }
  func.func @transform_4(%arg0: i32) -> (i32, i32) {
    %c0_i32 = arith.constant 0 : i32
    %c0_i32_0 = arith.constant 0 : i32
    %c0_i32_1 = arith.constant 0 : i32
    return %c0_i32, %c0_i32_0 : i32, i32
  }
  func.func @transform_5(%arg0: i32) -> (i32, i32) {
    %c0_i32 = arith.constant 0 : i32
    %c0_i32_0 = arith.constant 0 : i32
    %c0_i32_1 = arith.constant 0 : i32
    return %c0_i32, %c0_i32_0 : i32, i32
  }
  func.func @transform_6(%arg0: i32) -> (i32, i32) {
    %c0_i32 = arith.constant 0 : i32
    %c0_i32_0 = arith.constant 0 : i32
    %c0_i32_1 = arith.constant 0 : i32
    return %c0_i32, %c0_i32_0 : i32, i32
  }
  func.func @transform_7(%arg0: i32) -> (i32, i32) {
    %c0_i32 = arith.constant 0 : i32
    %c0_i32_0 = arith.constant 0 : i32
    return %arg0, %c0_i32 : i32, i32
  }
}

</mosaic_0001>

<sc_bundles>
// kernel: kernel.15.cloned.1.call-start
scs
__scs_entry_jumppad:
0x0: {  	(pc) =	sbr.rel $0x88, $3  }
0x1: {  	(tag) =	ssettag $0x0;
	lr =	simm.s32 $0x1  }
0x2: {  	[smem:$0x3F86] =	sst lr;
	_ =	strace $0xD0000000  }
0x3: {  	_ = 	snop  }
0x4: {  	_ = 	snop  }
0x5: {  	_ = 	snop  }
0x6: {  	_ = 	snop  }
0x7: {  	_ = 	snop  }
__scs_overlays_trampoline_lowered:
0x8: {  	[smem:$0x3F95] =	sst s0  }
0x9: {  	[smem:$0x3F96] =	sst s1  }
0xa: {  	[smem:$0x3F97] =	sst s2  }
0xb: {  	[smem:$0x3F98] =	sst s3  }
0xc: {  	[smem:$0x3F99] =	sst s4  }
0xd: {  	[smem:$0x3F9A] =	sst s5  }
0xe: {  	[smem:$0x3F9B] =	sst s6  }
0xf: {  	[smem:$0x3F9C] =	sst s7  }
0x10: {  	[smem:$0x3F9D] =	sst s8  }
0x11: {  	[smem:$0x3F9E] =	sst s9;
	s0 =	simm.s32 @!p0 $0x0  }
0x12: {  	s1 =	sld [smem:$0x3F84];
	s0 =	simm.s32 @p0 $0x1  }
0x13: {  	[smem:$0x3F9F] =	sst s0;
	s0 =	simm.s32 @!p1 $0x0  }
0x14: {  	s2 =	sld [smem:$0x3F83];
	s0 =	simm.s32 @p1 $0x1  }
0x15: {  	[smem:$0x3FA0] =	sst s0;
	s0 =	simm.s32 @!p2 $0x0  }
0x16: {  	s3 =	sld [smem:$0x3FDB];
	s0 =	simm.s32 @p2 $0x1  }
0x17: {  	s4 =	simm.s32 $0x1BF5;
	[smem:$0x3FA2] =	sst s0  }
0x18: {  	s0 =	sld [smem:$0x3F85];
	_ =	swait.ge [sflag:s4], $0x0  }
0x19: {  	s7 =	sld [smem:$0x3F86]  }
0x1a: {  	s8 =	sadd.s32 $0xFFFFE003, lr  }
0x1b: {  	s9 =	sadd.s32 $0xFFFFFEF7, lr;
	s5 =	simm.s32 $0xFFFFFFFF;
	p2 =	slt.u32 s8, $0xFFFFF086  }
0x1c: {  	p1 =	slt.u32 s9, $0xF7A;
	s5 =	simm.s32 @!p2 $0x0  }
0x1d: {  	s5 =	simm.s32 @p1 $0x1;
	p0 =	seq.s32 s7, s2  }
0x1e: {  	s7 =	smul.u32 @!p0 $0xF7A, s2;
	p2 =	seq.s32 @!p0 s5, $0x0  }
0x1f: {  	s9 =	smul.u32 $0xF7A, s1;
	s8 =	simm.s32 @!p0 $0x1BF5;
	p2 =	por !p2, p0  }
0x20: {  	[sflag:s8] =	ssyncset.s32 @!p0 $0xFFFFF086;
	s6 =	sadd.s32 @!p0 s3, s7;
	s7 =	simm.s32 @!p0 $0x108  }
0x21: {  	s3 =	sadd.s32 s3, s9;
	s6 =	sadd.s32 @!p0 $0x88, s6;
	s7 =	simm.s32 @p2 $0x1082  }
0x22: {  	[simem:s7], [sflag:s8] =	dma.local @!p0 [hbm:s6], $0xF7A  }
0x23: {  	s9 =	sor.u32 $0xD0000000, s2;
	s6 =	simm.s32 $0x108;
	_ =	swait.ge @!p0 [sflag:s8], $0x0  }
0x24: {  	s3 =	sadd.s32 $0x88, s3;
	s6 =	simm.s32 @!p1 $0x1082;
	[sflag:s4] =	ssyncset.s32 $0xFFFFF086  }
0x25: {  	[simem:s6], [sflag:s4] =	dma.local [hbm:s3], $0xF7A  }
0x26: {  	[smem:$0x3F86] =	sst s1;
	(tag) =	ssettag s2;
	_ =	strace s9  }
0x27: {  	s1 =	sld [smem:$0x3F96]  }
0x28: {  	s2 =	sld [smem:$0x3F97]  }
0x29: {  	s4 =	sld [smem:$0x3F99]  }
0x2a: {  	p0 =	seq.s32 s5, $0x0;
	s5 =	sld [smem:$0x3F9A]  }
0x2b: {  	s6 =	sld [smem:$0x3F9B]  }
0x2c: {  	s7 =	sld [smem:$0x3F9C]  }
0x2d: {  	s3 =	simm.s32 $0x108;
	s8 =	sld [smem:$0x3F9D]  }
0x2e: {  	s3 =	simm.s32 @!p0 $0x1082;
	s9 =	sld [smem:$0x3F9E]  }
0x2f: {  	lr =	sadd.s32 s0, s3;
	s0 =	sld [smem:$0x3F95]  }
0x30: {  	s3 =	sld [smem:$0x3F98]  }
0x31: {  	[smem:$0x3FA1] =	sst s10  }
0x32: {  	s10 =	sld [smem:$0x3F9F];
	_ =	sdelay $0x3  }
0x33: {  	p0 =	seq.s32 s10, $0x1;
	s10 =	sld [smem:$0x3FA1];
	_ =	sdelay $0x3  }
0x34: {  	[smem:$0x3FA1] =	sst s10  }
0x35: {  	s10 =	sld [smem:$0x3FA0];
	_ =	sdelay $0x3  }
0x36: {  	p1 =	seq.s32 s10, $0x1;
	s10 =	sld [smem:$0x3FA1];
	_ =	sdelay $0x3  }
0x37: {  	[smem:$0x3FA1] =	sst s10  }
0x38: {  	s10 =	sld [smem:$0x3FA2]  }
0x39: {  	_ = 	snop;
	(pc) =	sbr.ind lr, $3  }
0x3a: {  	_ = 	snop  }
0x3b: {  	_ = 	snop  }
0x3c: {  	p2 =	seq.s32 s10, $0x1;
	s10 =	sld [smem:$0x3FA1]  }
0x3d: {  	_ =	shalt  }
0x3e: {  	_ =	shalt  }
0x3f: {  	_ =	shalt  }
0x40: {  	_ =	shalt  }
0x41: {  	_ =	shalt  }
0x42: {  	_ =	shalt  }
0x43: {  	_ =	shalt  }
0x44: {  	_ =	shalt  }
0x45: {  	_ =	shalt  }
0x46: {  	_ =	shalt  }
0x47: {  	_ =	shalt  }
0x48: {  	_ =	shalt  }
0x49: {  	_ =	shalt  }
0x4a: {  	_ =	shalt  }
0x4b: {  	_ =	shalt  }
0x4c: {  	_ =	shalt  }
0x4d: {  	_ =	shalt  }
0x4e: {  	_ =	shalt  }
0x4f: {  	_ =	shalt  }
0x50: {  	_ =	shalt  }
0x51: {  	_ =	shalt  }
0x52: {  	_ =	shalt  }
0x53: {  	_ =	shalt  }
0x54: {  	_ =	shalt  }
0x55: {  	_ =	shalt  }
0x56: {  	_ =	shalt  }
0x57: {  	_ =	shalt  }
0x58: {  	_ =	shalt  }
0x59: {  	_ =	shalt  }
0x5a: {  	_ =	shalt  }
0x5b: {  	_ =	shalt  }
0x5c: {  	_ =	shalt  }
0x5d: {  	_ =	shalt  }
0x5e: {  	_ =	shalt  }
0x5f: {  	_ =	shalt  }
0x60: {  	_ =	shalt  }
0x61: {  	_ =	shalt  }
0x62: {  	_ =	shalt  }
0x63: {  	_ =	shalt  }
0x64: {  	_ =	shalt  }
0x65: {  	_ =	shalt  }
0x66: {  	_ =	shalt  }
0x67: {  	_ =	shalt  }
0x68: {  	_ =	shalt  }
0x69: {  	_ =	shalt  }
0x6a: {  	_ =	shalt  }
0x6b: {  	_ =	shalt  }
0x6c: {  	_ =	shalt  }
0x6d: {  	_ =	shalt  }
0x6e: {  	_ =	shalt  }
0x6f: {  	_ =	shalt  }
0x70: {  	_ =	shalt  }
0x71: {  	_ =	shalt  }
0x72: {  	_ =	shalt  }
0x73: {  	_ =	shalt  }
0x74: {  	_ =	shalt  }
0x75: {  	_ =	shalt  }
0x76: {  	_ =	shalt  }
0x77: {  	_ =	shalt  }
0x78: {  	_ =	shalt  }
0x79: {  	_ =	shalt  }
0x7a: {  	_ =	shalt  }
0x7b: {  	_ =	shalt  }
0x7c: {  	_ =	shalt  }
0x7d: {  	_ =	shalt  }
0x7e: {  	_ =	shalt  }
0x7f: {  	_ =	shalt  }
0x80: {  	_ =	shalt  }
0x81: {  	_ =	shalt  }
0x82: {  	_ =	shalt  }
0x83: {  	_ =	shalt  }
0x84: {  	_ =	shalt  }
0x85: {  	_ =	shalt  }
0x86: {  	_ =	shalt  }
0x87: {  	_ =	shalt  }
.Lfunc_end0:
.L_simem_size_0:
called_computation_lowered:
.L_overlay_start_0:
0x88: {  	s2 =	sld [smem:$0x3FD9]  }
0x89: {  	s3 =	sld [smem:$0x3FFE];
	_ =	sdelay $0x1  }
0x8a: {  	s1 =	srdreg.scid  }
0x8b: {  	s0 =	sand.u32 $0x1, s1  }
0x8c: {  	s16 =	sshll.u32 s0, $0xA;
	s2 =	sadd.s32 s3, s2  }
0x8d: {  	s2 =	sadd.s32 s2, s16  }
0x8e: {  	[smem:$0x3FAD] =	sst s2  }
0x8f: {  	_ = 	snop  }
0x90: {  	(tm) =	ssettm $0x1  }
0x91: {  	s17 =	sld [smem:$0x3FFB];
	_ =	sdelay $0x3  }
0x92: {  	_ =	strace s17  }
0x93: {  	s2 =	sld [smem:$0x3FFC];
	_ =	sdelay $0x3  }
0x94: {  	_ =	strace s2  }
0x95: {  	s2 =	sld [smem:$0x3FFD];
	_ =	sdelay $0x3  }
0x96: {  	_ =	strace s2  }
0x97: {  	_ =	strace $0x8FFFFFFF  }
0x98: {  	s18 =	sld [smem:$0x3FDB];
	_ =	sdelay $0x1  }
0x99: {  	s19 =	simm.s32 $_scs_section_size  }
0x9a: {  	s4 =	simm.s32 $_size__tile_overlayer_lowered;
	s5 =	simm.s32 $_tile_overlayer_lowered  }
0x9b: {  	s22 =	simm.s32 $0x1BFF;
	s21 =	sshll.u32 s5, $0x1;
	s2 =	sadd.s32 s19, s18  }
0x9c: {  	s6 =	simm.s32 $0x0;
	s20 =	sshll.u32 s4, $0x1;
	s4 =	sadd.s32 s21, s2  }
0x9d: {  	[timem:s6], [sflag:s22] =	dma.local [hbm:s4], s20  }
0x9e: {  	_ =	swait.ge [sflag:s22], s20  }
0x9f: {  	s3 =	ssub.s32 $0x0, s20;
	[sflag:s22] =	ssyncset.done $0x0  }
0xa0: {  	[sflag:s22] =	ssyncadd.s32 s3;
	_ =	sdelay $0x1  }
0xa1: {  	s23 =	simm.s32 $0x1B8B  }
0xa2: {  	_ =	swait.ge [sflag:s23], $0x1  }
0xa3: {  	[sflag:s23] =	ssyncset.done $0x0  }
0xa4: {  	s25 =	simm.s32 $0x1B8E;
	s24 =	sld [smem:$0x3FFE];
	[sflag:s23] =	ssyncadd.s32 $0xFFFFFFFF  }
0xa5: {  	s26 =	simm.s32 $execute0_lowered;
	[smem:$0x3FD2] =	sst s25  }
0xa6: {  	s4 =	sshll.u32 s26, $0x1;
	_ =	strace $0x80000046;
	[dreg:$0x1] =	wrdreg $0xFFFFFFFF  }
0xa7: {  	s28 =	simm.s32 $_size_execute0_lowered;
	s2 =	sadd.s32 s2, s4;
	[dreg:$0x0] =	wrdreg $0x0  }
0xa8: {  	s4 =	sshll.u32 s28, $0x1;
	[dreg:$0x2] =	wrdreg s2  }
0xa9: {  	[dreg:$0x3] =	wrdreg s4  }
0xaa: {  	[dreg:$0x4] =	wrdreg $0xC0  }
0xab: {  	_ =	task [dreg:s6], $0x5FFFF  }
0xac: {  	[dreg:$0x1] =	wrdreg $0xFFFFFFFF  }
0xad: {  	[dreg:$0x0] =	wrdreg $0x60  }
0xae: {  	[dreg:$0x2] =	wrdreg s24  }
0xaf: {  	[dreg:$0x3] =	wrdreg $0x9  }
0xb0: {  	_ =	task.clear_ibuf [dreg:s6], $0x4FFFF;
	_ =	strace $0x90000046  }
0xb1: {  	s29 =	simm.s32 $0x9;
	_ =	strace $0x80000048  }
0xb2: {  	_ =	swait.ge [sflag:s29], $0x1  }
0xb3: {  	[sflag:s29] =	ssyncadd.s32 $0xFFFFFFFF  }
0xb4: {  	_ =	strace $0x90000048  }
0xb5: {  	_ =	sfence  }
0xb6: {  	s30 =	sld [smem:$0x0];
	_ =	sdelay $0x2  }
0xb7: {  	s31 =	sshll.u32 s1, $0xD;
	s1 =	sshrl.u32 s1, $0x2  }
0xb8: {  	s3 =	sand.u32 $0x4000, s31;
	s1 =	sadd.s32 s1, s30  }
0xb9: {  	s0 =	sor.u32 s3, s0;
	s1 =	sshll.u32 s1, $0x11  }
0xba: {  	s0 =	sor.u32 s1, s0  }
0xbb: {  	s0 =	sadd.s32 $0x8F2B, s0  }
0xbc: {  	[sflag:s0] =	ssyncadd.remote.s32 $0x1  }
0xbd: {  	_ =	sfence.sel $0xFFFF  }
0xbe: {  	[dreg:$0x0] =	wrdreg $0xFFFFFFFF;
	(pc) =	sbr.abs _section_cstart, $3  }
0xbf: {  	[dreg:$0x1] =	wrdreg $0xFFFFFFFF  }
0xc0: {  	_ =	task.clear_ibuf [dreg:s6], $0x2FFFF;
	_ =	strace $0x9FFFFFFF  }
0xc1: {  	(tm) =	ssettm $0x7FFFFFFF  }
tec
execute0_lowered:
.L_overlay_start_1:
0x0: {  	(tag) =	ssettag $0x1  }
0x1: {  	s0 =	srdreg.scid  }
0x2: {  	s11 =	stileid.u32;
	s1 =	rddreg [dreg:$0x0];
	s2 =	simm.s32 $0x0  }
0x3: {  	s12 =	simm.s32 $0x8900;
	s13 =	simm.s32 $0x9100;
	s14 =	simm.s32 $0x9900  }
0x4: {  	s15 =	simm.s32 $0xA100;
	s16 =	simm.s32 $0xA900;
	s17 =	simm.s32 $0xB100  }
0x5: {  	s18 =	simm.s32 $0xB900;
	s19 =	simm.s32 $0xC100;
	s20 =	simm.s32 $0xC900  }
0x6: {  	s21 =	simm.s32 $0xD100;
	s22 =	simm.s32 $0xD900;
	s23 =	simm.s32 $0xE100  }
0x7: {  	s24 =	simm.s32 $0xE900;
	s28 =	simm.s32 $0x8100;
	[smem:$0x7FF] =	sst s2  }
0x8: {  	s29 =	simm.s32 $0x1;
	_ =	strace $0x80000047;
	[dreg:$0x4] =	wrdreg s12  }
0x9: {  	s30 =	simm.s32 $0x2;
	s31 =	simm.s32 $0x0;
	[dreg:$0x5] =	wrdreg s13  }
0xa: {  	s6 =	sand.u32 $0x1, s0;
	s25 =	sshll.u32 s11, $0x1;
	[dreg:$0x6] =	wrdreg s14  }
0xb: {  	s3 =	sadd.s32 $0x2BC00, s1;
	s7 =	smul.u32 $0x50, s11;
	[dreg:$0x7] =	wrdreg s15  }
0xc: {  	s4 =	sadd.s32 $0x79E00, s1;
	s1 =	sadd.s32 $0x7EE00, s1;
	[dreg:$0x8] =	wrdreg s16  }
0xd: {  	s0 =	sor.u32 s6, s25;
	s9 =	smul.u32 $0x28, s6;
	[dreg:$0x9] =	wrdreg s17  }
0xe: {  	s8 =	ssub.s32 $0x2, s6;
	s6 =	smul.u32 $0x28000, s6;
	[dreg:$0xa] =	wrdreg s18  }
0xf: {  	s12 =	simm.s32 $0x900;
	s13 =	simm.s32 $0x1100;
	[dreg:$0xb] =	wrdreg s19  }
0x10: {  	s14 =	simm.s32 $0x1900;
	s15 =	simm.s32 $0x2100;
	[dreg:$0xc] =	wrdreg s20  }
0x11: {  	s16 =	simm.s32 $0x2900;
	s17 =	simm.s32 $0x3100;
	[dreg:$0xd] =	wrdreg s21  }
0x12: {  	s18 =	simm.s32 $0x3900;
	s19 =	simm.s32 $0x4100;
	[dreg:$0xe] =	wrdreg s22  }
0x13: {  	s20 =	simm.s32 $0x4900;
	[dreg:$0xf] =	wrdreg s23;
	s21 =	simm.s32 $0x5100  }
0x14: {  	[dreg:$0x10] =	wrdreg s24;
	s25 =	simm.s32 $0xF100;
	s22 =	simm.s32 $0x5900  }
0x15: {  	s23 =	simm.s32 $0x6100;
	s24 =	simm.s32 $0x6900;
	s5 =	smul.u32 $0x28, s0  }
0x16: {  	s10 =	sshrl.u32 s8, $0x1;
	s0 =	smul.u32 $0x280, s0;
	[dreg:$0x11] =	wrdreg s25  }
0x17: {  	s8 =	ssub.s32 s8, s10;
	s10 =	smul.u32 $0x50000, s11;
	s11 =	simm.s32 $0x80  }
0x18: {  	s25 =	simm.s32 $0x7100;
	s0 =	sadd.s32 s4, s0;
	[dreg:$0x3] =	wrdreg s11  }
0x19: {  	s7 =	sadd.s32 s9, s7;
	s5 =	sor.u32 $0x2, s5;
	[dreg:$0x13] =	wrdreg s0  }
0x1a: {  	s26 =	sshll.u32 s7, $0xC;
	s8 =	smax.u32 s8, $0x1;
	[dreg:$0x2] =	wrdreg s5  }
0x1b: {  	s7 =	sshll.u32 s7, $0x4;
	s11 =	simm.s32 $0x100;
	[dreg:$0x14] =	wrdreg s8  }
0x1c: {  	s0 =	sadd.s32 s26, s1;
	s9 =	sadd.s32 s7, s4;
	s26 =	simm.s32 $0xF900  }
0x1d: {  	v2 =	vlaneseq.u32;
	s1 =	sadd.s32 s10, s1;
	s0 =	sadd.s32 $0x1000, s0;
	[dreg:$0x12] =	wrdreg s26  }
0x1e: {  	vm0 =	vmmov $0xffff;
	v1 =	vshrl.u32 v2, $0x3;
	s10 =	simm.s32 $0x3;
	[dreg:$0x15] =	wrdreg s0;
	s0 =	sadd.s32 $0x10, s9  }
0x1f: {  	v0 =	vand.u32 $0x7, v2;
	v2 =	vor.u32 $0x8, v2;
	v1 =	vmul.u32 $0x8, v1;
	s1 =	sadd.s32 s6, s1;
	s26 =	simm.s32 $0x7900;
	[dreg:$0x16] =	wrdreg s0  }
.LBB2_1:
0x20: {  	s0 =	rddreg [dreg:$0x13]  }
0x21: {  	[tilespmem:s2], [sflag:$0x3] =	stream.linear.gather [hbm4b:s0+s2], $0x80, $0x38;
	[tilespmem:$0x10100] =	vst v63  }
0x22: {  	_ =	swait.ge [sflag:s10], $0x80  }
0x23: {  	[sflag:s10] =	ssyncset.done $0x0  }
0x24: {  	[sflag:s10] =	ssyncadd.s32 $0xFFFFFF80  }
0x25: {  	v3 =	vld [tilespmem:$0x0];
	_ =	sdelay $0x4  }
0x26: {  	v4 =	vshll.u32 v3, $0x1  }
0x27: {  	v3 =	vand.u32 $0x7, v3;
	v4 =	vand.u32 $0xFFFFFFF0, v4  }
0x28: {  	v3 =	vor.u32 v3, v4  }
0x29: {  	v4 =	vperm.xlane v3, v0;
	_ =	sdelay $0x1  }
0x2a: {  	v3 =	vperm.xlane v3, v2;
	v4 =	vadd.s32 v1, v4;
	_ =	sdelay $0x1  }
0x2b: {  	v3 =	vadd.s32 v1, v3;
	_ =	sdelay $0x2  }
0x2c: {  	[tilespmem:s11], [sflag:$0x1] =	stream.indirect_vreg.gather [hbm4b:s3+s2], $0x80, v4, vm0, $0xb8;
	[tilespmem:$0x10100] =	vst v63  }
0x2d: {  	_ = 	snop  }
0x2e: {  	[tilespmem:s12], [sflag:$0x1] =	stream.indirect_vreg.gather [hbm4b:s3+s2], $0x80, v3, vm0, $0xb8;
	[tilespmem:$0x10100] =	vst v63  }
0x2f: {  	v3 =	vld [tilespmem:$0x10];
	_ =	sdelay $0x4  }
0x30: {  	v57 =	vshll.u32 v3, $0x1  }
0x31: {  	v3 =	vand.u32 $0x7, v3;
	v4 =	vand.u32 $0xFFFFFFF0, v57  }
0x32: {  	v3 =	vor.u32 v3, v4  }
0x33: {  	v4 =	vperm.xlane v3, v0;
	_ =	sdelay $0x1  }
0x34: {  	v3 =	vperm.xlane v3, v2;
	v4 =	vadd.s32 v1, v4;
	_ =	sdelay $0x1  }
0x35: {  	v3 =	vadd.s32 v1, v3;
	_ =	sdelay $0x2  }
0x36: {  	[tilespmem:s13], [sflag:$0x1] =	stream.indirect_vreg.gather [hbm4b:s3+s2], $0x80, v4, vm0, $0xb8;
	[tilespmem:$0x10100] =	vst v63  }
0x37: {  	_ = 	snop  }
0x38: {  	[tilespmem:s14], [sflag:$0x1] =	stream.indirect_vreg.gather [hbm4b:s3+s2], $0x80, v3, vm0, $0xb8;
	[tilespmem:$0x10100] =	vst v63  }
0x39: {  	v3 =	vld [tilespmem:$0x20];
	_ =	sdelay $0x4  }
0x3a: {  	v58 =	vshll.u32 v3, $0x1  }
0x3b: {  	v3 =	vand.u32 $0x7, v3;
	v4 =	vand.u32 $0xFFFFFFF0, v58  }
0x3c: {  	v3 =	vor.u32 v3, v4  }
0x3d: {  	v4 =	vperm.xlane v3, v0;
	_ =	sdelay $0x1  }
0x3e: {  	v3 =	vperm.xlane v3, v2;
	v4 =	vadd.s32 v1, v4;
	_ =	sdelay $0x1  }
0x3f: {  	v3 =	vadd.s32 v1, v3;
	_ =	sdelay $0x2  }
0x40: {  	[tilespmem:s15], [sflag:$0x1] =	stream.indirect_vreg.gather [hbm4b:s3+s2], $0x80, v4, vm0, $0xb8;
	[tilespmem:$0x10100] =	vst v63  }
0x41: {  	_ = 	snop  }
0x42: {  	[tilespmem:s16], [sflag:$0x1] =	stream.indirect_vreg.gather [hbm4b:s3+s2], $0x80, v3, vm0, $0xb8;
	[tilespmem:$0x10100] =	vst v63  }
0x43: {  	v3 =	vld [tilespmem:$0x30];
	_ =	sdelay $0x4  }
0x44: {  	v59 =	vshll.u32 v3, $0x1  }
0x45: {  	v3 =	vand.u32 $0x7, v3;
	v4 =	vand.u32 $0xFFFFFFF0, v59  }
0x46: {  	v3 =	vor.u32 v3, v4  }
0x47: {  	v4 =	vperm.xlane v3, v0;
	_ =	sdelay $0x1  }
0x48: {  	v3 =	vperm.xlane v3, v2;
	v4 =	vadd.s32 v1, v4;
	_ =	sdelay $0x1  }
0x49: {  	v3 =	vadd.s32 v1, v3;
	_ =	sdelay $0x2  }
0x4a: {  	[tilespmem:s17], [sflag:$0x1] =	stream.indirect_vreg.gather [hbm4b:s3+s2], $0x80, v4, vm0, $0xb8;
	[tilespmem:$0x10100] =	vst v63  }
0x4b: {  	_ = 	snop  }
0x4c: {  	[tilespmem:s18], [sflag:$0x1] =	stream.indirect_vreg.gather [hbm4b:s3+s2], $0x80, v3, vm0, $0xb8;
	[tilespmem:$0x10100] =	vst v63  }
0x4d: {  	v3 =	vld [tilespmem:$0x40];
	_ =	sdelay $0x4  }
0x4e: {  	v60 =	vshll.u32 v3, $0x1  }
0x4f: {  	v3 =	vand.u32 $0x7, v3;
	v4 =	vand.u32 $0xFFFFFFF0, v60  }
0x50: {  	v3 =	vor.u32 v3, v4  }
0x51: {  	v4 =	vperm.xlane v3, v0;
	_ =	sdelay $0x1  }
0x52: {  	v3 =	vperm.xlane v3, v2;
	v4 =	vadd.s32 v1, v4;
	_ =	sdelay $0x1  }
0x53: {  	v3 =	vadd.s32 v1, v3;
	_ =	sdelay $0x2  }
0x54: {  	[tilespmem:s19], [sflag:$0x1] =	stream.indirect_vreg.gather [hbm4b:s3+s2], $0x80, v4, vm0, $0xb8;
	[tilespmem:$0x10100] =	vst v63  }
0x55: {  	_ = 	snop  }
0x56: {  	[tilespmem:s20], [sflag:$0x1] =	stream.indirect_vreg.gather [hbm4b:s3+s2], $0x80, v3, vm0, $0xb8;
	[tilespmem:$0x10100] =	vst v63  }
0x57: {  	v3 =	vld [tilespmem:$0x50];
	_ =	sdelay $0x4  }
0x58: {  	v61 =	vshll.u32 v3, $0x1  }
0x59: {  	v3 =	vand.u32 $0x7, v3;
	v4 =	vand.u32 $0xFFFFFFF0, v61  }
0x5a: {  	v3 =	vor.u32 v3, v4  }
0x5b: {  	v4 =	vperm.xlane v3, v0;
	_ =	sdelay $0x1  }
0x5c: {  	v3 =	vperm.xlane v3, v2;
	v4 =	vadd.s32 v1, v4;
	_ =	sdelay $0x1  }
0x5d: {  	v3 =	vadd.s32 v1, v3;
	_ =	sdelay $0x2  }
0x5e: {  	[tilespmem:s21], [sflag:$0x1] =	stream.indirect_vreg.gather [hbm4b:s3+s2], $0x80, v4, vm0, $0xb8;
	[tilespmem:$0x10100] =	vst v63  }
0x5f: {  	_ = 	snop  }
0x60: {  	[tilespmem:s22], [sflag:$0x1] =	stream.indirect_vreg.gather [hbm4b:s3+s2], $0x80, v3, vm0, $0xb8;
	[tilespmem:$0x10100] =	vst v63  }
0x61: {  	v3 =	vld [tilespmem:$0x60];
	_ =	sdelay $0x4  }
0x62: {  	v62 =	vshll.u32 v3, $0x1  }
0x63: {  	v3 =	vand.u32 $0x7, v3;
	v4 =	vand.u32 $0xFFFFFFF0, v62  }
0x64: {  	v3 =	vor.u32 v3, v4  }
0x65: {  	v4 =	vperm.xlane v3, v0;
	_ =	sdelay $0x1  }
0x66: {  	v3 =	vperm.xlane v3, v2;
	v4 =	vadd.s32 v1, v4;
	_ =	sdelay $0x1  }
0x67: {  	v3 =	vadd.s32 v1, v3;
	_ =	sdelay $0x2  }
0x68: {  	[tilespmem:s23], [sflag:$0x1] =	stream.indirect_vreg.gather [hbm4b:s3+s2], $0x80, v4, vm0, $0xb8;
	[tilespmem:$0x10100] =	vst v63  }
0x69: {  	_ = 	snop  }
0x6a: {  	[tilespmem:s24], [sflag:$0x1] =	stream.indirect_vreg.gather [hbm4b:s3+s2], $0x80, v3, vm0, $0xb8;
	[tilespmem:$0x10100] =	vst v63  }
0x6b: {  	v3 =	vld [tilespmem:$0x70];
	_ =	sdelay $0x4  }
0x6c: {  	v63 =	vshll.u32 v3, $0x1  }
0x6d: {  	v3 =	vand.u32 $0x7, v3;
	v4 =	vand.u32 $0xFFFFFFF0, v63  }
0x6e: {  	v3 =	vor.u32 v3, v4  }
0x6f: {  	v4 =	vperm.xlane v3, v0;
	_ =	sdelay $0x1  }
0x70: {  	v3 =	vperm.xlane v3, v2;
	v4 =	vadd.s32 v1, v4;
	_ =	sdelay $0x1  }
0x71: {  	v3 =	vadd.s32 v1, v3;
	_ =	sdelay $0x1  }
0x72: {  	s8 =	rddreg [dreg:$0x16]  }
0x73: {  	[tilespmem:s25], [sflag:$0x1] =	stream.indirect_vreg.gather [hbm4b:s3+s2], $0x80, v4, vm0, $0xb8;
	[tilespmem:$0x10100] =	vst v63  }
0x74: {  	s9 =	smov.u32 s1;
	s6 =	simm.s32 $0x0;
	s7 =	rddreg [dreg:$0x15]  }
0x75: {  	[tilespmem:s26], [sflag:$0x1] =	stream.indirect_vreg.gather [hbm4b:s3+s2], $0x80, v3, vm0, $0xb8;
	[tilespmem:$0x10100] =	vst v63  }
.LBB2_2:
0x76: {  	s5 =	rddreg [dreg:$0x3]  }
0x77: {  	[tilespmem:s5], [sflag:$0x3] =	stream.linear.gather [hbm4b:s8+s2], $0x80, $0x38;
	[tilespmem:$0x10100] =	vst v63  }
0x78: {  	_ =	swait.ge [sflag:s10], $0x80  }
0x79: {  	[sflag:s10] =	ssyncset.done $0x0  }
0x7a: {  	[sflag:s10] =	ssyncadd.s32 $0xFFFFFF80  }
0x7b: {  	v3 =	vld [tilespmem:$0x80];
	_ =	sdelay $0x4  }
0x7c: {  	v4 =	vshll.u32 v3, $0x1  }
0x7d: {  	v3 =	vand.u32 $0x7, v3;
	v4 =	vand.u32 $0xFFFFFFF0, v4  }
0x7e: {  	v3 =	vor.u32 v3, v4  }
0x7f: {  	v4 =	vperm.xlane v3, v0;
	_ =	sdelay $0x1  }
0x80: {  	v3 =	vperm.xlane v3, v2;
	v4 =	vadd.s32 v1, v4;
	_ =	sdelay $0x1  }
0x81: {  	v3 =	vadd.s32 v1, v3;
	_ =	sdelay $0x2  }
0x82: {  	[tilespmem:s28], [sflag:$0x2] =	stream.indirect_vreg.gather [hbm4b:s3+s2], $0x80, v4, vm0, $0xb8;
	[tilespmem:$0x10100] =	vst v63  }
0x83: {  	s0 =	rddreg [dreg:$0x4]  }
0x84: {  	[tilespmem:s0], [sflag:$0x2] =	stream.indirect_vreg.gather [hbm4b:s3+s2], $0x80, v3, vm0, $0xb8;
	[tilespmem:$0x10100] =	vst v63  }
0x85: {  	v3 =	vld [tilespmem:$0x90];
	_ =	sdelay $0x4  }
0x86: {  	v49 =	vshll.u32 v3, $0x1  }
0x87: {  	v3 =	vand.u32 $0x7, v3;
	v4 =	vand.u32 $0xFFFFFFF0, v49  }
0x88: {  	v3 =	vor.u32 v3, v4  }
0x89: {  	v4 =	vperm.xlane v3, v0;
	_ =	sdelay $0x1  }
0x8a: {  	v3 =	vperm.xlane v3, v2;
	v4 =	vadd.s32 v1, v4;
	_ =	sdelay $0x1  }
0x8b: {  	v3 =	vadd.s32 v1, v3;
	_ =	sdelay $0x1  }
0x8c: {  	s5 =	rddreg [dreg:$0x5]  }
0x8d: {  	[tilespmem:s5], [sflag:$0x2] =	stream.indirect_vreg.gather [hbm4b:s3+s2], $0x80, v4, vm0, $0xb8;
	[tilespmem:$0x10100] =	vst v63  }
0x8e: {  	s0 =	rddreg [dreg:$0x6]  }
0x8f: {  	[tilespmem:s0], [sflag:$0x2] =	stream.indirect_vreg.gather [hbm4b:s3+s2], $0x80, v3, vm0, $0xb8;
	[tilespmem:$0x10100] =	vst v63  }
0x90: {  	v3 =	vld [tilespmem:$0xA0];
	_ =	sdelay $0x4  }
0x91: {  	v50 =	vshll.u32 v3, $0x1  }
0x92: {  	v3 =	vand.u32 $0x7, v3;
	v4 =	vand.u32 $0xFFFFFFF0, v50  }
0x93: {  	v3 =	vor.u32 v3, v4  }
0x94: {  	v4 =	vperm.xlane v3, v0;
	_ =	sdelay $0x1  }
0x95: {  	v3 =	vperm.xlane v3, v2;
	v4 =	vadd.s32 v1, v4;
	_ =	sdelay $0x1  }
0x96: {  	v3 =	vadd.s32 v1, v3;
	_ =	sdelay $0x1  }
0x97: {  	s0 =	rddreg [dreg:$0x7]  }
0x98: {  	[tilespmem:s0], [sflag:$0x2] =	stream.indirect_vreg.gather [hbm4b:s3+s2], $0x80, v4, vm0, $0xb8;
	[tilespmem:$0x10100] =	vst v63  }
0x99: {  	s5 =	rddreg [dreg:$0x8]  }
0x9a: {  	[tilespmem:s5], [sflag:$0x2] =	stream.indirect_vreg.gather [hbm4b:s3+s2], $0x80, v3, vm0, $0xb8;
	[tilespmem:$0x10100] =	vst v63  }
0x9b: {  	v3 =	vld [tilespmem:$0xB0];
	_ =	sdelay $0x4  }
0x9c: {  	v51 =	vshll.u32 v3, $0x1  }
0x9d: {  	v3 =	vand.u32 $0x7, v3;
	v4 =	vand.u32 $0xFFFFFFF0, v51  }
0x9e: {  	v3 =	vor.u32 v3, v4  }
0x9f: {  	v4 =	vperm.xlane v3, v0;
	_ =	sdelay $0x1  }
0xa0: {  	v3 =	vperm.xlane v3, v2;
	v4 =	vadd.s32 v1, v4;
	_ =	sdelay $0x1  }
0xa1: {  	v3 =	vadd.s32 v1, v3;
	_ =	sdelay $0x1  }
0xa2: {  	s0 =	rddreg [dreg:$0x9]  }
0xa3: {  	[tilespmem:s0], [sflag:$0x2] =	stream.indirect_vreg.gather [hbm4b:s3+s2], $0x80, v4, vm0, $0xb8;
	[tilespmem:$0x10100] =	vst v63  }
0xa4: {  	s5 =	rddreg [dreg:$0xa]  }
0xa5: {  	[tilespmem:s5], [sflag:$0x2] =	stream.indirect_vreg.gather [hbm4b:s3+s2], $0x80, v3, vm0, $0xb8;
	[tilespmem:$0x10100] =	vst v63  }
0xa6: {  	v3 =	vld [tilespmem:$0xC0];
	_ =	sdelay $0x4  }
0xa7: {  	v52 =	vshll.u32 v3, $0x1  }
0xa8: {  	v3 =	vand.u32 $0x7, v3;
	v4 =	vand.u32 $0xFFFFFFF0, v52  }
0xa9: {  	v3 =	vor.u32 v3, v4  }
0xaa: {  	v4 =	vperm.xlane v3, v0;
	_ =	sdelay $0x1  }
0xab: {  	v3 =	vperm.xlane v3, v2;
	v4 =	vadd.s32 v1, v4;
	_ =	sdelay $0x1  }
0xac: {  	v3 =	vadd.s32 v1, v3;
	_ =	sdelay $0x1  }
0xad: {  	s0 =	rddreg [dreg:$0xb]  }
0xae: {  	[tilespmem:s0], [sflag:$0x2] =	stream.indirect_vreg.gather [hbm4b:s3+s2], $0x80, v4, vm0, $0xb8;
	[tilespmem:$0x10100] =	vst v63  }
0xaf: {  	s5 =	rddreg [dreg:$0xc]  }
0xb0: {  	[tilespmem:s5], [sflag:$0x2] =	stream.indirect_vreg.gather [hbm4b:s3+s2], $0x80, v3, vm0, $0xb8;
	[tilespmem:$0x10100] =	vst v63  }
0xb1: {  	v3 =	vld [tilespmem:$0xD0];
	_ =	sdelay $0x4  }
0xb2: {  	v53 =	vshll.u32 v3, $0x1  }
0xb3: {  	v3 =	vand.u32 $0x7, v3;
	v4 =	vand.u32 $0xFFFFFFF0, v53  }
0xb4: {  	v3 =	vor.u32 v3, v4  }
0xb5: {  	v4 =	vperm.xlane v3, v0;
	_ =	sdelay $0x1  }
0xb6: {  	v3 =	vperm.xlane v3, v2;
	v4 =	vadd.s32 v1, v4;
	_ =	sdelay $0x1  }
0xb7: {  	v3 =	vadd.s32 v1, v3;
	_ =	sdelay $0x1  }
0xb8: {  	s0 =	rddreg [dreg:$0xd]  }
0xb9: {  	[tilespmem:s0], [sflag:$0x2] =	stream.indirect_vreg.gather [hbm4b:s3+s2], $0x80, v4, vm0, $0xb8;
	[tilespmem:$0x10100] =	vst v63  }
0xba: {  	s5 =	rddreg [dreg:$0xe]  }
0xbb: {  	[tilespmem:s5], [sflag:$0x2] =	stream.indirect_vreg.gather [hbm4b:s3+s2], $0x80, v3, vm0, $0xb8;
	[tilespmem:$0x10100] =	vst v63  }
0xbc: {  	v3 =	vld [tilespmem:$0xE0];
	_ =	sdelay $0x4  }
0xbd: {  	v54 =	vshll.u32 v3, $0x1  }
0xbe: {  	v3 =	vand.u32 $0x7, v3;
	v4 =	vand.u32 $0xFFFFFFF0, v54  }
0xbf: {  	v3 =	vor.u32 v3, v4  }
0xc0: {  	v4 =	vperm.xlane v3, v0;
	_ =	sdelay $0x1  }
0xc1: {  	v3 =	vperm.xlane v3, v2;
	v4 =	vadd.s32 v1, v4;
	_ =	sdelay $0x1  }
0xc2: {  	v3 =	vadd.s32 v1, v3;
	_ =	sdelay $0x1  }
0xc3: {  	s0 =	rddreg [dreg:$0xf]  }
0xc4: {  	[tilespmem:s0], [sflag:$0x2] =	stream.indirect_vreg.gather [hbm4b:s3+s2], $0x80, v4, vm0, $0xb8;
	[tilespmem:$0x10100] =	vst v63  }
0xc5: {  	s5 =	rddreg [dreg:$0x10]  }
0xc6: {  	[tilespmem:s5], [sflag:$0x2] =	stream.indirect_vreg.gather [hbm4b:s3+s2], $0x80, v3, vm0, $0xb8;
	[tilespmem:$0x10100] =	vst v63  }
0xc7: {  	v3 =	vld [tilespmem:$0xF0];
	_ =	sdelay $0x4  }
0xc8: {  	v55 =	vshll.u32 v3, $0x1  }
0xc9: {  	v3 =	vand.u32 $0x7, v3;
	v4 =	vand.u32 $0xFFFFFFF0, v55  }
0xca: {  	v3 =	vor.u32 v3, v4  }
0xcb: {  	v4 =	vperm.xlane v3, v0;
	_ =	sdelay $0x1  }
0xcc: {  	v3 =	vperm.xlane v3, v2;
	v4 =	vadd.s32 v1, v4;
	_ =	sdelay $0x1  }
0xcd: {  	v3 =	vadd.s32 v1, v3;
	_ =	sdelay $0x1  }
0xce: {  	s0 =	rddreg [dreg:$0x11]  }
0xcf: {  	[tilespmem:s0], [sflag:$0x2] =	stream.indirect_vreg.gather [hbm4b:s3+s2], $0x80, v4, vm0, $0xb8;
	[tilespmem:$0x10100] =	vst v63  }
0xd0: {  	s5 =	rddreg [dreg:$0x12]  }
0xd1: {  	[tilespmem:s5], [sflag:$0x2] =	stream.indirect_vreg.gather [hbm4b:s3+s2], $0x80, v3, vm0, $0xb8;
	[tilespmem:$0x10100] =	vst v63  }
0xd2: {  	_ =	swait.ge [sflag:s29], $0x8000  }
0xd3: {  	[sflag:s29] =	ssyncset.done $0x0  }
0xd4: {  	[sflag:s29] =	ssyncadd.s32 $0xFFFF8000  }
0xd5: {  	[hbm4b:s9+s2] =	stream.linear.scatter [tilespmem:s11], [sflag:$0x3], $0x8000, $0x38;
	[tilespmem:$0x10100] =	vst v63  }
0xd6: {  	_ =	swait.ge [sflag:s10], $0x8000  }
0xd7: {  	s5 =	smin.u32 s6, $0x25;
	s0 =	rddreg [dreg:$0x2]  }
0xd8: {  	s0 =	sadd.s32 s5, s0  }
0xd9: {  	[sflag:s10] =	ssyncset.done $0x0;
	s0 =	sshll.u32 s0, $0x4  }
0xda: {  	[sflag:s10] =	ssyncadd.s32 $0xFFFF8000;
	s0 =	sadd.s32 s4, s0  }
0xdb: {  	[tilespmem:s2], [sflag:$0x3] =	stream.linear.gather [hbm4b:s0+s2], $0x80, $0x38;
	[tilespmem:$0x10100] =	vst v63  }
0xdc: {  	_ =	swait.ge [sflag:s10], $0x80  }
0xdd: {  	[sflag:s10] =	ssyncset.done $0x0  }
0xde: {  	[sflag:s10] =	ssyncadd.s32 $0xFFFFFF80  }
0xdf: {  	v3 =	vld [tilespmem:$0x0];
	_ =	sdelay $0x4  }
0xe0: {  	v56 =	vshll.u32 v3, $0x1  }
0xe1: {  	v3 =	vand.u32 $0x7, v3;
	v4 =	vand.u32 $0xFFFFFFF0, v56  }
0xe2: {  	v3 =	vor.u32 v3, v4  }
0xe3: {  	v4 =	vperm.xlane v3, v0;
	_ =	sdelay $0x1  }
0xe4: {  	v3 =	vperm.xlane v3, v2;
	v4 =	vadd.s32 v1, v4;
	_ =	sdelay $0x1  }
0xe5: {  	v3 =	vadd.s32 v1, v3;
	_ =	sdelay $0x2  }
0xe6: {  	[tilespmem:s11], [sflag:$0x1] =	stream.indirect_vreg.gather [hbm4b:s3+s2], $0x80, v4, vm0, $0xb8;
	[tilespmem:$0x10100] =	vst v63  }
0xe7: {  	_ = 	snop  }
0xe8: {  	[tilespmem:s12], [sflag:$0x1] =	stream.indirect_vreg.gather [hbm4b:s3+s2], $0x80, v3, vm0, $0xb8;
	[tilespmem:$0x10100] =	vst v63  }
0xe9: {  	v3 =	vld [tilespmem:$0x10];
	_ =	sdelay $0x4  }
0xea: {  	v57 =	vshll.u32 v3, $0x1  }
0xeb: {  	v3 =	vand.u32 $0x7, v3;
	v4 =	vand.u32 $0xFFFFFFF0, v57  }
0xec: {  	v3 =	vor.u32 v3, v4  }
0xed: {  	v4 =	vperm.xlane v3, v0;
	_ =	sdelay $0x1  }
0xee: {  	v3 =	vperm.xlane v3, v2;
	v4 =	vadd.s32 v1, v4;
	_ =	sdelay $0x1  }
0xef: {  	v3 =	vadd.s32 v1, v3;
	_ =	sdelay $0x2  }
0xf0: {  	[tilespmem:s13], [sflag:$0x1] =	stream.indirect_vreg.gather [hbm4b:s3+s2], $0x80, v4, vm0, $0xb8;
	[tilespmem:$0x10100] =	vst v63  }
0xf1: {  	_ = 	snop  }
0xf2: {  	[tilespmem:s14], [sflag:$0x1] =	stream.indirect_vreg.gather [hbm4b:s3+s2], $0x80, v3, vm0, $0xb8;
	[tilespmem:$0x10100] =	vst v63  }
0xf3: {  	v3 =	vld [tilespmem:$0x20];
	_ =	sdelay $0x4  }
0xf4: {  	v58 =	vshll.u32 v3, $0x1  }
0xf5: {  	v3 =	vand.u32 $0x7, v3;
	v4 =	vand.u32 $0xFFFFFFF0, v58  }
0xf6: {  	v3 =	vor.u32 v3, v4  }
0xf7: {  	v4 =	vperm.xlane v3, v0;
	_ =	sdelay $0x1  }
0xf8: {  	v3 =	vperm.xlane v3, v2;
	v4 =	vadd.s32 v1, v4;
	_ =	sdelay $0x1  }
0xf9: {  	v3 =	vadd.s32 v1, v3;
	_ =	sdelay $0x2  }
0xfa: {  	[tilespmem:s15], [sflag:$0x1] =	stream.indirect_vreg.gather [hbm4b:s3+s2], $0x80, v4, vm0, $0xb8;
	[tilespmem:$0x10100] =	vst v63  }
0xfb: {  	_ = 	snop  }
0xfc: {  	[tilespmem:s16], [sflag:$0x1] =	stream.indirect_vreg.gather [hbm4b:s3+s2], $0x80, v3, vm0, $0xb8;
	[tilespmem:$0x10100] =	vst v63  }
0xfd: {  	v3 =	vld [tilespmem:$0x30];
	_ =	sdelay $0x4  }
0xfe: {  	v59 =	vshll.u32 v3, $0x1  }
0xff: {  	v3 =	vand.u32 $0x7, v3;
	v4 =	vand.u32 $0xFFFFFFF0, v59  }
0x100: {  	v3 =	vor.u32 v3, v4  }
0x101: {  	v4 =	vperm.xlane v3, v0;
	_ =	sdelay $0x1  }
0x102: {  	v3 =	vperm.xlane v3, v2;
	v4 =	vadd.s32 v1, v4;
	_ =	sdelay $0x1  }
0x103: {  	v3 =	vadd.s32 v1, v3;
	_ =	sdelay $0x2  }
0x104: {  	[tilespmem:s17], [sflag:$0x1] =	stream.indirect_vreg.gather [hbm4b:s3+s2], $0x80, v4, vm0, $0xb8;
	[tilespmem:$0x10100] =	vst v63  }
0x105: {  	_ = 	snop  }
0x106: {  	[tilespmem:s18], [sflag:$0x1] =	stream.indirect_vreg.gather [hbm4b:s3+s2], $0x80, v3, vm0, $0xb8;
	[tilespmem:$0x10100] =	vst v63  }
0x107: {  	v3 =	vld [tilespmem:$0x40];
	_ =	sdelay $0x4  }
0x108: {  	v60 =	vshll.u32 v3, $0x1  }
0x109: {  	v3 =	vand.u32 $0x7, v3;
	v4 =	vand.u32 $0xFFFFFFF0, v60  }
0x10a: {  	v3 =	vor.u32 v3, v4  }
0x10b: {  	v4 =	vperm.xlane v3, v0;
	_ =	sdelay $0x1  }
0x10c: {  	v3 =	vperm.xlane v3, v2;
	v4 =	vadd.s32 v1, v4;
	_ =	sdelay $0x1  }
0x10d: {  	v3 =	vadd.s32 v1, v3;
	_ =	sdelay $0x2  }
0x10e: {  	[tilespmem:s19], [sflag:$0x1] =	stream.indirect_vreg.gather [hbm4b:s3+s2], $0x80, v4, vm0, $0xb8;
	[tilespmem:$0x10100] =	vst v63  }
0x10f: {  	_ = 	snop  }
0x110: {  	[tilespmem:s20], [sflag:$0x1] =	stream.indirect_vreg.gather [hbm4b:s3+s2], $0x80, v3, vm0, $0xb8;
	[tilespmem:$0x10100] =	vst v63  }
0x111: {  	v3 =	vld [tilespmem:$0x50];
	_ =	sdelay $0x4  }
0x112: {  	v61 =	vshll.u32 v3, $0x1  }
0x113: {  	v3 =	vand.u32 $0x7, v3;
	v4 =	vand.u32 $0xFFFFFFF0, v61  }
0x114: {  	v3 =	vor.u32 v3, v4  }
0x115: {  	v4 =	vperm.xlane v3, v0;
	_ =	sdelay $0x1  }
0x116: {  	v3 =	vperm.xlane v3, v2;
	v4 =	vadd.s32 v1, v4;
	_ =	sdelay $0x1  }
0x117: {  	v3 =	vadd.s32 v1, v3;
	_ =	sdelay $0x2  }
0x118: {  	[tilespmem:s21], [sflag:$0x1] =	stream.indirect_vreg.gather [hbm4b:s3+s2], $0x80, v4, vm0, $0xb8;
	[tilespmem:$0x10100] =	vst v63  }
0x119: {  	_ = 	snop  }
0x11a: {  	[tilespmem:s22], [sflag:$0x1] =	stream.indirect_vreg.gather [hbm4b:s3+s2], $0x80, v3, vm0, $0xb8;
	[tilespmem:$0x10100] =	vst v63  }
0x11b: {  	v3 =	vld [tilespmem:$0x60];
	_ =	sdelay $0x4  }
0x11c: {  	v62 =	vshll.u32 v3, $0x1  }
0x11d: {  	v3 =	vand.u32 $0x7, v3;
	v4 =	vand.u32 $0xFFFFFFF0, v62  }
0x11e: {  	v3 =	vor.u32 v3, v4  }
0x11f: {  	v4 =	vperm.xlane v3, v0;
	_ =	sdelay $0x1  }
0x120: {  	v3 =	vperm.xlane v3, v2;
	v4 =	vadd.s32 v1, v4;
	_ =	sdelay $0x1  }
0x121: {  	v3 =	vadd.s32 v1, v3;
	_ =	sdelay $0x2  }
0x122: {  	[tilespmem:s23], [sflag:$0x1] =	stream.indirect_vreg.gather [hbm4b:s3+s2], $0x80, v4, vm0, $0xb8;
	[tilespmem:$0x10100] =	vst v63  }
0x123: {  	_ = 	snop  }
0x124: {  	[tilespmem:s24], [sflag:$0x1] =	stream.indirect_vreg.gather [hbm4b:s3+s2], $0x80, v3, vm0, $0xb8;
	[tilespmem:$0x10100] =	vst v63  }
0x125: {  	v3 =	vld [tilespmem:$0x70];
	_ =	sdelay $0x4  }
0x126: {  	v63 =	vshll.u32 v3, $0x1  }
0x127: {  	v3 =	vand.u32 $0x7, v3;
	v4 =	vand.u32 $0xFFFFFFF0, v63  }
0x128: {  	v3 =	vor.u32 v3, v4  }
0x129: {  	v4 =	vperm.xlane v3, v0;
	_ =	sdelay $0x1  }
0x12a: {  	v3 =	vperm.xlane v3, v2;
	v4 =	vadd.s32 v1, v4;
	_ =	sdelay $0x1  }
0x12b: {  	v3 =	vadd.s32 v1, v3;
	_ =	sdelay $0x2  }
0x12c: {  	[tilespmem:s25], [sflag:$0x1] =	stream.indirect_vreg.gather [hbm4b:s3+s2], $0x80, v4, vm0, $0xb8;
	[tilespmem:$0x10100] =	vst v63  }
0x12d: {  	_ = 	snop  }
0x12e: {  	[tilespmem:s26], [sflag:$0x1] =	stream.indirect_vreg.gather [hbm4b:s3+s2], $0x80, v3, vm0, $0xb8;
	[tilespmem:$0x10100] =	vst v63  }
0x12f: {  	_ =	swait.ge [sflag:s30], $0x8000  }
0x130: {  	p0 =	sne.s32 s6, $0x26;
	[sflag:s30] =	ssyncset.done $0x0  }
.Ltmp0:
0x131: {  	[sflag:s30] =	ssyncadd.s32 $0xFFFF8000;
	(pc) =	sbr.rel @p0 .LBB2_2-.Ltmp0, $4  }
0x132: {  	[hbm4b:s7+s2] =	stream.linear.scatter [tilespmem:s28], [sflag:$0x3], $0x8000, $0x38;
	[tilespmem:$0x10100] =	vst v63  }
0x133: {  	_ =	swait.ge [sflag:s10], $0x8000  }
0x134: {  	s8 =	sadd.s32 $0x20, s8;
	s6 =	sadd.s32 $0x2, s6;
	[sflag:s10] =	ssyncset.done $0x0  }
0x135: {  	s9 =	sadd.s32 $0x2000, s9;
	s7 =	sadd.s32 $0x2000, s7;
	[sflag:s10] =	ssyncadd.s32 $0xFFFF8000  }
0x136: {  	_ =	swait.ge [sflag:s29], $0x8000  }
0x137: {  	s31 =	sadd.s32 $0x1, s31;
	s0 =	rddreg [dreg:$0x14]  }
0x138: {  	p0 =	sne.s32 s31, s0  }
.Ltmp1:
0x139: {  	_ = 	snop;
	(pc) =	sbr.rel @p0 .LBB2_1-.Ltmp1, $3  }
0x13a: {  	_ =	sdelay $0x1  }
0x13b: {  	[sflag:s29] =	ssyncset.done $0x0  }
0x13c: {  	[sflag:s29] =	ssyncadd.s32 $0xFFFF8000  }
0x13d: {  	_ =	sfence.sel $0x180000  }
0x13e: {  	[bflag:$0x0] =	sbarrier.arrive $0xFFFF  }
0x13f: {  	_ =	strace $0x90000047  }
0x140: {  	s0 =	stileid.u32;
	[bflag:$0x2] =	sbarrier.arrive $0xFFFF  }
0x141: {  	p0 =	sne.s32 s0, $0x0;
	s0 =	rddreg [dreg:$0x1]  }
0x142: {  	s0 =	sadd.s32 @!p0 $0x100000, s0  }
0x143: {  	[sflag:s0] =	ssyncadd.tile.s32 @!p0 $0x1;
	_ =	shalt  }
.Lfunc_end2:
_tile_overlayer_lowered:
.L_overlay_start_2:
0x144: {  	(tag) =	ssettag $0x2  }
0x145: {  	s0 =	rddreg [dreg:$0x0];
	s2 =	stileid.u32  }
0x146: {  	s1 =	rddreg [dreg:$0x1];
	p0 =	sne.s32 s2, $0x0  }
0x147: {  	s3 =	rddreg [dreg:$0x2];
	[bflag:$0x3] =	sbarrier.arrive $0xFFFF;
	s2 =	simm.s32 @!p0 $0x1C03  }
0x148: {  	[timem:s3], [sflag:s2] =	dma.local @!p0 [hbm:s0], s1  }
0x149: {  	s0 =	simm.s32 @!p0 $0x3  }
0x14a: {  	_ =	swait.ge @!p0 [sflag:s0], s1  }
0x14b: {  	s1 =	ssub.s32 @!p0 $0x0, s1;
	[sflag:s0] =	ssyncset.done @!p0 $0x0  }
0x14c: {  	[sflag:s0] =	ssyncadd.s32 @!p0 s1  }
0x14d: {  	[bflag:$0x3] =	sbarrier.arrive $0xFFFF  }
0x14e: {  	_ =	shalt  }

// kernel: kernel.18.cloned.1.call-start
scs
__scs_entry_jumppad:
0x0: {  	(pc) =	sbr.rel $0x88, $3  }
0x1: {  	(tag) =	ssettag $0x0;
	lr =	simm.s32 $0x1  }
0x2: {  	[smem:$0x3F86] =	sst lr;
	_ =	strace $0xD0000000  }
0x3: {  	_ = 	snop  }
0x4: {  	_ = 	snop  }
0x5: {  	_ = 	snop  }
0x6: {  	_ = 	snop  }
0x7: {  	_ = 	snop  }
__scs_overlays_trampoline_lowered:
0x8: {  	[smem:$0x3F95] =	sst s0  }
0x9: {  	[smem:$0x3F96] =	sst s1  }
0xa: {  	[smem:$0x3F97] =	sst s2  }
0xb: {  	[smem:$0x3F98] =	sst s3  }
0xc: {  	[smem:$0x3F99] =	sst s4  }
0xd: {  	[smem:$0x3F9A] =	sst s5  }
0xe: {  	[smem:$0x3F9B] =	sst s6  }
0xf: {  	[smem:$0x3F9C] =	sst s7  }
0x10: {  	[smem:$0x3F9D] =	sst s8  }
0x11: {  	[smem:$0x3F9E] =	sst s9;
	s0 =	simm.s32 @!p0 $0x0  }
0x12: {  	s1 =	sld [smem:$0x3F84];
	s0 =	simm.s32 @p0 $0x1  }
0x13: {  	[smem:$0x3F9F] =	sst s0;
	s0 =	simm.s32 @!p1 $0x0  }
0x14: {  	s2 =	sld [smem:$0x3F83];
	s0 =	simm.s32 @p1 $0x1  }
0x15: {  	[smem:$0x3FA0] =	sst s0;
	s0 =	simm.s32 @!p2 $0x0  }
0x16: {  	s3 =	sld [smem:$0x3FDB];
	s0 =	simm.s32 @p2 $0x1  }
0x17: {  	s4 =	simm.s32 $0x1BF5;
	[smem:$0x3FA2] =	sst s0  }
0x18: {  	s0 =	sld [smem:$0x3F85];
	_ =	swait.ge [sflag:s4], $0x0  }
0x19: {  	s7 =	sld [smem:$0x3F86]  }
0x1a: {  	s8 =	sadd.s32 $0xFFFFE003, lr  }
0x1b: {  	s9 =	sadd.s32 $0xFFFFFEF7, lr;
	s5 =	simm.s32 $0xFFFFFFFF;
	p2 =	slt.u32 s8, $0xFFFFF086  }
0x1c: {  	p1 =	slt.u32 s9, $0xF7A;
	s5 =	simm.s32 @!p2 $0x0  }
0x1d: {  	s5 =	simm.s32 @p1 $0x1;
	p0 =	seq.s32 s7, s2  }
0x1e: {  	s7 =	smul.u32 @!p0 $0xF7A, s2;
	p2 =	seq.s32 @!p0 s5, $0x0  }
0x1f: {  	s9 =	smul.u32 $0xF7A, s1;
	s8 =	simm.s32 @!p0 $0x1BF5;
	p2 =	por !p2, p0  }
0x20: {  	[sflag:s8] =	ssyncset.s32 @!p0 $0xFFFFF086;
	s6 =	sadd.s32 @!p0 s3, s7;
	s7 =	simm.s32 @!p0 $0x108  }
0x21: {  	s3 =	sadd.s32 s3, s9;
	s6 =	sadd.s32 @!p0 $0x88, s6;
	s7 =	simm.s32 @p2 $0x1082  }
0x22: {  	[simem:s7], [sflag:s8] =	dma.local @!p0 [hbm:s6], $0xF7A  }
0x23: {  	s9 =	sor.u32 $0xD0000000, s2;
	s6 =	simm.s32 $0x108;
	_ =	swait.ge @!p0 [sflag:s8], $0x0  }
0x24: {  	s3 =	sadd.s32 $0x88, s3;
	s6 =	simm.s32 @!p1 $0x1082;
	[sflag:s4] =	ssyncset.s32 $0xFFFFF086  }
0x25: {  	[simem:s6], [sflag:s4] =	dma.local [hbm:s3], $0xF7A  }
0x26: {  	[smem:$0x3F86] =	sst s1;
	(tag) =	ssettag s2;
	_ =	strace s9  }
0x27: {  	s1 =	sld [smem:$0x3F96]  }
0x28: {  	s2 =	sld [smem:$0x3F97]  }
0x29: {  	s4 =	sld [smem:$0x3F99]  }
0x2a: {  	p0 =	seq.s32 s5, $0x0;
	s5 =	sld [smem:$0x3F9A]  }
0x2b: {  	s6 =	sld [smem:$0x3F9B]  }
0x2c: {  	s7 =	sld [smem:$0x3F9C]  }
0x2d: {  	s3 =	simm.s32 $0x108;
	s8 =	sld [smem:$0x3F9D]  }
0x2e: {  	s3 =	simm.s32 @!p0 $0x1082;
	s9 =	sld [smem:$0x3F9E]  }
0x2f: {  	lr =	sadd.s32 s0, s3;
	s0 =	sld [smem:$0x3F95]  }
0x30: {  	s3 =	sld [smem:$0x3F98]  }
0x31: {  	[smem:$0x3FA1] =	sst s10  }
0x32: {  	s10 =	sld [smem:$0x3F9F];
	_ =	sdelay $0x3  }
0x33: {  	p0 =	seq.s32 s10, $0x1;
	s10 =	sld [smem:$0x3FA1];
	_ =	sdelay $0x3  }
0x34: {  	[smem:$0x3FA1] =	sst s10  }
0x35: {  	s10 =	sld [smem:$0x3FA0];
	_ =	sdelay $0x3  }
0x36: {  	p1 =	seq.s32 s10, $0x1;
	s10 =	sld [smem:$0x3FA1];
	_ =	sdelay $0x3  }
0x37: {  	[smem:$0x3FA1] =	sst s10  }
0x38: {  	s10 =	sld [smem:$0x3FA2]  }
0x39: {  	_ = 	snop;
	(pc) =	sbr.ind lr, $3  }
0x3a: {  	_ = 	snop  }
0x3b: {  	_ = 	snop  }
0x3c: {  	p2 =	seq.s32 s10, $0x1;
	s10 =	sld [smem:$0x3FA1]  }
0x3d: {  	_ =	shalt  }
0x3e: {  	_ =	shalt  }
0x3f: {  	_ =	shalt  }
0x40: {  	_ =	shalt  }
0x41: {  	_ =	shalt  }
0x42: {  	_ =	shalt  }
0x43: {  	_ =	shalt  }
0x44: {  	_ =	shalt  }
0x45: {  	_ =	shalt  }
0x46: {  	_ =	shalt  }
0x47: {  	_ =	shalt  }
0x48: {  	_ =	shalt  }
0x49: {  	_ =	shalt  }
0x4a: {  	_ =	shalt  }
0x4b: {  	_ =	shalt  }
0x4c: {  	_ =	shalt  }
0x4d: {  	_ =	shalt  }
0x4e: {  	_ =	shalt  }
0x4f: {  	_ =	shalt  }
0x50: {  	_ =	shalt  }
0x51: {  	_ =	shalt  }
0x52: {  	_ =	shalt  }
0x53: {  	_ =	shalt  }
0x54: {  	_ =	shalt  }
0x55: {  	_ =	shalt  }
0x56: {  	_ =	shalt  }
0x57: {  	_ =	shalt  }
0x58: {  	_ =	shalt  }
0x59: {  	_ =	shalt  }
0x5a: {  	_ =	shalt  }
0x5b: {  	_ =	shalt  }
0x5c: {  	_ =	shalt  }
0x5d: {  	_ =	shalt  }
0x5e: {  	_ =	shalt  }
0x5f: {  	_ =	shalt  }
0x60: {  	_ =	shalt  }
0x61: {  	_ =	shalt  }
0x62: {  	_ =	shalt  }
0x63: {  	_ =	shalt  }
0x64: {  	_ =	shalt  }
0x65: {  	_ =	shalt  }
0x66: {  	_ =	shalt  }
0x67: {  	_ =	shalt  }
0x68: {  	_ =	shalt  }
0x69: {  	_ =	shalt  }
0x6a: {  	_ =	shalt  }
0x6b: {  	_ =	shalt  }
0x6c: {  	_ =	shalt  }
0x6d: {  	_ =	shalt  }
0x6e: {  	_ =	shalt  }
0x6f: {  	_ =	shalt  }
0x70: {  	_ =	shalt  }
0x71: {  	_ =	shalt  }
0x72: {  	_ =	shalt  }
0x73: {  	_ =	shalt  }
0x74: {  	_ =	shalt  }
0x75: {  	_ =	shalt  }
0x76: {  	_ =	shalt  }
0x77: {  	_ =	shalt  }
0x78: {  	_ =	shalt  }
0x79: {  	_ =	shalt  }
0x7a: {  	_ =	shalt  }
0x7b: {  	_ =	shalt  }
0x7c: {  	_ =	shalt  }
0x7d: {  	_ =	shalt  }
0x7e: {  	_ =	shalt  }
0x7f: {  	_ =	shalt  }
0x80: {  	_ =	shalt  }
0x81: {  	_ =	shalt  }
0x82: {  	_ =	shalt  }
0x83: {  	_ =	shalt  }
0x84: {  	_ =	shalt  }
0x85: {  	_ =	shalt  }
0x86: {  	_ =	shalt  }
0x87: {  	_ =	shalt  }
.Lfunc_end0:
.L_simem_size_0:
called_computation.1_lowered:
.L_overlay_start_0:
0x88: {  	s2 =	sld [smem:$0x3FD9]  }
0x89: {  	s3 =	sld [smem:$0x3FFE];
	_ =	sdelay $0x1  }
0x8a: {  	s1 =	srdreg.scid  }
0x8b: {  	s0 =	sand.u32 $0x1, s1  }
0x8c: {  	s17 =	sshll.u32 s0, $0xA;
	s2 =	sadd.s32 s3, s2  }
0x8d: {  	s2 =	sadd.s32 s2, s17  }
0x8e: {  	[smem:$0x3FAD] =	sst s2  }
0x8f: {  	_ = 	snop  }
0x90: {  	s2 =	sld [smem:$0x3FD0];
	(tm) =	ssettm $0x1  }
0x91: {  	s18 =	sld [smem:$0x3FFB];
	_ =	sdelay $0x3  }
0x92: {  	_ =	strace s18  }
0x93: {  	s3 =	sld [smem:$0x3FFC];
	_ =	sdelay $0x3  }
0x94: {  	_ =	strace s3  }
0x95: {  	s3 =	sld [smem:$0x3FFD];
	_ =	sdelay $0x3  }
0x96: {  	_ =	strace s3  }
0x97: {  	_ =	strace $0x8FFFFFFF  }
0x98: {  	s19 =	sld [smem:$0x3FDB];
	_ =	sdelay $0x1  }
0x99: {  	s4 =	simm.s32 $_scs_section_size  }
0x9a: {  	s5 =	simm.s32 $_size__tile_overlayer_lowered;
	s6 =	simm.s32 $_tile_overlayer_lowered  }
0x9b: {  	s22 =	simm.s32 $0x1BFF;
	s21 =	sshll.u32 s6, $0x1;
	s3 =	sadd.s32 s4, s19  }
0x9c: {  	s7 =	simm.s32 $0x0;
	s20 =	sshll.u32 s5, $0x1;
	s5 =	sadd.s32 s21, s3  }
0x9d: {  	[timem:s7], [sflag:s22] =	dma.local [hbm:s5], s20  }
0x9e: {  	_ =	swait.ge [sflag:s22], s20  }
0x9f: {  	s4 =	ssub.s32 $0x0, s20;
	[sflag:s22] =	ssyncset.done $0x0  }
0xa0: {  	[sflag:s22] =	ssyncadd.s32 s4;
	_ =	sdelay $0x1  }
0xa1: {  	s23 =	simm.s32 $0x1B8B  }
0xa2: {  	_ =	swait.ge [sflag:s23], $0x1  }
0xa3: {  	[sflag:s23] =	ssyncset.done $0x0  }
0xa4: {  	s25 =	simm.s32 $0x1B8E;
	s24 =	sld [smem:$0x3FFE];
	[sflag:s23] =	ssyncadd.s32 $0xFFFFFFFF  }
0xa5: {  	s26 =	simm.s32 $execute0_lowered;
	[smem:$0x3FD2] =	sst s25  }
0xa6: {  	s5 =	sshll.u32 s26, $0x1;
	_ =	strace $0x80000049;
	[dreg:$0x1] =	wrdreg $0xFFFFFFFF  }
0xa7: {  	s28 =	simm.s32 $_size_execute0_lowered;
	s3 =	sadd.s32 s3, s5;
	[dreg:$0x0] =	wrdreg $0x0  }
0xa8: {  	s5 =	sshll.u32 s28, $0x1;
	[dreg:$0x2] =	wrdreg s3  }
0xa9: {  	[dreg:$0x3] =	wrdreg s5  }
0xaa: {  	[dreg:$0x4] =	wrdreg $0xC0  }
0xab: {  	_ =	task [dreg:s7], $0x5FFFF  }
0xac: {  	[dreg:$0x1] =	wrdreg $0xFFFFFFFF  }
0xad: {  	[dreg:$0x0] =	wrdreg $0x60  }
0xae: {  	[dreg:$0x2] =	wrdreg s2  }
0xaf: {  	[dreg:$0x3] =	wrdreg s24  }
0xb0: {  	[dreg:$0x4] =	wrdreg $0x9  }
0xb1: {  	_ =	task.clear_ibuf [dreg:s7], $0x5FFFF;
	_ =	strace $0x90000049  }
0xb2: {  	s29 =	simm.s32 $0x9;
	_ =	strace $0x8000004B  }
0xb3: {  	_ =	swait.ge [sflag:s29], $0x1  }
0xb4: {  	[sflag:s29] =	ssyncadd.s32 $0xFFFFFFFF  }
0xb5: {  	_ =	strace $0x9000004B  }
0xb6: {  	_ =	sfence  }
0xb7: {  	s30 =	sld [smem:$0x0];
	_ =	sdelay $0x2  }
0xb8: {  	s31 =	sshll.u32 s1, $0xD;
	s1 =	sshrl.u32 s1, $0x2  }
0xb9: {  	s3 =	sand.u32 $0x4000, s31;
	s1 =	sadd.s32 s1, s30  }
0xba: {  	s0 =	sor.u32 s3, s0;
	s1 =	sshll.u32 s1, $0x11  }
0xbb: {  	s0 =	sor.u32 s1, s0  }
0xbc: {  	s0 =	sadd.s32 $0x8F2B, s0  }
0xbd: {  	[sflag:s0] =	ssyncadd.remote.s32 $0x1  }
0xbe: {  	_ =	sfence.sel $0xFFFF  }
0xbf: {  	[dreg:$0x0] =	wrdreg $0xFFFFFFFF;
	(pc) =	sbr.abs _section_cstart, $3  }
0xc0: {  	[dreg:$0x1] =	wrdreg $0xFFFFFFFF  }
0xc1: {  	_ =	task.clear_ibuf [dreg:s7], $0x2FFFF;
	_ =	strace $0x9FFFFFFF  }
0xc2: {  	(tm) =	ssettm $0x7FFFFFFF  }
0xc3: {  	_ =	shalt  }
tec
execute0_lowered:
.L_overlay_start_1:
0x0: {  	(tag) =	ssettag $0x1  }
0x1: {  	s2 =	rddreg [dreg:$0x0]  }
0x2: {  	s1 =	rddreg [dreg:$0x1];
	s3 =	simm.s32 $0x0  }
0x3: {  	s0 =	srdreg.scid;
	s23 =	simm.s32 $0x80;
	[smem:$0x7FF] =	sst s3  }
0x4: {  	s24 =	simm.s32 $0xC900;
	_ =	strace $0x8000004A;
	[dreg:$0x4] =	wrdreg s23  }
0x5: {  	s10 =	stileid.u32;
	s25 =	simm.s32 $0xCD00;
	[dreg:$0x5] =	wrdreg s24  }
0x6: {  	s11 =	simm.s32 $0xD900;
	s12 =	simm.s32 $0xE100;
	[dreg:$0x6] =	wrdreg s25  }
0x7: {  	s13 =	simm.s32 $0xE500;
	s14 =	simm.s32 $0xED00;
	[dreg:$0x8] =	wrdreg s11  }
0x8: {  	s15 =	simm.s32 $0xF100;
	s17 =	simm.s32 $0xF900;
	[dreg:$0x9] =	wrdreg s12  }
0x9: {  	s18 =	simm.s32 $0xFD00;
	s20 =	simm.s32 $0x10500;
	[dreg:$0xa] =	wrdreg s13  }
0xa: {  	s21 =	simm.s32 $0x10900;
	s22 =	simm.s32 $0x11100;
	[dreg:$0xb] =	wrdreg s14  }
0xb: {  	s28 =	simm.s32 $0xD00;
	s29 =	simm.s32 $0x2D00;
	[dreg:$0xc] =	wrdreg s15  }
0xc: {  	s30 =	simm.s32 $0x7900;
	s31 =	simm.s32 $0x8100;
	[dreg:$0xd] =	wrdreg s17  }
0xd: {  	s0 =	sand.u32 $0x1, s0;
	s4 =	sshll.u32 s10, $0x1;
	[dreg:$0xe] =	wrdreg s18  }
0xe: {  	s26 =	smul.u32 $0x14, s10;
	s5 =	sor.u32 s0, s4;
	[dreg:$0xf] =	wrdreg s20  }
0xf: {  	s4 =	sadd.s32 $0x57EE00, s1;
	s7 =	ssub.s32 $0x2, s0;
	[dreg:$0x10] =	wrdreg s21  }
0x10: {  	s1 =	sadd.s32 $0x4A00, s1;
	[dreg:$0x11] =	wrdreg s22;
	s24 =	simm.s32 $0x11500  }
0x11: {  	s9 =	smul.u32 $0xA, s0;
	s25 =	simm.s32 $0x11D00;
	[dreg:$0x12] =	wrdreg s24  }
0x12: {  	s23 =	smul.u32 $0x1E000, s10;
	s10 =	simm.s32 $0x14100;
	[dreg:$0x13] =	wrdreg s25  }
0x13: {  	s0 =	smul.u32 $0xF000, s0;
	s13 =	simm.s32 $0x14500;
	[dreg:$0x19] =	wrdreg s10  }
0x14: {  	s11 =	simm.s32 $0x3;
	s14 =	simm.s32 $0x14D00;
	[dreg:$0x1a] =	wrdreg s13  }
0x15: {  	s12 =	simm.s32 $0x100;
	s15 =	simm.s32 $0x15100;
	[dreg:$0x1b] =	wrdreg s14  }
0x16: {  	s17 =	simm.s32 $0x15D00;
	s18 =	simm.s32 $0x16500;
	[dreg:$0x1c] =	wrdreg s15  }
0x17: {  	s20 =	simm.s32 $0x17100;
	s21 =	simm.s32 $0x17500;
	[dreg:$0x1e] =	wrdreg s17  }
0x18: {  	s22 =	simm.s32 $0x17D00;
	s6 =	smul.u32 $0xA, s5;
	[dreg:$0x1f] =	wrdreg s18  }
0x19: {  	s8 =	sshrl.u32 s7, $0x1;
	s5 =	smul.u32 $0xA0, s5;
	[smem:$0x7FA] =	sst s20  }
0x1a: {  	s24 =	simm.s32 $0x1900;
	s25 =	simm.s32 $0x2100;
	[smem:$0x7FB] =	sst s21  }
0x1b: {  	s10 =	simm.s32 $0x4900;
	[smem:$0x7FC] =	sst s22;
	s13 =	simm.s32 $0x5500  }
0x1c: {  	s14 =	simm.s32 $0x5D00;
	s15 =	simm.s32 $0x6100;
	s17 =	simm.s32 $0x6D00  }
0x1d: {  	s18 =	simm.s32 $0x7500;
	s22 =	simm.s32 $0x0;
	s7 =	ssub.s32 s7, s8  }
0x1e: {  	s8 =	sadd.s32 s9, s26;
	s26 =	simm.s32 $0x12100;
	[smem:$0x7FD] =	sst s22  }
0x1f: {  	s20 =	simm.s32 $0x1;
	s6 =	sadd.s32 $0x2, s6;
	[dreg:$0x14] =	wrdreg s26  }
0x20: {  	s21 =	simm.s32 $0x2;
	s5 =	sadd.s32 s4, s5;
	[dreg:$0x3] =	wrdreg s6  }
0x21: {  	s9 =	smul.u32 $0x1800, s8;
	s7 =	smax.u32 s7, $0x1;
	[smem:$0x7F4] =	sst s5  }
0x22: {  	s19 =	sshll.u32 s8, $0x4;
	s8 =	simm.s32 $0x13500;
	[smem:$0x7F5] =	sst s7  }
0x23: {  	s26 =	simm.s32 $0x900;
	s6 =	simm.s32 $0xD500;
	[dreg:$0x17] =	wrdreg s8  }
0x24: {  	s5 =	simm.s32 $0x12900;
	s8 =	simm.s32 $0x3D00;
	[dreg:$0x7] =	wrdreg s6  }
0x25: {  	s6 =	sadd.s32 $0x100, s2;
	s16 =	sadd.s32 s9, s1;
	s1 =	sadd.s32 s23, s1  }
0x26: {  	[dreg:$0x15] =	wrdreg s5;
	s9 =	simm.s32 $0x13900;
	s23 =	simm.s32 $0x1500  }
0x27: {  	s5 =	simm.s32 $0x3100;
	s7 =	sadd.s32 $0x1800, s16;
	[dreg:$0x18] =	wrdreg s9  }
0x28: {  	s0 =	sadd.s32 s0, s1;
	s1 =	simm.s32 $0x2500;
	[smem:$0x7F6] =	sst s7  }
0x29: {  	s16 =	simm.s32 $0x15900;
	s9 =	simm.s32 $0x4500;
	[smem:$0x7F8] =	sst s0  }
0x2a: {  	s7 =	sadd.s32 s19, s4;
	[dreg:$0x1d] =	wrdreg s16;
	s19 =	simm.s32 $0x16900  }
0x2b: {  	v2 =	vlaneseq.u32;
	s0 =	simm.s32 $0x5100;
	s7 =	sadd.s32 $0x10, s7;
	[smem:$0x7F9] =	sst s19  }
0x2c: {  	vm0 =	vmmov $0xffff;
	vm1 =	vmmov $0xff;
	v1 =	vshrl.u32 v2, $0x3;
	s16 =	simm.s32 $0x6900;
	[smem:$0x7F7] =	sst s7;
	s7 =	simm.s32 $0x12D00  }
0x2d: {  	v0 =	vand.u32 $0x7, v2;
	v2 =	vor.u32 $0x8, v2;
	v1 =	vmul.u32 $0x8, v1;
	s19 =	simm.s32 $0xC100;
	[dreg:$0x16] =	wrdreg s7;
	s7 =	simm.s32 $0x3900  }
.LBB2_1:
0x2e: {  	s22 =	sld [smem:$0x7F4];
	_ =	sdelay $0x2  }
0x2f: {  	[tilespmem:s3], [sflag:$0x3] =	stream.linear.gather [hbm4b:s22+s3], $0x80, $0x38;
	[tilespmem:$0x18100] =	vst v63  }
0x30: {  	_ =	swait.ge [sflag:s11], $0x80  }
0x31: {  	[sflag:s11] =	ssyncset.done $0x0  }
0x32: {  	[sflag:s11] =	ssyncadd.s32 $0xFFFFFF80  }
0x33: {  	v3 =	vld [tilespmem:$0x0];
	_ =	sdelay $0x4  }
0x34: {  	v4 =	vshrl.u32 v3, $0x3  }
0x35: {  	v4 =	vmul.u32 $0x18, v4  }
0x36: {  	v3 =	vand.u32 $0x7, v3  }
0x37: {  	v3 =	vor.u32 v3, v4  }
0x38: {  	v4 =	vperm.xlane v3, v0;
	_ =	sdelay $0x1  }
0x39: {  	v4 =	vadd.s32 v1, v4;
	_ =	sdelay $0x1  }
0x3a: {  	v3 =	vperm.xlane v3, v2;
	_ =	sdelay $0x1  }
0x3b: {  	v3 =	vadd.s32 v1, v3  }
0x3c: {  	[tilespmem:s12], [sflag:$0x1] =	stream.indirect_vreg.gather [hbm4b:s2+s3], $0x80, v4, vm0, $0xb8;
	[tilespmem:$0x18100] =	vst v63  }
0x3d: {  	_ = 	snop  }
0x3e: {  	[tilespmem:s26], [sflag:$0x1] =	stream.indirect_vreg.gather [hbm4b:s6+s3], $0x80, v4, vm1, $0xb8;
	[tilespmem:$0x18100] =	vst v63  }
0x3f: {  	_ = 	snop  }
0x40: {  	[tilespmem:s28], [sflag:$0x1] =	stream.indirect_vreg.gather [hbm4b:s2+s3], $0x80, v3, vm0, $0xb8;
	[tilespmem:$0x18100] =	vst v63  }
0x41: {  	_ = 	snop  }
0x42: {  	[tilespmem:s23], [sflag:$0x1] =	stream.indirect_vreg.gather [hbm4b:s6+s3], $0x80, v3, vm1, $0xb8;
	[tilespmem:$0x18100] =	vst v63  }
0x43: {  	v3 =	vld [tilespmem:$0x10];
	_ =	sdelay $0x4  }
0x44: {  	v57 =	vshrl.u32 v3, $0x3  }
0x45: {  	v4 =	vmul.u32 $0x18, v57  }
0x46: {  	v3 =	vand.u32 $0x7, v3  }
0x47: {  	v3 =	vor.u32 v3, v4  }
0x48: {  	v4 =	vperm.xlane v3, v0;
	_ =	sdelay $0x1  }
0x49: {  	v4 =	vadd.s32 v1, v4;
	_ =	sdelay $0x1  }
0x4a: {  	v3 =	vperm.xlane v3, v2;
	_ =	sdelay $0x1  }
0x4b: {  	v3 =	vadd.s32 v1, v3  }
0x4c: {  	[tilespmem:s24], [sflag:$0x1] =	stream.indirect_vreg.gather [hbm4b:s2+s3], $0x80, v4, vm0, $0xb8;
	[tilespmem:$0x18100] =	vst v63  }
0x4d: {  	_ = 	snop  }
0x4e: {  	[tilespmem:s25], [sflag:$0x1] =	stream.indirect_vreg.gather [hbm4b:s6+s3], $0x80, v4, vm1, $0xb8;
	[tilespmem:$0x18100] =	vst v63  }
0x4f: {  	_ = 	snop  }
0x50: {  	[tilespmem:s1], [sflag:$0x1] =	stream.indirect_vreg.gather [hbm4b:s2+s3], $0x80, v3, vm0, $0xb8;
	[tilespmem:$0x18100] =	vst v63  }
0x51: {  	_ = 	snop  }
0x52: {  	[tilespmem:s29], [sflag:$0x1] =	stream.indirect_vreg.gather [hbm4b:s6+s3], $0x80, v3, vm1, $0xb8;
	[tilespmem:$0x18100] =	vst v63  }
0x53: {  	v3 =	vld [tilespmem:$0x20];
	_ =	sdelay $0x4  }
0x54: {  	v58 =	vshrl.u32 v3, $0x3  }
0x55: {  	v4 =	vmul.u32 $0x18, v58  }
0x56: {  	v3 =	vand.u32 $0x7, v3  }
0x57: {  	v3 =	vor.u32 v3, v4  }
0x58: {  	v4 =	vperm.xlane v3, v0;
	_ =	sdelay $0x1  }
0x59: {  	v4 =	vadd.s32 v1, v4;
	_ =	sdelay $0x1  }
0x5a: {  	v3 =	vperm.xlane v3, v2;
	_ =	sdelay $0x1  }
0x5b: {  	v3 =	vadd.s32 v1, v3  }
0x5c: {  	[tilespmem:s5], [sflag:$0x1] =	stream.indirect_vreg.gather [hbm4b:s2+s3], $0x80, v4, vm0, $0xb8;
	[tilespmem:$0x18100] =	vst v63  }
0x5d: {  	_ = 	snop  }
0x5e: {  	[tilespmem:s7], [sflag:$0x1] =	stream.indirect_vreg.gather [hbm4b:s6+s3], $0x80, v4, vm1, $0xb8;
	[tilespmem:$0x18100] =	vst v63  }
0x5f: {  	_ = 	snop  }
0x60: {  	[tilespmem:s8], [sflag:$0x1] =	stream.indirect_vreg.gather [hbm4b:s2+s3], $0x80, v3, vm0, $0xb8;
	[tilespmem:$0x18100] =	vst v63  }
0x61: {  	_ = 	snop  }
0x62: {  	[tilespmem:s9], [sflag:$0x1] =	stream.indirect_vreg.gather [hbm4b:s6+s3], $0x80, v3, vm1, $0xb8;
	[tilespmem:$0x18100] =	vst v63  }
0x63: {  	v3 =	vld [tilespmem:$0x30];
	_ =	sdelay $0x4  }
0x64: {  	v59 =	vshrl.u32 v3, $0x3  }
0x65: {  	v4 =	vmul.u32 $0x18, v59  }
0x66: {  	v3 =	vand.u32 $0x7, v3  }
0x67: {  	v3 =	vor.u32 v3, v4  }
0x68: {  	v4 =	vperm.xlane v3, v0;
	_ =	sdelay $0x1  }
0x69: {  	v4 =	vadd.s32 v1, v4;
	_ =	sdelay $0x1  }
0x6a: {  	v3 =	vperm.xlane v3, v2;
	_ =	sdelay $0x1  }
0x6b: {  	v3 =	vadd.s32 v1, v3  }
0x6c: {  	[tilespmem:s10], [sflag:$0x1] =	stream.indirect_vreg.gather [hbm4b:s2+s3], $0x80, v4, vm0, $0xb8;
	[tilespmem:$0x18100] =	vst v63  }
0x6d: {  	_ = 	snop  }
0x6e: {  	[tilespmem:s0], [sflag:$0x1] =	stream.indirect_vreg.gather [hbm4b:s6+s3], $0x80, v4, vm1, $0xb8;
	[tilespmem:$0x18100] =	vst v63  }
0x6f: {  	_ = 	snop  }
0x70: {  	[tilespmem:s13], [sflag:$0x1] =	stream.indirect_vreg.gather [hbm4b:s2+s3], $0x80, v3, vm0, $0xb8;
	[tilespmem:$0x18100] =	vst v63  }
0x71: {  	_ = 	snop  }
0x72: {  	[tilespmem:s14], [sflag:$0x1] =	stream.indirect_vreg.gather [hbm4b:s6+s3], $0x80, v3, vm1, $0xb8;
	[tilespmem:$0x18100] =	vst v63  }
0x73: {  	v3 =	vld [tilespmem:$0x40];
	_ =	sdelay $0x4  }
0x74: {  	v60 =	vshrl.u32 v3, $0x3  }
0x75: {  	v4 =	vmul.u32 $0x18, v60  }
0x76: {  	v3 =	vand.u32 $0x7, v3  }
0x77: {  	v3 =	vor.u32 v3, v4  }
0x78: {  	v4 =	vperm.xlane v3, v0;
	_ =	sdelay $0x1  }
0x79: {  	v4 =	vadd.s32 v1, v4;
	_ =	sdelay $0x1  }
0x7a: {  	v3 =	vperm.xlane v3, v2;
	_ =	sdelay $0x1  }
0x7b: {  	v3 =	vadd.s32 v1, v3  }
0x7c: {  	[tilespmem:s15], [sflag:$0x1] =	stream.indirect_vreg.gather [hbm4b:s2+s3], $0x80, v4, vm0, $0xb8;
	[tilespmem:$0x18100] =	vst v63  }
0x7d: {  	_ = 	snop  }
0x7e: {  	[tilespmem:s16], [sflag:$0x1] =	stream.indirect_vreg.gather [hbm4b:s6+s3], $0x80, v4, vm1, $0xb8;
	[tilespmem:$0x18100] =	vst v63  }
0x7f: {  	_ = 	snop  }
0x80: {  	[tilespmem:s17], [sflag:$0x1] =	stream.indirect_vreg.gather [hbm4b:s2+s3], $0x80, v3, vm0, $0xb8;
	[tilespmem:$0x18100] =	vst v63  }
0x81: {  	_ = 	snop  }
0x82: {  	[tilespmem:s18], [sflag:$0x1] =	stream.indirect_vreg.gather [hbm4b:s6+s3], $0x80, v3, vm1, $0xb8;
	[tilespmem:$0x18100] =	vst v63  }
0x83: {  	v3 =	vld [tilespmem:$0x50];
	_ =	sdelay $0x4  }
0x84: {  	v61 =	vshrl.u32 v3, $0x3  }
0x85: {  	v4 =	vmul.u32 $0x18, v61  }
0x86: {  	v3 =	vand.u32 $0x7, v3  }
0x87: {  	v3 =	vor.u32 v3, v4  }
0x88: {  	v4 =	vperm.xlane v3, v0;
	_ =	sdelay $0x1  }
0x89: {  	v4 =	vadd.s32 v1, v4;
	_ =	sdelay $0x1  }
0x8a: {  	v3 =	vperm.xlane v3, v2;
	_ =	sdelay $0x1  }
0x8b: {  	v3 =	vadd.s32 v1, v3  }
0x8c: {  	[tilespmem:s30], [sflag:$0x1] =	stream.indirect_vreg.gather [hbm4b:s2+s3], $0x80, v4, vm0, $0xb8;
	[tilespmem:$0x18100] =	vst v63  }
0x8d: {  	_ = 	snop  }
0x8e: {  	[tilespmem:s31], [sflag:$0x1] =	stream.indirect_vreg.gather [hbm4b:s6+s3], $0x80, v4, vm1, $0xb8;
	[tilespmem:$0x18100] =	vst v63  }
0x8f: {  	s22 =	simm.s32 $0x8500  }
0x90: {  	[tilespmem:s22], [sflag:$0x1] =	stream.indirect_vreg.gather [hbm4b:s2+s3], $0x80, v3, vm0, $0xb8;
	[tilespmem:$0x18100] =	vst v63  }
0x91: {  	s23 =	simm.s32 $0x8D00  }
0x92: {  	[tilespmem:s23], [sflag:$0x1] =	stream.indirect_vreg.gather [hbm4b:s6+s3], $0x80, v3, vm1, $0xb8;
	[tilespmem:$0x18100] =	vst v63  }
0x93: {  	v3 =	vld [tilespmem:$0x60];
	_ =	sdelay $0x4  }
0x94: {  	v62 =	vshrl.u32 v3, $0x3  }
0x95: {  	v4 =	vmul.u32 $0x18, v62  }
0x96: {  	v3 =	vand.u32 $0x7, v3  }
0x97: {  	v3 =	vor.u32 v3, v4  }
0x98: {  	v4 =	vperm.xlane v3, v0;
	_ =	sdelay $0x1  }
0x99: {  	v4 =	vadd.s32 v1, v4;
	_ =	sdelay $0x1  }
0x9a: {  	v3 =	vperm.xlane v3, v2;
	_ =	sdelay $0x1  }
0x9b: {  	s24 =	simm.s32 $0x9100;
	v3 =	vadd.s32 v1, v3  }
0x9c: {  	[tilespmem:s24], [sflag:$0x1] =	stream.indirect_vreg.gather [hbm4b:s2+s3], $0x80, v4, vm0, $0xb8;
	[tilespmem:$0x18100] =	vst v63  }
0x9d: {  	s25 =	simm.s32 $0x9900  }
0x9e: {  	[tilespmem:s25], [sflag:$0x1] =	stream.indirect_vreg.gather [hbm4b:s6+s3], $0x80, v4, vm1, $0xb8;
	[tilespmem:$0x18100] =	vst v63  }
0x9f: {  	s26 =	simm.s32 $0x9D00  }
0xa0: {  	[tilespmem:s26], [sflag:$0x1] =	stream.indirect_vreg.gather [hbm4b:s2+s3], $0x80, v3, vm0, $0xb8;
	[tilespmem:$0x18100] =	vst v63  }
0xa1: {  	s28 =	simm.s32 $0xA500  }
0xa2: {  	[tilespmem:s28], [sflag:$0x1] =	stream.indirect_vreg.gather [hbm4b:s6+s3], $0x80, v3, vm1, $0xb8;
	[tilespmem:$0x18100] =	vst v63  }
0xa3: {  	v3 =	vld [tilespmem:$0x70];
	_ =	sdelay $0x4  }
0xa4: {  	v63 =	vshrl.u32 v3, $0x3  }
0xa5: {  	v4 =	vmul.u32 $0x18, v63  }
0xa6: {  	v3 =	vand.u32 $0x7, v3  }
0xa7: {  	v3 =	vor.u32 v3, v4  }
0xa8: {  	v4 =	vperm.xlane v3, v0;
	_ =	sdelay $0x1  }
0xa9: {  	v4 =	vadd.s32 v1, v4  }
0xaa: {  	s1 =	simm.s32 $0x7900  }
0xab: {  	s29 =	simm.s32 $0xB500;
	s5 =	simm.s32 $0x3100;
	s7 =	simm.s32 $0x3900;
	v3 =	vperm.xlane v3, v2  }
0xac: {  	s8 =	simm.s32 $0x3D00;
	s9 =	simm.s32 $0x4500;
	s10 =	simm.s32 $0x4900  }
0xad: {  	s0 =	simm.s32 $0xBD00;
	s13 =	simm.s32 $0x8100;
	s15 =	simm.s32 $0xA900;
	v3 =	vadd.s32 v1, v3  }
0xae: {  	[tilespmem:s15], [sflag:$0x1] =	stream.indirect_vreg.gather [hbm4b:s2+s3], $0x80, v4, vm0, $0xb8;
	[tilespmem:$0x18100] =	vst v63  }
0xaf: {  	s16 =	simm.s32 $0x6100;
	s17 =	simm.s32 $0xB100;
	s22 =	sld [smem:$0x7F8]  }
0xb0: {  	[tilespmem:s17], [sflag:$0x1] =	stream.indirect_vreg.gather [hbm4b:s6+s3], $0x80, v4, vm1, $0xb8;
	[tilespmem:$0x18100] =	vst v63  }
0xb1: {  	s18 =	simm.s32 $0x6D00;
	s30 =	simm.s32 $0x1900;
	s23 =	sld [smem:$0x7F7]  }
0xb2: {  	[tilespmem:s29], [sflag:$0x1] =	stream.indirect_vreg.gather [hbm4b:s2+s3], $0x80, v3, vm0, $0xb8;
	[tilespmem:$0x18100] =	vst v63  }
0xb3: {  	s31 =	simm.s32 $0x2100;
	s24 =	sld [smem:$0x7F6];
	s25 =	simm.s32 $0x0  }
0xb4: {  	[tilespmem:s0], [sflag:$0x1] =	stream.indirect_vreg.gather [hbm4b:s6+s3], $0x80, v3, vm1, $0xb8;
	[tilespmem:$0x18100] =	vst v63  }
.LBB2_2:
0xb5: {  	s26 =	rddreg [dreg:$0x4]  }
0xb6: {  	[tilespmem:s26], [sflag:$0x3] =	stream.linear.gather [hbm4b:s23+s3], $0x80, $0x38;
	[tilespmem:$0x18100] =	vst v63  }
0xb7: {  	_ =	swait.ge [sflag:s11], $0x80  }
0xb8: {  	[sflag:s11] =	ssyncset.done $0x0  }
0xb9: {  	[sflag:s11] =	ssyncadd.s32 $0xFFFFFF80  }
0xba: {  	v3 =	vld [tilespmem:$0x80];
	_ =	sdelay $0x4  }
0xbb: {  	v4 =	vshrl.u32 v3, $0x3  }
0xbc: {  	v4 =	vmul.u32 $0x18, v4  }
0xbd: {  	v3 =	vand.u32 $0x7, v3  }
0xbe: {  	v3 =	vor.u32 v3, v4  }
0xbf: {  	v4 =	vperm.xlane v3, v0;
	_ =	sdelay $0x1  }
0xc0: {  	v4 =	vadd.s32 v1, v4;
	_ =	sdelay $0x1  }
0xc1: {  	v3 =	vperm.xlane v3, v2;
	_ =	sdelay $0x1  }
0xc2: {  	v3 =	vadd.s32 v1, v3  }
0xc3: {  	[tilespmem:s19], [sflag:$0x2] =	stream.indirect_vreg.gather [hbm4b:s2+s3], $0x80, v4, vm0, $0xb8;
	[tilespmem:$0x18100] =	vst v63  }
0xc4: {  	s14 =	rddreg [dreg:$0x5]  }
0xc5: {  	[tilespmem:s14], [sflag:$0x2] =	stream.indirect_vreg.gather [hbm4b:s6+s3], $0x80, v4, vm1, $0xb8;
	[tilespmem:$0x18100] =	vst v63  }
0xc6: {  	s28 =	rddreg [dreg:$0x6]  }
0xc7: {  	[tilespmem:s28], [sflag:$0x2] =	stream.indirect_vreg.gather [hbm4b:s2+s3], $0x80, v3, vm0, $0xb8;
	[tilespmem:$0x18100] =	vst v63  }
0xc8: {  	s14 =	rddreg [dreg:$0x7]  }
0xc9: {  	[tilespmem:s14], [sflag:$0x2] =	stream.indirect_vreg.gather [hbm4b:s6+s3], $0x80, v3, vm1, $0xb8;
	[tilespmem:$0x18100] =	vst v63  }
0xca: {  	v3 =	vld [tilespmem:$0x90];
	_ =	sdelay $0x4  }
0xcb: {  	v49 =	vshrl.u32 v3, $0x3  }
0xcc: {  	v4 =	vmul.u32 $0x18, v49  }
0xcd: {  	v3 =	vand.u32 $0x7, v3  }
0xce: {  	v3 =	vor.u32 v3, v4  }
0xcf: {  	v4 =	vperm.xlane v3, v0;
	_ =	sdelay $0x1  }
0xd0: {  	v4 =	vadd.s32 v1, v4;
	_ =	sdelay $0x1  }
0xd1: {  	v3 =	vperm.xlane v3, v2;
	_ =	sdelay $0x1  }
0xd2: {  	s14 =	rddreg [dreg:$0x8];
	v3 =	vadd.s32 v1, v3  }
0xd3: {  	[tilespmem:s14], [sflag:$0x2] =	stream.indirect_vreg.gather [hbm4b:s2+s3], $0x80, v4, vm0, $0xb8;
	[tilespmem:$0x18100] =	vst v63  }
0xd4: {  	s28 =	rddreg [dreg:$0x9]  }
0xd5: {  	[tilespmem:s28], [sflag:$0x2] =	stream.indirect_vreg.gather [hbm4b:s6+s3], $0x80, v4, vm1, $0xb8;
	[tilespmem:$0x18100] =	vst v63  }
0xd6: {  	s14 =	rddreg [dreg:$0xa]  }
0xd7: {  	[tilespmem:s14], [sflag:$0x2] =	stream.indirect_vreg.gather [hbm4b:s2+s3], $0x80, v3, vm0, $0xb8;
	[tilespmem:$0x18100] =	vst v63  }
0xd8: {  	s28 =	rddreg [dreg:$0xb]  }
0xd9: {  	[tilespmem:s28], [sflag:$0x2] =	stream.indirect_vreg.gather [hbm4b:s6+s3], $0x80, v3, vm1, $0xb8;
	[tilespmem:$0x18100] =	vst v63  }
0xda: {  	v3 =	vld [tilespmem:$0xA0];
	_ =	sdelay $0x4  }
0xdb: {  	v50 =	vshrl.u32 v3, $0x3  }
0xdc: {  	v4 =	vmul.u32 $0x18, v50  }
0xdd: {  	v3 =	vand.u32 $0x7, v3  }
0xde: {  	v3 =	vor.u32 v3, v4  }
0xdf: {  	v4 =	vperm.xlane v3, v0;
	_ =	sdelay $0x1  }
0xe0: {  	v4 =	vadd.s32 v1, v4;
	_ =	sdelay $0x1  }
0xe1: {  	v3 =	vperm.xlane v3, v2;
	_ =	sdelay $0x1  }
0xe2: {  	s14 =	rddreg [dreg:$0xc];
	v3 =	vadd.s32 v1, v3  }
0xe3: {  	[tilespmem:s14], [sflag:$0x2] =	stream.indirect_vreg.gather [hbm4b:s2+s3], $0x80, v4, vm0, $0xb8;
	[tilespmem:$0x18100] =	vst v63  }
0xe4: {  	s28 =	rddreg [dreg:$0xd]  }
0xe5: {  	[tilespmem:s28], [sflag:$0x2] =	stream.indirect_vreg.gather [hbm4b:s6+s3], $0x80, v4, vm1, $0xb8;
	[tilespmem:$0x18100] =	vst v63  }
0xe6: {  	s14 =	rddreg [dreg:$0xe]  }
0xe7: {  	[tilespmem:s14], [sflag:$0x2] =	stream.indirect_vreg.gather [hbm4b:s2+s3], $0x80, v3, vm0, $0xb8;
	[tilespmem:$0x18100] =	vst v63  }
0xe8: {  	s28 =	rddreg [dreg:$0xf]  }
0xe9: {  	[tilespmem:s28], [sflag:$0x2] =	stream.indirect_vreg.gather [hbm4b:s6+s3], $0x80, v3, vm1, $0xb8;
	[tilespmem:$0x18100] =	vst v63  }
0xea: {  	v3 =	vld [tilespmem:$0xB0];
	_ =	sdelay $0x4  }
0xeb: {  	v51 =	vshrl.u32 v3, $0x3  }
0xec: {  	v4 =	vmul.u32 $0x18, v51  }
0xed: {  	v3 =	vand.u32 $0x7, v3  }
0xee: {  	v3 =	vor.u32 v3, v4  }
0xef: {  	v4 =	vperm.xlane v3, v0;
	_ =	sdelay $0x1  }
0xf0: {  	v4 =	vadd.s32 v1, v4;
	_ =	sdelay $0x1  }
0xf1: {  	v3 =	vperm.xlane v3, v2;
	_ =	sdelay $0x1  }
0xf2: {  	s14 =	rddreg [dreg:$0x10];
	v3 =	vadd.s32 v1, v3  }
0xf3: {  	[tilespmem:s14], [sflag:$0x2] =	stream.indirect_vreg.gather [hbm4b:s2+s3], $0x80, v4, vm0, $0xb8;
	[tilespmem:$0x18100] =	vst v63  }
0xf4: {  	s28 =	rddreg [dreg:$0x11]  }
0xf5: {  	[tilespmem:s28], [sflag:$0x2] =	stream.indirect_vreg.gather [hbm4b:s6+s3], $0x80, v4, vm1, $0xb8;
	[tilespmem:$0x18100] =	vst v63  }
0xf6: {  	s14 =	rddreg [dreg:$0x12]  }
0xf7: {  	[tilespmem:s14], [sflag:$0x2] =	stream.indirect_vreg.gather [hbm4b:s2+s3], $0x80, v3, vm0, $0xb8;
	[tilespmem:$0x18100] =	vst v63  }
0xf8: {  	s28 =	rddreg [dreg:$0x13]  }
0xf9: {  	[tilespmem:s28], [sflag:$0x2] =	stream.indirect_vreg.gather [hbm4b:s6+s3], $0x80, v3, vm1, $0xb8;
	[tilespmem:$0x18100] =	vst v63  }
0xfa: {  	v3 =	vld [tilespmem:$0xC0];
	_ =	sdelay $0x4  }
0xfb: {  	v52 =	vshrl.u32 v3, $0x3  }
0xfc: {  	v4 =	vmul.u32 $0x18, v52  }
0xfd: {  	v3 =	vand.u32 $0x7, v3  }
0xfe: {  	v3 =	vor.u32 v3, v4  }
0xff: {  	v4 =	vperm.xlane v3, v0;
	_ =	sdelay $0x1  }
0x100: {  	v4 =	vadd.s32 v1, v4;
	_ =	sdelay $0x1  }
0x101: {  	v3 =	vperm.xlane v3, v2;
	_ =	sdelay $0x1  }
0x102: {  	s14 =	rddreg [dreg:$0x14];
	v3 =	vadd.s32 v1, v3  }
0x103: {  	[tilespmem:s14], [sflag:$0x2] =	stream.indirect_vreg.gather [hbm4b:s2+s3], $0x80, v4, vm0, $0xb8;
	[tilespmem:$0x18100] =	vst v63  }
0x104: {  	s28 =	rddreg [dreg:$0x15]  }
0x105: {  	[tilespmem:s28], [sflag:$0x2] =	stream.indirect_vreg.gather [hbm4b:s6+s3], $0x80, v4, vm1, $0xb8;
	[tilespmem:$0x18100] =	vst v63  }
0x106: {  	s14 =	rddreg [dreg:$0x16]  }
0x107: {  	[tilespmem:s14], [sflag:$0x2] =	stream.indirect_vreg.gather [hbm4b:s2+s3], $0x80, v3, vm0, $0xb8;
	[tilespmem:$0x18100] =	vst v63  }
0x108: {  	s28 =	rddreg [dreg:$0x17]  }
0x109: {  	[tilespmem:s28], [sflag:$0x2] =	stream.indirect_vreg.gather [hbm4b:s6+s3], $0x80, v3, vm1, $0xb8;
	[tilespmem:$0x18100] =	vst v63  }
0x10a: {  	v3 =	vld [tilespmem:$0xD0];
	_ =	sdelay $0x4  }
0x10b: {  	v53 =	vshrl.u32 v3, $0x3  }
0x10c: {  	v4 =	vmul.u32 $0x18, v53  }
0x10d: {  	v3 =	vand.u32 $0x7, v3  }
0x10e: {  	v3 =	vor.u32 v3, v4  }
0x10f: {  	v4 =	vperm.xlane v3, v0;
	_ =	sdelay $0x1  }
0x110: {  	v4 =	vadd.s32 v1, v4;
	_ =	sdelay $0x1  }
0x111: {  	v3 =	vperm.xlane v3, v2;
	_ =	sdelay $0x1  }
0x112: {  	s14 =	rddreg [dreg:$0x18];
	v3 =	vadd.s32 v1, v3  }
0x113: {  	[tilespmem:s14], [sflag:$0x2] =	stream.indirect_vreg.gather [hbm4b:s2+s3], $0x80, v4, vm0, $0xb8;
	[tilespmem:$0x18100] =	vst v63  }
0x114: {  	s28 =	rddreg [dreg:$0x19]  }
0x115: {  	[tilespmem:s28], [sflag:$0x2] =	stream.indirect_vreg.gather [hbm4b:s6+s3], $0x80, v4, vm1, $0xb8;
	[tilespmem:$0x18100] =	vst v63  }
0x116: {  	s14 =	rddreg [dreg:$0x1a]  }
0x117: {  	[tilespmem:s14], [sflag:$0x2] =	stream.indirect_vreg.gather [hbm4b:s2+s3], $0x80, v3, vm0, $0xb8;
	[tilespmem:$0x18100] =	vst v63  }
0x118: {  	s28 =	rddreg [dreg:$0x1b]  }
0x119: {  	[tilespmem:s28], [sflag:$0x2] =	stream.indirect_vreg.gather [hbm4b:s6+s3], $0x80, v3, vm1, $0xb8;
	[tilespmem:$0x18100] =	vst v63  }
0x11a: {  	v3 =	vld [tilespmem:$0xE0];
	_ =	sdelay $0x4  }
0x11b: {  	v54 =	vshrl.u32 v3, $0x3  }
0x11c: {  	v4 =	vmul.u32 $0x18, v54  }
0x11d: {  	v3 =	vand.u32 $0x7, v3  }
0x11e: {  	v3 =	vor.u32 v3, v4  }
0x11f: {  	v4 =	vperm.xlane v3, v0;
	_ =	sdelay $0x1  }
0x120: {  	v4 =	vadd.s32 v1, v4;
	_ =	sdelay $0x1  }
0x121: {  	v3 =	vperm.xlane v3, v2;
	_ =	sdelay $0x1  }
0x122: {  	s14 =	rddreg [dreg:$0x1c];
	v3 =	vadd.s32 v1, v3  }
0x123: {  	[tilespmem:s14], [sflag:$0x2] =	stream.indirect_vreg.gather [hbm4b:s2+s3], $0x80, v4, vm0, $0xb8;
	[tilespmem:$0x18100] =	vst v63  }
0x124: {  	s28 =	rddreg [dreg:$0x1d]  }
0x125: {  	[tilespmem:s28], [sflag:$0x2] =	stream.indirect_vreg.gather [hbm4b:s6+s3], $0x80, v4, vm1, $0xb8;
	[tilespmem:$0x18100] =	vst v63  }
0x126: {  	s14 =	rddreg [dreg:$0x1e]  }
0x127: {  	[tilespmem:s14], [sflag:$0x2] =	stream.indirect_vreg.gather [hbm4b:s2+s3], $0x80, v3, vm0, $0xb8;
	[tilespmem:$0x18100] =	vst v63  }
0x128: {  	s28 =	rddreg [dreg:$0x1f]  }
0x129: {  	[tilespmem:s28], [sflag:$0x2] =	stream.indirect_vreg.gather [hbm4b:s6+s3], $0x80, v3, vm1, $0xb8;
	[tilespmem:$0x18100] =	vst v63  }
0x12a: {  	v3 =	vld [tilespmem:$0xF0];
	_ =	sdelay $0x4  }
0x12b: {  	v55 =	vshrl.u32 v3, $0x3  }
0x12c: {  	v4 =	vmul.u32 $0x18, v55  }
0x12d: {  	v3 =	vand.u32 $0x7, v3  }
0x12e: {  	v3 =	vor.u32 v3, v4  }
0x12f: {  	v4 =	vperm.xlane v3, v0;
	_ =	sdelay $0x1  }
0x130: {  	v4 =	vadd.s32 v1, v4;
	_ =	sdelay $0x1  }
0x131: {  	s14 =	sld [smem:$0x7F9];
	v3 =	vperm.xlane v3, v2;
	_ =	sdelay $0x1  }
0x132: {  	s28 =	sld [smem:$0x7FA];
	v3 =	vadd.s32 v1, v3  }
0x133: {  	[tilespmem:s14], [sflag:$0x2] =	stream.indirect_vreg.gather [hbm4b:s2+s3], $0x80, v4, vm0, $0xb8;
	[tilespmem:$0x18100] =	vst v63  }
0x134: {  	s14 =	sld [smem:$0x7FB]  }
0x135: {  	[tilespmem:s28], [sflag:$0x2] =	stream.indirect_vreg.gather [hbm4b:s6+s3], $0x80, v4, vm1, $0xb8;
	[tilespmem:$0x18100] =	vst v63  }
0x136: {  	s28 =	sld [smem:$0x7FC]  }
0x137: {  	[tilespmem:s14], [sflag:$0x2] =	stream.indirect_vreg.gather [hbm4b:s2+s3], $0x80, v3, vm0, $0xb8;
	[tilespmem:$0x18100] =	vst v63  }
0x138: {  	_ = 	snop  }
0x139: {  	[tilespmem:s28], [sflag:$0x2] =	stream.indirect_vreg.gather [hbm4b:s6+s3], $0x80, v3, vm1, $0xb8;
	[tilespmem:$0x18100] =	vst v63  }
0x13a: {  	_ =	swait.ge [sflag:s20], $0xC000  }
0x13b: {  	[sflag:s20] =	ssyncset.done $0x0  }
0x13c: {  	[sflag:s20] =	ssyncadd.s32 $0xFFFF4000  }
0x13d: {  	[hbm4b:s22+s3] =	stream.linear.scatter [tilespmem:s12], [sflag:$0x3], $0xC000, $0x38;
	[tilespmem:$0x18100] =	vst v63  }
0x13e: {  	_ =	swait.ge [sflag:s11], $0xC000  }
0x13f: {  	s28 =	smin.u32 s25, $0x7;
	s14 =	rddreg [dreg:$0x3]  }
0x140: {  	s26 =	sadd.s32 s28, s14  }
0x141: {  	[sflag:s11] =	ssyncset.done $0x0;
	s26 =	sshll.u32 s26, $0x4  }
0x142: {  	[sflag:s11] =	ssyncadd.s32 $0xFFFF4000;
	s26 =	sadd.s32 s4, s26  }
0x143: {  	[tilespmem:s3], [sflag:$0x3] =	stream.linear.gather [hbm4b:s26+s3], $0x80, $0x38;
	[tilespmem:$0x18100] =	vst v63  }
0x144: {  	_ =	swait.ge [sflag:s11], $0x80  }
0x145: {  	[sflag:s11] =	ssyncset.done $0x0  }
0x146: {  	[sflag:s11] =	ssyncadd.s32 $0xFFFFFF80  }
0x147: {  	v3 =	vld [tilespmem:$0x0];
	_ =	sdelay $0x4  }
0x148: {  	v56 =	vshrl.u32 v3, $0x3  }
0x149: {  	v4 =	vmul.u32 $0x18, v56  }
0x14a: {  	v3 =	vand.u32 $0x7, v3  }
0x14b: {  	v3 =	vor.u32 v3, v4  }
0x14c: {  	v4 =	vperm.xlane v3, v0;
	_ =	sdelay $0x1  }
0x14d: {  	v4 =	vadd.s32 v1, v4;
	_ =	sdelay $0x1  }
0x14e: {  	v3 =	vperm.xlane v3, v2;
	_ =	sdelay $0x1  }
0x14f: {  	v3 =	vadd.s32 v1, v3  }
0x150: {  	[tilespmem:s12], [sflag:$0x1] =	stream.indirect_vreg.gather [hbm4b:s2+s3], $0x80, v4, vm0, $0xb8;
	[tilespmem:$0x18100] =	vst v63  }
0x151: {  	s26 =	simm.s32 $0x900  }
0x152: {  	[tilespmem:s26], [sflag:$0x1] =	stream.indirect_vreg.gather [hbm4b:s6+s3], $0x80, v4, vm1, $0xb8;
	[tilespmem:$0x18100] =	vst v63  }
0x153: {  	s28 =	simm.s32 $0xD00  }
0x154: {  	[tilespmem:s28], [sflag:$0x1] =	stream.indirect_vreg.gather [hbm4b:s2+s3], $0x80, v3, vm0, $0xb8;
	[tilespmem:$0x18100] =	vst v63  }
0x155: {  	s14 =	simm.s32 $0x1500  }
0x156: {  	[tilespmem:s14], [sflag:$0x1] =	stream.indirect_vreg.gather [hbm4b:s6+s3], $0x80, v3, vm1, $0xb8;
	[tilespmem:$0x18100] =	vst v63  }
0x157: {  	v3 =	vld [tilespmem:$0x10];
	_ =	sdelay $0x4  }
0x158: {  	v57 =	vshrl.u32 v3, $0x3  }
0x159: {  	v4 =	vmul.u32 $0x18, v57  }
0x15a: {  	v3 =	vand.u32 $0x7, v3  }
0x15b: {  	v3 =	vor.u32 v3, v4  }
0x15c: {  	v4 =	vperm.xlane v3, v0;
	_ =	sdelay $0x1  }
0x15d: {  	v4 =	vadd.s32 v1, v4;
	_ =	sdelay $0x1  }
0x15e: {  	v3 =	vperm.xlane v3, v2;
	_ =	sdelay $0x1  }
0x15f: {  	v3 =	vadd.s32 v1, v3  }
0x160: {  	[tilespmem:s30], [sflag:$0x1] =	stream.indirect_vreg.gather [hbm4b:s2+s3], $0x80, v4, vm0, $0xb8;
	[tilespmem:$0x18100] =	vst v63  }
0x161: {  	_ = 	snop  }
0x162: {  	[tilespmem:s31], [sflag:$0x1] =	stream.indirect_vreg.gather [hbm4b:s6+s3], $0x80, v4, vm1, $0xb8;
	[tilespmem:$0x18100] =	vst v63  }
0x163: {  	s14 =	simm.s32 $0x2500  }
0x164: {  	[tilespmem:s14], [sflag:$0x1] =	stream.indirect_vreg.gather [hbm4b:s2+s3], $0x80, v3, vm0, $0xb8;
	[tilespmem:$0x18100] =	vst v63  }
0x165: {  	s14 =	simm.s32 $0x2D00  }
0x166: {  	[tilespmem:s14], [sflag:$0x1] =	stream.indirect_vreg.gather [hbm4b:s6+s3], $0x80, v3, vm1, $0xb8;
	[tilespmem:$0x18100] =	vst v63  }
0x167: {  	v3 =	vld [tilespmem:$0x20];
	_ =	sdelay $0x4  }
0x168: {  	v58 =	vshrl.u32 v3, $0x3  }
0x169: {  	v4 =	vmul.u32 $0x18, v58  }
0x16a: {  	v3 =	vand.u32 $0x7, v3  }
0x16b: {  	v3 =	vor.u32 v3, v4  }
0x16c: {  	v4 =	vperm.xlane v3, v0;
	_ =	sdelay $0x1  }
0x16d: {  	v4 =	vadd.s32 v1, v4;
	_ =	sdelay $0x1  }
0x16e: {  	v3 =	vperm.xlane v3, v2;
	_ =	sdelay $0x1  }
0x16f: {  	v3 =	vadd.s32 v1, v3  }
0x170: {  	[tilespmem:s5], [sflag:$0x1] =	stream.indirect_vreg.gather [hbm4b:s2+s3], $0x80, v4, vm0, $0xb8;
	[tilespmem:$0x18100] =	vst v63  }
0x171: {  	_ = 	snop  }
0x172: {  	[tilespmem:s7], [sflag:$0x1] =	stream.indirect_vreg.gather [hbm4b:s6+s3], $0x80, v4, vm1, $0xb8;
	[tilespmem:$0x18100] =	vst v63  }
0x173: {  	_ = 	snop  }
0x174: {  	[tilespmem:s8], [sflag:$0x1] =	stream.indirect_vreg.gather [hbm4b:s2+s3], $0x80, v3, vm0, $0xb8;
	[tilespmem:$0x18100] =	vst v63  }
0x175: {  	_ = 	snop  }
0x176: {  	[tilespmem:s9], [sflag:$0x1] =	stream.indirect_vreg.gather [hbm4b:s6+s3], $0x80, v3, vm1, $0xb8;
	[tilespmem:$0x18100] =	vst v63  }
0x177: {  	v3 =	vld [tilespmem:$0x30];
	_ =	sdelay $0x4  }
0x178: {  	v59 =	vshrl.u32 v3, $0x3  }
0x179: {  	v4 =	vmul.u32 $0x18, v59  }
0x17a: {  	v3 =	vand.u32 $0x7, v3  }
0x17b: {  	v3 =	vor.u32 v3, v4  }
0x17c: {  	v4 =	vperm.xlane v3, v0;
	_ =	sdelay $0x1  }
0x17d: {  	v4 =	vadd.s32 v1, v4;
	_ =	sdelay $0x1  }
0x17e: {  	v3 =	vperm.xlane v3, v2;
	_ =	sdelay $0x1  }
0x17f: {  	v3 =	vadd.s32 v1, v3  }
0x180: {  	[tilespmem:s10], [sflag:$0x1] =	stream.indirect_vreg.gather [hbm4b:s2+s3], $0x80, v4, vm0, $0xb8;
	[tilespmem:$0x18100] =	vst v63  }
0x181: {  	s14 =	simm.s32 $0x5100  }
0x182: {  	[tilespmem:s14], [sflag:$0x1] =	stream.indirect_vreg.gather [hbm4b:s6+s3], $0x80, v4, vm1, $0xb8;
	[tilespmem:$0x18100] =	vst v63  }
0x183: {  	s14 =	simm.s32 $0x5500  }
0x184: {  	[tilespmem:s14], [sflag:$0x1] =	stream.indirect_vreg.gather [hbm4b:s2+s3], $0x80, v3, vm0, $0xb8;
	[tilespmem:$0x18100] =	vst v63  }
0x185: {  	s14 =	simm.s32 $0x5D00  }
0x186: {  	[tilespmem:s14], [sflag:$0x1] =	stream.indirect_vreg.gather [hbm4b:s6+s3], $0x80, v3, vm1, $0xb8;
	[tilespmem:$0x18100] =	vst v63  }
0x187: {  	v3 =	vld [tilespmem:$0x40];
	_ =	sdelay $0x4  }
0x188: {  	v60 =	vshrl.u32 v3, $0x3  }
0x189: {  	v4 =	vmul.u32 $0x18, v60  }
0x18a: {  	v3 =	vand.u32 $0x7, v3  }
0x18b: {  	v3 =	vor.u32 v3, v4  }
0x18c: {  	v4 =	vperm.xlane v3, v0;
	_ =	sdelay $0x1  }
0x18d: {  	v4 =	vadd.s32 v1, v4;
	_ =	sdelay $0x1  }
0x18e: {  	v3 =	vperm.xlane v3, v2;
	_ =	sdelay $0x1  }
0x18f: {  	v3 =	vadd.s32 v1, v3  }
0x190: {  	[tilespmem:s16], [sflag:$0x1] =	stream.indirect_vreg.gather [hbm4b:s2+s3], $0x80, v4, vm0, $0xb8;
	[tilespmem:$0x18100] =	vst v63  }
0x191: {  	s14 =	simm.s32 $0x6900  }
0x192: {  	[tilespmem:s14], [sflag:$0x1] =	stream.indirect_vreg.gather [hbm4b:s6+s3], $0x80, v4, vm1, $0xb8;
	[tilespmem:$0x18100] =	vst v63  }
0x193: {  	_ = 	snop  }
0x194: {  	[tilespmem:s18], [sflag:$0x1] =	stream.indirect_vreg.gather [hbm4b:s2+s3], $0x80, v3, vm0, $0xb8;
	[tilespmem:$0x18100] =	vst v63  }
0x195: {  	s14 =	simm.s32 $0x7500  }
0x196: {  	[tilespmem:s14], [sflag:$0x1] =	stream.indirect_vreg.gather [hbm4b:s6+s3], $0x80, v3, vm1, $0xb8;
	[tilespmem:$0x18100] =	vst v63  }
0x197: {  	v3 =	vld [tilespmem:$0x50];
	_ =	sdelay $0x4  }
0x198: {  	v61 =	vshrl.u32 v3, $0x3  }
0x199: {  	v4 =	vmul.u32 $0x18, v61  }
0x19a: {  	v3 =	vand.u32 $0x7, v3  }
0x19b: {  	v3 =	vor.u32 v3, v4  }
0x19c: {  	v4 =	vperm.xlane v3, v0;
	_ =	sdelay $0x1  }
0x19d: {  	v4 =	vadd.s32 v1, v4;
	_ =	sdelay $0x1  }
0x19e: {  	v3 =	vperm.xlane v3, v2;
	_ =	sdelay $0x1  }
0x19f: {  	v3 =	vadd.s32 v1, v3  }
0x1a0: {  	[tilespmem:s1], [sflag:$0x1] =	stream.indirect_vreg.gather [hbm4b:s2+s3], $0x80, v4, vm0, $0xb8;
	[tilespmem:$0x18100] =	vst v63  }
0x1a1: {  	_ = 	snop  }
0x1a2: {  	[tilespmem:s13], [sflag:$0x1] =	stream.indirect_vreg.gather [hbm4b:s6+s3], $0x80, v4, vm1, $0xb8;
	[tilespmem:$0x18100] =	vst v63  }
0x1a3: {  	s14 =	simm.s32 $0x8500  }
0x1a4: {  	[tilespmem:s14], [sflag:$0x1] =	stream.indirect_vreg.gather [hbm4b:s2+s3], $0x80, v3, vm0, $0xb8;
	[tilespmem:$0x18100] =	vst v63  }
0x1a5: {  	s14 =	simm.s32 $0x8D00  }
0x1a6: {  	[tilespmem:s14], [sflag:$0x1] =	stream.indirect_vreg.gather [hbm4b:s6+s3], $0x80, v3, vm1, $0xb8;
	[tilespmem:$0x18100] =	vst v63  }
0x1a7: {  	v3 =	vld [tilespmem:$0x60];
	_ =	sdelay $0x4  }
0x1a8: {  	v62 =	vshrl.u32 v3, $0x3  }
0x1a9: {  	v4 =	vmul.u32 $0x18, v62  }
0x1aa: {  	v3 =	vand.u32 $0x7, v3  }
0x1ab: {  	v3 =	vor.u32 v3, v4  }
0x1ac: {  	v4 =	vperm.xlane v3, v0;
	_ =	sdelay $0x1  }
0x1ad: {  	v4 =	vadd.s32 v1, v4;
	_ =	sdelay $0x1  }
0x1ae: {  	v3 =	vperm.xlane v3, v2;
	_ =	sdelay $0x1  }
0x1af: {  	s14 =	simm.s32 $0x9100;
	v3 =	vadd.s32 v1, v3  }
0x1b0: {  	[tilespmem:s14], [sflag:$0x1] =	stream.indirect_vreg.gather [hbm4b:s2+s3], $0x80, v4, vm0, $0xb8;
	[tilespmem:$0x18100] =	vst v63  }
0x1b1: {  	s14 =	simm.s32 $0x9900  }
0x1b2: {  	[tilespmem:s14], [sflag:$0x1] =	stream.indirect_vreg.gather [hbm4b:s6+s3], $0x80, v4, vm1, $0xb8;
	[tilespmem:$0x18100] =	vst v63  }
0x1b3: {  	s14 =	simm.s32 $0x9D00  }
0x1b4: {  	[tilespmem:s14], [sflag:$0x1] =	stream.indirect_vreg.gather [hbm4b:s2+s3], $0x80, v3, vm0, $0xb8;
	[tilespmem:$0x18100] =	vst v63  }
0x1b5: {  	s14 =	simm.s32 $0xA500  }
0x1b6: {  	[tilespmem:s14], [sflag:$0x1] =	stream.indirect_vreg.gather [hbm4b:s6+s3], $0x80, v3, vm1, $0xb8;
	[tilespmem:$0x18100] =	vst v63  }
0x1b7: {  	v3 =	vld [tilespmem:$0x70];
	_ =	sdelay $0x4  }
0x1b8: {  	v63 =	vshrl.u32 v3, $0x3  }
0x1b9: {  	v4 =	vmul.u32 $0x18, v63  }
0x1ba: {  	v3 =	vand.u32 $0x7, v3  }
0x1bb: {  	v3 =	vor.u32 v3, v4  }
0x1bc: {  	v4 =	vperm.xlane v3, v0;
	_ =	sdelay $0x1  }
0x1bd: {  	v4 =	vadd.s32 v1, v4;
	_ =	sdelay $0x1  }
0x1be: {  	v3 =	vperm.xlane v3, v2;
	_ =	sdelay $0x1  }
0x1bf: {  	v3 =	vadd.s32 v1, v3  }
0x1c0: {  	[tilespmem:s15], [sflag:$0x1] =	stream.indirect_vreg.gather [hbm4b:s2+s3], $0x80, v4, vm0, $0xb8;
	[tilespmem:$0x18100] =	vst v63  }
0x1c1: {  	_ = 	snop  }
0x1c2: {  	[tilespmem:s17], [sflag:$0x1] =	stream.indirect_vreg.gather [hbm4b:s6+s3], $0x80, v4, vm1, $0xb8;
	[tilespmem:$0x18100] =	vst v63  }
0x1c3: {  	_ = 	snop  }
0x1c4: {  	[tilespmem:s29], [sflag:$0x1] =	stream.indirect_vreg.gather [hbm4b:s2+s3], $0x80, v3, vm0, $0xb8;
	[tilespmem:$0x18100] =	vst v63  }
0x1c5: {  	_ = 	snop  }
0x1c6: {  	[tilespmem:s0], [sflag:$0x1] =	stream.indirect_vreg.gather [hbm4b:s6+s3], $0x80, v3, vm1, $0xb8;
	[tilespmem:$0x18100] =	vst v63  }
0x1c7: {  	_ =	swait.ge [sflag:s21], $0xC000  }
0x1c8: {  	p0 =	sne.s32 s25, $0x8;
	[sflag:s21] =	ssyncset.done $0x0  }
.Ltmp0:
0x1c9: {  	[sflag:s21] =	ssyncadd.s32 $0xFFFF4000;
	(pc) =	sbr.rel @p0 .LBB2_2-.Ltmp0, $4  }
0x1ca: {  	[hbm4b:s24+s3] =	stream.linear.scatter [tilespmem:s19], [sflag:$0x3], $0xC000, $0x38;
	[tilespmem:$0x18100] =	vst v63  }
0x1cb: {  	_ =	swait.ge [sflag:s11], $0xC000  }
0x1cc: {  	s23 =	sadd.s32 $0x20, s23;
	s25 =	sadd.s32 $0x2, s25;
	[sflag:s11] =	ssyncset.done $0x0  }
0x1cd: {  	s22 =	sadd.s32 $0x3000, s22;
	s24 =	sadd.s32 $0x3000, s24;
	[sflag:s11] =	ssyncadd.s32 $0xFFFF4000  }
0x1ce: {  	_ =	swait.ge [sflag:s20], $0xC000  }
0x1cf: {  	s0 =	sld [smem:$0x7FD]  }
0x1d0: {  	s23 =	simm.s32 $0x1500;
	s22 =	sld [smem:$0x7F5]  }
0x1d1: {  	s24 =	simm.s32 $0x1900;
	s25 =	simm.s32 $0x2100;
	s1 =	simm.s32 $0x2500  }
0x1d2: {  	s29 =	simm.s32 $0x2D00;
	s5 =	simm.s32 $0x3100;
	s0 =	sadd.s32 $0x1, s0  }
0x1d3: {  	s7 =	simm.s32 $0x3900;
	s8 =	simm.s32 $0x3D00;
	p0 =	sne.s32 s0, s22  }
.Ltmp1:
0x1d4: {  	s9 =	simm.s32 $0x4500;
	s10 =	simm.s32 $0x4900;
	(pc) =	sbr.rel @p0 .LBB2_1-.Ltmp1, $4  }
0x1d5: {  	s13 =	simm.s32 $0x5500;
	s14 =	simm.s32 $0x5D00;
	s15 =	simm.s32 $0x6100  }
0x1d6: {  	s16 =	simm.s32 $0x6900;
	s17 =	simm.s32 $0x6D00;
	s18 =	simm.s32 $0x7500  }
0x1d7: {  	s30 =	simm.s32 $0x7900;
	s31 =	simm.s32 $0x8100;
	[sflag:s20] =	ssyncset.done $0x0  }
0x1d8: {  	[sflag:s20] =	ssyncadd.s32 $0xFFFF4000;
	[smem:$0x7FD] =	sst s0;
	s0 =	simm.s32 $0x5100  }
0x1d9: {  	_ =	sfence.sel $0x180000  }
0x1da: {  	[bflag:$0x0] =	sbarrier.arrive $0xFFFF  }
0x1db: {  	_ =	strace $0x9000004A  }
0x1dc: {  	s0 =	stileid.u32;
	[bflag:$0x2] =	sbarrier.arrive $0xFFFF  }
0x1dd: {  	p0 =	sne.s32 s0, $0x0;
	s0 =	rddreg [dreg:$0x2]  }
0x1de: {  	s0 =	sadd.s32 @!p0 $0x100000, s0  }
0x1df: {  	[sflag:s0] =	ssyncadd.tile.s32 @!p0 $0x1;
	_ =	shalt  }
.Lfunc_end2:
_tile_overlayer_lowered:
.L_overlay_start_2:
0x1e0: {  	(tag) =	ssettag $0x2  }
0x1e1: {  	s0 =	rddreg [dreg:$0x0];
	s2 =	stileid.u32  }
0x1e2: {  	s1 =	rddreg [dreg:$0x1];
	p0 =	sne.s32 s2, $0x0  }
0x1e3: {  	s3 =	rddreg [dreg:$0x2];
	[bflag:$0x3] =	sbarrier.arrive $0xFFFF;
	s2 =	simm.s32 @!p0 $0x1C03  }
0x1e4: {  	[timem:s3], [sflag:s2] =	dma.local @!p0 [hbm:s0], s1  }
0x1e5: {  	s0 =	simm.s32 @!p0 $0x3  }
0x1e6: {  	_ =	swait.ge @!p0 [sflag:s0], s1  }
0x1e7: {  	s1 =	ssub.s32 @!p0 $0x0, s1;
	[sflag:s0] =	ssyncset.done @!p0 $0x0  }
0x1e8: {  	[sflag:s0] =	ssyncadd.s32 @!p0 s1  }
0x1e9: {  	[bflag:$0x3] =	sbarrier.arrive $0xFFFF  }
0x1ea: {  	_ =	shalt  }

</sc_bundles>
